<compile_context>
chip_gen: v7x
topology: tpu7x:2x2x1
jax: 0.10.2.dev20260603
libtpu: 0.0.44.dev20260713+nightly
codegen_flags: <defaults>
</compile_context>

<pallas_src>
import functools

import jax
import jax.numpy as jnp
from jax import lax
from jax.experimental import pallas as pl
from jax.experimental.pallas import tpu as pltpu
from jax.experimental.pallas import tpu_sc as plsc

N = 10000
E = 320000
D = 128
G = 64

NC = 2
NS = 16
NW = NC * NS
CH = 128
NBUF = 2
EPAD = 327680
EPW = EPAD // NW
NCHUNK = EPW // CH
NHALF = 2
IDXB = NCHUNK // NHALF
NROWS = 10112
RPW = NROWS // NS
ZPAD = 128
NTAB = N + ZPAD


def _make_sc_agg(width: int):
    mesh = plsc.VectorSubcoreMesh(core_axis_name="c", subcore_axis_name="s")

    @functools.partial(
        pl.kernel,
        out_type=jax.ShapeDtypeStruct((NC, NROWS, width), jnp.float32),
        mesh=mesh,
        scratch_types=[
            pltpu.MemorySpace.VMEM_SHARED((NROWS, width), jnp.float32),
            pltpu.VMEM((IDXB, CH), jnp.int32),
            pltpu.VMEM((IDXB, CH), jnp.int32),
            pltpu.VMEM((NBUF, CH, width), jnp.float32),
        ] + [pltpu.SemaphoreType.DMA] * NBUF,
    )
    def sc_agg(tab_hbm, src_hbm, dst_hbm, zro_hbm, out,
               acc_sp, sidx_v, didx_v, rows_v, *sems):
        c = lax.axis_index("c")
        s = lax.axis_index("s")
        w = (1 - c) * NS + s

        pltpu.sync_copy(zro_hbm, acc_sp.at[pl.ds(s * RPW, RPW)])
        plsc.subcore_barrier()

        for half in range(NHALF):
            base = w * NCHUNK + half * IDXB
            pltpu.sync_copy(src_hbm.at[pl.ds(base, IDXB)], sidx_v)
            pltpu.sync_copy(dst_hbm.at[pl.ds(base, IDXB)], didx_v)

            for b in range(NBUF):
                pltpu.async_copy(tab_hbm.at[sidx_v.at[b]], rows_v.at[b],
                                 sems[b])

            def body(j, carry):
                for b in range(NBUF):
                    i = j * NBUF + b
                    pltpu.make_async_copy(
                        tab_hbm.at[sidx_v.at[i]], rows_v.at[b],
                        sems[b]).wait()
                    pltpu.sync_copy(rows_v.at[b], acc_sp.at[didx_v.at[i]],
                                    add=True)
                    nxt = i + NBUF

                    @pl.when(nxt < IDXB)
                    def _():
                        pltpu.async_copy(tab_hbm.at[sidx_v.at[nxt]],
                                         rows_v.at[b], sems[b])
                return carry

            lax.fori_loop(0, IDXB // NBUF, body, 0)
        plsc.subcore_barrier()

        pltpu.sync_copy(acc_sp.at[pl.ds(s * RPW, RPW)],
                        out.at[c].at[pl.ds(s * RPW, RPW)])

    return sc_agg


CW = D


def _make_sc_cnt():
    mesh = plsc.VectorSubcoreMesh(core_axis_name="c", subcore_axis_name="s")

    @functools.partial(
        pl.kernel,
        out_type=jax.ShapeDtypeStruct((NC, NROWS, CW), jnp.float32),
        mesh=mesh,
        scratch_types=[
            pltpu.MemorySpace.VMEM_SHARED((NROWS, CW), jnp.float32),
            pltpu.VMEM((NCHUNK, CH), jnp.int32),
            pltpu.VMEM((CH, CW), jnp.float32),
        ],
    )
    def sc_cnt(one_hbm, dst_hbm, zro_hbm, out, acc_sp, didx_v, ones_v):
        c = lax.axis_index("c")
        s = lax.axis_index("s")
        w = (1 - c) * NS + s

        pltpu.sync_copy(one_hbm, ones_v)
        pltpu.sync_copy(zro_hbm, acc_sp.at[pl.ds(s * RPW, RPW)])
        pltpu.sync_copy(dst_hbm.at[pl.ds(w * NCHUNK, NCHUNK)], didx_v)
        plsc.subcore_barrier()

        def body(i, carry):
            pltpu.sync_copy(ones_v, acc_sp.at[didx_v.at[i]], add=True)
            return carry

        lax.fori_loop(0, NCHUNK, body, 0)
        plsc.subcore_barrier()
        pltpu.sync_copy(acc_sp.at[pl.ds(s * RPW, RPW)],
                        out.at[c].at[pl.ds(s * RPW, RPW)])

    return sc_cnt


def _layer_body(a0, a1, c0, c1, h, wlT, bl, wrT, o):
    cnt = c0[0, :, 0:1] + c1[0, :, 0:1]
    rid = (pl.program_id(0) * _BR
           + lax.broadcasted_iota(jnp.int32, (_BR, 1), 0))
    cnt = cnt - jnp.where(rid < EPAD - E, 1.0, 0.0)

    invd = 1.0 / jnp.maximum(cnt, 1.0)
    agg = (a0[0] + a1[0]) * invd
    y = (jnp.dot(agg, wlT[:], preferred_element_type=jnp.float32)
         + bl[:]
         + jnp.dot(h[:], wrT[:], preferred_element_type=jnp.float32))
    o[:] = jnp.where(rid < N, jnp.where(y > 0, y, jnp.exp(y) - 1.0), 0.0)


_BR = 1000


def _tc_layer(agg, cnt, h, wlT, bl, wrT):
    return pl.pallas_call(
        _layer_body,
        grid=(pl.cdiv(NTAB, _BR),),
        in_specs=[
            pl.BlockSpec((1, _BR, D), lambda i: (0, i, 0)),
            pl.BlockSpec((1, _BR, D), lambda i: (1, i, 0)),
            pl.BlockSpec((1, _BR, CW), lambda i: (0, i, 0)),
            pl.BlockSpec((1, _BR, CW), lambda i: (1, i, 0)),
            pl.BlockSpec((_BR, D), lambda i: (i, 0)),
            pl.BlockSpec((D, D), lambda i: (0, 0)),
            pl.BlockSpec((1, D), lambda i: (0, 0)),
            pl.BlockSpec((D, D), lambda i: (0, 0)),
        ],
        out_specs=pl.BlockSpec((_BR, D), lambda i: (i, 0)),
        out_shape=jax.ShapeDtypeStruct((NTAB, D), jnp.float32),
    )(agg, agg, cnt, cnt, h, wlT, bl, wrT)


def _head_body(bcol, h, whT, bh, o):
    gids = lax.broadcasted_iota(jnp.int32, (N, G), 1)
    oh = jnp.where(gids == bcol[:], 1.0, 0.0)
    g = lax.dot_general(oh, h[:], (((0,), (0,)), ((), ())),
                        preferred_element_type=jnp.float32)
    o[:] = jnp.dot(g, whT[:], preferred_element_type=jnp.float32) + bh[:]


def _tc_head(bcol, h, whT, bh):
    return pl.pallas_call(
        _head_body,
        grid=(1,),
        in_specs=[
            pl.BlockSpec((N, 1), lambda i: (0, 0)),
            pl.BlockSpec((N, D), lambda i: (0, 0)),
            pl.BlockSpec((D, 1), lambda i: (0, 0)),
            pl.BlockSpec((1, 1), lambda i: (0, 0)),
        ],
        out_specs=pl.BlockSpec((G, 1), lambda i: (0, 0)),
        out_shape=jax.ShapeDtypeStruct((G, 1), jnp.float32),
    )(bcol, h, whT, bh)


def kernel(x, edge_index, batch, Wl0, bl0, Wr0, Wl1, bl1, Wr1,
           Wl2, bl2, Wr2, Wl3, bl3, Wr3, Wh, bh):
    src = edge_index[0]
    dst = edge_index[1]
    pad = EPAD - E
    arp = jnp.arange(pad, dtype=jnp.int32)
    srcp = jnp.concatenate([src, N + arp % ZPAD]).reshape(EPAD // CH, CH)
    dstp = jnp.concatenate([dst, arp % N]).reshape(EPAD // CH, CH)

    zrows = jnp.zeros((ZPAD, D), jnp.float32)
    sc128 = _make_sc_agg(D)

    z128 = jnp.zeros((RPW, D), jnp.float32)
    cnt = _make_sc_cnt()(jnp.ones((CH, CW), jnp.float32), dstp,
                         jnp.zeros((RPW, CW), jnp.float32))

    params = [(Wl0, bl0, Wr0), (Wl1, bl1, Wr1), (Wl2, bl2, Wr2), (Wl3, bl3, Wr3)]
    h = jnp.concatenate([x, zrows])
    for Wl, bl, Wr in params:
        agg = sc128(h, srcp, dstp, z128)
        h = _tc_layer(agg, cnt, h, Wl.T, bl.reshape(1, D), Wr.T)

    bcol = batch.reshape(N, 1)
    return _tc_head(bcol, h, Wh.T, bh.reshape(1, 1))

# --- scband reference (transcript-rebuilt; emitter-appended) ---
"""Pipeline reference for scband-graph-sage-87978110091549 (READ-ONLY COPY).

The authoritative reference and input builder live on the scoring server;
editing this copy changes nothing except your own understanding.
"""

import jax, jax.numpy as jnp
import numpy as np

N = 10000
E = 320000
D = 128
H = 128
G = 64
L = 4


def setup_inputs(seed: int = 0) -> dict:
    key = jax.random.key(seed)
    ks = jax.random.split(key, 32)
    x = jax.random.normal(ks[0], (N, D), dtype=jnp.float32)
    edge_index = jax.random.randint(ks[1], (2, E), 0, N, dtype=jnp.int32)
    batch = jnp.sort(jax.random.randint(ks[2], (N,), 0, G, dtype=jnp.int32))
    inp = {"x": x, "edge_index": edge_index, "batch": batch}
    dims = [D] + [H] * L
    ki = 3
    for i in range(L):
        inp[f"Wl{i}"] = jax.random.normal(ks[ki], (H, dims[i]), dtype=jnp.float32) * 0.05
        ki += 1
        inp[f"bl{i}"] = jnp.zeros((H,), dtype=jnp.float32)
        inp[f"Wr{i}"] = jax.random.normal(ks[ki], (H, dims[i]), dtype=jnp.float32) * 0.05
        ki += 1
    inp["Wh"] = jax.random.normal(ks[ki], (1, H), dtype=jnp.float32) * 0.05
    inp["bh"] = jnp.zeros((1,), dtype=jnp.float32)
    return inp


def reference(x, edge_index, batch, Wl0, bl0, Wr0, Wl1, bl1, Wr1, Wl2, bl2, Wr2, Wl3, bl3, Wr3, Wh, bh):
    src = edge_index[0]
    dst = edge_index[1]
    cnt = jax.ops.segment_sum(jnp.ones((E,), jnp.float32), dst, num_segments=N)
    denom = jnp.maximum(cnt, 1.0)[:, None]
    params = [(Wl0, bl0, Wr0), (Wl1, bl1, Wr1), (Wl2, bl2, Wr2), (Wl3, bl3, Wr3)]
    h = x
    for Wl, bl, Wr in params:
        # SAGEConv (mean aggregator): lin_l(mean_j x_j) + lin_r(x_i)
        msg = h[src]
        agg = jax.ops.segment_sum(msg, dst, num_segments=N) / denom
        h = agg @ Wl.T + bl + h @ Wr.T
        h = jax.nn.elu(h)
    # readout = 'sum' (global_add_pool)
    g = jax.ops.segment_sum(h, batch, num_segments=G)
    # head: single Linear(hidden, 1)
    return g @ Wh.T + bh

if __name__ == "__main__":
    import jax
    _d = setup_inputs()
    print(jax.jit(kernel)(*tuple(_d.values())))

</pallas_src>

<mosaic_0001>
#map = affine_map<(d0, d1) -> (0, 0)>
#map1 = affine_map<(d0, d1) -> (0, 0, 0)>
module attributes {stable_mosaic.version = 14 : i64} {
  func.func @sc_cnt(%arg0: i32, %arg1: i32, %arg2: memref<128x128xf32, #tpu.memory_space<hbm>>, %arg3: memref<2560x128xi32, #tpu.memory_space<hbm>>, %arg4: memref<632x128xf32, #tpu.memory_space<hbm>>, %arg5: memref<2x10112x128xf32, #tpu.memory_space<hbm>>, %arg6: memref<10112x128xf32, #tpu.memory_space<vmem_shared>>, %arg7: memref<80x128xi32, #tpu.memory_space<vmem>>, %arg8: memref<128x128xf32, #tpu.memory_space<vmem>>) attributes {dimension_semantics = [#tpu.dimension_semantics<core_parallel>, #tpu.dimension_semantics<subcore_parallel>], iteration_bounds = array<i64: 2, 16>, scalar_prefetch = 0 : i64, scratch_operands = 3 : i64, tpu.core_type = #tpu.core_type<sc_vector_subcore>, window_params = [{transform_indices = #map}, {transform_indices = #map}, {transform_indices = #map}, {transform_indices = #map1}]} {
    %sub3A = arith.constant 1 : i32
    %sub3A_0 = arith.subi %sub3A, %arg0 : i32
    %mul3A = arith.constant 16 : i32
    %mul3A_1 = arith.muli %sub3A_0, %mul3A : i32
    %add3A = arith.addi %mul3A_1, %arg1 : i32
    "tpu.region"() ({
      %run_scoped3A = tpu.sem_alloc : memref<!tpu.dma_semaphore, #tpu.memory_space<semaphore_mem>>
      tpu.enqueue_dma source(%arg2 : memref<128x128xf32, #tpu.memory_space<hbm>>) target(%arg8 : memref<128x128xf32, #tpu.memory_space<vmem>>) target_semaphore(%run_scoped3A : memref<!tpu.dma_semaphore, #tpu.memory_space<semaphore_mem>>)
      tpu.wait_dma2 semaphore(%run_scoped3A : memref<!tpu.dma_semaphore, #tpu.memory_space<semaphore_mem>>) src(%arg2 : memref<128x128xf32, #tpu.memory_space<hbm>>) dst(%arg8 : memref<128x128xf32, #tpu.memory_space<vmem>>)
      tpu.yield
    }) : () -> ()
    %mul3A_2 = arith.constant 632 : i32
    %mul3A_3 = arith.muli %arg1, %mul3A_2 : i32
    "tpu.region"() ({
      %run_scoped3A = tpu.sem_alloc : memref<!tpu.dma_semaphore, #tpu.memory_space<semaphore_mem>>
      %dma_start3A = arith.constant 0 : i32
      %dma_start3A_16 = tpu.memref_slice %arg6[%mul3A_3, %dma_start3A] : memref<10112x128xf32, #tpu.memory_space<vmem_shared>> -> memref<632x128xf32, #tpu.memory_space<vmem_shared>>
      tpu.enqueue_dma source(%arg4 : memref<632x128xf32, #tpu.memory_space<hbm>>) target(%dma_start3A_16 : memref<632x128xf32, #tpu.memory_space<vmem_shared>>) target_semaphore(%run_scoped3A : memref<!tpu.dma_semaphore, #tpu.memory_space<semaphore_mem>>)
      %dma_wait3A = arith.constant 0 : i32
      %dma_wait3A_17 = tpu.memref_slice %arg6[%mul3A_3, %dma_wait3A] : memref<10112x128xf32, #tpu.memory_space<vmem_shared>> -> memref<632x128xf32, #tpu.memory_space<vmem_shared>>
      tpu.wait_dma2 semaphore(%run_scoped3A : memref<!tpu.dma_semaphore, #tpu.memory_space<semaphore_mem>>) src(%arg4 : memref<632x128xf32, #tpu.memory_space<hbm>>) dst(%dma_wait3A_17 : memref<632x128xf32, #tpu.memory_space<vmem_shared>>)
      tpu.yield
    }) : () -> ()
    %mul3A_4 = arith.constant 80 : i32
    %mul3A_5 = arith.muli %add3A, %mul3A_4 : i32
    "tpu.region"() ({
      %run_scoped3A = tpu.sem_alloc : memref<!tpu.dma_semaphore, #tpu.memory_space<semaphore_mem>>
      %dma_start3A = arith.constant 0 : i32
      %dma_start3A_16 = tpu.memref_slice %arg3[%mul3A_5, %dma_start3A] : memref<2560x128xi32, #tpu.memory_space<hbm>> -> memref<80x128xi32, #tpu.memory_space<hbm>>
      %dma_start3A_17 = arith.constant 0 : i32
      %dma_start3A_18 = tpu.memref_slice %arg3[%mul3A_5, %dma_start3A_17] : memref<2560x128xi32, #tpu.memory_space<hbm>> -> memref<80x128xi32, #tpu.memory_space<hbm>>
      tpu.enqueue_dma source(%dma_start3A_18 : memref<80x128xi32, #tpu.memory_space<hbm>>) target(%arg7 : memref<80x128xi32, #tpu.memory_space<vmem>>) target_semaphore(%run_scoped3A : memref<!tpu.dma_semaphore, #tpu.memory_space<semaphore_mem>>)
      %dma_wait3A = arith.constant 0 : i32
      %dma_wait3A_19 = tpu.memref_slice %arg3[%mul3A_5, %dma_wait3A] : memref<2560x128xi32, #tpu.memory_space<hbm>> -> memref<80x128xi32, #tpu.memory_space<hbm>>
      %dma_wait3A_20 = arith.constant 0 : i32
      %dma_wait3A_21 = tpu.memref_slice %arg3[%mul3A_5, %dma_wait3A_20] : memref<2560x128xi32, #tpu.memory_space<hbm>> -> memref<80x128xi32, #tpu.memory_space<hbm>>
      tpu.wait_dma2 semaphore(%run_scoped3A : memref<!tpu.dma_semaphore, #tpu.memory_space<semaphore_mem>>) src(%dma_wait3A_21 : memref<80x128xi32, #tpu.memory_space<hbm>>) dst(%arg7 : memref<80x128xi32, #tpu.memory_space<vmem>>)
      tpu.yield
    }) : () -> ()
    %barrier3A = arith.constant 0 : index
    tpu.barrier barrier_id(%barrier3A)
    %scan3A = arith.constant 0 : i32
    %scan3A_6 = arith.constant 0 : i32
    %scan3A_7 = arith.constant 80 : i32
    %scan3A_8 = arith.addi %scan3A_6, %scan3A_7 : i32
    %scan3A_9 = arith.constant 1 : i32
    scf.for %scan3A_16 = %scan3A_6 to %scan3A_8 step %scan3A_9  : i32 {
      "tpu.region"() ({
        %run_scoped3A = tpu.sem_alloc : memref<!tpu.dma_semaphore, #tpu.memory_space<semaphore_mem>>
        %dma_start3A = arith.constant 0 : i32
        %dma_start3A_17 = tpu.memref_slice %arg7[%scan3A_16, %dma_start3A] : memref<80x128xi32, #tpu.memory_space<vmem>> -> memref<1x128xi32, #tpu.memory_space<vmem>>
        %dma_start3A_18 = tpu.memref_squeeze %dma_start3A_17 : memref<1x128xi32, #tpu.memory_space<vmem>> -> memref<128xi32, #tpu.memory_space<vmem>>
        %dma_start3A_19 = arith.constant 0 : i32
        %dma_start3A_20 = arith.constant 0 : i32
        %dma_start3A_21 = tpu.memref_slice %arg6[%dma_start3A_19, %dma_start3A_20] : memref<10112x128xf32, #tpu.memory_space<vmem_shared>> -> memref<10112x128xf32, #tpu.memory_space<vmem_shared>>
        tpu.enqueue_indirect_dma source(%arg8 : memref<128x128xf32, #tpu.memory_space<vmem>>) target(%dma_start3A_21 : memref<10112x128xf32, #tpu.memory_space<vmem_shared>>) offsets(%dma_start3A_18 : memref<128xi32, #tpu.memory_space<vmem>>) semaphore(%run_scoped3A : memref<!tpu.dma_semaphore, #tpu.memory_space<semaphore_mem>>) {add = true}
        %dma_wait3A = arith.constant 0 : i32
        %dma_wait3A_22 = tpu.memref_slice %arg7[%scan3A_16, %dma_wait3A] : memref<80x128xi32, #tpu.memory_space<vmem>> -> memref<1x128xi32, #tpu.memory_space<vmem>>
        %dma_wait3A_23 = tpu.memref_squeeze %dma_wait3A_22 : memref<1x128xi32, #tpu.memory_space<vmem>> -> memref<128xi32, #tpu.memory_space<vmem>>
        %dma_wait3A_24 = arith.constant 0 : i32
        %dma_wait3A_25 = arith.constant 0 : i32
        %dma_wait3A_26 = tpu.memref_slice %arg6[%dma_wait3A_24, %dma_wait3A_25] : memref<10112x128xf32, #tpu.memory_space<vmem_shared>> -> memref<10112x128xf32, #tpu.memory_space<vmem_shared>>
        tpu.wait_indirect_dma semaphore(%run_scoped3A : memref<!tpu.dma_semaphore, #tpu.memory_space<semaphore_mem>>) src(%arg8 : memref<128x128xf32, #tpu.memory_space<vmem>>) dst(%dma_wait3A_26 : memref<10112x128xf32, #tpu.memory_space<vmem_shared>>)
        tpu.yield
      }) : () -> ()
    }
    %scan3A_10 = arith.constant 80 : i32
    %barrier3A_11 = arith.constant 0 : index
    tpu.barrier barrier_id(%barrier3A_11)
    %mul3A_12 = arith.constant 632 : i32
    %mul3A_13 = arith.muli %arg1, %mul3A_12 : i32
    %mul3A_14 = arith.constant 632 : i32
    %mul3A_15 = arith.muli %arg1, %mul3A_14 : i32
    "tpu.region"() ({
      %run_scoped3A = tpu.sem_alloc : memref<!tpu.dma_semaphore, #tpu.memory_space<semaphore_mem>>
      %dma_start3A = arith.constant 0 : i32
      %dma_start3A_16 = arith.constant 0 : i32
      %dma_start3A_17 = tpu.memref_slice %arg5[%arg0, %dma_start3A, %dma_start3A_16] : memref<2x10112x128xf32, #tpu.memory_space<hbm>> -> memref<1x10112x128xf32, #tpu.memory_space<hbm>>
      %dma_start3A_18 = tpu.memref_squeeze %dma_start3A_17 : memref<1x10112x128xf32, #tpu.memory_space<hbm>> -> memref<10112x128xf32, #tpu.memory_space<hbm>>
      %dma_start3A_19 = arith.constant 0 : i32
      %dma_start3A_20 = tpu.memref_slice %dma_start3A_18[%mul3A_15, %dma_start3A_19] : memref<10112x128xf32, #tpu.memory_space<hbm>> -> memref<632x128xf32, #tpu.memory_space<hbm>>
      %dma_start3A_21 = arith.constant 0 : i32
      %dma_start3A_22 = tpu.memref_slice %arg6[%mul3A_13, %dma_start3A_21] : memref<10112x128xf32, #tpu.memory_space<vmem_shared>> -> memref<632x128xf32, #tpu.memory_space<vmem_shared>>
      tpu.enqueue_dma source(%dma_start3A_22 : memref<632x128xf32, #tpu.memory_space<vmem_shared>>) target(%dma_start3A_20 : memref<632x128xf32, #tpu.memory_space<hbm>>) target_semaphore(%run_scoped3A : memref<!tpu.dma_semaphore, #tpu.memory_space<semaphore_mem>>)
      %dma_wait3A = arith.constant 0 : i32
      %dma_wait3A_23 = arith.constant 0 : i32
      %dma_wait3A_24 = tpu.memref_slice %arg5[%arg0, %dma_wait3A, %dma_wait3A_23] : memref<2x10112x128xf32, #tpu.memory_space<hbm>> -> memref<1x10112x128xf32, #tpu.memory_space<hbm>>
      %dma_wait3A_25 = tpu.memref_squeeze %dma_wait3A_24 : memref<1x10112x128xf32, #tpu.memory_space<hbm>> -> memref<10112x128xf32, #tpu.memory_space<hbm>>
      %dma_wait3A_26 = arith.constant 0 : i32
      %dma_wait3A_27 = tpu.memref_slice %dma_wait3A_25[%mul3A_15, %dma_wait3A_26] : memref<10112x128xf32, #tpu.memory_space<hbm>> -> memref<632x128xf32, #tpu.memory_space<hbm>>
      %dma_wait3A_28 = arith.constant 0 : i32
      %dma_wait3A_29 = tpu.memref_slice %arg6[%mul3A_13, %dma_wait3A_28] : memref<10112x128xf32, #tpu.memory_space<vmem_shared>> -> memref<632x128xf32, #tpu.memory_space<vmem_shared>>
      tpu.wait_dma2 semaphore(%run_scoped3A : memref<!tpu.dma_semaphore, #tpu.memory_space<semaphore_mem>>) src(%dma_wait3A_29 : memref<632x128xf32, #tpu.memory_space<vmem_shared>>) dst(%dma_wait3A_27 : memref<632x128xf32, #tpu.memory_space<hbm>>)
      tpu.yield
    }) : () -> ()
    return
  }
}

#map = affine_map<(d0, d1) -> (0, 0)>
#map1 = affine_map<(d0, d1) -> (0, 0, 0)>
module attributes {stable_mosaic.version = 14 : i64} {
  func.func @sc_agg(%arg0: i32, %arg1: i32, %arg2: memref<10128x128xf32, #tpu.memory_space<hbm>>, %arg3: memref<2560x128xi32, #tpu.memory_space<hbm>>, %arg4: memref<2560x128xi32, #tpu.memory_space<hbm>>, %arg5: memref<632x128xf32, #tpu.memory_space<hbm>>, %arg6: memref<2x10112x128xf32, #tpu.memory_space<hbm>>, %arg7: memref<10112x128xf32, #tpu.memory_space<vmem_shared>>, %arg8: memref<40x128xi32, #tpu.memory_space<vmem>>, %arg9: memref<40x128xi32, #tpu.memory_space<vmem>>, %arg10: memref<2x128x128xf32, #tpu.memory_space<vmem>>, %arg11: memref<!tpu.dma_semaphore, #tpu.memory_space<semaphore_mem>>, %arg12: memref<!tpu.dma_semaphore, #tpu.memory_space<semaphore_mem>>) attributes {dimension_semantics = [#tpu.dimension_semantics<core_parallel>, #tpu.dimension_semantics<subcore_parallel>], iteration_bounds = array<i64: 2, 16>, scalar_prefetch = 0 : i64, scratch_operands = 6 : i64, tpu.core_type = #tpu.core_type<sc_vector_subcore>, window_params = [{transform_indices = #map}, {transform_indices = #map}, {transform_indices = #map}, {transform_indices = #map}, {transform_indices = #map1}]} {
    %sub3A = arith.constant 1 : i32
    %sub3A_0 = arith.subi %sub3A, %arg0 : i32
    %mul3A = arith.constant 16 : i32
    %mul3A_1 = arith.muli %sub3A_0, %mul3A : i32
    %add3A = arith.addi %mul3A_1, %arg1 : i32
    %mul3A_2 = arith.constant 632 : i32
    %mul3A_3 = arith.muli %arg1, %mul3A_2 : i32
    "tpu.region"() ({
      %run_scoped3A = tpu.sem_alloc : memref<!tpu.dma_semaphore, #tpu.memory_space<semaphore_mem>>
      %dma_start3A_75 = arith.constant 0 : i32
      %dma_start3A_76 = tpu.memref_slice %arg7[%mul3A_3, %dma_start3A_75] : memref<10112x128xf32, #tpu.memory_space<vmem_shared>> -> memref<632x128xf32, #tpu.memory_space<vmem_shared>>
      tpu.enqueue_dma source(%arg5 : memref<632x128xf32, #tpu.memory_space<hbm>>) target(%dma_start3A_76 : memref<632x128xf32, #tpu.memory_space<vmem_shared>>) target_semaphore(%run_scoped3A : memref<!tpu.dma_semaphore, #tpu.memory_space<semaphore_mem>>)
      %dma_wait3A = arith.constant 0 : i32
      %dma_wait3A_77 = tpu.memref_slice %arg7[%mul3A_3, %dma_wait3A] : memref<10112x128xf32, #tpu.memory_space<vmem_shared>> -> memref<632x128xf32, #tpu.memory_space<vmem_shared>>
      tpu.wait_dma2 semaphore(%run_scoped3A : memref<!tpu.dma_semaphore, #tpu.memory_space<semaphore_mem>>) src(%arg5 : memref<632x128xf32, #tpu.memory_space<hbm>>) dst(%dma_wait3A_77 : memref<632x128xf32, #tpu.memory_space<vmem_shared>>)
      tpu.yield
    }) : () -> ()
    %barrier3A = arith.constant 0 : index
    tpu.barrier barrier_id(%barrier3A)
    %mul3A_4 = arith.constant 80 : i32
    %mul3A_5 = arith.muli %add3A, %mul3A_4 : i32
    %add3A_6 = arith.constant 0 : i32
    %add3A_7 = arith.addi %mul3A_5, %add3A_6 : i32
    "tpu.region"() ({
      %run_scoped3A = tpu.sem_alloc : memref<!tpu.dma_semaphore, #tpu.memory_space<semaphore_mem>>
      %dma_start3A_75 = arith.constant 0 : i32
      %dma_start3A_76 = tpu.memref_slice %arg3[%add3A_7, %dma_start3A_75] : memref<2560x128xi32, #tpu.memory_space<hbm>> -> memref<40x128xi32, #tpu.memory_space<hbm>>
      %dma_start3A_77 = arith.constant 0 : i32
      %dma_start3A_78 = tpu.memref_slice %arg3[%add3A_7, %dma_start3A_77] : memref<2560x128xi32, #tpu.memory_space<hbm>> -> memref<40x128xi32, #tpu.memory_space<hbm>>
      tpu.enqueue_dma source(%dma_start3A_78 : memref<40x128xi32, #tpu.memory_space<hbm>>) target(%arg8 : memref<40x128xi32, #tpu.memory_space<vmem>>) target_semaphore(%run_scoped3A : memref<!tpu.dma_semaphore, #tpu.memory_space<semaphore_mem>>)
      %dma_wait3A = arith.constant 0 : i32
      %dma_wait3A_79 = tpu.memref_slice %arg3[%add3A_7, %dma_wait3A] : memref<2560x128xi32, #tpu.memory_space<hbm>> -> memref<40x128xi32, #tpu.memory_space<hbm>>
      %dma_wait3A_80 = arith.constant 0 : i32
      %dma_wait3A_81 = tpu.memref_slice %arg3[%add3A_7, %dma_wait3A_80] : memref<2560x128xi32, #tpu.memory_space<hbm>> -> memref<40x128xi32, #tpu.memory_space<hbm>>
      tpu.wait_dma2 semaphore(%run_scoped3A : memref<!tpu.dma_semaphore, #tpu.memory_space<semaphore_mem>>) src(%dma_wait3A_81 : memref<40x128xi32, #tpu.memory_space<hbm>>) dst(%arg8 : memref<40x128xi32, #tpu.memory_space<vmem>>)
      tpu.yield
    }) : () -> ()
    "tpu.region"() ({
      %run_scoped3A = tpu.sem_alloc : memref<!tpu.dma_semaphore, #tpu.memory_space<semaphore_mem>>
      %dma_start3A_75 = arith.constant 0 : i32
      %dma_start3A_76 = tpu.memref_slice %arg4[%add3A_7, %dma_start3A_75] : memref<2560x128xi32, #tpu.memory_space<hbm>> -> memref<40x128xi32, #tpu.memory_space<hbm>>
      %dma_start3A_77 = arith.constant 0 : i32
      %dma_start3A_78 = tpu.memref_slice %arg4[%add3A_7, %dma_start3A_77] : memref<2560x128xi32, #tpu.memory_space<hbm>> -> memref<40x128xi32, #tpu.memory_space<hbm>>
      tpu.enqueue_dma source(%dma_start3A_78 : memref<40x128xi32, #tpu.memory_space<hbm>>) target(%arg9 : memref<40x128xi32, #tpu.memory_space<vmem>>) target_semaphore(%run_scoped3A : memref<!tpu.dma_semaphore, #tpu.memory_space<semaphore_mem>>)
      %dma_wait3A = arith.constant 0 : i32
      %dma_wait3A_79 = tpu.memref_slice %arg4[%add3A_7, %dma_wait3A] : memref<2560x128xi32, #tpu.memory_space<hbm>> -> memref<40x128xi32, #tpu.memory_space<hbm>>
      %dma_wait3A_80 = arith.constant 0 : i32
      %dma_wait3A_81 = tpu.memref_slice %arg4[%add3A_7, %dma_wait3A_80] : memref<2560x128xi32, #tpu.memory_space<hbm>> -> memref<40x128xi32, #tpu.memory_space<hbm>>
      tpu.wait_dma2 semaphore(%run_scoped3A : memref<!tpu.dma_semaphore, #tpu.memory_space<semaphore_mem>>) src(%dma_wait3A_81 : memref<40x128xi32, #tpu.memory_space<hbm>>) dst(%arg9 : memref<40x128xi32, #tpu.memory_space<vmem>>)
      tpu.yield
    }) : () -> ()
    %dma_start3A = arith.constant 0 : i32
    %dma_start3A_8 = arith.constant 0 : i32
    %dma_start3A_9 = arith.constant 0 : i32
    %dma_start3A_10 = arith.constant 0 : i32
    %dma_start3A_11 = tpu.memref_slice %arg10[%dma_start3A_8, %dma_start3A_9, %dma_start3A_10] : memref<2x128x128xf32, #tpu.memory_space<vmem>> -> memref<1x128x128xf32, #tpu.memory_space<vmem>>
    %dma_start3A_12 = tpu.memref_squeeze %dma_start3A_11 : memref<1x128x128xf32, #tpu.memory_space<vmem>> -> memref<128x128xf32, #tpu.memory_space<vmem>>
    %dma_start3A_13 = arith.constant 0 : i32
    %dma_start3A_14 = tpu.memref_slice %arg8[%dma_start3A, %dma_start3A_13] : memref<40x128xi32, #tpu.memory_space<vmem>> -> memref<1x128xi32, #tpu.memory_space<vmem>>
    %dma_start3A_15 = tpu.memref_squeeze %dma_start3A_14 : memref<1x128xi32, #tpu.memory_space<vmem>> -> memref<128xi32, #tpu.memory_space<vmem>>
    %dma_start3A_16 = arith.constant 0 : i32
    %dma_start3A_17 = arith.constant 0 : i32
    %dma_start3A_18 = tpu.memref_slice %arg2[%dma_start3A_16, %dma_start3A_17] : memref<10128x128xf32, #tpu.memory_space<hbm>> -> memref<10128x128xf32, #tpu.memory_space<hbm>>
    tpu.enqueue_indirect_dma source(%dma_start3A_18 : memref<10128x128xf32, #tpu.memory_space<hbm>>) target(%dma_start3A_12 : memref<128x128xf32, #tpu.memory_space<vmem>>) offsets(%dma_start3A_15 : memref<128xi32, #tpu.memory_space<vmem>>) semaphore(%arg11 : memref<!tpu.dma_semaphore, #tpu.memory_space<semaphore_mem>>)
    %dma_start3A_19 = arith.constant 1 : i32
    %dma_start3A_20 = arith.constant 1 : i32
    %dma_start3A_21 = arith.constant 0 : i32
    %dma_start3A_22 = arith.constant 0 : i32
    %dma_start3A_23 = tpu.memref_slice %arg10[%dma_start3A_20, %dma_start3A_21, %dma_start3A_22] : memref<2x128x128xf32, #tpu.memory_space<vmem>> -> memref<1x128x128xf32, #tpu.memory_space<vmem>>
    %dma_start3A_24 = tpu.memref_squeeze %dma_start3A_23 : memref<1x128x128xf32, #tpu.memory_space<vmem>> -> memref<128x128xf32, #tpu.memory_space<vmem>>
    %dma_start3A_25 = arith.constant 0 : i32
    %dma_start3A_26 = tpu.memref_slice %arg8[%dma_start3A_19, %dma_start3A_25] : memref<40x128xi32, #tpu.memory_space<vmem>> -> memref<1x128xi32, #tpu.memory_space<vmem>>
    %dma_start3A_27 = tpu.memref_squeeze %dma_start3A_26 : memref<1x128xi32, #tpu.memory_space<vmem>> -> memref<128xi32, #tpu.memory_space<vmem>>
    %dma_start3A_28 = arith.constant 0 : i32
    %dma_start3A_29 = arith.constant 0 : i32
    %dma_start3A_30 = tpu.memref_slice %arg2[%dma_start3A_28, %dma_start3A_29] : memref<10128x128xf32, #tpu.memory_space<hbm>> -> memref<10128x128xf32, #tpu.memory_space<hbm>>
    tpu.enqueue_indirect_dma source(%dma_start3A_30 : memref<10128x128xf32, #tpu.memory_space<hbm>>) target(%dma_start3A_24 : memref<128x128xf32, #tpu.memory_space<vmem>>) offsets(%dma_start3A_27 : memref<128xi32, #tpu.memory_space<vmem>>) semaphore(%arg12 : memref<!tpu.dma_semaphore, #tpu.memory_space<semaphore_mem>>)
    %scan3A = arith.constant 0 : i32
    %scan3A_31 = arith.constant 0 : i32
    %scan3A_32 = arith.constant 20 : i32
    %scan3A_33 = arith.addi %scan3A_31, %scan3A_32 : i32
    %scan3A_34 = arith.constant 1 : i32
    scf.for %scan3A_75 = %scan3A_31 to %scan3A_33 step %scan3A_34  : i32 {
      %mul3A_76 = arith.constant 2 : i32
      %mul3A_77 = arith.muli %scan3A_75, %mul3A_76 : i32
      %add3A_78 = arith.constant 0 : i32
      %add3A_79 = arith.addi %mul3A_77, %add3A_78 : i32
      %dma_wait3A = arith.constant 0 : i32
      %dma_wait3A_80 = arith.constant 0 : i32
      %dma_wait3A_81 = arith.constant 0 : i32
      %dma_wait3A_82 = tpu.memref_slice %arg10[%dma_wait3A, %dma_wait3A_80, %dma_wait3A_81] : memref<2x128x128xf32, #tpu.memory_space<vmem>> -> memref<1x128x128xf32, #tpu.memory_space<vmem>>
      %dma_wait3A_83 = tpu.memref_squeeze %dma_wait3A_82 : memref<1x128x128xf32, #tpu.memory_space<vmem>> -> memref<128x128xf32, #tpu.memory_space<vmem>>
      %dma_wait3A_84 = arith.constant 0 : i32
      %dma_wait3A_85 = tpu.memref_slice %arg8[%add3A_79, %dma_wait3A_84] : memref<40x128xi32, #tpu.memory_space<vmem>> -> memref<1x128xi32, #tpu.memory_space<vmem>>
      %dma_wait3A_86 = tpu.memref_squeeze %dma_wait3A_85 : memref<1x128xi32, #tpu.memory_space<vmem>> -> memref<128xi32, #tpu.memory_space<vmem>>
      %dma_wait3A_87 = arith.constant 0 : i32
      %dma_wait3A_88 = arith.constant 0 : i32
      %dma_wait3A_89 = tpu.memref_slice %arg2[%dma_wait3A_87, %dma_wait3A_88] : memref<10128x128xf32, #tpu.memory_space<hbm>> -> memref<10128x128xf32, #tpu.memory_space<hbm>>
      tpu.wait_indirect_dma semaphore(%arg11 : memref<!tpu.dma_semaphore, #tpu.memory_space<semaphore_mem>>) src(%dma_wait3A_89 : memref<10128x128xf32, #tpu.memory_space<hbm>>) dst(%dma_wait3A_83 : memref<128x128xf32, #tpu.memory_space<vmem>>)
      %run_scoped3A = arith.constant 0 : i32
      "tpu.region"() ({
        %run_scoped3A_117 = tpu.sem_alloc : memref<!tpu.dma_semaphore, #tpu.memory_space<semaphore_mem>>
        %dma_start3A_118 = arith.constant 0 : i32
        %dma_start3A_119 = arith.constant 0 : i32
        %dma_start3A_120 = tpu.memref_slice %arg10[%run_scoped3A, %dma_start3A_118, %dma_start3A_119] : memref<2x128x128xf32, #tpu.memory_space<vmem>> -> memref<1x128x128xf32, #tpu.memory_space<vmem>>
        %dma_start3A_121 = tpu.memref_squeeze %dma_start3A_120 : memref<1x128x128xf32, #tpu.memory_space<vmem>> -> memref<128x128xf32, #tpu.memory_space<vmem>>
        %dma_start3A_122 = arith.constant 0 : i32
        %dma_start3A_123 = tpu.memref_slice %arg9[%add3A_79, %dma_start3A_122] : memref<40x128xi32, #tpu.memory_space<vmem>> -> memref<1x128xi32, #tpu.memory_space<vmem>>
        %dma_start3A_124 = tpu.memref_squeeze %dma_start3A_123 : memref<1x128xi32, #tpu.memory_space<vmem>> -> memref<128xi32, #tpu.memory_space<vmem>>
        %dma_start3A_125 = arith.constant 0 : i32
        %dma_start3A_126 = arith.constant 0 : i32
        %dma_start3A_127 = tpu.memref_slice %arg7[%dma_start3A_125, %dma_start3A_126] : memref<10112x128xf32, #tpu.memory_space<vmem_shared>> -> memref<10112x128xf32, #tpu.memory_space<vmem_shared>>
        tpu.enqueue_indirect_dma source(%dma_start3A_121 : memref<128x128xf32, #tpu.memory_space<vmem>>) target(%dma_start3A_127 : memref<10112x128xf32, #tpu.memory_space<vmem_shared>>) offsets(%dma_start3A_124 : memref<128xi32, #tpu.memory_space<vmem>>) semaphore(%run_scoped3A_117 : memref<!tpu.dma_semaphore, #tpu.memory_space<semaphore_mem>>) {add = true}
        %dma_wait3A_128 = arith.constant 0 : i32
        %dma_wait3A_129 = arith.constant 0 : i32
        %dma_wait3A_130 = tpu.memref_slice %arg10[%run_scoped3A, %dma_wait3A_128, %dma_wait3A_129] : memref<2x128x128xf32, #tpu.memory_space<vmem>> -> memref<1x128x128xf32, #tpu.memory_space<vmem>>
        %dma_wait3A_131 = tpu.memref_squeeze %dma_wait3A_130 : memref<1x128x128xf32, #tpu.memory_space<vmem>> -> memref<128x128xf32, #tpu.memory_space<vmem>>
        %dma_wait3A_132 = arith.constant 0 : i32
        %dma_wait3A_133 = tpu.memref_slice %arg9[%add3A_79, %dma_wait3A_132] : memref<40x128xi32, #tpu.memory_space<vmem>> -> memref<1x128xi32, #tpu.memory_space<vmem>>
        %dma_wait3A_134 = tpu.memref_squeeze %dma_wait3A_133 : memref<1x128xi32, #tpu.memory_space<vmem>> -> memref<128xi32, #tpu.memory_space<vmem>>
        %dma_wait3A_135 = arith.constant 0 : i32
        %dma_wait3A_136 = arith.constant 0 : i32
        %dma_wait3A_137 = tpu.memref_slice %arg7[%dma_wait3A_135, %dma_wait3A_136] : memref<10112x128xf32, #tpu.memory_space<vmem_shared>> -> memref<10112x128xf32, #tpu.memory_space<vmem_shared>>
        tpu.wait_indirect_dma semaphore(%run_scoped3A_117 : memref<!tpu.dma_semaphore, #tpu.memory_space<semaphore_mem>>) src(%dma_wait3A_131 : memref<128x128xf32, #tpu.memory_space<vmem>>) dst(%dma_wait3A_137 : memref<10112x128xf32, #tpu.memory_space<vmem_shared>>)
        tpu.yield
      }) : () -> ()
      %add3A_90 = arith.constant 2 : i32
      %add3A_91 = arith.addi %add3A_79, %add3A_90 : i32
      %lt3A = arith.constant 40 : i32
      %lt3A_92 = arith.cmpi slt, %add3A_91, %lt3A : i32
      %convert_element_type3A = arith.extui %lt3A_92 : i1 to i32
      %cond3A = arith.constant 0 : i32
      %cond3A_93 = arith.cmpi ne, %convert_element_type3A, %cond3A : i32
      scf.if %cond3A_93 {
        %dma_start3A_117 = arith.constant 0 : i32
        %dma_start3A_118 = arith.constant 0 : i32
        %dma_start3A_119 = arith.constant 0 : i32
        %dma_start3A_120 = tpu.memref_slice %arg10[%dma_start3A_117, %dma_start3A_118, %dma_start3A_119] : memref<2x128x128xf32, #tpu.memory_space<vmem>> -> memref<1x128x128xf32, #tpu.memory_space<vmem>>
        %dma_start3A_121 = tpu.memref_squeeze %dma_start3A_120 : memref<1x128x128xf32, #tpu.memory_space<vmem>> -> memref<128x128xf32, #tpu.memory_space<vmem>>
        %dma_start3A_122 = arith.constant 0 : i32
        %dma_start3A_123 = tpu.memref_slice %arg8[%add3A_91, %dma_start3A_122] : memref<40x128xi32, #tpu.memory_space<vmem>> -> memref<1x128xi32, #tpu.memory_space<vmem>>
        %dma_start3A_124 = tpu.memref_squeeze %dma_start3A_123 : memref<1x128xi32, #tpu.memory_space<vmem>> -> memref<128xi32, #tpu.memory_space<vmem>>
        %dma_start3A_125 = arith.constant 0 : i32
        %dma_start3A_126 = arith.constant 0 : i32
        %dma_start3A_127 = tpu.memref_slice %arg2[%dma_start3A_125, %dma_start3A_126] : memref<10128x128xf32, #tpu.memory_space<hbm>> -> memref<10128x128xf32, #tpu.memory_space<hbm>>
        tpu.enqueue_indirect_dma source(%dma_start3A_127 : memref<10128x128xf32, #tpu.memory_space<hbm>>) target(%dma_start3A_121 : memref<128x128xf32, #tpu.memory_space<vmem>>) offsets(%dma_start3A_124 : memref<128xi32, #tpu.memory_space<vmem>>) semaphore(%arg11 : memref<!tpu.dma_semaphore, #tpu.memory_space<semaphore_mem>>)
      } else {
      }
      %mul3A_94 = arith.constant 2 : i32
      %mul3A_95 = arith.muli %scan3A_75, %mul3A_94 : i32
      %add3A_96 = arith.constant 1 : i32
      %add3A_97 = arith.addi %mul3A_95, %add3A_96 : i32
      %dma_wait3A_98 = arith.constant 1 : i32
      %dma_wait3A_99 = arith.constant 0 : i32
      %dma_wait3A_100 = arith.constant 0 : i32
      %dma_wait3A_101 = tpu.memref_slice %arg10[%dma_wait3A_98, %dma_wait3A_99, %dma_wait3A_100] : memref<2x128x128xf32, #tpu.memory_space<vmem>> -> memref<1x128x128xf32, #tpu.memory_space<vmem>>
      %dma_wait3A_102 = tpu.memref_squeeze %dma_wait3A_101 : memref<1x128x128xf32, #tpu.memory_space<vmem>> -> memref<128x128xf32, #tpu.memory_space<vmem>>
      %dma_wait3A_103 = arith.constant 0 : i32
      %dma_wait3A_104 = tpu.memref_slice %arg8[%add3A_97, %dma_wait3A_103] : memref<40x128xi32, #tpu.memory_space<vmem>> -> memref<1x128xi32, #tpu.memory_space<vmem>>
      %dma_wait3A_105 = tpu.memref_squeeze %dma_wait3A_104 : memref<1x128xi32, #tpu.memory_space<vmem>> -> memref<128xi32, #tpu.memory_space<vmem>>
      %dma_wait3A_106 = arith.constant 0 : i32
      %dma_wait3A_107 = arith.constant 0 : i32
      %dma_wait3A_108 = tpu.memref_slice %arg2[%dma_wait3A_106, %dma_wait3A_107] : memref<10128x128xf32, #tpu.memory_space<hbm>> -> memref<10128x128xf32, #tpu.memory_space<hbm>>
      tpu.wait_indirect_dma semaphore(%arg12 : memref<!tpu.dma_semaphore, #tpu.memory_space<semaphore_mem>>) src(%dma_wait3A_108 : memref<10128x128xf32, #tpu.memory_space<hbm>>) dst(%dma_wait3A_102 : memref<128x128xf32, #tpu.memory_space<vmem>>)
      %run_scoped3A_109 = arith.constant 1 : i32
      "tpu.region"() ({
        %run_scoped3A_117 = tpu.sem_alloc : memref<!tpu.dma_semaphore, #tpu.memory_space<semaphore_mem>>
        %dma_start3A_118 = arith.constant 0 : i32
        %dma_start3A_119 = arith.constant 0 : i32
        %dma_start3A_120 = tpu.memref_slice %arg10[%run_scoped3A_109, %dma_start3A_118, %dma_start3A_119] : memref<2x128x128xf32, #tpu.memory_space<vmem>> -> memref<1x128x128xf32, #tpu.memory_space<vmem>>
        %dma_start3A_121 = tpu.memref_squeeze %dma_start3A_120 : memref<1x128x128xf32, #tpu.memory_space<vmem>> -> memref<128x128xf32, #tpu.memory_space<vmem>>
        %dma_start3A_122 = arith.constant 0 : i32
        %dma_start3A_123 = tpu.memref_slice %arg9[%add3A_97, %dma_start3A_122] : memref<40x128xi32, #tpu.memory_space<vmem>> -> memref<1x128xi32, #tpu.memory_space<vmem>>
        %dma_start3A_124 = tpu.memref_squeeze %dma_start3A_123 : memref<1x128xi32, #tpu.memory_space<vmem>> -> memref<128xi32, #tpu.memory_space<vmem>>
        %dma_start3A_125 = arith.constant 0 : i32
        %dma_start3A_126 = arith.constant 0 : i32
        %dma_start3A_127 = tpu.memref_slice %arg7[%dma_start3A_125, %dma_start3A_126] : memref<10112x128xf32, #tpu.memory_space<vmem_shared>> -> memref<10112x128xf32, #tpu.memory_space<vmem_shared>>
        tpu.enqueue_indirect_dma source(%dma_start3A_121 : memref<128x128xf32, #tpu.memory_space<vmem>>) target(%dma_start3A_127 : memref<10112x128xf32, #tpu.memory_space<vmem_shared>>) offsets(%dma_start3A_124 : memref<128xi32, #tpu.memory_space<vmem>>) semaphore(%run_scoped3A_117 : memref<!tpu.dma_semaphore, #tpu.memory_space<semaphore_mem>>) {add = true}
        %dma_wait3A_128 = arith.constant 0 : i32
        %dma_wait3A_129 = arith.constant 0 : i32
        %dma_wait3A_130 = tpu.memref_slice %arg10[%run_scoped3A_109, %dma_wait3A_128, %dma_wait3A_129] : memref<2x128x128xf32, #tpu.memory_space<vmem>> -> memref<1x128x128xf32, #tpu.memory_space<vmem>>
        %dma_wait3A_131 = tpu.memref_squeeze %dma_wait3A_130 : memref<1x128x128xf32, #tpu.memory_space<vmem>> -> memref<128x128xf32, #tpu.memory_space<vmem>>
        %dma_wait3A_132 = arith.constant 0 : i32
        %dma_wait3A_133 = tpu.memref_slice %arg9[%add3A_97, %dma_wait3A_132] : memref<40x128xi32, #tpu.memory_space<vmem>> -> memref<1x128xi32, #tpu.memory_space<vmem>>
        %dma_wait3A_134 = tpu.memref_squeeze %dma_wait3A_133 : memref<1x128xi32, #tpu.memory_space<vmem>> -> memref<128xi32, #tpu.memory_space<vmem>>
        %dma_wait3A_135 = arith.constant 0 : i32
        %dma_wait3A_136 = arith.constant 0 : i32
        %dma_wait3A_137 = tpu.memref_slice %arg7[%dma_wait3A_135, %dma_wait3A_136] : memref<10112x128xf32, #tpu.memory_space<vmem_shared>> -> memref<10112x128xf32, #tpu.memory_space<vmem_shared>>
        tpu.wait_indirect_dma semaphore(%run_scoped3A_117 : memref<!tpu.dma_semaphore, #tpu.memory_space<semaphore_mem>>) src(%dma_wait3A_131 : memref<128x128xf32, #tpu.memory_space<vmem>>) dst(%dma_wait3A_137 : memref<10112x128xf32, #tpu.memory_space<vmem_shared>>)
        tpu.yield
      }) : () -> ()
      %add3A_110 = arith.constant 2 : i32
      %add3A_111 = arith.addi %add3A_97, %add3A_110 : i32
      %lt3A_112 = arith.constant 40 : i32
      %lt3A_113 = arith.cmpi slt, %add3A_111, %lt3A_112 : i32
      %convert_element_type3A_114 = arith.extui %lt3A_113 : i1 to i32
      %cond3A_115 = arith.constant 0 : i32
      %cond3A_116 = arith.cmpi ne, %convert_element_type3A_114, %cond3A_115 : i32
      scf.if %cond3A_116 {
        %dma_start3A_117 = arith.constant 1 : i32
        %dma_start3A_118 = arith.constant 0 : i32
        %dma_start3A_119 = arith.constant 0 : i32
        %dma_start3A_120 = tpu.memref_slice %arg10[%dma_start3A_117, %dma_start3A_118, %dma_start3A_119] : memref<2x128x128xf32, #tpu.memory_space<vmem>> -> memref<1x128x128xf32, #tpu.memory_space<vmem>>
        %dma_start3A_121 = tpu.memref_squeeze %dma_start3A_120 : memref<1x128x128xf32, #tpu.memory_space<vmem>> -> memref<128x128xf32, #tpu.memory_space<vmem>>
        %dma_start3A_122 = arith.constant 0 : i32
        %dma_start3A_123 = tpu.memref_slice %arg8[%add3A_111, %dma_start3A_122] : memref<40x128xi32, #tpu.memory_space<vmem>> -> memref<1x128xi32, #tpu.memory_space<vmem>>
        %dma_start3A_124 = tpu.memref_squeeze %dma_start3A_123 : memref<1x128xi32, #tpu.memory_space<vmem>> -> memref<128xi32, #tpu.memory_space<vmem>>
        %dma_start3A_125 = arith.constant 0 : i32
        %dma_start3A_126 = arith.constant 0 : i32
        %dma_start3A_127 = tpu.memref_slice %arg2[%dma_start3A_125, %dma_start3A_126] : memref<10128x128xf32, #tpu.memory_space<hbm>> -> memref<10128x128xf32, #tpu.memory_space<hbm>>
        tpu.enqueue_indirect_dma source(%dma_start3A_127 : memref<10128x128xf32, #tpu.memory_space<hbm>>) target(%dma_start3A_121 : memref<128x128xf32, #tpu.memory_space<vmem>>) offsets(%dma_start3A_124 : memref<128xi32, #tpu.memory_space<vmem>>) semaphore(%arg12 : memref<!tpu.dma_semaphore, #tpu.memory_space<semaphore_mem>>)
      } else {
      }
    }
    %scan3A_35 = arith.constant 20 : i32
    %mul3A_36 = arith.constant 80 : i32
    %mul3A_37 = arith.muli %add3A, %mul3A_36 : i32
    %add3A_38 = arith.constant 40 : i32
    %add3A_39 = arith.addi %mul3A_37, %add3A_38 : i32
    "tpu.region"() ({
      %run_scoped3A = tpu.sem_alloc : memref<!tpu.dma_semaphore, #tpu.memory_space<semaphore_mem>>
      %dma_start3A_75 = arith.constant 0 : i32
      %dma_start3A_76 = tpu.memref_slice %arg3[%add3A_39, %dma_start3A_75] : memref<2560x128xi32, #tpu.memory_space<hbm>> -> memref<40x128xi32, #tpu.memory_space<hbm>>
      %dma_start3A_77 = arith.constant 0 : i32
      %dma_start3A_78 = tpu.memref_slice %arg3[%add3A_39, %dma_start3A_77] : memref<2560x128xi32, #tpu.memory_space<hbm>> -> memref<40x128xi32, #tpu.memory_space<hbm>>
      tpu.enqueue_dma source(%dma_start3A_78 : memref<40x128xi32, #tpu.memory_space<hbm>>) target(%arg8 : memref<40x128xi32, #tpu.memory_space<vmem>>) target_semaphore(%run_scoped3A : memref<!tpu.dma_semaphore, #tpu.memory_space<semaphore_mem>>)
      %dma_wait3A = arith.constant 0 : i32
      %dma_wait3A_79 = tpu.memref_slice %arg3[%add3A_39, %dma_wait3A] : memref<2560x128xi32, #tpu.memory_space<hbm>> -> memref<40x128xi32, #tpu.memory_space<hbm>>
      %dma_wait3A_80 = arith.constant 0 : i32
      %dma_wait3A_81 = tpu.memref_slice %arg3[%add3A_39, %dma_wait3A_80] : memref<2560x128xi32, #tpu.memory_space<hbm>> -> memref<40x128xi32, #tpu.memory_space<hbm>>
      tpu.wait_dma2 semaphore(%run_scoped3A : memref<!tpu.dma_semaphore, #tpu.memory_space<semaphore_mem>>) src(%dma_wait3A_81 : memref<40x128xi32, #tpu.memory_space<hbm>>) dst(%arg8 : memref<40x128xi32, #tpu.memory_space<vmem>>)
      tpu.yield
    }) : () -> ()
    "tpu.region"() ({
      %run_scoped3A = tpu.sem_alloc : memref<!tpu.dma_semaphore, #tpu.memory_space<semaphore_mem>>
      %dma_start3A_75 = arith.constant 0 : i32
      %dma_start3A_76 = tpu.memref_slice %arg4[%add3A_39, %dma_start3A_75] : memref<2560x128xi32, #tpu.memory_space<hbm>> -> memref<40x128xi32, #tpu.memory_space<hbm>>
      %dma_start3A_77 = arith.constant 0 : i32
      %dma_start3A_78 = tpu.memref_slice %arg4[%add3A_39, %dma_start3A_77] : memref<2560x128xi32, #tpu.memory_space<hbm>> -> memref<40x128xi32, #tpu.memory_space<hbm>>
      tpu.enqueue_dma source(%dma_start3A_78 : memref<40x128xi32, #tpu.memory_space<hbm>>) target(%arg9 : memref<40x128xi32, #tpu.memory_space<vmem>>) target_semaphore(%run_scoped3A : memref<!tpu.dma_semaphore, #tpu.memory_space<semaphore_mem>>)
      %dma_wait3A = arith.constant 0 : i32
      %dma_wait3A_79 = tpu.memref_slice %arg4[%add3A_39, %dma_wait3A] : memref<2560x128xi32, #tpu.memory_space<hbm>> -> memref<40x128xi32, #tpu.memory_space<hbm>>
      %dma_wait3A_80 = arith.constant 0 : i32
      %dma_wait3A_81 = tpu.memref_slice %arg4[%add3A_39, %dma_wait3A_80] : memref<2560x128xi32, #tpu.memory_space<hbm>> -> memref<40x128xi32, #tpu.memory_space<hbm>>
      tpu.wait_dma2 semaphore(%run_scoped3A : memref<!tpu.dma_semaphore, #tpu.memory_space<semaphore_mem>>) src(%dma_wait3A_81 : memref<40x128xi32, #tpu.memory_space<hbm>>) dst(%arg9 : memref<40x128xi32, #tpu.memory_space<vmem>>)
      tpu.yield
    }) : () -> ()
    %dma_start3A_40 = arith.constant 0 : i32
    %dma_start3A_41 = arith.constant 0 : i32
    %dma_start3A_42 = arith.constant 0 : i32
    %dma_start3A_43 = arith.constant 0 : i32
    %dma_start3A_44 = tpu.memref_slice %arg10[%dma_start3A_41, %dma_start3A_42, %dma_start3A_43] : memref<2x128x128xf32, #tpu.memory_space<vmem>> -> memref<1x128x128xf32, #tpu.memory_space<vmem>>
    %dma_start3A_45 = tpu.memref_squeeze %dma_start3A_44 : memref<1x128x128xf32, #tpu.memory_space<vmem>> -> memref<128x128xf32, #tpu.memory_space<vmem>>
    %dma_start3A_46 = arith.constant 0 : i32
    %dma_start3A_47 = tpu.memref_slice %arg8[%dma_start3A_40, %dma_start3A_46] : memref<40x128xi32, #tpu.memory_space<vmem>> -> memref<1x128xi32, #tpu.memory_space<vmem>>
    %dma_start3A_48 = tpu.memref_squeeze %dma_start3A_47 : memref<1x128xi32, #tpu.memory_space<vmem>> -> memref<128xi32, #tpu.memory_space<vmem>>
    %dma_start3A_49 = arith.constant 0 : i32
    %dma_start3A_50 = arith.constant 0 : i32
    %dma_start3A_51 = tpu.memref_slice %arg2[%dma_start3A_49, %dma_start3A_50] : memref<10128x128xf32, #tpu.memory_space<hbm>> -> memref<10128x128xf32, #tpu.memory_space<hbm>>
    tpu.enqueue_indirect_dma source(%dma_start3A_51 : memref<10128x128xf32, #tpu.memory_space<hbm>>) target(%dma_start3A_45 : memref<128x128xf32, #tpu.memory_space<vmem>>) offsets(%dma_start3A_48 : memref<128xi32, #tpu.memory_space<vmem>>) semaphore(%arg11 : memref<!tpu.dma_semaphore, #tpu.memory_space<semaphore_mem>>)
    %dma_start3A_52 = arith.constant 1 : i32
    %dma_start3A_53 = arith.constant 1 : i32
    %dma_start3A_54 = arith.constant 0 : i32
    %dma_start3A_55 = arith.constant 0 : i32
    %dma_start3A_56 = tpu.memref_slice %arg10[%dma_start3A_53, %dma_start3A_54, %dma_start3A_55] : memref<2x128x128xf32, #tpu.memory_space<vmem>> -> memref<1x128x128xf32, #tpu.memory_space<vmem>>
    %dma_start3A_57 = tpu.memref_squeeze %dma_start3A_56 : memref<1x128x128xf32, #tpu.memory_space<vmem>> -> memref<128x128xf32, #tpu.memory_space<vmem>>
    %dma_start3A_58 = arith.constant 0 : i32
    %dma_start3A_59 = tpu.memref_slice %arg8[%dma_start3A_52, %dma_start3A_58] : memref<40x128xi32, #tpu.memory_space<vmem>> -> memref<1x128xi32, #tpu.memory_space<vmem>>
    %dma_start3A_60 = tpu.memref_squeeze %dma_start3A_59 : memref<1x128xi32, #tpu.memory_space<vmem>> -> memref<128xi32, #tpu.memory_space<vmem>>
    %dma_start3A_61 = arith.constant 0 : i32
    %dma_start3A_62 = arith.constant 0 : i32
    %dma_start3A_63 = tpu.memref_slice %arg2[%dma_start3A_61, %dma_start3A_62] : memref<10128x128xf32, #tpu.memory_space<hbm>> -> memref<10128x128xf32, #tpu.memory_space<hbm>>
    tpu.enqueue_indirect_dma source(%dma_start3A_63 : memref<10128x128xf32, #tpu.memory_space<hbm>>) target(%dma_start3A_57 : memref<128x128xf32, #tpu.memory_space<vmem>>) offsets(%dma_start3A_60 : memref<128xi32, #tpu.memory_space<vmem>>) semaphore(%arg12 : memref<!tpu.dma_semaphore, #tpu.memory_space<semaphore_mem>>)
    %scan3A_64 = arith.constant 0 : i32
    %scan3A_65 = arith.constant 0 : i32
    %scan3A_66 = arith.constant 20 : i32
    %scan3A_67 = arith.addi %scan3A_65, %scan3A_66 : i32
    %scan3A_68 = arith.constant 1 : i32
    scf.for %scan3A_75 = %scan3A_65 to %scan3A_67 step %scan3A_68  : i32 {
      %mul3A_76 = arith.constant 2 : i32
      %mul3A_77 = arith.muli %scan3A_75, %mul3A_76 : i32
      %add3A_78 = arith.constant 0 : i32
      %add3A_79 = arith.addi %mul3A_77, %add3A_78 : i32
      %dma_wait3A = arith.constant 0 : i32
      %dma_wait3A_80 = arith.constant 0 : i32
      %dma_wait3A_81 = arith.constant 0 : i32
      %dma_wait3A_82 = tpu.memref_slice %arg10[%dma_wait3A, %dma_wait3A_80, %dma_wait3A_81] : memref<2x128x128xf32, #tpu.memory_space<vmem>> -> memref<1x128x128xf32, #tpu.memory_space<vmem>>
      %dma_wait3A_83 = tpu.memref_squeeze %dma_wait3A_82 : memref<1x128x128xf32, #tpu.memory_space<vmem>> -> memref<128x128xf32, #tpu.memory_space<vmem>>
      %dma_wait3A_84 = arith.constant 0 : i32
      %dma_wait3A_85 = tpu.memref_slice %arg8[%add3A_79, %dma_wait3A_84] : memref<40x128xi32, #tpu.memory_space<vmem>> -> memref<1x128xi32, #tpu.memory_space<vmem>>
      %dma_wait3A_86 = tpu.memref_squeeze %dma_wait3A_85 : memref<1x128xi32, #tpu.memory_space<vmem>> -> memref<128xi32, #tpu.memory_space<vmem>>
      %dma_wait3A_87 = arith.constant 0 : i32
      %dma_wait3A_88 = arith.constant 0 : i32
      %dma_wait3A_89 = tpu.memref_slice %arg2[%dma_wait3A_87, %dma_wait3A_88] : memref<10128x128xf32, #tpu.memory_space<hbm>> -> memref<10128x128xf32, #tpu.memory_space<hbm>>
      tpu.wait_indirect_dma semaphore(%arg11 : memref<!tpu.dma_semaphore, #tpu.memory_space<semaphore_mem>>) src(%dma_wait3A_89 : memref<10128x128xf32, #tpu.memory_space<hbm>>) dst(%dma_wait3A_83 : memref<128x128xf32, #tpu.memory_space<vmem>>)
      %run_scoped3A = arith.constant 0 : i32
      "tpu.region"() ({
        %run_scoped3A_117 = tpu.sem_alloc : memref<!tpu.dma_semaphore, #tpu.memory_space<semaphore_mem>>
        %dma_start3A_118 = arith.constant 0 : i32
        %dma_start3A_119 = arith.constant 0 : i32
        %dma_start3A_120 = tpu.memref_slice %arg10[%run_scoped3A, %dma_start3A_118, %dma_start3A_119] : memref<2x128x128xf32, #tpu.memory_space<vmem>> -> memref<1x128x128xf32, #tpu.memory_space<vmem>>
        %dma_start3A_121 = tpu.memref_squeeze %dma_start3A_120 : memref<1x128x128xf32, #tpu.memory_space<vmem>> -> memref<128x128xf32, #tpu.memory_space<vmem>>
        %dma_start3A_122 = arith.constant 0 : i32
        %dma_start3A_123 = tpu.memref_slice %arg9[%add3A_79, %dma_start3A_122] : memref<40x128xi32, #tpu.memory_space<vmem>> -> memref<1x128xi32, #tpu.memory_space<vmem>>
        %dma_start3A_124 = tpu.memref_squeeze %dma_start3A_123 : memref<1x128xi32, #tpu.memory_space<vmem>> -> memref<128xi32, #tpu.memory_space<vmem>>
        %dma_start3A_125 = arith.constant 0 : i32
        %dma_start3A_126 = arith.constant 0 : i32
        %dma_start3A_127 = tpu.memref_slice %arg7[%dma_start3A_125, %dma_start3A_126] : memref<10112x128xf32, #tpu.memory_space<vmem_shared>> -> memref<10112x128xf32, #tpu.memory_space<vmem_shared>>
        tpu.enqueue_indirect_dma source(%dma_start3A_121 : memref<128x128xf32, #tpu.memory_space<vmem>>) target(%dma_start3A_127 : memref<10112x128xf32, #tpu.memory_space<vmem_shared>>) offsets(%dma_start3A_124 : memref<128xi32, #tpu.memory_space<vmem>>) semaphore(%run_scoped3A_117 : memref<!tpu.dma_semaphore, #tpu.memory_space<semaphore_mem>>) {add = true}
        %dma_wait3A_128 = arith.constant 0 : i32
        %dma_wait3A_129 = arith.constant 0 : i32
        %dma_wait3A_130 = tpu.memref_slice %arg10[%run_scoped3A, %dma_wait3A_128, %dma_wait3A_129] : memref<2x128x128xf32, #tpu.memory_space<vmem>> -> memref<1x128x128xf32, #tpu.memory_space<vmem>>
        %dma_wait3A_131 = tpu.memref_squeeze %dma_wait3A_130 : memref<1x128x128xf32, #tpu.memory_space<vmem>> -> memref<128x128xf32, #tpu.memory_space<vmem>>
        %dma_wait3A_132 = arith.constant 0 : i32
        %dma_wait3A_133 = tpu.memref_slice %arg9[%add3A_79, %dma_wait3A_132] : memref<40x128xi32, #tpu.memory_space<vmem>> -> memref<1x128xi32, #tpu.memory_space<vmem>>
        %dma_wait3A_134 = tpu.memref_squeeze %dma_wait3A_133 : memref<1x128xi32, #tpu.memory_space<vmem>> -> memref<128xi32, #tpu.memory_space<vmem>>
        %dma_wait3A_135 = arith.constant 0 : i32
        %dma_wait3A_136 = arith.constant 0 : i32
        %dma_wait3A_137 = tpu.memref_slice %arg7[%dma_wait3A_135, %dma_wait3A_136] : memref<10112x128xf32, #tpu.memory_space<vmem_shared>> -> memref<10112x128xf32, #tpu.memory_space<vmem_shared>>
        tpu.wait_indirect_dma semaphore(%run_scoped3A_117 : memref<!tpu.dma_semaphore, #tpu.memory_space<semaphore_mem>>) src(%dma_wait3A_131 : memref<128x128xf32, #tpu.memory_space<vmem>>) dst(%dma_wait3A_137 : memref<10112x128xf32, #tpu.memory_space<vmem_shared>>)
        tpu.yield
      }) : () -> ()
      %add3A_90 = arith.constant 2 : i32
      %add3A_91 = arith.addi %add3A_79, %add3A_90 : i32
      %lt3A = arith.constant 40 : i32
      %lt3A_92 = arith.cmpi slt, %add3A_91, %lt3A : i32
      %convert_element_type3A = arith.extui %lt3A_92 : i1 to i32
      %cond3A = arith.constant 0 : i32
      %cond3A_93 = arith.cmpi ne, %convert_element_type3A, %cond3A : i32
      scf.if %cond3A_93 {
        %dma_start3A_117 = arith.constant 0 : i32
        %dma_start3A_118 = arith.constant 0 : i32
        %dma_start3A_119 = arith.constant 0 : i32
        %dma_start3A_120 = tpu.memref_slice %arg10[%dma_start3A_117, %dma_start3A_118, %dma_start3A_119] : memref<2x128x128xf32, #tpu.memory_space<vmem>> -> memref<1x128x128xf32, #tpu.memory_space<vmem>>
        %dma_start3A_121 = tpu.memref_squeeze %dma_start3A_120 : memref<1x128x128xf32, #tpu.memory_space<vmem>> -> memref<128x128xf32, #tpu.memory_space<vmem>>
        %dma_start3A_122 = arith.constant 0 : i32
        %dma_start3A_123 = tpu.memref_slice %arg8[%add3A_91, %dma_start3A_122] : memref<40x128xi32, #tpu.memory_space<vmem>> -> memref<1x128xi32, #tpu.memory_space<vmem>>
        %dma_start3A_124 = tpu.memref_squeeze %dma_start3A_123 : memref<1x128xi32, #tpu.memory_space<vmem>> -> memref<128xi32, #tpu.memory_space<vmem>>
        %dma_start3A_125 = arith.constant 0 : i32
        %dma_start3A_126 = arith.constant 0 : i32
        %dma_start3A_127 = tpu.memref_slice %arg2[%dma_start3A_125, %dma_start3A_126] : memref<10128x128xf32, #tpu.memory_space<hbm>> -> memref<10128x128xf32, #tpu.memory_space<hbm>>
        tpu.enqueue_indirect_dma source(%dma_start3A_127 : memref<10128x128xf32, #tpu.memory_space<hbm>>) target(%dma_start3A_121 : memref<128x128xf32, #tpu.memory_space<vmem>>) offsets(%dma_start3A_124 : memref<128xi32, #tpu.memory_space<vmem>>) semaphore(%arg11 : memref<!tpu.dma_semaphore, #tpu.memory_space<semaphore_mem>>)
      } else {
      }
      %mul3A_94 = arith.constant 2 : i32
      %mul3A_95 = arith.muli %scan3A_75, %mul3A_94 : i32
      %add3A_96 = arith.constant 1 : i32
      %add3A_97 = arith.addi %mul3A_95, %add3A_96 : i32
      %dma_wait3A_98 = arith.constant 1 : i32
      %dma_wait3A_99 = arith.constant 0 : i32
      %dma_wait3A_100 = arith.constant 0 : i32
      %dma_wait3A_101 = tpu.memref_slice %arg10[%dma_wait3A_98, %dma_wait3A_99, %dma_wait3A_100] : memref<2x128x128xf32, #tpu.memory_space<vmem>> -> memref<1x128x128xf32, #tpu.memory_space<vmem>>
      %dma_wait3A_102 = tpu.memref_squeeze %dma_wait3A_101 : memref<1x128x128xf32, #tpu.memory_space<vmem>> -> memref<128x128xf32, #tpu.memory_space<vmem>>
      %dma_wait3A_103 = arith.constant 0 : i32
      %dma_wait3A_104 = tpu.memref_slice %arg8[%add3A_97, %dma_wait3A_103] : memref<40x128xi32, #tpu.memory_space<vmem>> -> memref<1x128xi32, #tpu.memory_space<vmem>>
      %dma_wait3A_105 = tpu.memref_squeeze %dma_wait3A_104 : memref<1x128xi32, #tpu.memory_space<vmem>> -> memref<128xi32, #tpu.memory_space<vmem>>
      %dma_wait3A_106 = arith.constant 0 : i32
      %dma_wait3A_107 = arith.constant 0 : i32
      %dma_wait3A_108 = tpu.memref_slice %arg2[%dma_wait3A_106, %dma_wait3A_107] : memref<10128x128xf32, #tpu.memory_space<hbm>> -> memref<10128x128xf32, #tpu.memory_space<hbm>>
      tpu.wait_indirect_dma semaphore(%arg12 : memref<!tpu.dma_semaphore, #tpu.memory_space<semaphore_mem>>) src(%dma_wait3A_108 : memref<10128x128xf32, #tpu.memory_space<hbm>>) dst(%dma_wait3A_102 : memref<128x128xf32, #tpu.memory_space<vmem>>)
      %run_scoped3A_109 = arith.constant 1 : i32
      "tpu.region"() ({
        %run_scoped3A_117 = tpu.sem_alloc : memref<!tpu.dma_semaphore, #tpu.memory_space<semaphore_mem>>
        %dma_start3A_118 = arith.constant 0 : i32
        %dma_start3A_119 = arith.constant 0 : i32
        %dma_start3A_120 = tpu.memref_slice %arg10[%run_scoped3A_109, %dma_start3A_118, %dma_start3A_119] : memref<2x128x128xf32, #tpu.memory_space<vmem>> -> memref<1x128x128xf32, #tpu.memory_space<vmem>>
        %dma_start3A_121 = tpu.memref_squeeze %dma_start3A_120 : memref<1x128x128xf32, #tpu.memory_space<vmem>> -> memref<128x128xf32, #tpu.memory_space<vmem>>
        %dma_start3A_122 = arith.constant 0 : i32
        %dma_start3A_123 = tpu.memref_slice %arg9[%add3A_97, %dma_start3A_122] : memref<40x128xi32, #tpu.memory_space<vmem>> -> memref<1x128xi32, #tpu.memory_space<vmem>>
        %dma_start3A_124 = tpu.memref_squeeze %dma_start3A_123 : memref<1x128xi32, #tpu.memory_space<vmem>> -> memref<128xi32, #tpu.memory_space<vmem>>
        %dma_start3A_125 = arith.constant 0 : i32
        %dma_start3A_126 = arith.constant 0 : i32
        %dma_start3A_127 = tpu.memref_slice %arg7[%dma_start3A_125, %dma_start3A_126] : memref<10112x128xf32, #tpu.memory_space<vmem_shared>> -> memref<10112x128xf32, #tpu.memory_space<vmem_shared>>
        tpu.enqueue_indirect_dma source(%dma_start3A_121 : memref<128x128xf32, #tpu.memory_space<vmem>>) target(%dma_start3A_127 : memref<10112x128xf32, #tpu.memory_space<vmem_shared>>) offsets(%dma_start3A_124 : memref<128xi32, #tpu.memory_space<vmem>>) semaphore(%run_scoped3A_117 : memref<!tpu.dma_semaphore, #tpu.memory_space<semaphore_mem>>) {add = true}
        %dma_wait3A_128 = arith.constant 0 : i32
        %dma_wait3A_129 = arith.constant 0 : i32
        %dma_wait3A_130 = tpu.memref_slice %arg10[%run_scoped3A_109, %dma_wait3A_128, %dma_wait3A_129] : memref<2x128x128xf32, #tpu.memory_space<vmem>> -> memref<1x128x128xf32, #tpu.memory_space<vmem>>
        %dma_wait3A_131 = tpu.memref_squeeze %dma_wait3A_130 : memref<1x128x128xf32, #tpu.memory_space<vmem>> -> memref<128x128xf32, #tpu.memory_space<vmem>>
        %dma_wait3A_132 = arith.constant 0 : i32
        %dma_wait3A_133 = tpu.memref_slice %arg9[%add3A_97, %dma_wait3A_132] : memref<40x128xi32, #tpu.memory_space<vmem>> -> memref<1x128xi32, #tpu.memory_space<vmem>>
        %dma_wait3A_134 = tpu.memref_squeeze %dma_wait3A_133 : memref<1x128xi32, #tpu.memory_space<vmem>> -> memref<128xi32, #tpu.memory_space<vmem>>
        %dma_wait3A_135 = arith.constant 0 : i32
        %dma_wait3A_136 = arith.constant 0 : i32
        %dma_wait3A_137 = tpu.memref_slice %arg7[%dma_wait3A_135, %dma_wait3A_136] : memref<10112x128xf32, #tpu.memory_space<vmem_shared>> -> memref<10112x128xf32, #tpu.memory_space<vmem_shared>>
        tpu.wait_indirect_dma semaphore(%run_scoped3A_117 : memref<!tpu.dma_semaphore, #tpu.memory_space<semaphore_mem>>) src(%dma_wait3A_131 : memref<128x128xf32, #tpu.memory_space<vmem>>) dst(%dma_wait3A_137 : memref<10112x128xf32, #tpu.memory_space<vmem_shared>>)
        tpu.yield
      }) : () -> ()
      %add3A_110 = arith.constant 2 : i32
      %add3A_111 = arith.addi %add3A_97, %add3A_110 : i32
      %lt3A_112 = arith.constant 40 : i32
      %lt3A_113 = arith.cmpi slt, %add3A_111, %lt3A_112 : i32
      %convert_element_type3A_114 = arith.extui %lt3A_113 : i1 to i32
      %cond3A_115 = arith.constant 0 : i32
      %cond3A_116 = arith.cmpi ne, %convert_element_type3A_114, %cond3A_115 : i32
      scf.if %cond3A_116 {
        %dma_start3A_117 = arith.constant 1 : i32
        %dma_start3A_118 = arith.constant 0 : i32
        %dma_start3A_119 = arith.constant 0 : i32
        %dma_start3A_120 = tpu.memref_slice %arg10[%dma_start3A_117, %dma_start3A_118, %dma_start3A_119] : memref<2x128x128xf32, #tpu.memory_space<vmem>> -> memref<1x128x128xf32, #tpu.memory_space<vmem>>
        %dma_start3A_121 = tpu.memref_squeeze %dma_start3A_120 : memref<1x128x128xf32, #tpu.memory_space<vmem>> -> memref<128x128xf32, #tpu.memory_space<vmem>>
        %dma_start3A_122 = arith.constant 0 : i32
        %dma_start3A_123 = tpu.memref_slice %arg8[%add3A_111, %dma_start3A_122] : memref<40x128xi32, #tpu.memory_space<vmem>> -> memref<1x128xi32, #tpu.memory_space<vmem>>
        %dma_start3A_124 = tpu.memref_squeeze %dma_start3A_123 : memref<1x128xi32, #tpu.memory_space<vmem>> -> memref<128xi32, #tpu.memory_space<vmem>>
        %dma_start3A_125 = arith.constant 0 : i32
        %dma_start3A_126 = arith.constant 0 : i32
        %dma_start3A_127 = tpu.memref_slice %arg2[%dma_start3A_125, %dma_start3A_126] : memref<10128x128xf32, #tpu.memory_space<hbm>> -> memref<10128x128xf32, #tpu.memory_space<hbm>>
        tpu.enqueue_indirect_dma source(%dma_start3A_127 : memref<10128x128xf32, #tpu.memory_space<hbm>>) target(%dma_start3A_121 : memref<128x128xf32, #tpu.memory_space<vmem>>) offsets(%dma_start3A_124 : memref<128xi32, #tpu.memory_space<vmem>>) semaphore(%arg12 : memref<!tpu.dma_semaphore, #tpu.memory_space<semaphore_mem>>)
      } else {
      }
    }
    %scan3A_69 = arith.constant 20 : i32
    %barrier3A_70 = arith.constant 0 : index
    tpu.barrier barrier_id(%barrier3A_70)
    %mul3A_71 = arith.constant 632 : i32
    %mul3A_72 = arith.muli %arg1, %mul3A_71 : i32
    %mul3A_73 = arith.constant 632 : i32
    %mul3A_74 = arith.muli %arg1, %mul3A_73 : i32
    "tpu.region"() ({
      %run_scoped3A = tpu.sem_alloc : memref<!tpu.dma_semaphore, #tpu.memory_space<semaphore_mem>>
      %dma_start3A_75 = arith.constant 0 : i32
      %dma_start3A_76 = arith.constant 0 : i32
      %dma_start3A_77 = tpu.memref_slice %arg6[%arg0, %dma_start3A_75, %dma_start3A_76] : memref<2x10112x128xf32, #tpu.memory_space<hbm>> -> memref<1x10112x128xf32, #tpu.memory_space<hbm>>
      %dma_start3A_78 = tpu.memref_squeeze %dma_start3A_77 : memref<1x10112x128xf32, #tpu.memory_space<hbm>> -> memref<10112x128xf32, #tpu.memory_space<hbm>>
      %dma_start3A_79 = arith.constant 0 : i32
      %dma_start3A_80 = tpu.memref_slice %dma_start3A_78[%mul3A_74, %dma_start3A_79] : memref<10112x128xf32, #tpu.memory_space<hbm>> -> memref<632x128xf32, #tpu.memory_space<hbm>>
      %dma_start3A_81 = arith.constant 0 : i32
      %dma_start3A_82 = tpu.memref_slice %arg7[%mul3A_72, %dma_start3A_81] : memref<10112x128xf32, #tpu.memory_space<vmem_shared>> -> memref<632x128xf32, #tpu.memory_space<vmem_shared>>
      tpu.enqueue_dma source(%dma_start3A_82 : memref<632x128xf32, #tpu.memory_space<vmem_shared>>) target(%dma_start3A_80 : memref<632x128xf32, #tpu.memory_space<hbm>>) target_semaphore(%run_scoped3A : memref<!tpu.dma_semaphore, #tpu.memory_space<semaphore_mem>>)
      %dma_wait3A = arith.constant 0 : i32
      %dma_wait3A_83 = arith.constant 0 : i32
      %dma_wait3A_84 = tpu.memref_slice %arg6[%arg0, %dma_wait3A, %dma_wait3A_83] : memref<2x10112x128xf32, #tpu.memory_space<hbm>> -> memref<1x10112x128xf32, #tpu.memory_space<hbm>>
      %dma_wait3A_85 = tpu.memref_squeeze %dma_wait3A_84 : memref<1x10112x128xf32, #tpu.memory_space<hbm>> -> memref<10112x128xf32, #tpu.memory_space<hbm>>
      %dma_wait3A_86 = arith.constant 0 : i32
      %dma_wait3A_87 = tpu.memref_slice %dma_wait3A_85[%mul3A_74, %dma_wait3A_86] : memref<10112x128xf32, #tpu.memory_space<hbm>> -> memref<632x128xf32, #tpu.memory_space<hbm>>
      %dma_wait3A_88 = arith.constant 0 : i32
      %dma_wait3A_89 = tpu.memref_slice %arg7[%mul3A_72, %dma_wait3A_88] : memref<10112x128xf32, #tpu.memory_space<vmem_shared>> -> memref<632x128xf32, #tpu.memory_space<vmem_shared>>
      tpu.wait_dma2 semaphore(%run_scoped3A : memref<!tpu.dma_semaphore, #tpu.memory_space<semaphore_mem>>) src(%dma_wait3A_89 : memref<632x128xf32, #tpu.memory_space<vmem_shared>>) dst(%dma_wait3A_87 : memref<632x128xf32, #tpu.memory_space<hbm>>)
      tpu.yield
    }) : () -> ()
    return
  }
}

#map = affine_map<(d0, d1) -> (0, 0)>
#map1 = affine_map<(d0, d1) -> (0, 0, 0)>
module attributes {stable_mosaic.version = 14 : i64} {
  func.func @sc_agg(%arg0: i32, %arg1: i32, %arg2: memref<10128x128xf32, #tpu.memory_space<hbm>>, %arg3: memref<2560x128xi32, #tpu.memory_space<hbm>>, %arg4: memref<2560x128xi32, #tpu.memory_space<hbm>>, %arg5: memref<632x128xf32, #tpu.memory_space<hbm>>, %arg6: memref<2x10112x128xf32, #tpu.memory_space<hbm>>, %arg7: memref<10112x128xf32, #tpu.memory_space<vmem_shared>>, %arg8: memref<40x128xi32, #tpu.memory_space<vmem>>, %arg9: memref<40x128xi32, #tpu.memory_space<vmem>>, %arg10: memref<2x128x128xf32, #tpu.memory_space<vmem>>, %arg11: memref<!tpu.dma_semaphore, #tpu.memory_space<semaphore_mem>>, %arg12: memref<!tpu.dma_semaphore, #tpu.memory_space<semaphore_mem>>) attributes {dimension_semantics = [#tpu.dimension_semantics<core_parallel>, #tpu.dimension_semantics<subcore_parallel>], iteration_bounds = array<i64: 2, 16>, scalar_prefetch = 0 : i64, scratch_operands = 6 : i64, tpu.core_type = #tpu.core_type<sc_vector_subcore>, window_params = [{transform_indices = #map}, {transform_indices = #map}, {transform_indices = #map}, {transform_indices = #map}, {transform_indices = #map1}]} {
    %sub3A = arith.constant 1 : i32
    %sub3A_0 = arith.subi %sub3A, %arg0 : i32
    %mul3A = arith.constant 16 : i32
    %mul3A_1 = arith.muli %sub3A_0, %mul3A : i32
    %add3A = arith.addi %mul3A_1, %arg1 : i32
    %mul3A_2 = arith.constant 632 : i32
    %mul3A_3 = arith.muli %arg1, %mul3A_2 : i32
    "tpu.region"() ({
      %run_scoped3A = tpu.sem_alloc : memref<!tpu.dma_semaphore, #tpu.memory_space<semaphore_mem>>
      %dma_start3A_75 = arith.constant 0 : i32
      %dma_start3A_76 = tpu.memref_slice %arg7[%mul3A_3, %dma_start3A_75] : memref<10112x128xf32, #tpu.memory_space<vmem_shared>> -> memref<632x128xf32, #tpu.memory_space<vmem_shared>>
      tpu.enqueue_dma source(%arg5 : memref<632x128xf32, #tpu.memory_space<hbm>>) target(%dma_start3A_76 : memref<632x128xf32, #tpu.memory_space<vmem_shared>>) target_semaphore(%run_scoped3A : memref<!tpu.dma_semaphore, #tpu.memory_space<semaphore_mem>>)
      %dma_wait3A = arith.constant 0 : i32
      %dma_wait3A_77 = tpu.memref_slice %arg7[%mul3A_3, %dma_wait3A] : memref<10112x128xf32, #tpu.memory_space<vmem_shared>> -> memref<632x128xf32, #tpu.memory_space<vmem_shared>>
      tpu.wait_dma2 semaphore(%run_scoped3A : memref<!tpu.dma_semaphore, #tpu.memory_space<semaphore_mem>>) src(%arg5 : memref<632x128xf32, #tpu.memory_space<hbm>>) dst(%dma_wait3A_77 : memref<632x128xf32, #tpu.memory_space<vmem_shared>>)
      tpu.yield
    }) : () -> ()
    %barrier3A = arith.constant 0 : index
    tpu.barrier barrier_id(%barrier3A)
    %mul3A_4 = arith.constant 80 : i32
    %mul3A_5 = arith.muli %add3A, %mul3A_4 : i32
    %add3A_6 = arith.constant 0 : i32
    %add3A_7 = arith.addi %mul3A_5, %add3A_6 : i32
    "tpu.region"() ({
      %run_scoped3A = tpu.sem_alloc : memref<!tpu.dma_semaphore, #tpu.memory_space<semaphore_mem>>
      %dma_start3A_75 = arith.constant 0 : i32
      %dma_start3A_76 = tpu.memref_slice %arg3[%add3A_7, %dma_start3A_75] : memref<2560x128xi32, #tpu.memory_space<hbm>> -> memref<40x128xi32, #tpu.memory_space<hbm>>
      %dma_start3A_77 = arith.constant 0 : i32
      %dma_start3A_78 = tpu.memref_slice %arg3[%add3A_7, %dma_start3A_77] : memref<2560x128xi32, #tpu.memory_space<hbm>> -> memref<40x128xi32, #tpu.memory_space<hbm>>
      tpu.enqueue_dma source(%dma_start3A_78 : memref<40x128xi32, #tpu.memory_space<hbm>>) target(%arg8 : memref<40x128xi32, #tpu.memory_space<vmem>>) target_semaphore(%run_scoped3A : memref<!tpu.dma_semaphore, #tpu.memory_space<semaphore_mem>>)
      %dma_wait3A = arith.constant 0 : i32
      %dma_wait3A_79 = tpu.memref_slice %arg3[%add3A_7, %dma_wait3A] : memref<2560x128xi32, #tpu.memory_space<hbm>> -> memref<40x128xi32, #tpu.memory_space<hbm>>
      %dma_wait3A_80 = arith.constant 0 : i32
      %dma_wait3A_81 = tpu.memref_slice %arg3[%add3A_7, %dma_wait3A_80] : memref<2560x128xi32, #tpu.memory_space<hbm>> -> memref<40x128xi32, #tpu.memory_space<hbm>>
      tpu.wait_dma2 semaphore(%run_scoped3A : memref<!tpu.dma_semaphore, #tpu.memory_space<semaphore_mem>>) src(%dma_wait3A_81 : memref<40x128xi32, #tpu.memory_space<hbm>>) dst(%arg8 : memref<40x128xi32, #tpu.memory_space<vmem>>)
      tpu.yield
    }) : () -> ()
    "tpu.region"() ({
      %run_scoped3A = tpu.sem_alloc : memref<!tpu.dma_semaphore, #tpu.memory_space<semaphore_mem>>
      %dma_start3A_75 = arith.constant 0 : i32
      %dma_start3A_76 = tpu.memref_slice %arg4[%add3A_7, %dma_start3A_75] : memref<2560x128xi32, #tpu.memory_space<hbm>> -> memref<40x128xi32, #tpu.memory_space<hbm>>
      %dma_start3A_77 = arith.constant 0 : i32
      %dma_start3A_78 = tpu.memref_slice %arg4[%add3A_7, %dma_start3A_77] : memref<2560x128xi32, #tpu.memory_space<hbm>> -> memref<40x128xi32, #tpu.memory_space<hbm>>
      tpu.enqueue_dma source(%dma_start3A_78 : memref<40x128xi32, #tpu.memory_space<hbm>>) target(%arg9 : memref<40x128xi32, #tpu.memory_space<vmem>>) target_semaphore(%run_scoped3A : memref<!tpu.dma_semaphore, #tpu.memory_space<semaphore_mem>>)
      %dma_wait3A = arith.constant 0 : i32
      %dma_wait3A_79 = tpu.memref_slice %arg4[%add3A_7, %dma_wait3A] : memref<2560x128xi32, #tpu.memory_space<hbm>> -> memref<40x128xi32, #tpu.memory_space<hbm>>
      %dma_wait3A_80 = arith.constant 0 : i32
      %dma_wait3A_81 = tpu.memref_slice %arg4[%add3A_7, %dma_wait3A_80] : memref<2560x128xi32, #tpu.memory_space<hbm>> -> memref<40x128xi32, #tpu.memory_space<hbm>>
      tpu.wait_dma2 semaphore(%run_scoped3A : memref<!tpu.dma_semaphore, #tpu.memory_space<semaphore_mem>>) src(%dma_wait3A_81 : memref<40x128xi32, #tpu.memory_space<hbm>>) dst(%arg9 : memref<40x128xi32, #tpu.memory_space<vmem>>)
      tpu.yield
    }) : () -> ()
    %dma_start3A = arith.constant 0 : i32
    %dma_start3A_8 = arith.constant 0 : i32
    %dma_start3A_9 = arith.constant 0 : i32
    %dma_start3A_10 = arith.constant 0 : i32
    %dma_start3A_11 = tpu.memref_slice %arg10[%dma_start3A_8, %dma_start3A_9, %dma_start3A_10] : memref<2x128x128xf32, #tpu.memory_space<vmem>> -> memref<1x128x128xf32, #tpu.memory_space<vmem>>
    %dma_start3A_12 = tpu.memref_squeeze %dma_start3A_11 : memref<1x128x128xf32, #tpu.memory_space<vmem>> -> memref<128x128xf32, #tpu.memory_space<vmem>>
    %dma_start3A_13 = arith.constant 0 : i32
    %dma_start3A_14 = tpu.memref_slice %arg8[%dma_start3A, %dma_start3A_13] : memref<40x128xi32, #tpu.memory_space<vmem>> -> memref<1x128xi32, #tpu.memory_space<vmem>>
    %dma_start3A_15 = tpu.memref_squeeze %dma_start3A_14 : memref<1x128xi32, #tpu.memory_space<vmem>> -> memref<128xi32, #tpu.memory_space<vmem>>
    %dma_start3A_16 = arith.constant 0 : i32
    %dma_start3A_17 = arith.constant 0 : i32
    %dma_start3A_18 = tpu.memref_slice %arg2[%dma_start3A_16, %dma_start3A_17] : memref<10128x128xf32, #tpu.memory_space<hbm>> -> memref<10128x128xf32, #tpu.memory_space<hbm>>
    tpu.enqueue_indirect_dma source(%dma_start3A_18 : memref<10128x128xf32, #tpu.memory_space<hbm>>) target(%dma_start3A_12 : memref<128x128xf32, #tpu.memory_space<vmem>>) offsets(%dma_start3A_15 : memref<128xi32, #tpu.memory_space<vmem>>) semaphore(%arg11 : memref<!tpu.dma_semaphore, #tpu.memory_space<semaphore_mem>>)
    %dma_start3A_19 = arith.constant 1 : i32
    %dma_start3A_20 = arith.constant 1 : i32
    %dma_start3A_21 = arith.constant 0 : i32
    %dma_start3A_22 = arith.constant 0 : i32
    %dma_start3A_23 = tpu.memref_slice %arg10[%dma_start3A_20, %dma_start3A_21, %dma_start3A_22] : memref<2x128x128xf32, #tpu.memory_space<vmem>> -> memref<1x128x128xf32, #tpu.memory_space<vmem>>
    %dma_start3A_24 = tpu.memref_squeeze %dma_start3A_23 : memref<1x128x128xf32, #tpu.memory_space<vmem>> -> memref<128x128xf32, #tpu.memory_space<vmem>>
    %dma_start3A_25 = arith.constant 0 : i32
    %dma_start3A_26 = tpu.memref_slice %arg8[%dma_start3A_19, %dma_start3A_25] : memref<40x128xi32, #tpu.memory_space<vmem>> -> memref<1x128xi32, #tpu.memory_space<vmem>>
    %dma_start3A_27 = tpu.memref_squeeze %dma_start3A_26 : memref<1x128xi32, #tpu.memory_space<vmem>> -> memref<128xi32, #tpu.memory_space<vmem>>
    %dma_start3A_28 = arith.constant 0 : i32
    %dma_start3A_29 = arith.constant 0 : i32
    %dma_start3A_30 = tpu.memref_slice %arg2[%dma_start3A_28, %dma_start3A_29] : memref<10128x128xf32, #tpu.memory_space<hbm>> -> memref<10128x128xf32, #tpu.memory_space<hbm>>
    tpu.enqueue_indirect_dma source(%dma_start3A_30 : memref<10128x128xf32, #tpu.memory_space<hbm>>) target(%dma_start3A_24 : memref<128x128xf32, #tpu.memory_space<vmem>>) offsets(%dma_start3A_27 : memref<128xi32, #tpu.memory_space<vmem>>) semaphore(%arg12 : memref<!tpu.dma_semaphore, #tpu.memory_space<semaphore_mem>>)
    %scan3A = arith.constant 0 : i32
    %scan3A_31 = arith.constant 0 : i32
    %scan3A_32 = arith.constant 20 : i32
    %scan3A_33 = arith.addi %scan3A_31, %scan3A_32 : i32
    %scan3A_34 = arith.constant 1 : i32
    scf.for %scan3A_75 = %scan3A_31 to %scan3A_33 step %scan3A_34  : i32 {
      %mul3A_76 = arith.constant 2 : i32
      %mul3A_77 = arith.muli %scan3A_75, %mul3A_76 : i32
      %add3A_78 = arith.constant 0 : i32
      %add3A_79 = arith.addi %mul3A_77, %add3A_78 : i32
      %dma_wait3A = arith.constant 0 : i32
      %dma_wait3A_80 = arith.constant 0 : i32
      %dma_wait3A_81 = arith.constant 0 : i32
      %dma_wait3A_82 = tpu.memref_slice %arg10[%dma_wait3A, %dma_wait3A_80, %dma_wait3A_81] : memref<2x128x128xf32, #tpu.memory_space<vmem>> -> memref<1x128x128xf32, #tpu.memory_space<vmem>>
      %dma_wait3A_83 = tpu.memref_squeeze %dma_wait3A_82 : memref<1x128x128xf32, #tpu.memory_space<vmem>> -> memref<128x128xf32, #tpu.memory_space<vmem>>
      %dma_wait3A_84 = arith.constant 0 : i32
      %dma_wait3A_85 = tpu.memref_slice %arg8[%add3A_79, %dma_wait3A_84] : memref<40x128xi32, #tpu.memory_space<vmem>> -> memref<1x128xi32, #tpu.memory_space<vmem>>
      %dma_wait3A_86 = tpu.memref_squeeze %dma_wait3A_85 : memref<1x128xi32, #tpu.memory_space<vmem>> -> memref<128xi32, #tpu.memory_space<vmem>>
      %dma_wait3A_87 = arith.constant 0 : i32
      %dma_wait3A_88 = arith.constant 0 : i32
      %dma_wait3A_89 = tpu.memref_slice %arg2[%dma_wait3A_87, %dma_wait3A_88] : memref<10128x128xf32, #tpu.memory_space<hbm>> -> memref<10128x128xf32, #tpu.memory_space<hbm>>
      tpu.wait_indirect_dma semaphore(%arg11 : memref<!tpu.dma_semaphore, #tpu.memory_space<semaphore_mem>>) src(%dma_wait3A_89 : memref<10128x128xf32, #tpu.memory_space<hbm>>) dst(%dma_wait3A_83 : memref<128x128xf32, #tpu.memory_space<vmem>>)
      %run_scoped3A = arith.constant 0 : i32
      "tpu.region"() ({
        %run_scoped3A_117 = tpu.sem_alloc : memref<!tpu.dma_semaphore, #tpu.memory_space<semaphore_mem>>
        %dma_start3A_118 = arith.constant 0 : i32
        %dma_start3A_119 = arith.constant 0 : i32
        %dma_start3A_120 = tpu.memref_slice %arg10[%run_scoped3A, %dma_start3A_118, %dma_start3A_119] : memref<2x128x128xf32, #tpu.memory_space<vmem>> -> memref<1x128x128xf32, #tpu.memory_space<vmem>>
        %dma_start3A_121 = tpu.memref_squeeze %dma_start3A_120 : memref<1x128x128xf32, #tpu.memory_space<vmem>> -> memref<128x128xf32, #tpu.memory_space<vmem>>
        %dma_start3A_122 = arith.constant 0 : i32
        %dma_start3A_123 = tpu.memref_slice %arg9[%add3A_79, %dma_start3A_122] : memref<40x128xi32, #tpu.memory_space<vmem>> -> memref<1x128xi32, #tpu.memory_space<vmem>>
        %dma_start3A_124 = tpu.memref_squeeze %dma_start3A_123 : memref<1x128xi32, #tpu.memory_space<vmem>> -> memref<128xi32, #tpu.memory_space<vmem>>
        %dma_start3A_125 = arith.constant 0 : i32
        %dma_start3A_126 = arith.constant 0 : i32
        %dma_start3A_127 = tpu.memref_slice %arg7[%dma_start3A_125, %dma_start3A_126] : memref<10112x128xf32, #tpu.memory_space<vmem_shared>> -> memref<10112x128xf32, #tpu.memory_space<vmem_shared>>
        tpu.enqueue_indirect_dma source(%dma_start3A_121 : memref<128x128xf32, #tpu.memory_space<vmem>>) target(%dma_start3A_127 : memref<10112x128xf32, #tpu.memory_space<vmem_shared>>) offsets(%dma_start3A_124 : memref<128xi32, #tpu.memory_space<vmem>>) semaphore(%run_scoped3A_117 : memref<!tpu.dma_semaphore, #tpu.memory_space<semaphore_mem>>) {add = true}
        %dma_wait3A_128 = arith.constant 0 : i32
        %dma_wait3A_129 = arith.constant 0 : i32
        %dma_wait3A_130 = tpu.memref_slice %arg10[%run_scoped3A, %dma_wait3A_128, %dma_wait3A_129] : memref<2x128x128xf32, #tpu.memory_space<vmem>> -> memref<1x128x128xf32, #tpu.memory_space<vmem>>
        %dma_wait3A_131 = tpu.memref_squeeze %dma_wait3A_130 : memref<1x128x128xf32, #tpu.memory_space<vmem>> -> memref<128x128xf32, #tpu.memory_space<vmem>>
        %dma_wait3A_132 = arith.constant 0 : i32
        %dma_wait3A_133 = tpu.memref_slice %arg9[%add3A_79, %dma_wait3A_132] : memref<40x128xi32, #tpu.memory_space<vmem>> -> memref<1x128xi32, #tpu.memory_space<vmem>>
        %dma_wait3A_134 = tpu.memref_squeeze %dma_wait3A_133 : memref<1x128xi32, #tpu.memory_space<vmem>> -> memref<128xi32, #tpu.memory_space<vmem>>
        %dma_wait3A_135 = arith.constant 0 : i32
        %dma_wait3A_136 = arith.constant 0 : i32
        %dma_wait3A_137 = tpu.memref_slice %arg7[%dma_wait3A_135, %dma_wait3A_136] : memref<10112x128xf32, #tpu.memory_space<vmem_shared>> -> memref<10112x128xf32, #tpu.memory_space<vmem_shared>>
        tpu.wait_indirect_dma semaphore(%run_scoped3A_117 : memref<!tpu.dma_semaphore, #tpu.memory_space<semaphore_mem>>) src(%dma_wait3A_131 : memref<128x128xf32, #tpu.memory_space<vmem>>) dst(%dma_wait3A_137 : memref<10112x128xf32, #tpu.memory_space<vmem_shared>>)
        tpu.yield
      }) : () -> ()
      %add3A_90 = arith.constant 2 : i32
      %add3A_91 = arith.addi %add3A_79, %add3A_90 : i32
      %lt3A = arith.constant 40 : i32
      %lt3A_92 = arith.cmpi slt, %add3A_91, %lt3A : i32
      %convert_element_type3A = arith.extui %lt3A_92 : i1 to i32
      %cond3A = arith.constant 0 : i32
      %cond3A_93 = arith.cmpi ne, %convert_element_type3A, %cond3A : i32
      scf.if %cond3A_93 {
        %dma_start3A_117 = arith.constant 0 : i32
        %dma_start3A_118 = arith.constant 0 : i32
        %dma_start3A_119 = arith.constant 0 : i32
        %dma_start3A_120 = tpu.memref_slice %arg10[%dma_start3A_117, %dma_start3A_118, %dma_start3A_119] : memref<2x128x128xf32, #tpu.memory_space<vmem>> -> memref<1x128x128xf32, #tpu.memory_space<vmem>>
        %dma_start3A_121 = tpu.memref_squeeze %dma_start3A_120 : memref<1x128x128xf32, #tpu.memory_space<vmem>> -> memref<128x128xf32, #tpu.memory_space<vmem>>
        %dma_start3A_122 = arith.constant 0 : i32
        %dma_start3A_123 = tpu.memref_slice %arg8[%add3A_91, %dma_start3A_122] : memref<40x128xi32, #tpu.memory_space<vmem>> -> memref<1x128xi32, #tpu.memory_space<vmem>>
        %dma_start3A_124 = tpu.memref_squeeze %dma_start3A_123 : memref<1x128xi32, #tpu.memory_space<vmem>> -> memref<128xi32, #tpu.memory_space<vmem>>
        %dma_start3A_125 = arith.constant 0 : i32
        %dma_start3A_126 = arith.constant 0 : i32
        %dma_start3A_127 = tpu.memref_slice %arg2[%dma_start3A_125, %dma_start3A_126] : memref<10128x128xf32, #tpu.memory_space<hbm>> -> memref<10128x128xf32, #tpu.memory_space<hbm>>
        tpu.enqueue_indirect_dma source(%dma_start3A_127 : memref<10128x128xf32, #tpu.memory_space<hbm>>) target(%dma_start3A_121 : memref<128x128xf32, #tpu.memory_space<vmem>>) offsets(%dma_start3A_124 : memref<128xi32, #tpu.memory_space<vmem>>) semaphore(%arg11 : memref<!tpu.dma_semaphore, #tpu.memory_space<semaphore_mem>>)
      } else {
      }
      %mul3A_94 = arith.constant 2 : i32
      %mul3A_95 = arith.muli %scan3A_75, %mul3A_94 : i32
      %add3A_96 = arith.constant 1 : i32
      %add3A_97 = arith.addi %mul3A_95, %add3A_96 : i32
      %dma_wait3A_98 = arith.constant 1 : i32
      %dma_wait3A_99 = arith.constant 0 : i32
      %dma_wait3A_100 = arith.constant 0 : i32
      %dma_wait3A_101 = tpu.memref_slice %arg10[%dma_wait3A_98, %dma_wait3A_99, %dma_wait3A_100] : memref<2x128x128xf32, #tpu.memory_space<vmem>> -> memref<1x128x128xf32, #tpu.memory_space<vmem>>
      %dma_wait3A_102 = tpu.memref_squeeze %dma_wait3A_101 : memref<1x128x128xf32, #tpu.memory_space<vmem>> -> memref<128x128xf32, #tpu.memory_space<vmem>>
      %dma_wait3A_103 = arith.constant 0 : i32
      %dma_wait3A_104 = tpu.memref_slice %arg8[%add3A_97, %dma_wait3A_103] : memref<40x128xi32, #tpu.memory_space<vmem>> -> memref<1x128xi32, #tpu.memory_space<vmem>>
      %dma_wait3A_105 = tpu.memref_squeeze %dma_wait3A_104 : memref<1x128xi32, #tpu.memory_space<vmem>> -> memref<128xi32, #tpu.memory_space<vmem>>
      %dma_wait3A_106 = arith.constant 0 : i32
      %dma_wait3A_107 = arith.constant 0 : i32
      %dma_wait3A_108 = tpu.memref_slice %arg2[%dma_wait3A_106, %dma_wait3A_107] : memref<10128x128xf32, #tpu.memory_space<hbm>> -> memref<10128x128xf32, #tpu.memory_space<hbm>>
      tpu.wait_indirect_dma semaphore(%arg12 : memref<!tpu.dma_semaphore, #tpu.memory_space<semaphore_mem>>) src(%dma_wait3A_108 : memref<10128x128xf32, #tpu.memory_space<hbm>>) dst(%dma_wait3A_102 : memref<128x128xf32, #tpu.memory_space<vmem>>)
      %run_scoped3A_109 = arith.constant 1 : i32
      "tpu.region"() ({
        %run_scoped3A_117 = tpu.sem_alloc : memref<!tpu.dma_semaphore, #tpu.memory_space<semaphore_mem>>
        %dma_start3A_118 = arith.constant 0 : i32
        %dma_start3A_119 = arith.constant 0 : i32
        %dma_start3A_120 = tpu.memref_slice %arg10[%run_scoped3A_109, %dma_start3A_118, %dma_start3A_119] : memref<2x128x128xf32, #tpu.memory_space<vmem>> -> memref<1x128x128xf32, #tpu.memory_space<vmem>>
        %dma_start3A_121 = tpu.memref_squeeze %dma_start3A_120 : memref<1x128x128xf32, #tpu.memory_space<vmem>> -> memref<128x128xf32, #tpu.memory_space<vmem>>
        %dma_start3A_122 = arith.constant 0 : i32
        %dma_start3A_123 = tpu.memref_slice %arg9[%add3A_97, %dma_start3A_122] : memref<40x128xi32, #tpu.memory_space<vmem>> -> memref<1x128xi32, #tpu.memory_space<vmem>>
        %dma_start3A_124 = tpu.memref_squeeze %dma_start3A_123 : memref<1x128xi32, #tpu.memory_space<vmem>> -> memref<128xi32, #tpu.memory_space<vmem>>
        %dma_start3A_125 = arith.constant 0 : i32
        %dma_start3A_126 = arith.constant 0 : i32
        %dma_start3A_127 = tpu.memref_slice %arg7[%dma_start3A_125, %dma_start3A_126] : memref<10112x128xf32, #tpu.memory_space<vmem_shared>> -> memref<10112x128xf32, #tpu.memory_space<vmem_shared>>
        tpu.enqueue_indirect_dma source(%dma_start3A_121 : memref<128x128xf32, #tpu.memory_space<vmem>>) target(%dma_start3A_127 : memref<10112x128xf32, #tpu.memory_space<vmem_shared>>) offsets(%dma_start3A_124 : memref<128xi32, #tpu.memory_space<vmem>>) semaphore(%run_scoped3A_117 : memref<!tpu.dma_semaphore, #tpu.memory_space<semaphore_mem>>) {add = true}
        %dma_wait3A_128 = arith.constant 0 : i32
        %dma_wait3A_129 = arith.constant 0 : i32
        %dma_wait3A_130 = tpu.memref_slice %arg10[%run_scoped3A_109, %dma_wait3A_128, %dma_wait3A_129] : memref<2x128x128xf32, #tpu.memory_space<vmem>> -> memref<1x128x128xf32, #tpu.memory_space<vmem>>
        %dma_wait3A_131 = tpu.memref_squeeze %dma_wait3A_130 : memref<1x128x128xf32, #tpu.memory_space<vmem>> -> memref<128x128xf32, #tpu.memory_space<vmem>>
        %dma_wait3A_132 = arith.constant 0 : i32
        %dma_wait3A_133 = tpu.memref_slice %arg9[%add3A_97, %dma_wait3A_132] : memref<40x128xi32, #tpu.memory_space<vmem>> -> memref<1x128xi32, #tpu.memory_space<vmem>>
        %dma_wait3A_134 = tpu.memref_squeeze %dma_wait3A_133 : memref<1x128xi32, #tpu.memory_space<vmem>> -> memref<128xi32, #tpu.memory_space<vmem>>
        %dma_wait3A_135 = arith.constant 0 : i32
        %dma_wait3A_136 = arith.constant 0 : i32
        %dma_wait3A_137 = tpu.memref_slice %arg7[%dma_wait3A_135, %dma_wait3A_136] : memref<10112x128xf32, #tpu.memory_space<vmem_shared>> -> memref<10112x128xf32, #tpu.memory_space<vmem_shared>>
        tpu.wait_indirect_dma semaphore(%run_scoped3A_117 : memref<!tpu.dma_semaphore, #tpu.memory_space<semaphore_mem>>) src(%dma_wait3A_131 : memref<128x128xf32, #tpu.memory_space<vmem>>) dst(%dma_wait3A_137 : memref<10112x128xf32, #tpu.memory_space<vmem_shared>>)
        tpu.yield
      }) : () -> ()
      %add3A_110 = arith.constant 2 : i32
      %add3A_111 = arith.addi %add3A_97, %add3A_110 : i32
      %lt3A_112 = arith.constant 40 : i32
      %lt3A_113 = arith.cmpi slt, %add3A_111, %lt3A_112 : i32
      %convert_element_type3A_114 = arith.extui %lt3A_113 : i1 to i32
      %cond3A_115 = arith.constant 0 : i32
      %cond3A_116 = arith.cmpi ne, %convert_element_type3A_114, %cond3A_115 : i32
      scf.if %cond3A_116 {
        %dma_start3A_117 = arith.constant 1 : i32
        %dma_start3A_118 = arith.constant 0 : i32
        %dma_start3A_119 = arith.constant 0 : i32
        %dma_start3A_120 = tpu.memref_slice %arg10[%dma_start3A_117, %dma_start3A_118, %dma_start3A_119] : memref<2x128x128xf32, #tpu.memory_space<vmem>> -> memref<1x128x128xf32, #tpu.memory_space<vmem>>
        %dma_start3A_121 = tpu.memref_squeeze %dma_start3A_120 : memref<1x128x128xf32, #tpu.memory_space<vmem>> -> memref<128x128xf32, #tpu.memory_space<vmem>>
        %dma_start3A_122 = arith.constant 0 : i32
        %dma_start3A_123 = tpu.memref_slice %arg8[%add3A_111, %dma_start3A_122] : memref<40x128xi32, #tpu.memory_space<vmem>> -> memref<1x128xi32, #tpu.memory_space<vmem>>
        %dma_start3A_124 = tpu.memref_squeeze %dma_start3A_123 : memref<1x128xi32, #tpu.memory_space<vmem>> -> memref<128xi32, #tpu.memory_space<vmem>>
        %dma_start3A_125 = arith.constant 0 : i32
        %dma_start3A_126 = arith.constant 0 : i32
        %dma_start3A_127 = tpu.memref_slice %arg2[%dma_start3A_125, %dma_start3A_126] : memref<10128x128xf32, #tpu.memory_space<hbm>> -> memref<10128x128xf32, #tpu.memory_space<hbm>>
        tpu.enqueue_indirect_dma source(%dma_start3A_127 : memref<10128x128xf32, #tpu.memory_space<hbm>>) target(%dma_start3A_121 : memref<128x128xf32, #tpu.memory_space<vmem>>) offsets(%dma_start3A_124 : memref<128xi32, #tpu.memory_space<vmem>>) semaphore(%arg12 : memref<!tpu.dma_semaphore, #tpu.memory_space<semaphore_mem>>)
      } else {
      }
    }
    %scan3A_35 = arith.constant 20 : i32
    %mul3A_36 = arith.constant 80 : i32
    %mul3A_37 = arith.muli %add3A, %mul3A_36 : i32
    %add3A_38 = arith.constant 40 : i32
    %add3A_39 = arith.addi %mul3A_37, %add3A_38 : i32
    "tpu.region"() ({
      %run_scoped3A = tpu.sem_alloc : memref<!tpu.dma_semaphore, #tpu.memory_space<semaphore_mem>>
      %dma_start3A_75 = arith.constant 0 : i32
      %dma_start3A_76 = tpu.memref_slice %arg3[%add3A_39, %dma_start3A_75] : memref<2560x128xi32, #tpu.memory_space<hbm>> -> memref<40x128xi32, #tpu.memory_space<hbm>>
      %dma_start3A_77 = arith.constant 0 : i32
      %dma_start3A_78 = tpu.memref_slice %arg3[%add3A_39, %dma_start3A_77] : memref<2560x128xi32, #tpu.memory_space<hbm>> -> memref<40x128xi32, #tpu.memory_space<hbm>>
      tpu.enqueue_dma source(%dma_start3A_78 : memref<40x128xi32, #tpu.memory_space<hbm>>) target(%arg8 : memref<40x128xi32, #tpu.memory_space<vmem>>) target_semaphore(%run_scoped3A : memref<!tpu.dma_semaphore, #tpu.memory_space<semaphore_mem>>)
      %dma_wait3A = arith.constant 0 : i32
      %dma_wait3A_79 = tpu.memref_slice %arg3[%add3A_39, %dma_wait3A] : memref<2560x128xi32, #tpu.memory_space<hbm>> -> memref<40x128xi32, #tpu.memory_space<hbm>>
      %dma_wait3A_80 = arith.constant 0 : i32
      %dma_wait3A_81 = tpu.memref_slice %arg3[%add3A_39, %dma_wait3A_80] : memref<2560x128xi32, #tpu.memory_space<hbm>> -> memref<40x128xi32, #tpu.memory_space<hbm>>
      tpu.wait_dma2 semaphore(%run_scoped3A : memref<!tpu.dma_semaphore, #tpu.memory_space<semaphore_mem>>) src(%dma_wait3A_81 : memref<40x128xi32, #tpu.memory_space<hbm>>) dst(%arg8 : memref<40x128xi32, #tpu.memory_space<vmem>>)
      tpu.yield
    }) : () -> ()
    "tpu.region"() ({
      %run_scoped3A = tpu.sem_alloc : memref<!tpu.dma_semaphore, #tpu.memory_space<semaphore_mem>>
      %dma_start3A_75 = arith.constant 0 : i32
      %dma_start3A_76 = tpu.memref_slice %arg4[%add3A_39, %dma_start3A_75] : memref<2560x128xi32, #tpu.memory_space<hbm>> -> memref<40x128xi32, #tpu.memory_space<hbm>>
      %dma_start3A_77 = arith.constant 0 : i32
      %dma_start3A_78 = tpu.memref_slice %arg4[%add3A_39, %dma_start3A_77] : memref<2560x128xi32, #tpu.memory_space<hbm>> -> memref<40x128xi32, #tpu.memory_space<hbm>>
      tpu.enqueue_dma source(%dma_start3A_78 : memref<40x128xi32, #tpu.memory_space<hbm>>) target(%arg9 : memref<40x128xi32, #tpu.memory_space<vmem>>) target_semaphore(%run_scoped3A : memref<!tpu.dma_semaphore, #tpu.memory_space<semaphore_mem>>)
      %dma_wait3A = arith.constant 0 : i32
      %dma_wait3A_79 = tpu.memref_slice %arg4[%add3A_39, %dma_wait3A] : memref<2560x128xi32, #tpu.memory_space<hbm>> -> memref<40x128xi32, #tpu.memory_space<hbm>>
      %dma_wait3A_80 = arith.constant 0 : i32
      %dma_wait3A_81 = tpu.memref_slice %arg4[%add3A_39, %dma_wait3A_80] : memref<2560x128xi32, #tpu.memory_space<hbm>> -> memref<40x128xi32, #tpu.memory_space<hbm>>
      tpu.wait_dma2 semaphore(%run_scoped3A : memref<!tpu.dma_semaphore, #tpu.memory_space<semaphore_mem>>) src(%dma_wait3A_81 : memref<40x128xi32, #tpu.memory_space<hbm>>) dst(%arg9 : memref<40x128xi32, #tpu.memory_space<vmem>>)
      tpu.yield
    }) : () -> ()
    %dma_start3A_40 = arith.constant 0 : i32
    %dma_start3A_41 = arith.constant 0 : i32
    %dma_start3A_42 = arith.constant 0 : i32
    %dma_start3A_43 = arith.constant 0 : i32
    %dma_start3A_44 = tpu.memref_slice %arg10[%dma_start3A_41, %dma_start3A_42, %dma_start3A_43] : memref<2x128x128xf32, #tpu.memory_space<vmem>> -> memref<1x128x128xf32, #tpu.memory_space<vmem>>
    %dma_start3A_45 = tpu.memref_squeeze %dma_start3A_44 : memref<1x128x128xf32, #tpu.memory_space<vmem>> -> memref<128x128xf32, #tpu.memory_space<vmem>>
    %dma_start3A_46 = arith.constant 0 : i32
    %dma_start3A_47 = tpu.memref_slice %arg8[%dma_start3A_40, %dma_start3A_46] : memref<40x128xi32, #tpu.memory_space<vmem>> -> memref<1x128xi32, #tpu.memory_space<vmem>>
    %dma_start3A_48 = tpu.memref_squeeze %dma_start3A_47 : memref<1x128xi32, #tpu.memory_space<vmem>> -> memref<128xi32, #tpu.memory_space<vmem>>
    %dma_start3A_49 = arith.constant 0 : i32
    %dma_start3A_50 = arith.constant 0 : i32
    %dma_start3A_51 = tpu.memref_slice %arg2[%dma_start3A_49, %dma_start3A_50] : memref<10128x128xf32, #tpu.memory_space<hbm>> -> memref<10128x128xf32, #tpu.memory_space<hbm>>
    tpu.enqueue_indirect_dma source(%dma_start3A_51 : memref<10128x128xf32, #tpu.memory_space<hbm>>) target(%dma_start3A_45 : memref<128x128xf32, #tpu.memory_space<vmem>>) offsets(%dma_start3A_48 : memref<128xi32, #tpu.memory_space<vmem>>) semaphore(%arg11 : memref<!tpu.dma_semaphore, #tpu.memory_space<semaphore_mem>>)
    %dma_start3A_52 = arith.constant 1 : i32
    %dma_start3A_53 = arith.constant 1 : i32
    %dma_start3A_54 = arith.constant 0 : i32
    %dma_start3A_55 = arith.constant 0 : i32
    %dma_start3A_56 = tpu.memref_slice %arg10[%dma_start3A_53, %dma_start3A_54, %dma_start3A_55] : memref<2x128x128xf32, #tpu.memory_space<vmem>> -> memref<1x128x128xf32, #tpu.memory_space<vmem>>
    %dma_start3A_57 = tpu.memref_squeeze %dma_start3A_56 : memref<1x128x128xf32, #tpu.memory_space<vmem>> -> memref<128x128xf32, #tpu.memory_space<vmem>>
    %dma_start3A_58 = arith.constant 0 : i32
    %dma_start3A_59 = tpu.memref_slice %arg8[%dma_start3A_52, %dma_start3A_58] : memref<40x128xi32, #tpu.memory_space<vmem>> -> memref<1x128xi32, #tpu.memory_space<vmem>>
    %dma_start3A_60 = tpu.memref_squeeze %dma_start3A_59 : memref<1x128xi32, #tpu.memory_space<vmem>> -> memref<128xi32, #tpu.memory_space<vmem>>
    %dma_start3A_61 = arith.constant 0 : i32
    %dma_start3A_62 = arith.constant 0 : i32
    %dma_start3A_63 = tpu.memref_slice %arg2[%dma_start3A_61, %dma_start3A_62] : memref<10128x128xf32, #tpu.memory_space<hbm>> -> memref<10128x128xf32, #tpu.memory_space<hbm>>
    tpu.enqueue_indirect_dma source(%dma_start3A_63 : memref<10128x128xf32, #tpu.memory_space<hbm>>) target(%dma_start3A_57 : memref<128x128xf32, #tpu.memory_space<vmem>>) offsets(%dma_start3A_60 : memref<128xi32, #tpu.memory_space<vmem>>) semaphore(%arg12 : memref<!tpu.dma_semaphore, #tpu.memory_space<semaphore_mem>>)
    %scan3A_64 = arith.constant 0 : i32
    %scan3A_65 = arith.constant 0 : i32
    %scan3A_66 = arith.constant 20 : i32
    %scan3A_67 = arith.addi %scan3A_65, %scan3A_66 : i32
    %scan3A_68 = arith.constant 1 : i32
    scf.for %scan3A_75 = %scan3A_65 to %scan3A_67 step %scan3A_68  : i32 {
      %mul3A_76 = arith.constant 2 : i32
      %mul3A_77 = arith.muli %scan3A_75, %mul3A_76 : i32
      %add3A_78 = arith.constant 0 : i32
      %add3A_79 = arith.addi %mul3A_77, %add3A_78 : i32
      %dma_wait3A = arith.constant 0 : i32
      %dma_wait3A_80 = arith.constant 0 : i32
      %dma_wait3A_81 = arith.constant 0 : i32
      %dma_wait3A_82 = tpu.memref_slice %arg10[%dma_wait3A, %dma_wait3A_80, %dma_wait3A_81] : memref<2x128x128xf32, #tpu.memory_space<vmem>> -> memref<1x128x128xf32, #tpu.memory_space<vmem>>
      %dma_wait3A_83 = tpu.memref_squeeze %dma_wait3A_82 : memref<1x128x128xf32, #tpu.memory_space<vmem>> -> memref<128x128xf32, #tpu.memory_space<vmem>>
      %dma_wait3A_84 = arith.constant 0 : i32
      %dma_wait3A_85 = tpu.memref_slice %arg8[%add3A_79, %dma_wait3A_84] : memref<40x128xi32, #tpu.memory_space<vmem>> -> memref<1x128xi32, #tpu.memory_space<vmem>>
      %dma_wait3A_86 = tpu.memref_squeeze %dma_wait3A_85 : memref<1x128xi32, #tpu.memory_space<vmem>> -> memref<128xi32, #tpu.memory_space<vmem>>
      %dma_wait3A_87 = arith.constant 0 : i32
      %dma_wait3A_88 = arith.constant 0 : i32
      %dma_wait3A_89 = tpu.memref_slice %arg2[%dma_wait3A_87, %dma_wait3A_88] : memref<10128x128xf32, #tpu.memory_space<hbm>> -> memref<10128x128xf32, #tpu.memory_space<hbm>>
      tpu.wait_indirect_dma semaphore(%arg11 : memref<!tpu.dma_semaphore, #tpu.memory_space<semaphore_mem>>) src(%dma_wait3A_89 : memref<10128x128xf32, #tpu.memory_space<hbm>>) dst(%dma_wait3A_83 : memref<128x128xf32, #tpu.memory_space<vmem>>)
      %run_scoped3A = arith.constant 0 : i32
      "tpu.region"() ({
        %run_scoped3A_117 = tpu.sem_alloc : memref<!tpu.dma_semaphore, #tpu.memory_space<semaphore_mem>>
        %dma_start3A_118 = arith.constant 0 : i32
        %dma_start3A_119 = arith.constant 0 : i32
        %dma_start3A_120 = tpu.memref_slice %arg10[%run_scoped3A, %dma_start3A_118, %dma_start3A_119] : memref<2x128x128xf32, #tpu.memory_space<vmem>> -> memref<1x128x128xf32, #tpu.memory_space<vmem>>
        %dma_start3A_121 = tpu.memref_squeeze %dma_start3A_120 : memref<1x128x128xf32, #tpu.memory_space<vmem>> -> memref<128x128xf32, #tpu.memory_space<vmem>>
        %dma_start3A_122 = arith.constant 0 : i32
        %dma_start3A_123 = tpu.memref_slice %arg9[%add3A_79, %dma_start3A_122] : memref<40x128xi32, #tpu.memory_space<vmem>> -> memref<1x128xi32, #tpu.memory_space<vmem>>
        %dma_start3A_124 = tpu.memref_squeeze %dma_start3A_123 : memref<1x128xi32, #tpu.memory_space<vmem>> -> memref<128xi32, #tpu.memory_space<vmem>>
        %dma_start3A_125 = arith.constant 0 : i32
        %dma_start3A_126 = arith.constant 0 : i32
        %dma_start3A_127 = tpu.memref_slice %arg7[%dma_start3A_125, %dma_start3A_126] : memref<10112x128xf32, #tpu.memory_space<vmem_shared>> -> memref<10112x128xf32, #tpu.memory_space<vmem_shared>>
        tpu.enqueue_indirect_dma source(%dma_start3A_121 : memref<128x128xf32, #tpu.memory_space<vmem>>) target(%dma_start3A_127 : memref<10112x128xf32, #tpu.memory_space<vmem_shared>>) offsets(%dma_start3A_124 : memref<128xi32, #tpu.memory_space<vmem>>) semaphore(%run_scoped3A_117 : memref<!tpu.dma_semaphore, #tpu.memory_space<semaphore_mem>>) {add = true}
        %dma_wait3A_128 = arith.constant 0 : i32
        %dma_wait3A_129 = arith.constant 0 : i32
        %dma_wait3A_130 = tpu.memref_slice %arg10[%run_scoped3A, %dma_wait3A_128, %dma_wait3A_129] : memref<2x128x128xf32, #tpu.memory_space<vmem>> -> memref<1x128x128xf32, #tpu.memory_space<vmem>>
        %dma_wait3A_131 = tpu.memref_squeeze %dma_wait3A_130 : memref<1x128x128xf32, #tpu.memory_space<vmem>> -> memref<128x128xf32, #tpu.memory_space<vmem>>
        %dma_wait3A_132 = arith.constant 0 : i32
        %dma_wait3A_133 = tpu.memref_slice %arg9[%add3A_79, %dma_wait3A_132] : memref<40x128xi32, #tpu.memory_space<vmem>> -> memref<1x128xi32, #tpu.memory_space<vmem>>
        %dma_wait3A_134 = tpu.memref_squeeze %dma_wait3A_133 : memref<1x128xi32, #tpu.memory_space<vmem>> -> memref<128xi32, #tpu.memory_space<vmem>>
        %dma_wait3A_135 = arith.constant 0 : i32
        %dma_wait3A_136 = arith.constant 0 : i32
        %dma_wait3A_137 = tpu.memref_slice %arg7[%dma_wait3A_135, %dma_wait3A_136] : memref<10112x128xf32, #tpu.memory_space<vmem_shared>> -> memref<10112x128xf32, #tpu.memory_space<vmem_shared>>
        tpu.wait_indirect_dma semaphore(%run_scoped3A_117 : memref<!tpu.dma_semaphore, #tpu.memory_space<semaphore_mem>>) src(%dma_wait3A_131 : memref<128x128xf32, #tpu.memory_space<vmem>>) dst(%dma_wait3A_137 : memref<10112x128xf32, #tpu.memory_space<vmem_shared>>)
        tpu.yield
      }) : () -> ()
      %add3A_90 = arith.constant 2 : i32
      %add3A_91 = arith.addi %add3A_79, %add3A_90 : i32
      %lt3A = arith.constant 40 : i32
      %lt3A_92 = arith.cmpi slt, %add3A_91, %lt3A : i32
      %convert_element_type3A = arith.extui %lt3A_92 : i1 to i32
      %cond3A = arith.constant 0 : i32
      %cond3A_93 = arith.cmpi ne, %convert_element_type3A, %cond3A : i32
      scf.if %cond3A_93 {
        %dma_start3A_117 = arith.constant 0 : i32
        %dma_start3A_118 = arith.constant 0 : i32
        %dma_start3A_119 = arith.constant 0 : i32
        %dma_start3A_120 = tpu.memref_slice %arg10[%dma_start3A_117, %dma_start3A_118, %dma_start3A_119] : memref<2x128x128xf32, #tpu.memory_space<vmem>> -> memref<1x128x128xf32, #tpu.memory_space<vmem>>
        %dma_start3A_121 = tpu.memref_squeeze %dma_start3A_120 : memref<1x128x128xf32, #tpu.memory_space<vmem>> -> memref<128x128xf32, #tpu.memory_space<vmem>>
        %dma_start3A_122 = arith.constant 0 : i32
        %dma_start3A_123 = tpu.memref_slice %arg8[%add3A_91, %dma_start3A_122] : memref<40x128xi32, #tpu.memory_space<vmem>> -> memref<1x128xi32, #tpu.memory_space<vmem>>
        %dma_start3A_124 = tpu.memref_squeeze %dma_start3A_123 : memref<1x128xi32, #tpu.memory_space<vmem>> -> memref<128xi32, #tpu.memory_space<vmem>>
        %dma_start3A_125 = arith.constant 0 : i32
        %dma_start3A_126 = arith.constant 0 : i32
        %dma_start3A_127 = tpu.memref_slice %arg2[%dma_start3A_125, %dma_start3A_126] : memref<10128x128xf32, #tpu.memory_space<hbm>> -> memref<10128x128xf32, #tpu.memory_space<hbm>>
        tpu.enqueue_indirect_dma source(%dma_start3A_127 : memref<10128x128xf32, #tpu.memory_space<hbm>>) target(%dma_start3A_121 : memref<128x128xf32, #tpu.memory_space<vmem>>) offsets(%dma_start3A_124 : memref<128xi32, #tpu.memory_space<vmem>>) semaphore(%arg11 : memref<!tpu.dma_semaphore, #tpu.memory_space<semaphore_mem>>)
      } else {
      }
      %mul3A_94 = arith.constant 2 : i32
      %mul3A_95 = arith.muli %scan3A_75, %mul3A_94 : i32
      %add3A_96 = arith.constant 1 : i32
      %add3A_97 = arith.addi %mul3A_95, %add3A_96 : i32
      %dma_wait3A_98 = arith.constant 1 : i32
      %dma_wait3A_99 = arith.constant 0 : i32
      %dma_wait3A_100 = arith.constant 0 : i32
      %dma_wait3A_101 = tpu.memref_slice %arg10[%dma_wait3A_98, %dma_wait3A_99, %dma_wait3A_100] : memref<2x128x128xf32, #tpu.memory_space<vmem>> -> memref<1x128x128xf32, #tpu.memory_space<vmem>>
      %dma_wait3A_102 = tpu.memref_squeeze %dma_wait3A_101 : memref<1x128x128xf32, #tpu.memory_space<vmem>> -> memref<128x128xf32, #tpu.memory_space<vmem>>
      %dma_wait3A_103 = arith.constant 0 : i32
      %dma_wait3A_104 = tpu.memref_slice %arg8[%add3A_97, %dma_wait3A_103] : memref<40x128xi32, #tpu.memory_space<vmem>> -> memref<1x128xi32, #tpu.memory_space<vmem>>
      %dma_wait3A_105 = tpu.memref_squeeze %dma_wait3A_104 : memref<1x128xi32, #tpu.memory_space<vmem>> -> memref<128xi32, #tpu.memory_space<vmem>>
      %dma_wait3A_106 = arith.constant 0 : i32
      %dma_wait3A_107 = arith.constant 0 : i32
      %dma_wait3A_108 = tpu.memref_slice %arg2[%dma_wait3A_106, %dma_wait3A_107] : memref<10128x128xf32, #tpu.memory_space<hbm>> -> memref<10128x128xf32, #tpu.memory_space<hbm>>
      tpu.wait_indirect_dma semaphore(%arg12 : memref<!tpu.dma_semaphore, #tpu.memory_space<semaphore_mem>>) src(%dma_wait3A_108 : memref<10128x128xf32, #tpu.memory_space<hbm>>) dst(%dma_wait3A_102 : memref<128x128xf32, #tpu.memory_space<vmem>>)
      %run_scoped3A_109 = arith.constant 1 : i32
      "tpu.region"() ({
        %run_scoped3A_117 = tpu.sem_alloc : memref<!tpu.dma_semaphore, #tpu.memory_space<semaphore_mem>>
        %dma_start3A_118 = arith.constant 0 : i32
        %dma_start3A_119 = arith.constant 0 : i32
        %dma_start3A_120 = tpu.memref_slice %arg10[%run_scoped3A_109, %dma_start3A_118, %dma_start3A_119] : memref<2x128x128xf32, #tpu.memory_space<vmem>> -> memref<1x128x128xf32, #tpu.memory_space<vmem>>
        %dma_start3A_121 = tpu.memref_squeeze %dma_start3A_120 : memref<1x128x128xf32, #tpu.memory_space<vmem>> -> memref<128x128xf32, #tpu.memory_space<vmem>>
        %dma_start3A_122 = arith.constant 0 : i32
        %dma_start3A_123 = tpu.memref_slice %arg9[%add3A_97, %dma_start3A_122] : memref<40x128xi32, #tpu.memory_space<vmem>> -> memref<1x128xi32, #tpu.memory_space<vmem>>
        %dma_start3A_124 = tpu.memref_squeeze %dma_start3A_123 : memref<1x128xi32, #tpu.memory_space<vmem>> -> memref<128xi32, #tpu.memory_space<vmem>>
        %dma_start3A_125 = arith.constant 0 : i32
        %dma_start3A_126 = arith.constant 0 : i32
        %dma_start3A_127 = tpu.memref_slice %arg7[%dma_start3A_125, %dma_start3A_126] : memref<10112x128xf32, #tpu.memory_space<vmem_shared>> -> memref<10112x128xf32, #tpu.memory_space<vmem_shared>>
        tpu.enqueue_indirect_dma source(%dma_start3A_121 : memref<128x128xf32, #tpu.memory_space<vmem>>) target(%dma_start3A_127 : memref<10112x128xf32, #tpu.memory_space<vmem_shared>>) offsets(%dma_start3A_124 : memref<128xi32, #tpu.memory_space<vmem>>) semaphore(%run_scoped3A_117 : memref<!tpu.dma_semaphore, #tpu.memory_space<semaphore_mem>>) {add = true}
        %dma_wait3A_128 = arith.constant 0 : i32
        %dma_wait3A_129 = arith.constant 0 : i32
        %dma_wait3A_130 = tpu.memref_slice %arg10[%run_scoped3A_109, %dma_wait3A_128, %dma_wait3A_129] : memref<2x128x128xf32, #tpu.memory_space<vmem>> -> memref<1x128x128xf32, #tpu.memory_space<vmem>>
        %dma_wait3A_131 = tpu.memref_squeeze %dma_wait3A_130 : memref<1x128x128xf32, #tpu.memory_space<vmem>> -> memref<128x128xf32, #tpu.memory_space<vmem>>
        %dma_wait3A_132 = arith.constant 0 : i32
        %dma_wait3A_133 = tpu.memref_slice %arg9[%add3A_97, %dma_wait3A_132] : memref<40x128xi32, #tpu.memory_space<vmem>> -> memref<1x128xi32, #tpu.memory_space<vmem>>
        %dma_wait3A_134 = tpu.memref_squeeze %dma_wait3A_133 : memref<1x128xi32, #tpu.memory_space<vmem>> -> memref<128xi32, #tpu.memory_space<vmem>>
        %dma_wait3A_135 = arith.constant 0 : i32
        %dma_wait3A_136 = arith.constant 0 : i32
        %dma_wait3A_137 = tpu.memref_slice %arg7[%dma_wait3A_135, %dma_wait3A_136] : memref<10112x128xf32, #tpu.memory_space<vmem_shared>> -> memref<10112x128xf32, #tpu.memory_space<vmem_shared>>
        tpu.wait_indirect_dma semaphore(%run_scoped3A_117 : memref<!tpu.dma_semaphore, #tpu.memory_space<semaphore_mem>>) src(%dma_wait3A_131 : memref<128x128xf32, #tpu.memory_space<vmem>>) dst(%dma_wait3A_137 : memref<10112x128xf32, #tpu.memory_space<vmem_shared>>)
        tpu.yield
      }) : () -> ()
      %add3A_110 = arith.constant 2 : i32
      %add3A_111 = arith.addi %add3A_97, %add3A_110 : i32
      %lt3A_112 = arith.constant 40 : i32
      %lt3A_113 = arith.cmpi slt, %add3A_111, %lt3A_112 : i32
      %convert_element_type3A_114 = arith.extui %lt3A_113 : i1 to i32
      %cond3A_115 = arith.constant 0 : i32
      %cond3A_116 = arith.cmpi ne, %convert_element_type3A_114, %cond3A_115 : i32
      scf.if %cond3A_116 {
        %dma_start3A_117 = arith.constant 1 : i32
        %dma_start3A_118 = arith.constant 0 : i32
        %dma_start3A_119 = arith.constant 0 : i32
        %dma_start3A_120 = tpu.memref_slice %arg10[%dma_start3A_117, %dma_start3A_118, %dma_start3A_119] : memref<2x128x128xf32, #tpu.memory_space<vmem>> -> memref<1x128x128xf32, #tpu.memory_space<vmem>>
        %dma_start3A_121 = tpu.memref_squeeze %dma_start3A_120 : memref<1x128x128xf32, #tpu.memory_space<vmem>> -> memref<128x128xf32, #tpu.memory_space<vmem>>
        %dma_start3A_122 = arith.constant 0 : i32
        %dma_start3A_123 = tpu.memref_slice %arg8[%add3A_111, %dma_start3A_122] : memref<40x128xi32, #tpu.memory_space<vmem>> -> memref<1x128xi32, #tpu.memory_space<vmem>>
        %dma_start3A_124 = tpu.memref_squeeze %dma_start3A_123 : memref<1x128xi32, #tpu.memory_space<vmem>> -> memref<128xi32, #tpu.memory_space<vmem>>
        %dma_start3A_125 = arith.constant 0 : i32
        %dma_start3A_126 = arith.constant 0 : i32
        %dma_start3A_127 = tpu.memref_slice %arg2[%dma_start3A_125, %dma_start3A_126] : memref<10128x128xf32, #tpu.memory_space<hbm>> -> memref<10128x128xf32, #tpu.memory_space<hbm>>
        tpu.enqueue_indirect_dma source(%dma_start3A_127 : memref<10128x128xf32, #tpu.memory_space<hbm>>) target(%dma_start3A_121 : memref<128x128xf32, #tpu.memory_space<vmem>>) offsets(%dma_start3A_124 : memref<128xi32, #tpu.memory_space<vmem>>) semaphore(%arg12 : memref<!tpu.dma_semaphore, #tpu.memory_space<semaphore_mem>>)
      } else {
      }
    }
    %scan3A_69 = arith.constant 20 : i32
    %barrier3A_70 = arith.constant 0 : index
    tpu.barrier barrier_id(%barrier3A_70)
    %mul3A_71 = arith.constant 632 : i32
    %mul3A_72 = arith.muli %arg1, %mul3A_71 : i32
    %mul3A_73 = arith.constant 632 : i32
    %mul3A_74 = arith.muli %arg1, %mul3A_73 : i32
    "tpu.region"() ({
      %run_scoped3A = tpu.sem_alloc : memref<!tpu.dma_semaphore, #tpu.memory_space<semaphore_mem>>
      %dma_start3A_75 = arith.constant 0 : i32
      %dma_start3A_76 = arith.constant 0 : i32
      %dma_start3A_77 = tpu.memref_slice %arg6[%arg0, %dma_start3A_75, %dma_start3A_76] : memref<2x10112x128xf32, #tpu.memory_space<hbm>> -> memref<1x10112x128xf32, #tpu.memory_space<hbm>>
      %dma_start3A_78 = tpu.memref_squeeze %dma_start3A_77 : memref<1x10112x128xf32, #tpu.memory_space<hbm>> -> memref<10112x128xf32, #tpu.memory_space<hbm>>
      %dma_start3A_79 = arith.constant 0 : i32
      %dma_start3A_80 = tpu.memref_slice %dma_start3A_78[%mul3A_74, %dma_start3A_79] : memref<10112x128xf32, #tpu.memory_space<hbm>> -> memref<632x128xf32, #tpu.memory_space<hbm>>
      %dma_start3A_81 = arith.constant 0 : i32
      %dma_start3A_82 = tpu.memref_slice %arg7[%mul3A_72, %dma_start3A_81] : memref<10112x128xf32, #tpu.memory_space<vmem_shared>> -> memref<632x128xf32, #tpu.memory_space<vmem_shared>>
      tpu.enqueue_dma source(%dma_start3A_82 : memref<632x128xf32, #tpu.memory_space<vmem_shared>>) target(%dma_start3A_80 : memref<632x128xf32, #tpu.memory_space<hbm>>) target_semaphore(%run_scoped3A : memref<!tpu.dma_semaphore, #tpu.memory_space<semaphore_mem>>)
      %dma_wait3A = arith.constant 0 : i32
      %dma_wait3A_83 = arith.constant 0 : i32
      %dma_wait3A_84 = tpu.memref_slice %arg6[%arg0, %dma_wait3A, %dma_wait3A_83] : memref<2x10112x128xf32, #tpu.memory_space<hbm>> -> memref<1x10112x128xf32, #tpu.memory_space<hbm>>
      %dma_wait3A_85 = tpu.memref_squeeze %dma_wait3A_84 : memref<1x10112x128xf32, #tpu.memory_space<hbm>> -> memref<10112x128xf32, #tpu.memory_space<hbm>>
      %dma_wait3A_86 = arith.constant 0 : i32
      %dma_wait3A_87 = tpu.memref_slice %dma_wait3A_85[%mul3A_74, %dma_wait3A_86] : memref<10112x128xf32, #tpu.memory_space<hbm>> -> memref<632x128xf32, #tpu.memory_space<hbm>>
      %dma_wait3A_88 = arith.constant 0 : i32
      %dma_wait3A_89 = tpu.memref_slice %arg7[%mul3A_72, %dma_wait3A_88] : memref<10112x128xf32, #tpu.memory_space<vmem_shared>> -> memref<632x128xf32, #tpu.memory_space<vmem_shared>>
      tpu.wait_dma2 semaphore(%run_scoped3A : memref<!tpu.dma_semaphore, #tpu.memory_space<semaphore_mem>>) src(%dma_wait3A_89 : memref<632x128xf32, #tpu.memory_space<vmem_shared>>) dst(%dma_wait3A_87 : memref<632x128xf32, #tpu.memory_space<hbm>>)
      tpu.yield
    }) : () -> ()
    return
  }
}

#map = affine_map<(d0, d1) -> (0, 0)>
#map1 = affine_map<(d0, d1) -> (0, 0, 0)>
module attributes {stable_mosaic.version = 14 : i64} {
  func.func @sc_agg(%arg0: i32, %arg1: i32, %arg2: memref<10128x128xf32, #tpu.memory_space<hbm>>, %arg3: memref<2560x128xi32, #tpu.memory_space<hbm>>, %arg4: memref<2560x128xi32, #tpu.memory_space<hbm>>, %arg5: memref<632x128xf32, #tpu.memory_space<hbm>>, %arg6: memref<2x10112x128xf32, #tpu.memory_space<hbm>>, %arg7: memref<10112x128xf32, #tpu.memory_space<vmem_shared>>, %arg8: memref<40x128xi32, #tpu.memory_space<vmem>>, %arg9: memref<40x128xi32, #tpu.memory_space<vmem>>, %arg10: memref<2x128x128xf32, #tpu.memory_space<vmem>>, %arg11: memref<!tpu.dma_semaphore, #tpu.memory_space<semaphore_mem>>, %arg12: memref<!tpu.dma_semaphore, #tpu.memory_space<semaphore_mem>>) attributes {dimension_semantics = [#tpu.dimension_semantics<core_parallel>, #tpu.dimension_semantics<subcore_parallel>], iteration_bounds = array<i64: 2, 16>, scalar_prefetch = 0 : i64, scratch_operands = 6 : i64, tpu.core_type = #tpu.core_type<sc_vector_subcore>, window_params = [{transform_indices = #map}, {transform_indices = #map}, {transform_indices = #map}, {transform_indices = #map}, {transform_indices = #map1}]} {
    %sub3A = arith.constant 1 : i32
    %sub3A_0 = arith.subi %sub3A, %arg0 : i32
    %mul3A = arith.constant 16 : i32
    %mul3A_1 = arith.muli %sub3A_0, %mul3A : i32
    %add3A = arith.addi %mul3A_1, %arg1 : i32
    %mul3A_2 = arith.constant 632 : i32
    %mul3A_3 = arith.muli %arg1, %mul3A_2 : i32
    "tpu.region"() ({
      %run_scoped3A = tpu.sem_alloc : memref<!tpu.dma_semaphore, #tpu.memory_space<semaphore_mem>>
      %dma_start3A_75 = arith.constant 0 : i32
      %dma_start3A_76 = tpu.memref_slice %arg7[%mul3A_3, %dma_start3A_75] : memref<10112x128xf32, #tpu.memory_space<vmem_shared>> -> memref<632x128xf32, #tpu.memory_space<vmem_shared>>
      tpu.enqueue_dma source(%arg5 : memref<632x128xf32, #tpu.memory_space<hbm>>) target(%dma_start3A_76 : memref<632x128xf32, #tpu.memory_space<vmem_shared>>) target_semaphore(%run_scoped3A : memref<!tpu.dma_semaphore, #tpu.memory_space<semaphore_mem>>)
      %dma_wait3A = arith.constant 0 : i32
      %dma_wait3A_77 = tpu.memref_slice %arg7[%mul3A_3, %dma_wait3A] : memref<10112x128xf32, #tpu.memory_space<vmem_shared>> -> memref<632x128xf32, #tpu.memory_space<vmem_shared>>
      tpu.wait_dma2 semaphore(%run_scoped3A : memref<!tpu.dma_semaphore, #tpu.memory_space<semaphore_mem>>) src(%arg5 : memref<632x128xf32, #tpu.memory_space<hbm>>) dst(%dma_wait3A_77 : memref<632x128xf32, #tpu.memory_space<vmem_shared>>)
      tpu.yield
    }) : () -> ()
    %barrier3A = arith.constant 0 : index
    tpu.barrier barrier_id(%barrier3A)
    %mul3A_4 = arith.constant 80 : i32
    %mul3A_5 = arith.muli %add3A, %mul3A_4 : i32
    %add3A_6 = arith.constant 0 : i32
    %add3A_7 = arith.addi %mul3A_5, %add3A_6 : i32
    "tpu.region"() ({
      %run_scoped3A = tpu.sem_alloc : memref<!tpu.dma_semaphore, #tpu.memory_space<semaphore_mem>>
      %dma_start3A_75 = arith.constant 0 : i32
      %dma_start3A_76 = tpu.memref_slice %arg3[%add3A_7, %dma_start3A_75] : memref<2560x128xi32, #tpu.memory_space<hbm>> -> memref<40x128xi32, #tpu.memory_space<hbm>>
      %dma_start3A_77 = arith.constant 0 : i32
      %dma_start3A_78 = tpu.memref_slice %arg3[%add3A_7, %dma_start3A_77] : memref<2560x128xi32, #tpu.memory_space<hbm>> -> memref<40x128xi32, #tpu.memory_space<hbm>>
      tpu.enqueue_dma source(%dma_start3A_78 : memref<40x128xi32, #tpu.memory_space<hbm>>) target(%arg8 : memref<40x128xi32, #tpu.memory_space<vmem>>) target_semaphore(%run_scoped3A : memref<!tpu.dma_semaphore, #tpu.memory_space<semaphore_mem>>)
      %dma_wait3A = arith.constant 0 : i32
      %dma_wait3A_79 = tpu.memref_slice %arg3[%add3A_7, %dma_wait3A] : memref<2560x128xi32, #tpu.memory_space<hbm>> -> memref<40x128xi32, #tpu.memory_space<hbm>>
      %dma_wait3A_80 = arith.constant 0 : i32
      %dma_wait3A_81 = tpu.memref_slice %arg3[%add3A_7, %dma_wait3A_80] : memref<2560x128xi32, #tpu.memory_space<hbm>> -> memref<40x128xi32, #tpu.memory_space<hbm>>
      tpu.wait_dma2 semaphore(%run_scoped3A : memref<!tpu.dma_semaphore, #tpu.memory_space<semaphore_mem>>) src(%dma_wait3A_81 : memref<40x128xi32, #tpu.memory_space<hbm>>) dst(%arg8 : memref<40x128xi32, #tpu.memory_space<vmem>>)
      tpu.yield
    }) : () -> ()
    "tpu.region"() ({
      %run_scoped3A = tpu.sem_alloc : memref<!tpu.dma_semaphore, #tpu.memory_space<semaphore_mem>>
      %dma_start3A_75 = arith.constant 0 : i32
      %dma_start3A_76 = tpu.memref_slice %arg4[%add3A_7, %dma_start3A_75] : memref<2560x128xi32, #tpu.memory_space<hbm>> -> memref<40x128xi32, #tpu.memory_space<hbm>>
      %dma_start3A_77 = arith.constant 0 : i32
      %dma_start3A_78 = tpu.memref_slice %arg4[%add3A_7, %dma_start3A_77] : memref<2560x128xi32, #tpu.memory_space<hbm>> -> memref<40x128xi32, #tpu.memory_space<hbm>>
      tpu.enqueue_dma source(%dma_start3A_78 : memref<40x128xi32, #tpu.memory_space<hbm>>) target(%arg9 : memref<40x128xi32, #tpu.memory_space<vmem>>) target_semaphore(%run_scoped3A : memref<!tpu.dma_semaphore, #tpu.memory_space<semaphore_mem>>)
      %dma_wait3A = arith.constant 0 : i32
      %dma_wait3A_79 = tpu.memref_slice %arg4[%add3A_7, %dma_wait3A] : memref<2560x128xi32, #tpu.memory_space<hbm>> -> memref<40x128xi32, #tpu.memory_space<hbm>>
      %dma_wait3A_80 = arith.constant 0 : i32
      %dma_wait3A_81 = tpu.memref_slice %arg4[%add3A_7, %dma_wait3A_80] : memref<2560x128xi32, #tpu.memory_space<hbm>> -> memref<40x128xi32, #tpu.memory_space<hbm>>
      tpu.wait_dma2 semaphore(%run_scoped3A : memref<!tpu.dma_semaphore, #tpu.memory_space<semaphore_mem>>) src(%dma_wait3A_81 : memref<40x128xi32, #tpu.memory_space<hbm>>) dst(%arg9 : memref<40x128xi32, #tpu.memory_space<vmem>>)
      tpu.yield
    }) : () -> ()
    %dma_start3A = arith.constant 0 : i32
    %dma_start3A_8 = arith.constant 0 : i32
    %dma_start3A_9 = arith.constant 0 : i32
    %dma_start3A_10 = arith.constant 0 : i32
    %dma_start3A_11 = tpu.memref_slice %arg10[%dma_start3A_8, %dma_start3A_9, %dma_start3A_10] : memref<2x128x128xf32, #tpu.memory_space<vmem>> -> memref<1x128x128xf32, #tpu.memory_space<vmem>>
    %dma_start3A_12 = tpu.memref_squeeze %dma_start3A_11 : memref<1x128x128xf32, #tpu.memory_space<vmem>> -> memref<128x128xf32, #tpu.memory_space<vmem>>
    %dma_start3A_13 = arith.constant 0 : i32
    %dma_start3A_14 = tpu.memref_slice %arg8[%dma_start3A, %dma_start3A_13] : memref<40x128xi32, #tpu.memory_space<vmem>> -> memref<1x128xi32, #tpu.memory_space<vmem>>
    %dma_start3A_15 = tpu.memref_squeeze %dma_start3A_14 : memref<1x128xi32, #tpu.memory_space<vmem>> -> memref<128xi32, #tpu.memory_space<vmem>>
    %dma_start3A_16 = arith.constant 0 : i32
    %dma_start3A_17 = arith.constant 0 : i32
    %dma_start3A_18 = tpu.memref_slice %arg2[%dma_start3A_16, %dma_start3A_17] : memref<10128x128xf32, #tpu.memory_space<hbm>> -> memref<10128x128xf32, #tpu.memory_space<hbm>>
    tpu.enqueue_indirect_dma source(%dma_start3A_18 : memref<10128x128xf32, #tpu.memory_space<hbm>>) target(%dma_start3A_12 : memref<128x128xf32, #tpu.memory_space<vmem>>) offsets(%dma_start3A_15 : memref<128xi32, #tpu.memory_space<vmem>>) semaphore(%arg11 : memref<!tpu.dma_semaphore, #tpu.memory_space<semaphore_mem>>)
    %dma_start3A_19 = arith.constant 1 : i32
    %dma_start3A_20 = arith.constant 1 : i32
    %dma_start3A_21 = arith.constant 0 : i32
    %dma_start3A_22 = arith.constant 0 : i32
    %dma_start3A_23 = tpu.memref_slice %arg10[%dma_start3A_20, %dma_start3A_21, %dma_start3A_22] : memref<2x128x128xf32, #tpu.memory_space<vmem>> -> memref<1x128x128xf32, #tpu.memory_space<vmem>>
    %dma_start3A_24 = tpu.memref_squeeze %dma_start3A_23 : memref<1x128x128xf32, #tpu.memory_space<vmem>> -> memref<128x128xf32, #tpu.memory_space<vmem>>
    %dma_start3A_25 = arith.constant 0 : i32
    %dma_start3A_26 = tpu.memref_slice %arg8[%dma_start3A_19, %dma_start3A_25] : memref<40x128xi32, #tpu.memory_space<vmem>> -> memref<1x128xi32, #tpu.memory_space<vmem>>
    %dma_start3A_27 = tpu.memref_squeeze %dma_start3A_26 : memref<1x128xi32, #tpu.memory_space<vmem>> -> memref<128xi32, #tpu.memory_space<vmem>>
    %dma_start3A_28 = arith.constant 0 : i32
    %dma_start3A_29 = arith.constant 0 : i32
    %dma_start3A_30 = tpu.memref_slice %arg2[%dma_start3A_28, %dma_start3A_29] : memref<10128x128xf32, #tpu.memory_space<hbm>> -> memref<10128x128xf32, #tpu.memory_space<hbm>>
    tpu.enqueue_indirect_dma source(%dma_start3A_30 : memref<10128x128xf32, #tpu.memory_space<hbm>>) target(%dma_start3A_24 : memref<128x128xf32, #tpu.memory_space<vmem>>) offsets(%dma_start3A_27 : memref<128xi32, #tpu.memory_space<vmem>>) semaphore(%arg12 : memref<!tpu.dma_semaphore, #tpu.memory_space<semaphore_mem>>)
    %scan3A = arith.constant 0 : i32
    %scan3A_31 = arith.constant 0 : i32
    %scan3A_32 = arith.constant 20 : i32
    %scan3A_33 = arith.addi %scan3A_31, %scan3A_32 : i32
    %scan3A_34 = arith.constant 1 : i32
    scf.for %scan3A_75 = %scan3A_31 to %scan3A_33 step %scan3A_34  : i32 {
      %mul3A_76 = arith.constant 2 : i32
      %mul3A_77 = arith.muli %scan3A_75, %mul3A_76 : i32
      %add3A_78 = arith.constant 0 : i32
      %add3A_79 = arith.addi %mul3A_77, %add3A_78 : i32
      %dma_wait3A = arith.constant 0 : i32
      %dma_wait3A_80 = arith.constant 0 : i32
      %dma_wait3A_81 = arith.constant 0 : i32
      %dma_wait3A_82 = tpu.memref_slice %arg10[%dma_wait3A, %dma_wait3A_80, %dma_wait3A_81] : memref<2x128x128xf32, #tpu.memory_space<vmem>> -> memref<1x128x128xf32, #tpu.memory_space<vmem>>
      %dma_wait3A_83 = tpu.memref_squeeze %dma_wait3A_82 : memref<1x128x128xf32, #tpu.memory_space<vmem>> -> memref<128x128xf32, #tpu.memory_space<vmem>>
      %dma_wait3A_84 = arith.constant 0 : i32
      %dma_wait3A_85 = tpu.memref_slice %arg8[%add3A_79, %dma_wait3A_84] : memref<40x128xi32, #tpu.memory_space<vmem>> -> memref<1x128xi32, #tpu.memory_space<vmem>>
      %dma_wait3A_86 = tpu.memref_squeeze %dma_wait3A_85 : memref<1x128xi32, #tpu.memory_space<vmem>> -> memref<128xi32, #tpu.memory_space<vmem>>
      %dma_wait3A_87 = arith.constant 0 : i32
      %dma_wait3A_88 = arith.constant 0 : i32
      %dma_wait3A_89 = tpu.memref_slice %arg2[%dma_wait3A_87, %dma_wait3A_88] : memref<10128x128xf32, #tpu.memory_space<hbm>> -> memref<10128x128xf32, #tpu.memory_space<hbm>>
      tpu.wait_indirect_dma semaphore(%arg11 : memref<!tpu.dma_semaphore, #tpu.memory_space<semaphore_mem>>) src(%dma_wait3A_89 : memref<10128x128xf32, #tpu.memory_space<hbm>>) dst(%dma_wait3A_83 : memref<128x128xf32, #tpu.memory_space<vmem>>)
      %run_scoped3A = arith.constant 0 : i32
      "tpu.region"() ({
        %run_scoped3A_117 = tpu.sem_alloc : memref<!tpu.dma_semaphore, #tpu.memory_space<semaphore_mem>>
        %dma_start3A_118 = arith.constant 0 : i32
        %dma_start3A_119 = arith.constant 0 : i32
        %dma_start3A_120 = tpu.memref_slice %arg10[%run_scoped3A, %dma_start3A_118, %dma_start3A_119] : memref<2x128x128xf32, #tpu.memory_space<vmem>> -> memref<1x128x128xf32, #tpu.memory_space<vmem>>
        %dma_start3A_121 = tpu.memref_squeeze %dma_start3A_120 : memref<1x128x128xf32, #tpu.memory_space<vmem>> -> memref<128x128xf32, #tpu.memory_space<vmem>>
        %dma_start3A_122 = arith.constant 0 : i32
        %dma_start3A_123 = tpu.memref_slice %arg9[%add3A_79, %dma_start3A_122] : memref<40x128xi32, #tpu.memory_space<vmem>> -> memref<1x128xi32, #tpu.memory_space<vmem>>
        %dma_start3A_124 = tpu.memref_squeeze %dma_start3A_123 : memref<1x128xi32, #tpu.memory_space<vmem>> -> memref<128xi32, #tpu.memory_space<vmem>>
        %dma_start3A_125 = arith.constant 0 : i32
        %dma_start3A_126 = arith.constant 0 : i32
        %dma_start3A_127 = tpu.memref_slice %arg7[%dma_start3A_125, %dma_start3A_126] : memref<10112x128xf32, #tpu.memory_space<vmem_shared>> -> memref<10112x128xf32, #tpu.memory_space<vmem_shared>>
        tpu.enqueue_indirect_dma source(%dma_start3A_121 : memref<128x128xf32, #tpu.memory_space<vmem>>) target(%dma_start3A_127 : memref<10112x128xf32, #tpu.memory_space<vmem_shared>>) offsets(%dma_start3A_124 : memref<128xi32, #tpu.memory_space<vmem>>) semaphore(%run_scoped3A_117 : memref<!tpu.dma_semaphore, #tpu.memory_space<semaphore_mem>>) {add = true}
        %dma_wait3A_128 = arith.constant 0 : i32
        %dma_wait3A_129 = arith.constant 0 : i32
        %dma_wait3A_130 = tpu.memref_slice %arg10[%run_scoped3A, %dma_wait3A_128, %dma_wait3A_129] : memref<2x128x128xf32, #tpu.memory_space<vmem>> -> memref<1x128x128xf32, #tpu.memory_space<vmem>>
        %dma_wait3A_131 = tpu.memref_squeeze %dma_wait3A_130 : memref<1x128x128xf32, #tpu.memory_space<vmem>> -> memref<128x128xf32, #tpu.memory_space<vmem>>
        %dma_wait3A_132 = arith.constant 0 : i32
        %dma_wait3A_133 = tpu.memref_slice %arg9[%add3A_79, %dma_wait3A_132] : memref<40x128xi32, #tpu.memory_space<vmem>> -> memref<1x128xi32, #tpu.memory_space<vmem>>
        %dma_wait3A_134 = tpu.memref_squeeze %dma_wait3A_133 : memref<1x128xi32, #tpu.memory_space<vmem>> -> memref<128xi32, #tpu.memory_space<vmem>>
        %dma_wait3A_135 = arith.constant 0 : i32
        %dma_wait3A_136 = arith.constant 0 : i32
        %dma_wait3A_137 = tpu.memref_slice %arg7[%dma_wait3A_135, %dma_wait3A_136] : memref<10112x128xf32, #tpu.memory_space<vmem_shared>> -> memref<10112x128xf32, #tpu.memory_space<vmem_shared>>
        tpu.wait_indirect_dma semaphore(%run_scoped3A_117 : memref<!tpu.dma_semaphore, #tpu.memory_space<semaphore_mem>>) src(%dma_wait3A_131 : memref<128x128xf32, #tpu.memory_space<vmem>>) dst(%dma_wait3A_137 : memref<10112x128xf32, #tpu.memory_space<vmem_shared>>)
        tpu.yield
      }) : () -> ()
      %add3A_90 = arith.constant 2 : i32
      %add3A_91 = arith.addi %add3A_79, %add3A_90 : i32
      %lt3A = arith.constant 40 : i32
      %lt3A_92 = arith.cmpi slt, %add3A_91, %lt3A : i32
      %convert_element_type3A = arith.extui %lt3A_92 : i1 to i32
      %cond3A = arith.constant 0 : i32
      %cond3A_93 = arith.cmpi ne, %convert_element_type3A, %cond3A : i32
      scf.if %cond3A_93 {
        %dma_start3A_117 = arith.constant 0 : i32
        %dma_start3A_118 = arith.constant 0 : i32
        %dma_start3A_119 = arith.constant 0 : i32
        %dma_start3A_120 = tpu.memref_slice %arg10[%dma_start3A_117, %dma_start3A_118, %dma_start3A_119] : memref<2x128x128xf32, #tpu.memory_space<vmem>> -> memref<1x128x128xf32, #tpu.memory_space<vmem>>
        %dma_start3A_121 = tpu.memref_squeeze %dma_start3A_120 : memref<1x128x128xf32, #tpu.memory_space<vmem>> -> memref<128x128xf32, #tpu.memory_space<vmem>>
        %dma_start3A_122 = arith.constant 0 : i32
        %dma_start3A_123 = tpu.memref_slice %arg8[%add3A_91, %dma_start3A_122] : memref<40x128xi32, #tpu.memory_space<vmem>> -> memref<1x128xi32, #tpu.memory_space<vmem>>
        %dma_start3A_124 = tpu.memref_squeeze %dma_start3A_123 : memref<1x128xi32, #tpu.memory_space<vmem>> -> memref<128xi32, #tpu.memory_space<vmem>>
        %dma_start3A_125 = arith.constant 0 : i32
        %dma_start3A_126 = arith.constant 0 : i32
        %dma_start3A_127 = tpu.memref_slice %arg2[%dma_start3A_125, %dma_start3A_126] : memref<10128x128xf32, #tpu.memory_space<hbm>> -> memref<10128x128xf32, #tpu.memory_space<hbm>>
        tpu.enqueue_indirect_dma source(%dma_start3A_127 : memref<10128x128xf32, #tpu.memory_space<hbm>>) target(%dma_start3A_121 : memref<128x128xf32, #tpu.memory_space<vmem>>) offsets(%dma_start3A_124 : memref<128xi32, #tpu.memory_space<vmem>>) semaphore(%arg11 : memref<!tpu.dma_semaphore, #tpu.memory_space<semaphore_mem>>)
      } else {
      }
      %mul3A_94 = arith.constant 2 : i32
      %mul3A_95 = arith.muli %scan3A_75, %mul3A_94 : i32
      %add3A_96 = arith.constant 1 : i32
      %add3A_97 = arith.addi %mul3A_95, %add3A_96 : i32
      %dma_wait3A_98 = arith.constant 1 : i32
      %dma_wait3A_99 = arith.constant 0 : i32
      %dma_wait3A_100 = arith.constant 0 : i32
      %dma_wait3A_101 = tpu.memref_slice %arg10[%dma_wait3A_98, %dma_wait3A_99, %dma_wait3A_100] : memref<2x128x128xf32, #tpu.memory_space<vmem>> -> memref<1x128x128xf32, #tpu.memory_space<vmem>>
      %dma_wait3A_102 = tpu.memref_squeeze %dma_wait3A_101 : memref<1x128x128xf32, #tpu.memory_space<vmem>> -> memref<128x128xf32, #tpu.memory_space<vmem>>
      %dma_wait3A_103 = arith.constant 0 : i32
      %dma_wait3A_104 = tpu.memref_slice %arg8[%add3A_97, %dma_wait3A_103] : memref<40x128xi32, #tpu.memory_space<vmem>> -> memref<1x128xi32, #tpu.memory_space<vmem>>
      %dma_wait3A_105 = tpu.memref_squeeze %dma_wait3A_104 : memref<1x128xi32, #tpu.memory_space<vmem>> -> memref<128xi32, #tpu.memory_space<vmem>>
      %dma_wait3A_106 = arith.constant 0 : i32
      %dma_wait3A_107 = arith.constant 0 : i32
      %dma_wait3A_108 = tpu.memref_slice %arg2[%dma_wait3A_106, %dma_wait3A_107] : memref<10128x128xf32, #tpu.memory_space<hbm>> -> memref<10128x128xf32, #tpu.memory_space<hbm>>
      tpu.wait_indirect_dma semaphore(%arg12 : memref<!tpu.dma_semaphore, #tpu.memory_space<semaphore_mem>>) src(%dma_wait3A_108 : memref<10128x128xf32, #tpu.memory_space<hbm>>) dst(%dma_wait3A_102 : memref<128x128xf32, #tpu.memory_space<vmem>>)
      %run_scoped3A_109 = arith.constant 1 : i32
      "tpu.region"() ({
        %run_scoped3A_117 = tpu.sem_alloc : memref<!tpu.dma_semaphore, #tpu.memory_space<semaphore_mem>>
        %dma_start3A_118 = arith.constant 0 : i32
        %dma_start3A_119 = arith.constant 0 : i32
        %dma_start3A_120 = tpu.memref_slice %arg10[%run_scoped3A_109, %dma_start3A_118, %dma_start3A_119] : memref<2x128x128xf32, #tpu.memory_space<vmem>> -> memref<1x128x128xf32, #tpu.memory_space<vmem>>
        %dma_start3A_121 = tpu.memref_squeeze %dma_start3A_120 : memref<1x128x128xf32, #tpu.memory_space<vmem>> -> memref<128x128xf32, #tpu.memory_space<vmem>>
        %dma_start3A_122 = arith.constant 0 : i32
        %dma_start3A_123 = tpu.memref_slice %arg9[%add3A_97, %dma_start3A_122] : memref<40x128xi32, #tpu.memory_space<vmem>> -> memref<1x128xi32, #tpu.memory_space<vmem>>
        %dma_start3A_124 = tpu.memref_squeeze %dma_start3A_123 : memref<1x128xi32, #tpu.memory_space<vmem>> -> memref<128xi32, #tpu.memory_space<vmem>>
        %dma_start3A_125 = arith.constant 0 : i32
        %dma_start3A_126 = arith.constant 0 : i32
        %dma_start3A_127 = tpu.memref_slice %arg7[%dma_start3A_125, %dma_start3A_126] : memref<10112x128xf32, #tpu.memory_space<vmem_shared>> -> memref<10112x128xf32, #tpu.memory_space<vmem_shared>>
        tpu.enqueue_indirect_dma source(%dma_start3A_121 : memref<128x128xf32, #tpu.memory_space<vmem>>) target(%dma_start3A_127 : memref<10112x128xf32, #tpu.memory_space<vmem_shared>>) offsets(%dma_start3A_124 : memref<128xi32, #tpu.memory_space<vmem>>) semaphore(%run_scoped3A_117 : memref<!tpu.dma_semaphore, #tpu.memory_space<semaphore_mem>>) {add = true}
        %dma_wait3A_128 = arith.constant 0 : i32
        %dma_wait3A_129 = arith.constant 0 : i32
        %dma_wait3A_130 = tpu.memref_slice %arg10[%run_scoped3A_109, %dma_wait3A_128, %dma_wait3A_129] : memref<2x128x128xf32, #tpu.memory_space<vmem>> -> memref<1x128x128xf32, #tpu.memory_space<vmem>>
        %dma_wait3A_131 = tpu.memref_squeeze %dma_wait3A_130 : memref<1x128x128xf32, #tpu.memory_space<vmem>> -> memref<128x128xf32, #tpu.memory_space<vmem>>
        %dma_wait3A_132 = arith.constant 0 : i32
        %dma_wait3A_133 = tpu.memref_slice %arg9[%add3A_97, %dma_wait3A_132] : memref<40x128xi32, #tpu.memory_space<vmem>> -> memref<1x128xi32, #tpu.memory_space<vmem>>
        %dma_wait3A_134 = tpu.memref_squeeze %dma_wait3A_133 : memref<1x128xi32, #tpu.memory_space<vmem>> -> memref<128xi32, #tpu.memory_space<vmem>>
        %dma_wait3A_135 = arith.constant 0 : i32
        %dma_wait3A_136 = arith.constant 0 : i32
        %dma_wait3A_137 = tpu.memref_slice %arg7[%dma_wait3A_135, %dma_wait3A_136] : memref<10112x128xf32, #tpu.memory_space<vmem_shared>> -> memref<10112x128xf32, #tpu.memory_space<vmem_shared>>
        tpu.wait_indirect_dma semaphore(%run_scoped3A_117 : memref<!tpu.dma_semaphore, #tpu.memory_space<semaphore_mem>>) src(%dma_wait3A_131 : memref<128x128xf32, #tpu.memory_space<vmem>>) dst(%dma_wait3A_137 : memref<10112x128xf32, #tpu.memory_space<vmem_shared>>)
        tpu.yield
      }) : () -> ()
      %add3A_110 = arith.constant 2 : i32
      %add3A_111 = arith.addi %add3A_97, %add3A_110 : i32
      %lt3A_112 = arith.constant 40 : i32
      %lt3A_113 = arith.cmpi slt, %add3A_111, %lt3A_112 : i32
      %convert_element_type3A_114 = arith.extui %lt3A_113 : i1 to i32
      %cond3A_115 = arith.constant 0 : i32
      %cond3A_116 = arith.cmpi ne, %convert_element_type3A_114, %cond3A_115 : i32
      scf.if %cond3A_116 {
        %dma_start3A_117 = arith.constant 1 : i32
        %dma_start3A_118 = arith.constant 0 : i32
        %dma_start3A_119 = arith.constant 0 : i32
        %dma_start3A_120 = tpu.memref_slice %arg10[%dma_start3A_117, %dma_start3A_118, %dma_start3A_119] : memref<2x128x128xf32, #tpu.memory_space<vmem>> -> memref<1x128x128xf32, #tpu.memory_space<vmem>>
        %dma_start3A_121 = tpu.memref_squeeze %dma_start3A_120 : memref<1x128x128xf32, #tpu.memory_space<vmem>> -> memref<128x128xf32, #tpu.memory_space<vmem>>
        %dma_start3A_122 = arith.constant 0 : i32
        %dma_start3A_123 = tpu.memref_slice %arg8[%add3A_111, %dma_start3A_122] : memref<40x128xi32, #tpu.memory_space<vmem>> -> memref<1x128xi32, #tpu.memory_space<vmem>>
        %dma_start3A_124 = tpu.memref_squeeze %dma_start3A_123 : memref<1x128xi32, #tpu.memory_space<vmem>> -> memref<128xi32, #tpu.memory_space<vmem>>
        %dma_start3A_125 = arith.constant 0 : i32
        %dma_start3A_126 = arith.constant 0 : i32
        %dma_start3A_127 = tpu.memref_slice %arg2[%dma_start3A_125, %dma_start3A_126] : memref<10128x128xf32, #tpu.memory_space<hbm>> -> memref<10128x128xf32, #tpu.memory_space<hbm>>
        tpu.enqueue_indirect_dma source(%dma_start3A_127 : memref<10128x128xf32, #tpu.memory_space<hbm>>) target(%dma_start3A_121 : memref<128x128xf32, #tpu.memory_space<vmem>>) offsets(%dma_start3A_124 : memref<128xi32, #tpu.memory_space<vmem>>) semaphore(%arg12 : memref<!tpu.dma_semaphore, #tpu.memory_space<semaphore_mem>>)
      } else {
      }
    }
    %scan3A_35 = arith.constant 20 : i32
    %mul3A_36 = arith.constant 80 : i32
    %mul3A_37 = arith.muli %add3A, %mul3A_36 : i32
    %add3A_38 = arith.constant 40 : i32
    %add3A_39 = arith.addi %mul3A_37, %add3A_38 : i32
    "tpu.region"() ({
      %run_scoped3A = tpu.sem_alloc : memref<!tpu.dma_semaphore, #tpu.memory_space<semaphore_mem>>
      %dma_start3A_75 = arith.constant 0 : i32
      %dma_start3A_76 = tpu.memref_slice %arg3[%add3A_39, %dma_start3A_75] : memref<2560x128xi32, #tpu.memory_space<hbm>> -> memref<40x128xi32, #tpu.memory_space<hbm>>
      %dma_start3A_77 = arith.constant 0 : i32
      %dma_start3A_78 = tpu.memref_slice %arg3[%add3A_39, %dma_start3A_77] : memref<2560x128xi32, #tpu.memory_space<hbm>> -> memref<40x128xi32, #tpu.memory_space<hbm>>
      tpu.enqueue_dma source(%dma_start3A_78 : memref<40x128xi32, #tpu.memory_space<hbm>>) target(%arg8 : memref<40x128xi32, #tpu.memory_space<vmem>>) target_semaphore(%run_scoped3A : memref<!tpu.dma_semaphore, #tpu.memory_space<semaphore_mem>>)
      %dma_wait3A = arith.constant 0 : i32
      %dma_wait3A_79 = tpu.memref_slice %arg3[%add3A_39, %dma_wait3A] : memref<2560x128xi32, #tpu.memory_space<hbm>> -> memref<40x128xi32, #tpu.memory_space<hbm>>
      %dma_wait3A_80 = arith.constant 0 : i32
      %dma_wait3A_81 = tpu.memref_slice %arg3[%add3A_39, %dma_wait3A_80] : memref<2560x128xi32, #tpu.memory_space<hbm>> -> memref<40x128xi32, #tpu.memory_space<hbm>>
      tpu.wait_dma2 semaphore(%run_scoped3A : memref<!tpu.dma_semaphore, #tpu.memory_space<semaphore_mem>>) src(%dma_wait3A_81 : memref<40x128xi32, #tpu.memory_space<hbm>>) dst(%arg8 : memref<40x128xi32, #tpu.memory_space<vmem>>)
      tpu.yield
    }) : () -> ()
    "tpu.region"() ({
      %run_scoped3A = tpu.sem_alloc : memref<!tpu.dma_semaphore, #tpu.memory_space<semaphore_mem>>
      %dma_start3A_75 = arith.constant 0 : i32
      %dma_start3A_76 = tpu.memref_slice %arg4[%add3A_39, %dma_start3A_75] : memref<2560x128xi32, #tpu.memory_space<hbm>> -> memref<40x128xi32, #tpu.memory_space<hbm>>
      %dma_start3A_77 = arith.constant 0 : i32
      %dma_start3A_78 = tpu.memref_slice %arg4[%add3A_39, %dma_start3A_77] : memref<2560x128xi32, #tpu.memory_space<hbm>> -> memref<40x128xi32, #tpu.memory_space<hbm>>
      tpu.enqueue_dma source(%dma_start3A_78 : memref<40x128xi32, #tpu.memory_space<hbm>>) target(%arg9 : memref<40x128xi32, #tpu.memory_space<vmem>>) target_semaphore(%run_scoped3A : memref<!tpu.dma_semaphore, #tpu.memory_space<semaphore_mem>>)
      %dma_wait3A = arith.constant 0 : i32
      %dma_wait3A_79 = tpu.memref_slice %arg4[%add3A_39, %dma_wait3A] : memref<2560x128xi32, #tpu.memory_space<hbm>> -> memref<40x128xi32, #tpu.memory_space<hbm>>
      %dma_wait3A_80 = arith.constant 0 : i32
      %dma_wait3A_81 = tpu.memref_slice %arg4[%add3A_39, %dma_wait3A_80] : memref<2560x128xi32, #tpu.memory_space<hbm>> -> memref<40x128xi32, #tpu.memory_space<hbm>>
      tpu.wait_dma2 semaphore(%run_scoped3A : memref<!tpu.dma_semaphore, #tpu.memory_space<semaphore_mem>>) src(%dma_wait3A_81 : memref<40x128xi32, #tpu.memory_space<hbm>>) dst(%arg9 : memref<40x128xi32, #tpu.memory_space<vmem>>)
      tpu.yield
    }) : () -> ()
    %dma_start3A_40 = arith.constant 0 : i32
    %dma_start3A_41 = arith.constant 0 : i32
    %dma_start3A_42 = arith.constant 0 : i32
    %dma_start3A_43 = arith.constant 0 : i32
    %dma_start3A_44 = tpu.memref_slice %arg10[%dma_start3A_41, %dma_start3A_42, %dma_start3A_43] : memref<2x128x128xf32, #tpu.memory_space<vmem>> -> memref<1x128x128xf32, #tpu.memory_space<vmem>>
    %dma_start3A_45 = tpu.memref_squeeze %dma_start3A_44 : memref<1x128x128xf32, #tpu.memory_space<vmem>> -> memref<128x128xf32, #tpu.memory_space<vmem>>
    %dma_start3A_46 = arith.constant 0 : i32
    %dma_start3A_47 = tpu.memref_slice %arg8[%dma_start3A_40, %dma_start3A_46] : memref<40x128xi32, #tpu.memory_space<vmem>> -> memref<1x128xi32, #tpu.memory_space<vmem>>
    %dma_start3A_48 = tpu.memref_squeeze %dma_start3A_47 : memref<1x128xi32, #tpu.memory_space<vmem>> -> memref<128xi32, #tpu.memory_space<vmem>>
    %dma_start3A_49 = arith.constant 0 : i32
    %dma_start3A_50 = arith.constant 0 : i32
    %dma_start3A_51 = tpu.memref_slice %arg2[%dma_start3A_49, %dma_start3A_50] : memref<10128x128xf32, #tpu.memory_space<hbm>> -> memref<10128x128xf32, #tpu.memory_space<hbm>>
    tpu.enqueue_indirect_dma source(%dma_start3A_51 : memref<10128x128xf32, #tpu.memory_space<hbm>>) target(%dma_start3A_45 : memref<128x128xf32, #tpu.memory_space<vmem>>) offsets(%dma_start3A_48 : memref<128xi32, #tpu.memory_space<vmem>>) semaphore(%arg11 : memref<!tpu.dma_semaphore, #tpu.memory_space<semaphore_mem>>)
    %dma_start3A_52 = arith.constant 1 : i32
    %dma_start3A_53 = arith.constant 1 : i32
    %dma_start3A_54 = arith.constant 0 : i32
    %dma_start3A_55 = arith.constant 0 : i32
    %dma_start3A_56 = tpu.memref_slice %arg10[%dma_start3A_53, %dma_start3A_54, %dma_start3A_55] : memref<2x128x128xf32, #tpu.memory_space<vmem>> -> memref<1x128x128xf32, #tpu.memory_space<vmem>>
    %dma_start3A_57 = tpu.memref_squeeze %dma_start3A_56 : memref<1x128x128xf32, #tpu.memory_space<vmem>> -> memref<128x128xf32, #tpu.memory_space<vmem>>
    %dma_start3A_58 = arith.constant 0 : i32
    %dma_start3A_59 = tpu.memref_slice %arg8[%dma_start3A_52, %dma_start3A_58] : memref<40x128xi32, #tpu.memory_space<vmem>> -> memref<1x128xi32, #tpu.memory_space<vmem>>
    %dma_start3A_60 = tpu.memref_squeeze %dma_start3A_59 : memref<1x128xi32, #tpu.memory_space<vmem>> -> memref<128xi32, #tpu.memory_space<vmem>>
    %dma_start3A_61 = arith.constant 0 : i32
    %dma_start3A_62 = arith.constant 0 : i32
    %dma_start3A_63 = tpu.memref_slice %arg2[%dma_start3A_61, %dma_start3A_62] : memref<10128x128xf32, #tpu.memory_space<hbm>> -> memref<10128x128xf32, #tpu.memory_space<hbm>>
    tpu.enqueue_indirect_dma source(%dma_start3A_63 : memref<10128x128xf32, #tpu.memory_space<hbm>>) target(%dma_start3A_57 : memref<128x128xf32, #tpu.memory_space<vmem>>) offsets(%dma_start3A_60 : memref<128xi32, #tpu.memory_space<vmem>>) semaphore(%arg12 : memref<!tpu.dma_semaphore, #tpu.memory_space<semaphore_mem>>)
    %scan3A_64 = arith.constant 0 : i32
    %scan3A_65 = arith.constant 0 : i32
    %scan3A_66 = arith.constant 20 : i32
    %scan3A_67 = arith.addi %scan3A_65, %scan3A_66 : i32
    %scan3A_68 = arith.constant 1 : i32
    scf.for %scan3A_75 = %scan3A_65 to %scan3A_67 step %scan3A_68  : i32 {
      %mul3A_76 = arith.constant 2 : i32
      %mul3A_77 = arith.muli %scan3A_75, %mul3A_76 : i32
      %add3A_78 = arith.constant 0 : i32
      %add3A_79 = arith.addi %mul3A_77, %add3A_78 : i32
      %dma_wait3A = arith.constant 0 : i32
      %dma_wait3A_80 = arith.constant 0 : i32
      %dma_wait3A_81 = arith.constant 0 : i32
      %dma_wait3A_82 = tpu.memref_slice %arg10[%dma_wait3A, %dma_wait3A_80, %dma_wait3A_81] : memref<2x128x128xf32, #tpu.memory_space<vmem>> -> memref<1x128x128xf32, #tpu.memory_space<vmem>>
      %dma_wait3A_83 = tpu.memref_squeeze %dma_wait3A_82 : memref<1x128x128xf32, #tpu.memory_space<vmem>> -> memref<128x128xf32, #tpu.memory_space<vmem>>
      %dma_wait3A_84 = arith.constant 0 : i32
      %dma_wait3A_85 = tpu.memref_slice %arg8[%add3A_79, %dma_wait3A_84] : memref<40x128xi32, #tpu.memory_space<vmem>> -> memref<1x128xi32, #tpu.memory_space<vmem>>
      %dma_wait3A_86 = tpu.memref_squeeze %dma_wait3A_85 : memref<1x128xi32, #tpu.memory_space<vmem>> -> memref<128xi32, #tpu.memory_space<vmem>>
      %dma_wait3A_87 = arith.constant 0 : i32
      %dma_wait3A_88 = arith.constant 0 : i32
      %dma_wait3A_89 = tpu.memref_slice %arg2[%dma_wait3A_87, %dma_wait3A_88] : memref<10128x128xf32, #tpu.memory_space<hbm>> -> memref<10128x128xf32, #tpu.memory_space<hbm>>
      tpu.wait_indirect_dma semaphore(%arg11 : memref<!tpu.dma_semaphore, #tpu.memory_space<semaphore_mem>>) src(%dma_wait3A_89 : memref<10128x128xf32, #tpu.memory_space<hbm>>) dst(%dma_wait3A_83 : memref<128x128xf32, #tpu.memory_space<vmem>>)
      %run_scoped3A = arith.constant 0 : i32
      "tpu.region"() ({
        %run_scoped3A_117 = tpu.sem_alloc : memref<!tpu.dma_semaphore, #tpu.memory_space<semaphore_mem>>
        %dma_start3A_118 = arith.constant 0 : i32
        %dma_start3A_119 = arith.constant 0 : i32
        %dma_start3A_120 = tpu.memref_slice %arg10[%run_scoped3A, %dma_start3A_118, %dma_start3A_119] : memref<2x128x128xf32, #tpu.memory_space<vmem>> -> memref<1x128x128xf32, #tpu.memory_space<vmem>>
        %dma_start3A_121 = tpu.memref_squeeze %dma_start3A_120 : memref<1x128x128xf32, #tpu.memory_space<vmem>> -> memref<128x128xf32, #tpu.memory_space<vmem>>
        %dma_start3A_122 = arith.constant 0 : i32
        %dma_start3A_123 = tpu.memref_slice %arg9[%add3A_79, %dma_start3A_122] : memref<40x128xi32, #tpu.memory_space<vmem>> -> memref<1x128xi32, #tpu.memory_space<vmem>>
        %dma_start3A_124 = tpu.memref_squeeze %dma_start3A_123 : memref<1x128xi32, #tpu.memory_space<vmem>> -> memref<128xi32, #tpu.memory_space<vmem>>
        %dma_start3A_125 = arith.constant 0 : i32
        %dma_start3A_126 = arith.constant 0 : i32
        %dma_start3A_127 = tpu.memref_slice %arg7[%dma_start3A_125, %dma_start3A_126] : memref<10112x128xf32, #tpu.memory_space<vmem_shared>> -> memref<10112x128xf32, #tpu.memory_space<vmem_shared>>
        tpu.enqueue_indirect_dma source(%dma_start3A_121 : memref<128x128xf32, #tpu.memory_space<vmem>>) target(%dma_start3A_127 : memref<10112x128xf32, #tpu.memory_space<vmem_shared>>) offsets(%dma_start3A_124 : memref<128xi32, #tpu.memory_space<vmem>>) semaphore(%run_scoped3A_117 : memref<!tpu.dma_semaphore, #tpu.memory_space<semaphore_mem>>) {add = true}
        %dma_wait3A_128 = arith.constant 0 : i32
        %dma_wait3A_129 = arith.constant 0 : i32
        %dma_wait3A_130 = tpu.memref_slice %arg10[%run_scoped3A, %dma_wait3A_128, %dma_wait3A_129] : memref<2x128x128xf32, #tpu.memory_space<vmem>> -> memref<1x128x128xf32, #tpu.memory_space<vmem>>
        %dma_wait3A_131 = tpu.memref_squeeze %dma_wait3A_130 : memref<1x128x128xf32, #tpu.memory_space<vmem>> -> memref<128x128xf32, #tpu.memory_space<vmem>>
        %dma_wait3A_132 = arith.constant 0 : i32
        %dma_wait3A_133 = tpu.memref_slice %arg9[%add3A_79, %dma_wait3A_132] : memref<40x128xi32, #tpu.memory_space<vmem>> -> memref<1x128xi32, #tpu.memory_space<vmem>>
        %dma_wait3A_134 = tpu.memref_squeeze %dma_wait3A_133 : memref<1x128xi32, #tpu.memory_space<vmem>> -> memref<128xi32, #tpu.memory_space<vmem>>
        %dma_wait3A_135 = arith.constant 0 : i32
        %dma_wait3A_136 = arith.constant 0 : i32
        %dma_wait3A_137 = tpu.memref_slice %arg7[%dma_wait3A_135, %dma_wait3A_136] : memref<10112x128xf32, #tpu.memory_space<vmem_shared>> -> memref<10112x128xf32, #tpu.memory_space<vmem_shared>>
        tpu.wait_indirect_dma semaphore(%run_scoped3A_117 : memref<!tpu.dma_semaphore, #tpu.memory_space<semaphore_mem>>) src(%dma_wait3A_131 : memref<128x128xf32, #tpu.memory_space<vmem>>) dst(%dma_wait3A_137 : memref<10112x128xf32, #tpu.memory_space<vmem_shared>>)
        tpu.yield
      }) : () -> ()
      %add3A_90 = arith.constant 2 : i32
      %add3A_91 = arith.addi %add3A_79, %add3A_90 : i32
      %lt3A = arith.constant 40 : i32
      %lt3A_92 = arith.cmpi slt, %add3A_91, %lt3A : i32
      %convert_element_type3A = arith.extui %lt3A_92 : i1 to i32
      %cond3A = arith.constant 0 : i32
      %cond3A_93 = arith.cmpi ne, %convert_element_type3A, %cond3A : i32
      scf.if %cond3A_93 {
        %dma_start3A_117 = arith.constant 0 : i32
        %dma_start3A_118 = arith.constant 0 : i32
        %dma_start3A_119 = arith.constant 0 : i32
        %dma_start3A_120 = tpu.memref_slice %arg10[%dma_start3A_117, %dma_start3A_118, %dma_start3A_119] : memref<2x128x128xf32, #tpu.memory_space<vmem>> -> memref<1x128x128xf32, #tpu.memory_space<vmem>>
        %dma_start3A_121 = tpu.memref_squeeze %dma_start3A_120 : memref<1x128x128xf32, #tpu.memory_space<vmem>> -> memref<128x128xf32, #tpu.memory_space<vmem>>
        %dma_start3A_122 = arith.constant 0 : i32
        %dma_start3A_123 = tpu.memref_slice %arg8[%add3A_91, %dma_start3A_122] : memref<40x128xi32, #tpu.memory_space<vmem>> -> memref<1x128xi32, #tpu.memory_space<vmem>>
        %dma_start3A_124 = tpu.memref_squeeze %dma_start3A_123 : memref<1x128xi32, #tpu.memory_space<vmem>> -> memref<128xi32, #tpu.memory_space<vmem>>
        %dma_start3A_125 = arith.constant 0 : i32
        %dma_start3A_126 = arith.constant 0 : i32
        %dma_start3A_127 = tpu.memref_slice %arg2[%dma_start3A_125, %dma_start3A_126] : memref<10128x128xf32, #tpu.memory_space<hbm>> -> memref<10128x128xf32, #tpu.memory_space<hbm>>
        tpu.enqueue_indirect_dma source(%dma_start3A_127 : memref<10128x128xf32, #tpu.memory_space<hbm>>) target(%dma_start3A_121 : memref<128x128xf32, #tpu.memory_space<vmem>>) offsets(%dma_start3A_124 : memref<128xi32, #tpu.memory_space<vmem>>) semaphore(%arg11 : memref<!tpu.dma_semaphore, #tpu.memory_space<semaphore_mem>>)
      } else {
      }
      %mul3A_94 = arith.constant 2 : i32
      %mul3A_95 = arith.muli %scan3A_75, %mul3A_94 : i32
      %add3A_96 = arith.constant 1 : i32
      %add3A_97 = arith.addi %mul3A_95, %add3A_96 : i32
      %dma_wait3A_98 = arith.constant 1 : i32
      %dma_wait3A_99 = arith.constant 0 : i32
      %dma_wait3A_100 = arith.constant 0 : i32
      %dma_wait3A_101 = tpu.memref_slice %arg10[%dma_wait3A_98, %dma_wait3A_99, %dma_wait3A_100] : memref<2x128x128xf32, #tpu.memory_space<vmem>> -> memref<1x128x128xf32, #tpu.memory_space<vmem>>
      %dma_wait3A_102 = tpu.memref_squeeze %dma_wait3A_101 : memref<1x128x128xf32, #tpu.memory_space<vmem>> -> memref<128x128xf32, #tpu.memory_space<vmem>>
      %dma_wait3A_103 = arith.constant 0 : i32
      %dma_wait3A_104 = tpu.memref_slice %arg8[%add3A_97, %dma_wait3A_103] : memref<40x128xi32, #tpu.memory_space<vmem>> -> memref<1x128xi32, #tpu.memory_space<vmem>>
      %dma_wait3A_105 = tpu.memref_squeeze %dma_wait3A_104 : memref<1x128xi32, #tpu.memory_space<vmem>> -> memref<128xi32, #tpu.memory_space<vmem>>
      %dma_wait3A_106 = arith.constant 0 : i32
      %dma_wait3A_107 = arith.constant 0 : i32
      %dma_wait3A_108 = tpu.memref_slice %arg2[%dma_wait3A_106, %dma_wait3A_107] : memref<10128x128xf32, #tpu.memory_space<hbm>> -> memref<10128x128xf32, #tpu.memory_space<hbm>>
      tpu.wait_indirect_dma semaphore(%arg12 : memref<!tpu.dma_semaphore, #tpu.memory_space<semaphore_mem>>) src(%dma_wait3A_108 : memref<10128x128xf32, #tpu.memory_space<hbm>>) dst(%dma_wait3A_102 : memref<128x128xf32, #tpu.memory_space<vmem>>)
      %run_scoped3A_109 = arith.constant 1 : i32
      "tpu.region"() ({
        %run_scoped3A_117 = tpu.sem_alloc : memref<!tpu.dma_semaphore, #tpu.memory_space<semaphore_mem>>
        %dma_start3A_118 = arith.constant 0 : i32
        %dma_start3A_119 = arith.constant 0 : i32
        %dma_start3A_120 = tpu.memref_slice %arg10[%run_scoped3A_109, %dma_start3A_118, %dma_start3A_119] : memref<2x128x128xf32, #tpu.memory_space<vmem>> -> memref<1x128x128xf32, #tpu.memory_space<vmem>>
        %dma_start3A_121 = tpu.memref_squeeze %dma_start3A_120 : memref<1x128x128xf32, #tpu.memory_space<vmem>> -> memref<128x128xf32, #tpu.memory_space<vmem>>
        %dma_start3A_122 = arith.constant 0 : i32
        %dma_start3A_123 = tpu.memref_slice %arg9[%add3A_97, %dma_start3A_122] : memref<40x128xi32, #tpu.memory_space<vmem>> -> memref<1x128xi32, #tpu.memory_space<vmem>>
        %dma_start3A_124 = tpu.memref_squeeze %dma_start3A_123 : memref<1x128xi32, #tpu.memory_space<vmem>> -> memref<128xi32, #tpu.memory_space<vmem>>
        %dma_start3A_125 = arith.constant 0 : i32
        %dma_start3A_126 = arith.constant 0 : i32
        %dma_start3A_127 = tpu.memref_slice %arg7[%dma_start3A_125, %dma_start3A_126] : memref<10112x128xf32, #tpu.memory_space<vmem_shared>> -> memref<10112x128xf32, #tpu.memory_space<vmem_shared>>
        tpu.enqueue_indirect_dma source(%dma_start3A_121 : memref<128x128xf32, #tpu.memory_space<vmem>>) target(%dma_start3A_127 : memref<10112x128xf32, #tpu.memory_space<vmem_shared>>) offsets(%dma_start3A_124 : memref<128xi32, #tpu.memory_space<vmem>>) semaphore(%run_scoped3A_117 : memref<!tpu.dma_semaphore, #tpu.memory_space<semaphore_mem>>) {add = true}
        %dma_wait3A_128 = arith.constant 0 : i32
        %dma_wait3A_129 = arith.constant 0 : i32
        %dma_wait3A_130 = tpu.memref_slice %arg10[%run_scoped3A_109, %dma_wait3A_128, %dma_wait3A_129] : memref<2x128x128xf32, #tpu.memory_space<vmem>> -> memref<1x128x128xf32, #tpu.memory_space<vmem>>
        %dma_wait3A_131 = tpu.memref_squeeze %dma_wait3A_130 : memref<1x128x128xf32, #tpu.memory_space<vmem>> -> memref<128x128xf32, #tpu.memory_space<vmem>>
        %dma_wait3A_132 = arith.constant 0 : i32
        %dma_wait3A_133 = tpu.memref_slice %arg9[%add3A_97, %dma_wait3A_132] : memref<40x128xi32, #tpu.memory_space<vmem>> -> memref<1x128xi32, #tpu.memory_space<vmem>>
        %dma_wait3A_134 = tpu.memref_squeeze %dma_wait3A_133 : memref<1x128xi32, #tpu.memory_space<vmem>> -> memref<128xi32, #tpu.memory_space<vmem>>
        %dma_wait3A_135 = arith.constant 0 : i32
        %dma_wait3A_136 = arith.constant 0 : i32
        %dma_wait3A_137 = tpu.memref_slice %arg7[%dma_wait3A_135, %dma_wait3A_136] : memref<10112x128xf32, #tpu.memory_space<vmem_shared>> -> memref<10112x128xf32, #tpu.memory_space<vmem_shared>>
        tpu.wait_indirect_dma semaphore(%run_scoped3A_117 : memref<!tpu.dma_semaphore, #tpu.memory_space<semaphore_mem>>) src(%dma_wait3A_131 : memref<128x128xf32, #tpu.memory_space<vmem>>) dst(%dma_wait3A_137 : memref<10112x128xf32, #tpu.memory_space<vmem_shared>>)
        tpu.yield
      }) : () -> ()
      %add3A_110 = arith.constant 2 : i32
      %add3A_111 = arith.addi %add3A_97, %add3A_110 : i32
      %lt3A_112 = arith.constant 40 : i32
      %lt3A_113 = arith.cmpi slt, %add3A_111, %lt3A_112 : i32
      %convert_element_type3A_114 = arith.extui %lt3A_113 : i1 to i32
      %cond3A_115 = arith.constant 0 : i32
      %cond3A_116 = arith.cmpi ne, %convert_element_type3A_114, %cond3A_115 : i32
      scf.if %cond3A_116 {
        %dma_start3A_117 = arith.constant 1 : i32
        %dma_start3A_118 = arith.constant 0 : i32
        %dma_start3A_119 = arith.constant 0 : i32
        %dma_start3A_120 = tpu.memref_slice %arg10[%dma_start3A_117, %dma_start3A_118, %dma_start3A_119] : memref<2x128x128xf32, #tpu.memory_space<vmem>> -> memref<1x128x128xf32, #tpu.memory_space<vmem>>
        %dma_start3A_121 = tpu.memref_squeeze %dma_start3A_120 : memref<1x128x128xf32, #tpu.memory_space<vmem>> -> memref<128x128xf32, #tpu.memory_space<vmem>>
        %dma_start3A_122 = arith.constant 0 : i32
        %dma_start3A_123 = tpu.memref_slice %arg8[%add3A_111, %dma_start3A_122] : memref<40x128xi32, #tpu.memory_space<vmem>> -> memref<1x128xi32, #tpu.memory_space<vmem>>
        %dma_start3A_124 = tpu.memref_squeeze %dma_start3A_123 : memref<1x128xi32, #tpu.memory_space<vmem>> -> memref<128xi32, #tpu.memory_space<vmem>>
        %dma_start3A_125 = arith.constant 0 : i32
        %dma_start3A_126 = arith.constant 0 : i32
        %dma_start3A_127 = tpu.memref_slice %arg2[%dma_start3A_125, %dma_start3A_126] : memref<10128x128xf32, #tpu.memory_space<hbm>> -> memref<10128x128xf32, #tpu.memory_space<hbm>>
        tpu.enqueue_indirect_dma source(%dma_start3A_127 : memref<10128x128xf32, #tpu.memory_space<hbm>>) target(%dma_start3A_121 : memref<128x128xf32, #tpu.memory_space<vmem>>) offsets(%dma_start3A_124 : memref<128xi32, #tpu.memory_space<vmem>>) semaphore(%arg12 : memref<!tpu.dma_semaphore, #tpu.memory_space<semaphore_mem>>)
      } else {
      }
    }
    %scan3A_69 = arith.constant 20 : i32
    %barrier3A_70 = arith.constant 0 : index
    tpu.barrier barrier_id(%barrier3A_70)
    %mul3A_71 = arith.constant 632 : i32
    %mul3A_72 = arith.muli %arg1, %mul3A_71 : i32
    %mul3A_73 = arith.constant 632 : i32
    %mul3A_74 = arith.muli %arg1, %mul3A_73 : i32
    "tpu.region"() ({
      %run_scoped3A = tpu.sem_alloc : memref<!tpu.dma_semaphore, #tpu.memory_space<semaphore_mem>>
      %dma_start3A_75 = arith.constant 0 : i32
      %dma_start3A_76 = arith.constant 0 : i32
      %dma_start3A_77 = tpu.memref_slice %arg6[%arg0, %dma_start3A_75, %dma_start3A_76] : memref<2x10112x128xf32, #tpu.memory_space<hbm>> -> memref<1x10112x128xf32, #tpu.memory_space<hbm>>
      %dma_start3A_78 = tpu.memref_squeeze %dma_start3A_77 : memref<1x10112x128xf32, #tpu.memory_space<hbm>> -> memref<10112x128xf32, #tpu.memory_space<hbm>>
      %dma_start3A_79 = arith.constant 0 : i32
      %dma_start3A_80 = tpu.memref_slice %dma_start3A_78[%mul3A_74, %dma_start3A_79] : memref<10112x128xf32, #tpu.memory_space<hbm>> -> memref<632x128xf32, #tpu.memory_space<hbm>>
      %dma_start3A_81 = arith.constant 0 : i32
      %dma_start3A_82 = tpu.memref_slice %arg7[%mul3A_72, %dma_start3A_81] : memref<10112x128xf32, #tpu.memory_space<vmem_shared>> -> memref<632x128xf32, #tpu.memory_space<vmem_shared>>
      tpu.enqueue_dma source(%dma_start3A_82 : memref<632x128xf32, #tpu.memory_space<vmem_shared>>) target(%dma_start3A_80 : memref<632x128xf32, #tpu.memory_space<hbm>>) target_semaphore(%run_scoped3A : memref<!tpu.dma_semaphore, #tpu.memory_space<semaphore_mem>>)
      %dma_wait3A = arith.constant 0 : i32
      %dma_wait3A_83 = arith.constant 0 : i32
      %dma_wait3A_84 = tpu.memref_slice %arg6[%arg0, %dma_wait3A, %dma_wait3A_83] : memref<2x10112x128xf32, #tpu.memory_space<hbm>> -> memref<1x10112x128xf32, #tpu.memory_space<hbm>>
      %dma_wait3A_85 = tpu.memref_squeeze %dma_wait3A_84 : memref<1x10112x128xf32, #tpu.memory_space<hbm>> -> memref<10112x128xf32, #tpu.memory_space<hbm>>
      %dma_wait3A_86 = arith.constant 0 : i32
      %dma_wait3A_87 = tpu.memref_slice %dma_wait3A_85[%mul3A_74, %dma_wait3A_86] : memref<10112x128xf32, #tpu.memory_space<hbm>> -> memref<632x128xf32, #tpu.memory_space<hbm>>
      %dma_wait3A_88 = arith.constant 0 : i32
      %dma_wait3A_89 = tpu.memref_slice %arg7[%mul3A_72, %dma_wait3A_88] : memref<10112x128xf32, #tpu.memory_space<vmem_shared>> -> memref<632x128xf32, #tpu.memory_space<vmem_shared>>
      tpu.wait_dma2 semaphore(%run_scoped3A : memref<!tpu.dma_semaphore, #tpu.memory_space<semaphore_mem>>) src(%dma_wait3A_89 : memref<632x128xf32, #tpu.memory_space<vmem_shared>>) dst(%dma_wait3A_87 : memref<632x128xf32, #tpu.memory_space<hbm>>)
      tpu.yield
    }) : () -> ()
    return
  }
}

#map = affine_map<(d0, d1) -> (0, 0)>
#map1 = affine_map<(d0, d1) -> (0, 0, 0)>
module attributes {stable_mosaic.version = 14 : i64} {
  func.func @sc_agg(%arg0: i32, %arg1: i32, %arg2: memref<10128x128xf32, #tpu.memory_space<hbm>>, %arg3: memref<2560x128xi32, #tpu.memory_space<hbm>>, %arg4: memref<2560x128xi32, #tpu.memory_space<hbm>>, %arg5: memref<632x128xf32, #tpu.memory_space<hbm>>, %arg6: memref<2x10112x128xf32, #tpu.memory_space<hbm>>, %arg7: memref<10112x128xf32, #tpu.memory_space<vmem_shared>>, %arg8: memref<40x128xi32, #tpu.memory_space<vmem>>, %arg9: memref<40x128xi32, #tpu.memory_space<vmem>>, %arg10: memref<2x128x128xf32, #tpu.memory_space<vmem>>, %arg11: memref<!tpu.dma_semaphore, #tpu.memory_space<semaphore_mem>>, %arg12: memref<!tpu.dma_semaphore, #tpu.memory_space<semaphore_mem>>) attributes {dimension_semantics = [#tpu.dimension_semantics<core_parallel>, #tpu.dimension_semantics<subcore_parallel>], iteration_bounds = array<i64: 2, 16>, scalar_prefetch = 0 : i64, scratch_operands = 6 : i64, tpu.core_type = #tpu.core_type<sc_vector_subcore>, window_params = [{transform_indices = #map}, {transform_indices = #map}, {transform_indices = #map}, {transform_indices = #map}, {transform_indices = #map1}]} {
    %sub3A = arith.constant 1 : i32
    %sub3A_0 = arith.subi %sub3A, %arg0 : i32
    %mul3A = arith.constant 16 : i32
    %mul3A_1 = arith.muli %sub3A_0, %mul3A : i32
    %add3A = arith.addi %mul3A_1, %arg1 : i32
    %mul3A_2 = arith.constant 632 : i32
    %mul3A_3 = arith.muli %arg1, %mul3A_2 : i32
    "tpu.region"() ({
      %run_scoped3A = tpu.sem_alloc : memref<!tpu.dma_semaphore, #tpu.memory_space<semaphore_mem>>
      %dma_start3A_75 = arith.constant 0 : i32
      %dma_start3A_76 = tpu.memref_slice %arg7[%mul3A_3, %dma_start3A_75] : memref<10112x128xf32, #tpu.memory_space<vmem_shared>> -> memref<632x128xf32, #tpu.memory_space<vmem_shared>>
      tpu.enqueue_dma source(%arg5 : memref<632x128xf32, #tpu.memory_space<hbm>>) target(%dma_start3A_76 : memref<632x128xf32, #tpu.memory_space<vmem_shared>>) target_semaphore(%run_scoped3A : memref<!tpu.dma_semaphore, #tpu.memory_space<semaphore_mem>>)
      %dma_wait3A = arith.constant 0 : i32
      %dma_wait3A_77 = tpu.memref_slice %arg7[%mul3A_3, %dma_wait3A] : memref<10112x128xf32, #tpu.memory_space<vmem_shared>> -> memref<632x128xf32, #tpu.memory_space<vmem_shared>>
      tpu.wait_dma2 semaphore(%run_scoped3A : memref<!tpu.dma_semaphore, #tpu.memory_space<semaphore_mem>>) src(%arg5 : memref<632x128xf32, #tpu.memory_space<hbm>>) dst(%dma_wait3A_77 : memref<632x128xf32, #tpu.memory_space<vmem_shared>>)
      tpu.yield
    }) : () -> ()
    %barrier3A = arith.constant 0 : index
    tpu.barrier barrier_id(%barrier3A)
    %mul3A_4 = arith.constant 80 : i32
    %mul3A_5 = arith.muli %add3A, %mul3A_4 : i32
    %add3A_6 = arith.constant 0 : i32
    %add3A_7 = arith.addi %mul3A_5, %add3A_6 : i32
    "tpu.region"() ({
      %run_scoped3A = tpu.sem_alloc : memref<!tpu.dma_semaphore, #tpu.memory_space<semaphore_mem>>
      %dma_start3A_75 = arith.constant 0 : i32
      %dma_start3A_76 = tpu.memref_slice %arg3[%add3A_7, %dma_start3A_75] : memref<2560x128xi32, #tpu.memory_space<hbm>> -> memref<40x128xi32, #tpu.memory_space<hbm>>
      %dma_start3A_77 = arith.constant 0 : i32
      %dma_start3A_78 = tpu.memref_slice %arg3[%add3A_7, %dma_start3A_77] : memref<2560x128xi32, #tpu.memory_space<hbm>> -> memref<40x128xi32, #tpu.memory_space<hbm>>
      tpu.enqueue_dma source(%dma_start3A_78 : memref<40x128xi32, #tpu.memory_space<hbm>>) target(%arg8 : memref<40x128xi32, #tpu.memory_space<vmem>>) target_semaphore(%run_scoped3A : memref<!tpu.dma_semaphore, #tpu.memory_space<semaphore_mem>>)
      %dma_wait3A = arith.constant 0 : i32
      %dma_wait3A_79 = tpu.memref_slice %arg3[%add3A_7, %dma_wait3A] : memref<2560x128xi32, #tpu.memory_space<hbm>> -> memref<40x128xi32, #tpu.memory_space<hbm>>
      %dma_wait3A_80 = arith.constant 0 : i32
      %dma_wait3A_81 = tpu.memref_slice %arg3[%add3A_7, %dma_wait3A_80] : memref<2560x128xi32, #tpu.memory_space<hbm>> -> memref<40x128xi32, #tpu.memory_space<hbm>>
      tpu.wait_dma2 semaphore(%run_scoped3A : memref<!tpu.dma_semaphore, #tpu.memory_space<semaphore_mem>>) src(%dma_wait3A_81 : memref<40x128xi32, #tpu.memory_space<hbm>>) dst(%arg8 : memref<40x128xi32, #tpu.memory_space<vmem>>)
      tpu.yield
    }) : () -> ()
    "tpu.region"() ({
      %run_scoped3A = tpu.sem_alloc : memref<!tpu.dma_semaphore, #tpu.memory_space<semaphore_mem>>
      %dma_start3A_75 = arith.constant 0 : i32
      %dma_start3A_76 = tpu.memref_slice %arg4[%add3A_7, %dma_start3A_75] : memref<2560x128xi32, #tpu.memory_space<hbm>> -> memref<40x128xi32, #tpu.memory_space<hbm>>
      %dma_start3A_77 = arith.constant 0 : i32
      %dma_start3A_78 = tpu.memref_slice %arg4[%add3A_7, %dma_start3A_77] : memref<2560x128xi32, #tpu.memory_space<hbm>> -> memref<40x128xi32, #tpu.memory_space<hbm>>
      tpu.enqueue_dma source(%dma_start3A_78 : memref<40x128xi32, #tpu.memory_space<hbm>>) target(%arg9 : memref<40x128xi32, #tpu.memory_space<vmem>>) target_semaphore(%run_scoped3A : memref<!tpu.dma_semaphore, #tpu.memory_space<semaphore_mem>>)
      %dma_wait3A = arith.constant 0 : i32
      %dma_wait3A_79 = tpu.memref_slice %arg4[%add3A_7, %dma_wait3A] : memref<2560x128xi32, #tpu.memory_space<hbm>> -> memref<40x128xi32, #tpu.memory_space<hbm>>
      %dma_wait3A_80 = arith.constant 0 : i32
      %dma_wait3A_81 = tpu.memref_slice %arg4[%add3A_7, %dma_wait3A_80] : memref<2560x128xi32, #tpu.memory_space<hbm>> -> memref<40x128xi32, #tpu.memory_space<hbm>>
      tpu.wait_dma2 semaphore(%run_scoped3A : memref<!tpu.dma_semaphore, #tpu.memory_space<semaphore_mem>>) src(%dma_wait3A_81 : memref<40x128xi32, #tpu.memory_space<hbm>>) dst(%arg9 : memref<40x128xi32, #tpu.memory_space<vmem>>)
      tpu.yield
    }) : () -> ()
    %dma_start3A = arith.constant 0 : i32
    %dma_start3A_8 = arith.constant 0 : i32
    %dma_start3A_9 = arith.constant 0 : i32
    %dma_start3A_10 = arith.constant 0 : i32
    %dma_start3A_11 = tpu.memref_slice %arg10[%dma_start3A_8, %dma_start3A_9, %dma_start3A_10] : memref<2x128x128xf32, #tpu.memory_space<vmem>> -> memref<1x128x128xf32, #tpu.memory_space<vmem>>
    %dma_start3A_12 = tpu.memref_squeeze %dma_start3A_11 : memref<1x128x128xf32, #tpu.memory_space<vmem>> -> memref<128x128xf32, #tpu.memory_space<vmem>>
    %dma_start3A_13 = arith.constant 0 : i32
    %dma_start3A_14 = tpu.memref_slice %arg8[%dma_start3A, %dma_start3A_13] : memref<40x128xi32, #tpu.memory_space<vmem>> -> memref<1x128xi32, #tpu.memory_space<vmem>>
    %dma_start3A_15 = tpu.memref_squeeze %dma_start3A_14 : memref<1x128xi32, #tpu.memory_space<vmem>> -> memref<128xi32, #tpu.memory_space<vmem>>
    %dma_start3A_16 = arith.constant 0 : i32
    %dma_start3A_17 = arith.constant 0 : i32
    %dma_start3A_18 = tpu.memref_slice %arg2[%dma_start3A_16, %dma_start3A_17] : memref<10128x128xf32, #tpu.memory_space<hbm>> -> memref<10128x128xf32, #tpu.memory_space<hbm>>
    tpu.enqueue_indirect_dma source(%dma_start3A_18 : memref<10128x128xf32, #tpu.memory_space<hbm>>) target(%dma_start3A_12 : memref<128x128xf32, #tpu.memory_space<vmem>>) offsets(%dma_start3A_15 : memref<128xi32, #tpu.memory_space<vmem>>) semaphore(%arg11 : memref<!tpu.dma_semaphore, #tpu.memory_space<semaphore_mem>>)
    %dma_start3A_19 = arith.constant 1 : i32
    %dma_start3A_20 = arith.constant 1 : i32
    %dma_start3A_21 = arith.constant 0 : i32
    %dma_start3A_22 = arith.constant 0 : i32
    %dma_start3A_23 = tpu.memref_slice %arg10[%dma_start3A_20, %dma_start3A_21, %dma_start3A_22] : memref<2x128x128xf32, #tpu.memory_space<vmem>> -> memref<1x128x128xf32, #tpu.memory_space<vmem>>
    %dma_start3A_24 = tpu.memref_squeeze %dma_start3A_23 : memref<1x128x128xf32, #tpu.memory_space<vmem>> -> memref<128x128xf32, #tpu.memory_space<vmem>>
    %dma_start3A_25 = arith.constant 0 : i32
    %dma_start3A_26 = tpu.memref_slice %arg8[%dma_start3A_19, %dma_start3A_25] : memref<40x128xi32, #tpu.memory_space<vmem>> -> memref<1x128xi32, #tpu.memory_space<vmem>>
    %dma_start3A_27 = tpu.memref_squeeze %dma_start3A_26 : memref<1x128xi32, #tpu.memory_space<vmem>> -> memref<128xi32, #tpu.memory_space<vmem>>
    %dma_start3A_28 = arith.constant 0 : i32
    %dma_start3A_29 = arith.constant 0 : i32
    %dma_start3A_30 = tpu.memref_slice %arg2[%dma_start3A_28, %dma_start3A_29] : memref<10128x128xf32, #tpu.memory_space<hbm>> -> memref<10128x128xf32, #tpu.memory_space<hbm>>
    tpu.enqueue_indirect_dma source(%dma_start3A_30 : memref<10128x128xf32, #tpu.memory_space<hbm>>) target(%dma_start3A_24 : memref<128x128xf32, #tpu.memory_space<vmem>>) offsets(%dma_start3A_27 : memref<128xi32, #tpu.memory_space<vmem>>) semaphore(%arg12 : memref<!tpu.dma_semaphore, #tpu.memory_space<semaphore_mem>>)
    %scan3A = arith.constant 0 : i32
    %scan3A_31 = arith.constant 0 : i32
    %scan3A_32 = arith.constant 20 : i32
    %scan3A_33 = arith.addi %scan3A_31, %scan3A_32 : i32
    %scan3A_34 = arith.constant 1 : i32
    scf.for %scan3A_75 = %scan3A_31 to %scan3A_33 step %scan3A_34  : i32 {
      %mul3A_76 = arith.constant 2 : i32
      %mul3A_77 = arith.muli %scan3A_75, %mul3A_76 : i32
      %add3A_78 = arith.constant 0 : i32
      %add3A_79 = arith.addi %mul3A_77, %add3A_78 : i32
      %dma_wait3A = arith.constant 0 : i32
      %dma_wait3A_80 = arith.constant 0 : i32
      %dma_wait3A_81 = arith.constant 0 : i32
      %dma_wait3A_82 = tpu.memref_slice %arg10[%dma_wait3A, %dma_wait3A_80, %dma_wait3A_81] : memref<2x128x128xf32, #tpu.memory_space<vmem>> -> memref<1x128x128xf32, #tpu.memory_space<vmem>>
      %dma_wait3A_83 = tpu.memref_squeeze %dma_wait3A_82 : memref<1x128x128xf32, #tpu.memory_space<vmem>> -> memref<128x128xf32, #tpu.memory_space<vmem>>
      %dma_wait3A_84 = arith.constant 0 : i32
      %dma_wait3A_85 = tpu.memref_slice %arg8[%add3A_79, %dma_wait3A_84] : memref<40x128xi32, #tpu.memory_space<vmem>> -> memref<1x128xi32, #tpu.memory_space<vmem>>
      %dma_wait3A_86 = tpu.memref_squeeze %dma_wait3A_85 : memref<1x128xi32, #tpu.memory_space<vmem>> -> memref<128xi32, #tpu.memory_space<vmem>>
      %dma_wait3A_87 = arith.constant 0 : i32
      %dma_wait3A_88 = arith.constant 0 : i32
      %dma_wait3A_89 = tpu.memref_slice %arg2[%dma_wait3A_87, %dma_wait3A_88] : memref<10128x128xf32, #tpu.memory_space<hbm>> -> memref<10128x128xf32, #tpu.memory_space<hbm>>
      tpu.wait_indirect_dma semaphore(%arg11 : memref<!tpu.dma_semaphore, #tpu.memory_space<semaphore_mem>>) src(%dma_wait3A_89 : memref<10128x128xf32, #tpu.memory_space<hbm>>) dst(%dma_wait3A_83 : memref<128x128xf32, #tpu.memory_space<vmem>>)
      %run_scoped3A = arith.constant 0 : i32
      "tpu.region"() ({
        %run_scoped3A_117 = tpu.sem_alloc : memref<!tpu.dma_semaphore, #tpu.memory_space<semaphore_mem>>
        %dma_start3A_118 = arith.constant 0 : i32
        %dma_start3A_119 = arith.constant 0 : i32
        %dma_start3A_120 = tpu.memref_slice %arg10[%run_scoped3A, %dma_start3A_118, %dma_start3A_119] : memref<2x128x128xf32, #tpu.memory_space<vmem>> -> memref<1x128x128xf32, #tpu.memory_space<vmem>>
        %dma_start3A_121 = tpu.memref_squeeze %dma_start3A_120 : memref<1x128x128xf32, #tpu.memory_space<vmem>> -> memref<128x128xf32, #tpu.memory_space<vmem>>
        %dma_start3A_122 = arith.constant 0 : i32
        %dma_start3A_123 = tpu.memref_slice %arg9[%add3A_79, %dma_start3A_122] : memref<40x128xi32, #tpu.memory_space<vmem>> -> memref<1x128xi32, #tpu.memory_space<vmem>>
        %dma_start3A_124 = tpu.memref_squeeze %dma_start3A_123 : memref<1x128xi32, #tpu.memory_space<vmem>> -> memref<128xi32, #tpu.memory_space<vmem>>
        %dma_start3A_125 = arith.constant 0 : i32
        %dma_start3A_126 = arith.constant 0 : i32
        %dma_start3A_127 = tpu.memref_slice %arg7[%dma_start3A_125, %dma_start3A_126] : memref<10112x128xf32, #tpu.memory_space<vmem_shared>> -> memref<10112x128xf32, #tpu.memory_space<vmem_shared>>
        tpu.enqueue_indirect_dma source(%dma_start3A_121 : memref<128x128xf32, #tpu.memory_space<vmem>>) target(%dma_start3A_127 : memref<10112x128xf32, #tpu.memory_space<vmem_shared>>) offsets(%dma_start3A_124 : memref<128xi32, #tpu.memory_space<vmem>>) semaphore(%run_scoped3A_117 : memref<!tpu.dma_semaphore, #tpu.memory_space<semaphore_mem>>) {add = true}
        %dma_wait3A_128 = arith.constant 0 : i32
        %dma_wait3A_129 = arith.constant 0 : i32
        %dma_wait3A_130 = tpu.memref_slice %arg10[%run_scoped3A, %dma_wait3A_128, %dma_wait3A_129] : memref<2x128x128xf32, #tpu.memory_space<vmem>> -> memref<1x128x128xf32, #tpu.memory_space<vmem>>
        %dma_wait3A_131 = tpu.memref_squeeze %dma_wait3A_130 : memref<1x128x128xf32, #tpu.memory_space<vmem>> -> memref<128x128xf32, #tpu.memory_space<vmem>>
        %dma_wait3A_132 = arith.constant 0 : i32
        %dma_wait3A_133 = tpu.memref_slice %arg9[%add3A_79, %dma_wait3A_132] : memref<40x128xi32, #tpu.memory_space<vmem>> -> memref<1x128xi32, #tpu.memory_space<vmem>>
        %dma_wait3A_134 = tpu.memref_squeeze %dma_wait3A_133 : memref<1x128xi32, #tpu.memory_space<vmem>> -> memref<128xi32, #tpu.memory_space<vmem>>
        %dma_wait3A_135 = arith.constant 0 : i32
        %dma_wait3A_136 = arith.constant 0 : i32
        %dma_wait3A_137 = tpu.memref_slice %arg7[%dma_wait3A_135, %dma_wait3A_136] : memref<10112x128xf32, #tpu.memory_space<vmem_shared>> -> memref<10112x128xf32, #tpu.memory_space<vmem_shared>>
        tpu.wait_indirect_dma semaphore(%run_scoped3A_117 : memref<!tpu.dma_semaphore, #tpu.memory_space<semaphore_mem>>) src(%dma_wait3A_131 : memref<128x128xf32, #tpu.memory_space<vmem>>) dst(%dma_wait3A_137 : memref<10112x128xf32, #tpu.memory_space<vmem_shared>>)
        tpu.yield
      }) : () -> ()
      %add3A_90 = arith.constant 2 : i32
      %add3A_91 = arith.addi %add3A_79, %add3A_90 : i32
      %lt3A = arith.constant 40 : i32
      %lt3A_92 = arith.cmpi slt, %add3A_91, %lt3A : i32
      %convert_element_type3A = arith.extui %lt3A_92 : i1 to i32
      %cond3A = arith.constant 0 : i32
      %cond3A_93 = arith.cmpi ne, %convert_element_type3A, %cond3A : i32
      scf.if %cond3A_93 {
        %dma_start3A_117 = arith.constant 0 : i32
        %dma_start3A_118 = arith.constant 0 : i32
        %dma_start3A_119 = arith.constant 0 : i32
        %dma_start3A_120 = tpu.memref_slice %arg10[%dma_start3A_117, %dma_start3A_118, %dma_start3A_119] : memref<2x128x128xf32, #tpu.memory_space<vmem>> -> memref<1x128x128xf32, #tpu.memory_space<vmem>>
        %dma_start3A_121 = tpu.memref_squeeze %dma_start3A_120 : memref<1x128x128xf32, #tpu.memory_space<vmem>> -> memref<128x128xf32, #tpu.memory_space<vmem>>
        %dma_start3A_122 = arith.constant 0 : i32
        %dma_start3A_123 = tpu.memref_slice %arg8[%add3A_91, %dma_start3A_122] : memref<40x128xi32, #tpu.memory_space<vmem>> -> memref<1x128xi32, #tpu.memory_space<vmem>>
        %dma_start3A_124 = tpu.memref_squeeze %dma_start3A_123 : memref<1x128xi32, #tpu.memory_space<vmem>> -> memref<128xi32, #tpu.memory_space<vmem>>
        %dma_start3A_125 = arith.constant 0 : i32
        %dma_start3A_126 = arith.constant 0 : i32
        %dma_start3A_127 = tpu.memref_slice %arg2[%dma_start3A_125, %dma_start3A_126] : memref<10128x128xf32, #tpu.memory_space<hbm>> -> memref<10128x128xf32, #tpu.memory_space<hbm>>
        tpu.enqueue_indirect_dma source(%dma_start3A_127 : memref<10128x128xf32, #tpu.memory_space<hbm>>) target(%dma_start3A_121 : memref<128x128xf32, #tpu.memory_space<vmem>>) offsets(%dma_start3A_124 : memref<128xi32, #tpu.memory_space<vmem>>) semaphore(%arg11 : memref<!tpu.dma_semaphore, #tpu.memory_space<semaphore_mem>>)
      } else {
      }
      %mul3A_94 = arith.constant 2 : i32
      %mul3A_95 = arith.muli %scan3A_75, %mul3A_94 : i32
      %add3A_96 = arith.constant 1 : i32
      %add3A_97 = arith.addi %mul3A_95, %add3A_96 : i32
      %dma_wait3A_98 = arith.constant 1 : i32
      %dma_wait3A_99 = arith.constant 0 : i32
      %dma_wait3A_100 = arith.constant 0 : i32
      %dma_wait3A_101 = tpu.memref_slice %arg10[%dma_wait3A_98, %dma_wait3A_99, %dma_wait3A_100] : memref<2x128x128xf32, #tpu.memory_space<vmem>> -> memref<1x128x128xf32, #tpu.memory_space<vmem>>
      %dma_wait3A_102 = tpu.memref_squeeze %dma_wait3A_101 : memref<1x128x128xf32, #tpu.memory_space<vmem>> -> memref<128x128xf32, #tpu.memory_space<vmem>>
      %dma_wait3A_103 = arith.constant 0 : i32
      %dma_wait3A_104 = tpu.memref_slice %arg8[%add3A_97, %dma_wait3A_103] : memref<40x128xi32, #tpu.memory_space<vmem>> -> memref<1x128xi32, #tpu.memory_space<vmem>>
      %dma_wait3A_105 = tpu.memref_squeeze %dma_wait3A_104 : memref<1x128xi32, #tpu.memory_space<vmem>> -> memref<128xi32, #tpu.memory_space<vmem>>
      %dma_wait3A_106 = arith.constant 0 : i32
      %dma_wait3A_107 = arith.constant 0 : i32
      %dma_wait3A_108 = tpu.memref_slice %arg2[%dma_wait3A_106, %dma_wait3A_107] : memref<10128x128xf32, #tpu.memory_space<hbm>> -> memref<10128x128xf32, #tpu.memory_space<hbm>>
      tpu.wait_indirect_dma semaphore(%arg12 : memref<!tpu.dma_semaphore, #tpu.memory_space<semaphore_mem>>) src(%dma_wait3A_108 : memref<10128x128xf32, #tpu.memory_space<hbm>>) dst(%dma_wait3A_102 : memref<128x128xf32, #tpu.memory_space<vmem>>)
      %run_scoped3A_109 = arith.constant 1 : i32
      "tpu.region"() ({
        %run_scoped3A_117 = tpu.sem_alloc : memref<!tpu.dma_semaphore, #tpu.memory_space<semaphore_mem>>
        %dma_start3A_118 = arith.constant 0 : i32
        %dma_start3A_119 = arith.constant 0 : i32
        %dma_start3A_120 = tpu.memref_slice %arg10[%run_scoped3A_109, %dma_start3A_118, %dma_start3A_119] : memref<2x128x128xf32, #tpu.memory_space<vmem>> -> memref<1x128x128xf32, #tpu.memory_space<vmem>>
        %dma_start3A_121 = tpu.memref_squeeze %dma_start3A_120 : memref<1x128x128xf32, #tpu.memory_space<vmem>> -> memref<128x128xf32, #tpu.memory_space<vmem>>
        %dma_start3A_122 = arith.constant 0 : i32
        %dma_start3A_123 = tpu.memref_slice %arg9[%add3A_97, %dma_start3A_122] : memref<40x128xi32, #tpu.memory_space<vmem>> -> memref<1x128xi32, #tpu.memory_space<vmem>>
        %dma_start3A_124 = tpu.memref_squeeze %dma_start3A_123 : memref<1x128xi32, #tpu.memory_space<vmem>> -> memref<128xi32, #tpu.memory_space<vmem>>
        %dma_start3A_125 = arith.constant 0 : i32
        %dma_start3A_126 = arith.constant 0 : i32
        %dma_start3A_127 = tpu.memref_slice %arg7[%dma_start3A_125, %dma_start3A_126] : memref<10112x128xf32, #tpu.memory_space<vmem_shared>> -> memref<10112x128xf32, #tpu.memory_space<vmem_shared>>
        tpu.enqueue_indirect_dma source(%dma_start3A_121 : memref<128x128xf32, #tpu.memory_space<vmem>>) target(%dma_start3A_127 : memref<10112x128xf32, #tpu.memory_space<vmem_shared>>) offsets(%dma_start3A_124 : memref<128xi32, #tpu.memory_space<vmem>>) semaphore(%run_scoped3A_117 : memref<!tpu.dma_semaphore, #tpu.memory_space<semaphore_mem>>) {add = true}
        %dma_wait3A_128 = arith.constant 0 : i32
        %dma_wait3A_129 = arith.constant 0 : i32
        %dma_wait3A_130 = tpu.memref_slice %arg10[%run_scoped3A_109, %dma_wait3A_128, %dma_wait3A_129] : memref<2x128x128xf32, #tpu.memory_space<vmem>> -> memref<1x128x128xf32, #tpu.memory_space<vmem>>
        %dma_wait3A_131 = tpu.memref_squeeze %dma_wait3A_130 : memref<1x128x128xf32, #tpu.memory_space<vmem>> -> memref<128x128xf32, #tpu.memory_space<vmem>>
        %dma_wait3A_132 = arith.constant 0 : i32
        %dma_wait3A_133 = tpu.memref_slice %arg9[%add3A_97, %dma_wait3A_132] : memref<40x128xi32, #tpu.memory_space<vmem>> -> memref<1x128xi32, #tpu.memory_space<vmem>>
        %dma_wait3A_134 = tpu.memref_squeeze %dma_wait3A_133 : memref<1x128xi32, #tpu.memory_space<vmem>> -> memref<128xi32, #tpu.memory_space<vmem>>
        %dma_wait3A_135 = arith.constant 0 : i32
        %dma_wait3A_136 = arith.constant 0 : i32
        %dma_wait3A_137 = tpu.memref_slice %arg7[%dma_wait3A_135, %dma_wait3A_136] : memref<10112x128xf32, #tpu.memory_space<vmem_shared>> -> memref<10112x128xf32, #tpu.memory_space<vmem_shared>>
        tpu.wait_indirect_dma semaphore(%run_scoped3A_117 : memref<!tpu.dma_semaphore, #tpu.memory_space<semaphore_mem>>) src(%dma_wait3A_131 : memref<128x128xf32, #tpu.memory_space<vmem>>) dst(%dma_wait3A_137 : memref<10112x128xf32, #tpu.memory_space<vmem_shared>>)
        tpu.yield
      }) : () -> ()
      %add3A_110 = arith.constant 2 : i32
      %add3A_111 = arith.addi %add3A_97, %add3A_110 : i32
      %lt3A_112 = arith.constant 40 : i32
      %lt3A_113 = arith.cmpi slt, %add3A_111, %lt3A_112 : i32
      %convert_element_type3A_114 = arith.extui %lt3A_113 : i1 to i32
      %cond3A_115 = arith.constant 0 : i32
      %cond3A_116 = arith.cmpi ne, %convert_element_type3A_114, %cond3A_115 : i32
      scf.if %cond3A_116 {
        %dma_start3A_117 = arith.constant 1 : i32
        %dma_start3A_118 = arith.constant 0 : i32
        %dma_start3A_119 = arith.constant 0 : i32
        %dma_start3A_120 = tpu.memref_slice %arg10[%dma_start3A_117, %dma_start3A_118, %dma_start3A_119] : memref<2x128x128xf32, #tpu.memory_space<vmem>> -> memref<1x128x128xf32, #tpu.memory_space<vmem>>
        %dma_start3A_121 = tpu.memref_squeeze %dma_start3A_120 : memref<1x128x128xf32, #tpu.memory_space<vmem>> -> memref<128x128xf32, #tpu.memory_space<vmem>>
        %dma_start3A_122 = arith.constant 0 : i32
        %dma_start3A_123 = tpu.memref_slice %arg8[%add3A_111, %dma_start3A_122] : memref<40x128xi32, #tpu.memory_space<vmem>> -> memref<1x128xi32, #tpu.memory_space<vmem>>
        %dma_start3A_124 = tpu.memref_squeeze %dma_start3A_123 : memref<1x128xi32, #tpu.memory_space<vmem>> -> memref<128xi32, #tpu.memory_space<vmem>>
        %dma_start3A_125 = arith.constant 0 : i32
        %dma_start3A_126 = arith.constant 0 : i32
        %dma_start3A_127 = tpu.memref_slice %arg2[%dma_start3A_125, %dma_start3A_126] : memref<10128x128xf32, #tpu.memory_space<hbm>> -> memref<10128x128xf32, #tpu.memory_space<hbm>>
        tpu.enqueue_indirect_dma source(%dma_start3A_127 : memref<10128x128xf32, #tpu.memory_space<hbm>>) target(%dma_start3A_121 : memref<128x128xf32, #tpu.memory_space<vmem>>) offsets(%dma_start3A_124 : memref<128xi32, #tpu.memory_space<vmem>>) semaphore(%arg12 : memref<!tpu.dma_semaphore, #tpu.memory_space<semaphore_mem>>)
      } else {
      }
    }
    %scan3A_35 = arith.constant 20 : i32
    %mul3A_36 = arith.constant 80 : i32
    %mul3A_37 = arith.muli %add3A, %mul3A_36 : i32
    %add3A_38 = arith.constant 40 : i32
    %add3A_39 = arith.addi %mul3A_37, %add3A_38 : i32
    "tpu.region"() ({
      %run_scoped3A = tpu.sem_alloc : memref<!tpu.dma_semaphore, #tpu.memory_space<semaphore_mem>>
      %dma_start3A_75 = arith.constant 0 : i32
      %dma_start3A_76 = tpu.memref_slice %arg3[%add3A_39, %dma_start3A_75] : memref<2560x128xi32, #tpu.memory_space<hbm>> -> memref<40x128xi32, #tpu.memory_space<hbm>>
      %dma_start3A_77 = arith.constant 0 : i32
      %dma_start3A_78 = tpu.memref_slice %arg3[%add3A_39, %dma_start3A_77] : memref<2560x128xi32, #tpu.memory_space<hbm>> -> memref<40x128xi32, #tpu.memory_space<hbm>>
      tpu.enqueue_dma source(%dma_start3A_78 : memref<40x128xi32, #tpu.memory_space<hbm>>) target(%arg8 : memref<40x128xi32, #tpu.memory_space<vmem>>) target_semaphore(%run_scoped3A : memref<!tpu.dma_semaphore, #tpu.memory_space<semaphore_mem>>)
      %dma_wait3A = arith.constant 0 : i32
      %dma_wait3A_79 = tpu.memref_slice %arg3[%add3A_39, %dma_wait3A] : memref<2560x128xi32, #tpu.memory_space<hbm>> -> memref<40x128xi32, #tpu.memory_space<hbm>>
      %dma_wait3A_80 = arith.constant 0 : i32
      %dma_wait3A_81 = tpu.memref_slice %arg3[%add3A_39, %dma_wait3A_80] : memref<2560x128xi32, #tpu.memory_space<hbm>> -> memref<40x128xi32, #tpu.memory_space<hbm>>
      tpu.wait_dma2 semaphore(%run_scoped3A : memref<!tpu.dma_semaphore, #tpu.memory_space<semaphore_mem>>) src(%dma_wait3A_81 : memref<40x128xi32, #tpu.memory_space<hbm>>) dst(%arg8 : memref<40x128xi32, #tpu.memory_space<vmem>>)
      tpu.yield
    }) : () -> ()
    "tpu.region"() ({
      %run_scoped3A = tpu.sem_alloc : memref<!tpu.dma_semaphore, #tpu.memory_space<semaphore_mem>>
      %dma_start3A_75 = arith.constant 0 : i32
      %dma_start3A_76 = tpu.memref_slice %arg4[%add3A_39, %dma_start3A_75] : memref<2560x128xi32, #tpu.memory_space<hbm>> -> memref<40x128xi32, #tpu.memory_space<hbm>>
      %dma_start3A_77 = arith.constant 0 : i32
      %dma_start3A_78 = tpu.memref_slice %arg4[%add3A_39, %dma_start3A_77] : memref<2560x128xi32, #tpu.memory_space<hbm>> -> memref<40x128xi32, #tpu.memory_space<hbm>>
      tpu.enqueue_dma source(%dma_start3A_78 : memref<40x128xi32, #tpu.memory_space<hbm>>) target(%arg9 : memref<40x128xi32, #tpu.memory_space<vmem>>) target_semaphore(%run_scoped3A : memref<!tpu.dma_semaphore, #tpu.memory_space<semaphore_mem>>)
      %dma_wait3A = arith.constant 0 : i32
      %dma_wait3A_79 = tpu.memref_slice %arg4[%add3A_39, %dma_wait3A] : memref<2560x128xi32, #tpu.memory_space<hbm>> -> memref<40x128xi32, #tpu.memory_space<hbm>>
      %dma_wait3A_80 = arith.constant 0 : i32
      %dma_wait3A_81 = tpu.memref_slice %arg4[%add3A_39, %dma_wait3A_80] : memref<2560x128xi32, #tpu.memory_space<hbm>> -> memref<40x128xi32, #tpu.memory_space<hbm>>
      tpu.wait_dma2 semaphore(%run_scoped3A : memref<!tpu.dma_semaphore, #tpu.memory_space<semaphore_mem>>) src(%dma_wait3A_81 : memref<40x128xi32, #tpu.memory_space<hbm>>) dst(%arg9 : memref<40x128xi32, #tpu.memory_space<vmem>>)
      tpu.yield
    }) : () -> ()
    %dma_start3A_40 = arith.constant 0 : i32
    %dma_start3A_41 = arith.constant 0 : i32
    %dma_start3A_42 = arith.constant 0 : i32
    %dma_start3A_43 = arith.constant 0 : i32
    %dma_start3A_44 = tpu.memref_slice %arg10[%dma_start3A_41, %dma_start3A_42, %dma_start3A_43] : memref<2x128x128xf32, #tpu.memory_space<vmem>> -> memref<1x128x128xf32, #tpu.memory_space<vmem>>
    %dma_start3A_45 = tpu.memref_squeeze %dma_start3A_44 : memref<1x128x128xf32, #tpu.memory_space<vmem>> -> memref<128x128xf32, #tpu.memory_space<vmem>>
    %dma_start3A_46 = arith.constant 0 : i32
    %dma_start3A_47 = tpu.memref_slice %arg8[%dma_start3A_40, %dma_start3A_46] : memref<40x128xi32, #tpu.memory_space<vmem>> -> memref<1x128xi32, #tpu.memory_space<vmem>>
    %dma_start3A_48 = tpu.memref_squeeze %dma_start3A_47 : memref<1x128xi32, #tpu.memory_space<vmem>> -> memref<128xi32, #tpu.memory_space<vmem>>
    %dma_start3A_49 = arith.constant 0 : i32
    %dma_start3A_50 = arith.constant 0 : i32
    %dma_start3A_51 = tpu.memref_slice %arg2[%dma_start3A_49, %dma_start3A_50] : memref<10128x128xf32, #tpu.memory_space<hbm>> -> memref<10128x128xf32, #tpu.memory_space<hbm>>
    tpu.enqueue_indirect_dma source(%dma_start3A_51 : memref<10128x128xf32, #tpu.memory_space<hbm>>) target(%dma_start3A_45 : memref<128x128xf32, #tpu.memory_space<vmem>>) offsets(%dma_start3A_48 : memref<128xi32, #tpu.memory_space<vmem>>) semaphore(%arg11 : memref<!tpu.dma_semaphore, #tpu.memory_space<semaphore_mem>>)
    %dma_start3A_52 = arith.constant 1 : i32
    %dma_start3A_53 = arith.constant 1 : i32
    %dma_start3A_54 = arith.constant 0 : i32
    %dma_start3A_55 = arith.constant 0 : i32
    %dma_start3A_56 = tpu.memref_slice %arg10[%dma_start3A_53, %dma_start3A_54, %dma_start3A_55] : memref<2x128x128xf32, #tpu.memory_space<vmem>> -> memref<1x128x128xf32, #tpu.memory_space<vmem>>
    %dma_start3A_57 = tpu.memref_squeeze %dma_start3A_56 : memref<1x128x128xf32, #tpu.memory_space<vmem>> -> memref<128x128xf32, #tpu.memory_space<vmem>>
    %dma_start3A_58 = arith.constant 0 : i32
    %dma_start3A_59 = tpu.memref_slice %arg8[%dma_start3A_52, %dma_start3A_58] : memref<40x128xi32, #tpu.memory_space<vmem>> -> memref<1x128xi32, #tpu.memory_space<vmem>>
    %dma_start3A_60 = tpu.memref_squeeze %dma_start3A_59 : memref<1x128xi32, #tpu.memory_space<vmem>> -> memref<128xi32, #tpu.memory_space<vmem>>
    %dma_start3A_61 = arith.constant 0 : i32
    %dma_start3A_62 = arith.constant 0 : i32
    %dma_start3A_63 = tpu.memref_slice %arg2[%dma_start3A_61, %dma_start3A_62] : memref<10128x128xf32, #tpu.memory_space<hbm>> -> memref<10128x128xf32, #tpu.memory_space<hbm>>
    tpu.enqueue_indirect_dma source(%dma_start3A_63 : memref<10128x128xf32, #tpu.memory_space<hbm>>) target(%dma_start3A_57 : memref<128x128xf32, #tpu.memory_space<vmem>>) offsets(%dma_start3A_60 : memref<128xi32, #tpu.memory_space<vmem>>) semaphore(%arg12 : memref<!tpu.dma_semaphore, #tpu.memory_space<semaphore_mem>>)
    %scan3A_64 = arith.constant 0 : i32
    %scan3A_65 = arith.constant 0 : i32
    %scan3A_66 = arith.constant 20 : i32
    %scan3A_67 = arith.addi %scan3A_65, %scan3A_66 : i32
    %scan3A_68 = arith.constant 1 : i32
    scf.for %scan3A_75 = %scan3A_65 to %scan3A_67 step %scan3A_68  : i32 {
      %mul3A_76 = arith.constant 2 : i32
      %mul3A_77 = arith.muli %scan3A_75, %mul3A_76 : i32
      %add3A_78 = arith.constant 0 : i32
      %add3A_79 = arith.addi %mul3A_77, %add3A_78 : i32
      %dma_wait3A = arith.constant 0 : i32
      %dma_wait3A_80 = arith.constant 0 : i32
      %dma_wait3A_81 = arith.constant 0 : i32
      %dma_wait3A_82 = tpu.memref_slice %arg10[%dma_wait3A, %dma_wait3A_80, %dma_wait3A_81] : memref<2x128x128xf32, #tpu.memory_space<vmem>> -> memref<1x128x128xf32, #tpu.memory_space<vmem>>
      %dma_wait3A_83 = tpu.memref_squeeze %dma_wait3A_82 : memref<1x128x128xf32, #tpu.memory_space<vmem>> -> memref<128x128xf32, #tpu.memory_space<vmem>>
      %dma_wait3A_84 = arith.constant 0 : i32
      %dma_wait3A_85 = tpu.memref_slice %arg8[%add3A_79, %dma_wait3A_84] : memref<40x128xi32, #tpu.memory_space<vmem>> -> memref<1x128xi32, #tpu.memory_space<vmem>>
      %dma_wait3A_86 = tpu.memref_squeeze %dma_wait3A_85 : memref<1x128xi32, #tpu.memory_space<vmem>> -> memref<128xi32, #tpu.memory_space<vmem>>
      %dma_wait3A_87 = arith.constant 0 : i32
      %dma_wait3A_88 = arith.constant 0 : i32
      %dma_wait3A_89 = tpu.memref_slice %arg2[%dma_wait3A_87, %dma_wait3A_88] : memref<10128x128xf32, #tpu.memory_space<hbm>> -> memref<10128x128xf32, #tpu.memory_space<hbm>>
      tpu.wait_indirect_dma semaphore(%arg11 : memref<!tpu.dma_semaphore, #tpu.memory_space<semaphore_mem>>) src(%dma_wait3A_89 : memref<10128x128xf32, #tpu.memory_space<hbm>>) dst(%dma_wait3A_83 : memref<128x128xf32, #tpu.memory_space<vmem>>)
      %run_scoped3A = arith.constant 0 : i32
      "tpu.region"() ({
        %run_scoped3A_117 = tpu.sem_alloc : memref<!tpu.dma_semaphore, #tpu.memory_space<semaphore_mem>>
        %dma_start3A_118 = arith.constant 0 : i32
        %dma_start3A_119 = arith.constant 0 : i32
        %dma_start3A_120 = tpu.memref_slice %arg10[%run_scoped3A, %dma_start3A_118, %dma_start3A_119] : memref<2x128x128xf32, #tpu.memory_space<vmem>> -> memref<1x128x128xf32, #tpu.memory_space<vmem>>
        %dma_start3A_121 = tpu.memref_squeeze %dma_start3A_120 : memref<1x128x128xf32, #tpu.memory_space<vmem>> -> memref<128x128xf32, #tpu.memory_space<vmem>>
        %dma_start3A_122 = arith.constant 0 : i32
        %dma_start3A_123 = tpu.memref_slice %arg9[%add3A_79, %dma_start3A_122] : memref<40x128xi32, #tpu.memory_space<vmem>> -> memref<1x128xi32, #tpu.memory_space<vmem>>
        %dma_start3A_124 = tpu.memref_squeeze %dma_start3A_123 : memref<1x128xi32, #tpu.memory_space<vmem>> -> memref<128xi32, #tpu.memory_space<vmem>>
        %dma_start3A_125 = arith.constant 0 : i32
        %dma_start3A_126 = arith.constant 0 : i32
        %dma_start3A_127 = tpu.memref_slice %arg7[%dma_start3A_125, %dma_start3A_126] : memref<10112x128xf32, #tpu.memory_space<vmem_shared>> -> memref<10112x128xf32, #tpu.memory_space<vmem_shared>>
        tpu.enqueue_indirect_dma source(%dma_start3A_121 : memref<128x128xf32, #tpu.memory_space<vmem>>) target(%dma_start3A_127 : memref<10112x128xf32, #tpu.memory_space<vmem_shared>>) offsets(%dma_start3A_124 : memref<128xi32, #tpu.memory_space<vmem>>) semaphore(%run_scoped3A_117 : memref<!tpu.dma_semaphore, #tpu.memory_space<semaphore_mem>>) {add = true}
        %dma_wait3A_128 = arith.constant 0 : i32
        %dma_wait3A_129 = arith.constant 0 : i32
        %dma_wait3A_130 = tpu.memref_slice %arg10[%run_scoped3A, %dma_wait3A_128, %dma_wait3A_129] : memref<2x128x128xf32, #tpu.memory_space<vmem>> -> memref<1x128x128xf32, #tpu.memory_space<vmem>>
        %dma_wait3A_131 = tpu.memref_squeeze %dma_wait3A_130 : memref<1x128x128xf32, #tpu.memory_space<vmem>> -> memref<128x128xf32, #tpu.memory_space<vmem>>
        %dma_wait3A_132 = arith.constant 0 : i32
        %dma_wait3A_133 = tpu.memref_slice %arg9[%add3A_79, %dma_wait3A_132] : memref<40x128xi32, #tpu.memory_space<vmem>> -> memref<1x128xi32, #tpu.memory_space<vmem>>
        %dma_wait3A_134 = tpu.memref_squeeze %dma_wait3A_133 : memref<1x128xi32, #tpu.memory_space<vmem>> -> memref<128xi32, #tpu.memory_space<vmem>>
        %dma_wait3A_135 = arith.constant 0 : i32
        %dma_wait3A_136 = arith.constant 0 : i32
        %dma_wait3A_137 = tpu.memref_slice %arg7[%dma_wait3A_135, %dma_wait3A_136] : memref<10112x128xf32, #tpu.memory_space<vmem_shared>> -> memref<10112x128xf32, #tpu.memory_space<vmem_shared>>
        tpu.wait_indirect_dma semaphore(%run_scoped3A_117 : memref<!tpu.dma_semaphore, #tpu.memory_space<semaphore_mem>>) src(%dma_wait3A_131 : memref<128x128xf32, #tpu.memory_space<vmem>>) dst(%dma_wait3A_137 : memref<10112x128xf32, #tpu.memory_space<vmem_shared>>)
        tpu.yield
      }) : () -> ()
      %add3A_90 = arith.constant 2 : i32
      %add3A_91 = arith.addi %add3A_79, %add3A_90 : i32
      %lt3A = arith.constant 40 : i32
      %lt3A_92 = arith.cmpi slt, %add3A_91, %lt3A : i32
      %convert_element_type3A = arith.extui %lt3A_92 : i1 to i32
      %cond3A = arith.constant 0 : i32
      %cond3A_93 = arith.cmpi ne, %convert_element_type3A, %cond3A : i32
      scf.if %cond3A_93 {
        %dma_start3A_117 = arith.constant 0 : i32
        %dma_start3A_118 = arith.constant 0 : i32
        %dma_start3A_119 = arith.constant 0 : i32
        %dma_start3A_120 = tpu.memref_slice %arg10[%dma_start3A_117, %dma_start3A_118, %dma_start3A_119] : memref<2x128x128xf32, #tpu.memory_space<vmem>> -> memref<1x128x128xf32, #tpu.memory_space<vmem>>
        %dma_start3A_121 = tpu.memref_squeeze %dma_start3A_120 : memref<1x128x128xf32, #tpu.memory_space<vmem>> -> memref<128x128xf32, #tpu.memory_space<vmem>>
        %dma_start3A_122 = arith.constant 0 : i32
        %dma_start3A_123 = tpu.memref_slice %arg8[%add3A_91, %dma_start3A_122] : memref<40x128xi32, #tpu.memory_space<vmem>> -> memref<1x128xi32, #tpu.memory_space<vmem>>
        %dma_start3A_124 = tpu.memref_squeeze %dma_start3A_123 : memref<1x128xi32, #tpu.memory_space<vmem>> -> memref<128xi32, #tpu.memory_space<vmem>>
        %dma_start3A_125 = arith.constant 0 : i32
        %dma_start3A_126 = arith.constant 0 : i32
        %dma_start3A_127 = tpu.memref_slice %arg2[%dma_start3A_125, %dma_start3A_126] : memref<10128x128xf32, #tpu.memory_space<hbm>> -> memref<10128x128xf32, #tpu.memory_space<hbm>>
        tpu.enqueue_indirect_dma source(%dma_start3A_127 : memref<10128x128xf32, #tpu.memory_space<hbm>>) target(%dma_start3A_121 : memref<128x128xf32, #tpu.memory_space<vmem>>) offsets(%dma_start3A_124 : memref<128xi32, #tpu.memory_space<vmem>>) semaphore(%arg11 : memref<!tpu.dma_semaphore, #tpu.memory_space<semaphore_mem>>)
      } else {
      }
      %mul3A_94 = arith.constant 2 : i32
      %mul3A_95 = arith.muli %scan3A_75, %mul3A_94 : i32
      %add3A_96 = arith.constant 1 : i32
      %add3A_97 = arith.addi %mul3A_95, %add3A_96 : i32
      %dma_wait3A_98 = arith.constant 1 : i32
      %dma_wait3A_99 = arith.constant 0 : i32
      %dma_wait3A_100 = arith.constant 0 : i32
      %dma_wait3A_101 = tpu.memref_slice %arg10[%dma_wait3A_98, %dma_wait3A_99, %dma_wait3A_100] : memref<2x128x128xf32, #tpu.memory_space<vmem>> -> memref<1x128x128xf32, #tpu.memory_space<vmem>>
      %dma_wait3A_102 = tpu.memref_squeeze %dma_wait3A_101 : memref<1x128x128xf32, #tpu.memory_space<vmem>> -> memref<128x128xf32, #tpu.memory_space<vmem>>
      %dma_wait3A_103 = arith.constant 0 : i32
      %dma_wait3A_104 = tpu.memref_slice %arg8[%add3A_97, %dma_wait3A_103] : memref<40x128xi32, #tpu.memory_space<vmem>> -> memref<1x128xi32, #tpu.memory_space<vmem>>
      %dma_wait3A_105 = tpu.memref_squeeze %dma_wait3A_104 : memref<1x128xi32, #tpu.memory_space<vmem>> -> memref<128xi32, #tpu.memory_space<vmem>>
      %dma_wait3A_106 = arith.constant 0 : i32
      %dma_wait3A_107 = arith.constant 0 : i32
      %dma_wait3A_108 = tpu.memref_slice %arg2[%dma_wait3A_106, %dma_wait3A_107] : memref<10128x128xf32, #tpu.memory_space<hbm>> -> memref<10128x128xf32, #tpu.memory_space<hbm>>
      tpu.wait_indirect_dma semaphore(%arg12 : memref<!tpu.dma_semaphore, #tpu.memory_space<semaphore_mem>>) src(%dma_wait3A_108 : memref<10128x128xf32, #tpu.memory_space<hbm>>) dst(%dma_wait3A_102 : memref<128x128xf32, #tpu.memory_space<vmem>>)
      %run_scoped3A_109 = arith.constant 1 : i32
      "tpu.region"() ({
        %run_scoped3A_117 = tpu.sem_alloc : memref<!tpu.dma_semaphore, #tpu.memory_space<semaphore_mem>>
        %dma_start3A_118 = arith.constant 0 : i32
        %dma_start3A_119 = arith.constant 0 : i32
        %dma_start3A_120 = tpu.memref_slice %arg10[%run_scoped3A_109, %dma_start3A_118, %dma_start3A_119] : memref<2x128x128xf32, #tpu.memory_space<vmem>> -> memref<1x128x128xf32, #tpu.memory_space<vmem>>
        %dma_start3A_121 = tpu.memref_squeeze %dma_start3A_120 : memref<1x128x128xf32, #tpu.memory_space<vmem>> -> memref<128x128xf32, #tpu.memory_space<vmem>>
        %dma_start3A_122 = arith.constant 0 : i32
        %dma_start3A_123 = tpu.memref_slice %arg9[%add3A_97, %dma_start3A_122] : memref<40x128xi32, #tpu.memory_space<vmem>> -> memref<1x128xi32, #tpu.memory_space<vmem>>
        %dma_start3A_124 = tpu.memref_squeeze %dma_start3A_123 : memref<1x128xi32, #tpu.memory_space<vmem>> -> memref<128xi32, #tpu.memory_space<vmem>>
        %dma_start3A_125 = arith.constant 0 : i32
        %dma_start3A_126 = arith.constant 0 : i32
        %dma_start3A_127 = tpu.memref_slice %arg7[%dma_start3A_125, %dma_start3A_126] : memref<10112x128xf32, #tpu.memory_space<vmem_shared>> -> memref<10112x128xf32, #tpu.memory_space<vmem_shared>>
        tpu.enqueue_indirect_dma source(%dma_start3A_121 : memref<128x128xf32, #tpu.memory_space<vmem>>) target(%dma_start3A_127 : memref<10112x128xf32, #tpu.memory_space<vmem_shared>>) offsets(%dma_start3A_124 : memref<128xi32, #tpu.memory_space<vmem>>) semaphore(%run_scoped3A_117 : memref<!tpu.dma_semaphore, #tpu.memory_space<semaphore_mem>>) {add = true}
        %dma_wait3A_128 = arith.constant 0 : i32
        %dma_wait3A_129 = arith.constant 0 : i32
        %dma_wait3A_130 = tpu.memref_slice %arg10[%run_scoped3A_109, %dma_wait3A_128, %dma_wait3A_129] : memref<2x128x128xf32, #tpu.memory_space<vmem>> -> memref<1x128x128xf32, #tpu.memory_space<vmem>>
        %dma_wait3A_131 = tpu.memref_squeeze %dma_wait3A_130 : memref<1x128x128xf32, #tpu.memory_space<vmem>> -> memref<128x128xf32, #tpu.memory_space<vmem>>
        %dma_wait3A_132 = arith.constant 0 : i32
        %dma_wait3A_133 = tpu.memref_slice %arg9[%add3A_97, %dma_wait3A_132] : memref<40x128xi32, #tpu.memory_space<vmem>> -> memref<1x128xi32, #tpu.memory_space<vmem>>
        %dma_wait3A_134 = tpu.memref_squeeze %dma_wait3A_133 : memref<1x128xi32, #tpu.memory_space<vmem>> -> memref<128xi32, #tpu.memory_space<vmem>>
        %dma_wait3A_135 = arith.constant 0 : i32
        %dma_wait3A_136 = arith.constant 0 : i32
        %dma_wait3A_137 = tpu.memref_slice %arg7[%dma_wait3A_135, %dma_wait3A_136] : memref<10112x128xf32, #tpu.memory_space<vmem_shared>> -> memref<10112x128xf32, #tpu.memory_space<vmem_shared>>
        tpu.wait_indirect_dma semaphore(%run_scoped3A_117 : memref<!tpu.dma_semaphore, #tpu.memory_space<semaphore_mem>>) src(%dma_wait3A_131 : memref<128x128xf32, #tpu.memory_space<vmem>>) dst(%dma_wait3A_137 : memref<10112x128xf32, #tpu.memory_space<vmem_shared>>)
        tpu.yield
      }) : () -> ()
      %add3A_110 = arith.constant 2 : i32
      %add3A_111 = arith.addi %add3A_97, %add3A_110 : i32
      %lt3A_112 = arith.constant 40 : i32
      %lt3A_113 = arith.cmpi slt, %add3A_111, %lt3A_112 : i32
      %convert_element_type3A_114 = arith.extui %lt3A_113 : i1 to i32
      %cond3A_115 = arith.constant 0 : i32
      %cond3A_116 = arith.cmpi ne, %convert_element_type3A_114, %cond3A_115 : i32
      scf.if %cond3A_116 {
        %dma_start3A_117 = arith.constant 1 : i32
        %dma_start3A_118 = arith.constant 0 : i32
        %dma_start3A_119 = arith.constant 0 : i32
        %dma_start3A_120 = tpu.memref_slice %arg10[%dma_start3A_117, %dma_start3A_118, %dma_start3A_119] : memref<2x128x128xf32, #tpu.memory_space<vmem>> -> memref<1x128x128xf32, #tpu.memory_space<vmem>>
        %dma_start3A_121 = tpu.memref_squeeze %dma_start3A_120 : memref<1x128x128xf32, #tpu.memory_space<vmem>> -> memref<128x128xf32, #tpu.memory_space<vmem>>
        %dma_start3A_122 = arith.constant 0 : i32
        %dma_start3A_123 = tpu.memref_slice %arg8[%add3A_111, %dma_start3A_122] : memref<40x128xi32, #tpu.memory_space<vmem>> -> memref<1x128xi32, #tpu.memory_space<vmem>>
        %dma_start3A_124 = tpu.memref_squeeze %dma_start3A_123 : memref<1x128xi32, #tpu.memory_space<vmem>> -> memref<128xi32, #tpu.memory_space<vmem>>
        %dma_start3A_125 = arith.constant 0 : i32
        %dma_start3A_126 = arith.constant 0 : i32
        %dma_start3A_127 = tpu.memref_slice %arg2[%dma_start3A_125, %dma_start3A_126] : memref<10128x128xf32, #tpu.memory_space<hbm>> -> memref<10128x128xf32, #tpu.memory_space<hbm>>
        tpu.enqueue_indirect_dma source(%dma_start3A_127 : memref<10128x128xf32, #tpu.memory_space<hbm>>) target(%dma_start3A_121 : memref<128x128xf32, #tpu.memory_space<vmem>>) offsets(%dma_start3A_124 : memref<128xi32, #tpu.memory_space<vmem>>) semaphore(%arg12 : memref<!tpu.dma_semaphore, #tpu.memory_space<semaphore_mem>>)
      } else {
      }
    }
    %scan3A_69 = arith.constant 20 : i32
    %barrier3A_70 = arith.constant 0 : index
    tpu.barrier barrier_id(%barrier3A_70)
    %mul3A_71 = arith.constant 632 : i32
    %mul3A_72 = arith.muli %arg1, %mul3A_71 : i32
    %mul3A_73 = arith.constant 632 : i32
    %mul3A_74 = arith.muli %arg1, %mul3A_73 : i32
    "tpu.region"() ({
      %run_scoped3A = tpu.sem_alloc : memref<!tpu.dma_semaphore, #tpu.memory_space<semaphore_mem>>
      %dma_start3A_75 = arith.constant 0 : i32
      %dma_start3A_76 = arith.constant 0 : i32
      %dma_start3A_77 = tpu.memref_slice %arg6[%arg0, %dma_start3A_75, %dma_start3A_76] : memref<2x10112x128xf32, #tpu.memory_space<hbm>> -> memref<1x10112x128xf32, #tpu.memory_space<hbm>>
      %dma_start3A_78 = tpu.memref_squeeze %dma_start3A_77 : memref<1x10112x128xf32, #tpu.memory_space<hbm>> -> memref<10112x128xf32, #tpu.memory_space<hbm>>
      %dma_start3A_79 = arith.constant 0 : i32
      %dma_start3A_80 = tpu.memref_slice %dma_start3A_78[%mul3A_74, %dma_start3A_79] : memref<10112x128xf32, #tpu.memory_space<hbm>> -> memref<632x128xf32, #tpu.memory_space<hbm>>
      %dma_start3A_81 = arith.constant 0 : i32
      %dma_start3A_82 = tpu.memref_slice %arg7[%mul3A_72, %dma_start3A_81] : memref<10112x128xf32, #tpu.memory_space<vmem_shared>> -> memref<632x128xf32, #tpu.memory_space<vmem_shared>>
      tpu.enqueue_dma source(%dma_start3A_82 : memref<632x128xf32, #tpu.memory_space<vmem_shared>>) target(%dma_start3A_80 : memref<632x128xf32, #tpu.memory_space<hbm>>) target_semaphore(%run_scoped3A : memref<!tpu.dma_semaphore, #tpu.memory_space<semaphore_mem>>)
      %dma_wait3A = arith.constant 0 : i32
      %dma_wait3A_83 = arith.constant 0 : i32
      %dma_wait3A_84 = tpu.memref_slice %arg6[%arg0, %dma_wait3A, %dma_wait3A_83] : memref<2x10112x128xf32, #tpu.memory_space<hbm>> -> memref<1x10112x128xf32, #tpu.memory_space<hbm>>
      %dma_wait3A_85 = tpu.memref_squeeze %dma_wait3A_84 : memref<1x10112x128xf32, #tpu.memory_space<hbm>> -> memref<10112x128xf32, #tpu.memory_space<hbm>>
      %dma_wait3A_86 = arith.constant 0 : i32
      %dma_wait3A_87 = tpu.memref_slice %dma_wait3A_85[%mul3A_74, %dma_wait3A_86] : memref<10112x128xf32, #tpu.memory_space<hbm>> -> memref<632x128xf32, #tpu.memory_space<hbm>>
      %dma_wait3A_88 = arith.constant 0 : i32
      %dma_wait3A_89 = tpu.memref_slice %arg7[%mul3A_72, %dma_wait3A_88] : memref<10112x128xf32, #tpu.memory_space<vmem_shared>> -> memref<632x128xf32, #tpu.memory_space<vmem_shared>>
      tpu.wait_dma2 semaphore(%run_scoped3A : memref<!tpu.dma_semaphore, #tpu.memory_space<semaphore_mem>>) src(%dma_wait3A_89 : memref<632x128xf32, #tpu.memory_space<vmem_shared>>) dst(%dma_wait3A_87 : memref<632x128xf32, #tpu.memory_space<hbm>>)
      tpu.yield
    }) : () -> ()
    return
  }
}

module attributes {stable_mosaic.version = 14 : i64} {
  func.func @_layer_body(%arg0: i32, %arg1: memref<1x1000x128xf32, #tpu.memory_space<vmem>>, %arg2: memref<1x1000x128xf32, #tpu.memory_space<vmem>>, %arg3: memref<1x1000x128xf32, #tpu.memory_space<vmem>>, %arg4: memref<1x1000x128xf32, #tpu.memory_space<vmem>>, %arg5: memref<1000x128xf32, #tpu.memory_space<vmem>>, %arg6: memref<128x128xf32, #tpu.memory_space<vmem>>, %arg7: memref<1x128xf32, #tpu.memory_space<vmem>>, %arg8: memref<128x128xf32, #tpu.memory_space<vmem>>, %arg9: memref<1000x128xf32, #tpu.memory_space<vmem>>) attributes {dimension_semantics = [#tpu.dimension_semantics<arbitrary>], iteration_bounds = array<i64: 11>, scalar_prefetch = 0 : i64, scratch_operands = 0 : i64, tpu.core_type = #tpu.core_type<tc>, window_params = [{transform_indices = @transform_0, window_bounds = array<i64: 1, 1000, 128>}, {transform_indices = @transform_1, window_bounds = array<i64: 1, 1000, 128>}, {transform_indices = @transform_2, window_bounds = array<i64: 1, 1000, 128>}, {transform_indices = @transform_3, window_bounds = array<i64: 1, 1000, 128>}, {transform_indices = @transform_4, window_bounds = array<i64: 1000, 128>}, {pipeline_mode = #tpu.pipeline_mode<synchronous>, transform_indices = @transform_5, window_bounds = array<i64: 128, 128>}, {pipeline_mode = #tpu.pipeline_mode<synchronous>, transform_indices = @transform_6, window_bounds = array<i64: 1, 128>}, {pipeline_mode = #tpu.pipeline_mode<synchronous>, transform_indices = @transform_7, window_bounds = array<i64: 128, 128>}, {transform_indices = @transform_8, window_bounds = array<i64: 1000, 128>}]} {
    %get3A = arith.constant 0 : index
    %get3A_0 = arith.constant 0 : index
    %get3A_1 = arith.constant 0 : index
    %get3A_2 = vector.load %arg3[%get3A, %get3A_0, %get3A_1] : memref<1x1000x128xf32, #tpu.memory_space<vmem>>, vector<1x1000x1xf32>
    %get3A_3 = vector.shape_cast %get3A_2 : vector<1x1000x1xf32> to vector<1000x1xf32>
    %get3A_4 = arith.constant 0 : index
    %get3A_5 = arith.constant 0 : index
    %get3A_6 = arith.constant 0 : index
    %get3A_7 = vector.load %arg4[%get3A_4, %get3A_5, %get3A_6] : memref<1x1000x128xf32, #tpu.memory_space<vmem>>, vector<1x1000x1xf32>
    %get3A_8 = vector.shape_cast %get3A_7 : vector<1x1000x1xf32> to vector<1000x1xf32>
    %add3A = arith.addf %get3A_3, %get3A_8 : vector<1000x1xf32>
    %mul3A = arith.constant 1000 : i32
    %mul3A_9 = arith.muli %arg0, %mul3A : i32
    %iota3A = tpu.iota {dimensions = array<i32: 0>} : vector<1000x1xi32>
    %add3A_10 = vector.broadcast %mul3A_9 : i32 to vector<1000x1xi32>
    %add3A_11 = arith.addi %add3A_10, %iota3A : vector<1000x1xi32>
    %lt3A = arith.constant 7680 : i32
    %lt3A_12 = vector.broadcast %lt3A : i32 to vector<1000x1xi32>
    %lt3A_13 = arith.cmpi slt, %add3A_11, %lt3A_12 : vector<1000x1xi32>
    %jit3A = arith.constant 1.000000e+00 : f32
    %jit3A_14 = arith.constant 0.000000e+00 : f32
    %broadcast_in_dim3A = vector.broadcast %jit3A : f32 to vector<1000x1xf32>
    %broadcast_in_dim3A_15 = vector.broadcast %jit3A_14 : f32 to vector<1000x1xf32>
    %select_n3A = arith.select %lt3A_13, %broadcast_in_dim3A, %broadcast_in_dim3A_15 : vector<1000x1xi1>, vector<1000x1xf32>
    %sub3A = arith.subf %add3A, %select_n3A : vector<1000x1xf32>
    %max3A = arith.constant 1.000000e+00 : f32
    %max3A_16 = vector.broadcast %max3A : f32 to vector<1000x1xf32>
    %max3A_17 = arith.maximumf %sub3A, %max3A_16 : vector<1000x1xf32>
    %div3A = arith.constant 1.000000e+00 : f32
    %div3A_18 = vector.broadcast %div3A : f32 to vector<1000x1xf32>
    %div3A_19 = arith.divf %div3A_18, %max3A_17 : vector<1000x1xf32>
    %get3A_20 = arith.constant 0 : index
    %get3A_21 = arith.constant 0 : index
    %get3A_22 = arith.constant 0 : index
    %get3A_23 = vector.load %arg1[%get3A_20, %get3A_21, %get3A_22] : memref<1x1000x128xf32, #tpu.memory_space<vmem>>, vector<1x1000x128xf32>
    %get3A_24 = vector.shape_cast %get3A_23 : vector<1x1000x128xf32> to vector<1000x128xf32>
    %get3A_25 = arith.constant 0 : index
    %get3A_26 = arith.constant 0 : index
    %get3A_27 = arith.constant 0 : index
    %get3A_28 = vector.load %arg2[%get3A_25, %get3A_26, %get3A_27] : memref<1x1000x128xf32, #tpu.memory_space<vmem>>, vector<1x1000x128xf32>
    %get3A_29 = vector.shape_cast %get3A_28 : vector<1x1000x128xf32> to vector<1000x128xf32>
    %add3A_30 = arith.addf %get3A_24, %get3A_29 : vector<1000x128xf32>
    %mul3A_31 = vector.broadcast %div3A_19 : vector<1000x1xf32> to vector<1000x128xf32>
    %mul3A_32 = arith.mulf %add3A_30, %mul3A_31 : vector<1000x128xf32>
    %get3A_33 = arith.constant 0 : index
    %get3A_34 = arith.constant 0 : index
    %get3A_35 = vector.load %arg6[%get3A_33, %get3A_34] : memref<128x128xf32, #tpu.memory_space<vmem>>, vector<128x128xf32>
    %dot_general3A = arith.constant dense<0.000000e+00> : vector<1000x128xf32>
    %dot_general3A_36 = tpu.matmul %mul3A_32, %get3A_35, %dot_general3A {dimension_numbers = #tpu.dot_dimension_numbers<[1], [0], [0], [1], [0, 0, 1, 1], [], []>, transpose_lhs_hint = false} : vector<1000x128xf32>, vector<128x128xf32>, vector<1000x128xf32> -> vector<1000x128xf32>
    %get3A_37 = arith.constant 0 : index
    %get3A_38 = arith.constant 0 : index
    %get3A_39 = vector.load %arg7[%get3A_37, %get3A_38] : memref<1x128xf32, #tpu.memory_space<vmem>>, vector<1x128xf32>
    %add3A_40 = vector.broadcast %get3A_39 : vector<1x128xf32> to vector<1000x128xf32>
    %add3A_41 = arith.addf %dot_general3A_36, %add3A_40 : vector<1000x128xf32>
    %get3A_42 = arith.constant 0 : index
    %get3A_43 = arith.constant 0 : index
    %get3A_44 = vector.load %arg5[%get3A_42, %get3A_43] : memref<1000x128xf32, #tpu.memory_space<vmem>>, vector<1000x128xf32>
    %get3A_45 = arith.constant 0 : index
    %get3A_46 = arith.constant 0 : index
    %get3A_47 = vector.load %arg8[%get3A_45, %get3A_46] : memref<128x128xf32, #tpu.memory_space<vmem>>, vector<128x128xf32>
    %dot_general3A_48 = arith.constant dense<0.000000e+00> : vector<1000x128xf32>
    %dot_general3A_49 = tpu.matmul %get3A_44, %get3A_47, %dot_general3A_48 {dimension_numbers = #tpu.dot_dimension_numbers<[1], [0], [0], [1], [0, 0, 1, 1], [], []>, transpose_lhs_hint = false} : vector<1000x128xf32>, vector<128x128xf32>, vector<1000x128xf32> -> vector<1000x128xf32>
    %add3A_50 = arith.addf %add3A_41, %dot_general3A_49 : vector<1000x128xf32>
    %lt3A_51 = arith.constant 10000 : i32
    %lt3A_52 = vector.broadcast %lt3A_51 : i32 to vector<1000x1xi32>
    %lt3A_53 = arith.cmpi slt, %add3A_11, %lt3A_52 : vector<1000x1xi32>
    %gt3A = arith.constant 0.000000e+00 : f32
    %gt3A_54 = vector.broadcast %gt3A : f32 to vector<1000x128xf32>
    %gt3A_55 = arith.cmpf ogt, %add3A_50, %gt3A_54 : vector<1000x128xf32>
    %exp3A = math.exp %add3A_50 : vector<1000x128xf32>
    %sub3A_56 = arith.constant 1.000000e+00 : f32
    %sub3A_57 = vector.broadcast %sub3A_56 : f32 to vector<1000x128xf32>
    %sub3A_58 = arith.subf %exp3A, %sub3A_57 : vector<1000x128xf32>
    %select_n3A_59 = arith.select %gt3A_55, %add3A_50, %sub3A_58 : vector<1000x128xi1>, vector<1000x128xf32>
    %jit3A_60 = arith.constant 0.000000e+00 : f32
    %broadcast_in_dim3A_61 = vector.shape_cast %lt3A_53 : vector<1000x1xi1> to vector<1000x1xi1>
    %broadcast_in_dim3A_62 = vector.broadcast %broadcast_in_dim3A_61 : vector<1000x1xi1> to vector<1000x128xi1>
    %broadcast_in_dim3A_63 = vector.broadcast %jit3A_60 : f32 to vector<1000x128xf32>
    %select_n3A_64 = arith.select %broadcast_in_dim3A_62, %select_n3A_59, %broadcast_in_dim3A_63 : vector<1000x128xi1>, vector<1000x128xf32>
    %swap3A = arith.constant 0 : index
    %swap3A_65 = arith.constant 0 : index
    %swap3A_66 = vector.load %arg9[%swap3A, %swap3A_65] : memref<1000x128xf32, #tpu.memory_space<vmem>>, vector<1000x128xf32>
    tpu.vector_store %arg9[%swap3A, %swap3A_65], %select_n3A_64 {strides = array<i32>} : memref<1000x128xf32, #tpu.memory_space<vmem>>, vector<1000x128xf32>,
    return
  }
  func.func @transform_0(%arg0: i32) -> (i32, i32, i32) {
    %c0_i32 = arith.constant 0 : i32
    %c0_i32_0 = arith.constant 0 : i32
    %c0_i32_1 = arith.constant 0 : i32
    return %c0_i32, %arg0, %c0_i32_0 : i32, i32, i32
  }
  func.func @transform_1(%arg0: i32) -> (i32, i32, i32) {
    %c1_i32 = arith.constant 1 : i32
    %c0_i32 = arith.constant 0 : i32
    %c0_i32_0 = arith.constant 0 : i32
    return %c1_i32, %arg0, %c0_i32 : i32, i32, i32
  }
  func.func @transform_2(%arg0: i32) -> (i32, i32, i32) {
    %c0_i32 = arith.constant 0 : i32
    %c0_i32_0 = arith.constant 0 : i32
    %c0_i32_1 = arith.constant 0 : i32
    return %c0_i32, %arg0, %c0_i32_0 : i32, i32, i32
  }
  func.func @transform_3(%arg0: i32) -> (i32, i32, i32) {
    %c1_i32 = arith.constant 1 : i32
    %c0_i32 = arith.constant 0 : i32
    %c0_i32_0 = arith.constant 0 : i32
    return %c1_i32, %arg0, %c0_i32 : i32, i32, i32
  }
  func.func @transform_4(%arg0: i32) -> (i32, i32) {
    %c0_i32 = arith.constant 0 : i32
    %c0_i32_0 = arith.constant 0 : i32
    return %arg0, %c0_i32 : i32, i32
  }
  func.func @transform_5(%arg0: i32) -> (i32, i32) {
    %c0_i32 = arith.constant 0 : i32
    %c0_i32_0 = arith.constant 0 : i32
    %c0_i32_1 = arith.constant 0 : i32
    return %c0_i32, %c0_i32_0 : i32, i32
  }
  func.func @transform_6(%arg0: i32) -> (i32, i32) {
    %c0_i32 = arith.constant 0 : i32
    %c0_i32_0 = arith.constant 0 : i32
    %c0_i32_1 = arith.constant 0 : i32
    return %c0_i32, %c0_i32_0 : i32, i32
  }
  func.func @transform_7(%arg0: i32) -> (i32, i32) {
    %c0_i32 = arith.constant 0 : i32
    %c0_i32_0 = arith.constant 0 : i32
    %c0_i32_1 = arith.constant 0 : i32
    return %c0_i32, %c0_i32_0 : i32, i32
  }
  func.func @transform_8(%arg0: i32) -> (i32, i32) {
    %c0_i32 = arith.constant 0 : i32
    %c0_i32_0 = arith.constant 0 : i32
    return %arg0, %c0_i32 : i32, i32
  }
}

module attributes {stable_mosaic.version = 14 : i64} {
  func.func @_head_body(%arg0: i32, %arg1: memref<10000x1xi32, #tpu.memory_space<vmem>>, %arg2: memref<10000x128xf32, #tpu.memory_space<vmem>>, %arg3: memref<128x1xf32, #tpu.memory_space<vmem>>, %arg4: memref<1x1xf32, #tpu.memory_space<vmem>>, %arg5: memref<64x1xf32, #tpu.memory_space<vmem>>) attributes {dimension_semantics = [#tpu.dimension_semantics<arbitrary>], iteration_bounds = array<i64: 1>, scalar_prefetch = 0 : i64, scratch_operands = 0 : i64, tpu.core_type = #tpu.core_type<tc>, window_params = [{pipeline_mode = #tpu.pipeline_mode<synchronous>, transform_indices = @transform_0, window_bounds = array<i64: 10000, 1>}, {transform_indices = @transform_1, window_bounds = array<i64: 10000, 128>}, {pipeline_mode = #tpu.pipeline_mode<synchronous>, transform_indices = @transform_2, window_bounds = array<i64: 128, 1>}, {pipeline_mode = #tpu.pipeline_mode<synchronous>, transform_indices = @transform_3, window_bounds = array<i64: 1, 1>}, {pipeline_mode = #tpu.pipeline_mode<synchronous>, transform_indices = @transform_4, window_bounds = array<i64: 64, 1>}]} {
    %iota3A = tpu.iota {dimensions = array<i32: 1>} : vector<10000x64xi32>
    %get3A = arith.constant 0 : index
    %get3A_0 = arith.constant 0 : index
    %get3A_1 = vector.load %arg1[%get3A, %get3A_0] : memref<10000x1xi32, #tpu.memory_space<vmem>>, vector<10000x1xi32>
    %eq3A = vector.broadcast %get3A_1 : vector<10000x1xi32> to vector<10000x64xi32>
    %eq3A_2 = arith.cmpi eq, %iota3A, %eq3A : vector<10000x64xi32>
    %jit3A = arith.constant 1.000000e+00 : f32
    %jit3A_3 = arith.constant 0.000000e+00 : f32
    %broadcast_in_dim3A = vector.broadcast %jit3A : f32 to vector<10000x64xf32>
    %broadcast_in_dim3A_4 = vector.broadcast %jit3A_3 : f32 to vector<10000x64xf32>
    %select_n3A = arith.select %eq3A_2, %broadcast_in_dim3A, %broadcast_in_dim3A_4 : vector<10000x64xi1>, vector<10000x64xf32>
    %get3A_5 = arith.constant 0 : index
    %get3A_6 = arith.constant 0 : index
    %get3A_7 = vector.load %arg2[%get3A_5, %get3A_6] : memref<10000x128xf32, #tpu.memory_space<vmem>>, vector<10000x128xf32>
    %dot_general3A = arith.constant dense<0.000000e+00> : vector<64x128xf32>
    %dot_general3A_8 = tpu.matmul %select_n3A, %get3A_7, %dot_general3A {dimension_numbers = #tpu.dot_dimension_numbers<[0], [0], [1], [1], [0, 1, 1, 1], [], []>, transpose_lhs_hint = false} : vector<10000x64xf32>, vector<10000x128xf32>, vector<64x128xf32> -> vector<64x128xf32>
    %get3A_9 = arith.constant 0 : index
    %get3A_10 = arith.constant 0 : index
    %get3A_11 = vector.load %arg3[%get3A_9, %get3A_10] : memref<128x1xf32, #tpu.memory_space<vmem>>, vector<128x1xf32>
    %dot_general3A_12 = arith.constant dense<0.000000e+00> : vector<64x1xf32>
    %dot_general3A_13 = tpu.matmul %dot_general3A_8, %get3A_11, %dot_general3A_12 {dimension_numbers = #tpu.dot_dimension_numbers<[1], [0], [0], [1], [0, 0, 1, 1], [], []>, transpose_lhs_hint = false} : vector<64x128xf32>, vector<128x1xf32>, vector<64x1xf32> -> vector<64x1xf32>
    %get3A_14 = arith.constant 0 : index
    %get3A_15 = arith.constant 0 : index
    %get3A_16 = vector.load %arg4[%get3A_14, %get3A_15] : memref<1x1xf32, #tpu.memory_space<vmem>>, vector<1x1xf32>
    %add3A = vector.broadcast %get3A_16 : vector<1x1xf32> to vector<64x1xf32>
    %add3A_17 = arith.addf %dot_general3A_13, %add3A : vector<64x1xf32>
    %swap3A = arith.constant 0 : index
    %swap3A_18 = arith.constant 0 : index
    %swap3A_19 = vector.load %arg5[%swap3A, %swap3A_18] : memref<64x1xf32, #tpu.memory_space<vmem>>, vector<64x1xf32>
    tpu.vector_store %arg5[%swap3A, %swap3A_18], %add3A_17 {strides = array<i32>} : memref<64x1xf32, #tpu.memory_space<vmem>>, vector<64x1xf32>,
    return
  }
  func.func @transform_0(%arg0: i32) -> (i32, i32) {
    %c0_i32 = arith.constant 0 : i32
    %c0_i32_0 = arith.constant 0 : i32
    %c0_i32_1 = arith.constant 0 : i32
    return %c0_i32, %c0_i32_0 : i32, i32
  }
  func.func @transform_1(%arg0: i32) -> (i32, i32) {
    %c0_i32 = arith.constant 0 : i32
    %c0_i32_0 = arith.constant 0 : i32
    %c0_i32_1 = arith.constant 0 : i32
    return %c0_i32, %c0_i32_0 : i32, i32
  }
  func.func @transform_2(%arg0: i32) -> (i32, i32) {
    %c0_i32 = arith.constant 0 : i32
    %c0_i32_0 = arith.constant 0 : i32
    %c0_i32_1 = arith.constant 0 : i32
    return %c0_i32, %c0_i32_0 : i32, i32
  }
  func.func @transform_3(%arg0: i32) -> (i32, i32) {
    %c0_i32 = arith.constant 0 : i32
    %c0_i32_0 = arith.constant 0 : i32
    %c0_i32_1 = arith.constant 0 : i32
    return %c0_i32, %c0_i32_0 : i32, i32
  }
  func.func @transform_4(%arg0: i32) -> (i32, i32) {
    %c0_i32 = arith.constant 0 : i32
    %c0_i32_0 = arith.constant 0 : i32
    %c0_i32_1 = arith.constant 0 : i32
    return %c0_i32, %c0_i32_0 : i32, i32
  }
}

</mosaic_0001>

<sc_bundles>
// kernel: kernel.12.cloned.1.call-start
scs
__scs_entry_jumppad:
0x0: {  	(pc) =	sbr.rel $0x88, $3  }
0x1: {  	(tag) =	ssettag $0x0;
	lr =	simm.s32 $0x1  }
0x2: {  	[smem:$0x3F90] =	sst lr;
	_ =	strace $0xD0000000  }
0x3: {  	_ = 	snop  }
0x4: {  	_ = 	snop  }
0x5: {  	_ = 	snop  }
0x6: {  	_ = 	snop  }
0x7: {  	_ = 	snop  }
__scs_overlays_trampoline_lowered:
0x8: {  	[smem:$0x3F9F] =	sst s0  }
0x9: {  	[smem:$0x3FA0] =	sst s1  }
0xa: {  	[smem:$0x3FA1] =	sst s2  }
0xb: {  	[smem:$0x3FA2] =	sst s3  }
0xc: {  	[smem:$0x3FA3] =	sst s4  }
0xd: {  	[smem:$0x3FA4] =	sst s5  }
0xe: {  	[smem:$0x3FA5] =	sst s6  }
0xf: {  	[smem:$0x3FA6] =	sst s7  }
0x10: {  	[smem:$0x3FA7] =	sst s8  }
0x11: {  	[smem:$0x3FA8] =	sst s9;
	s0 =	simm.s32 @!p0 $0x0  }
0x12: {  	s1 =	sld [smem:$0x3F8E];
	s0 =	simm.s32 @p0 $0x1  }
0x13: {  	[smem:$0x3FA9] =	sst s0;
	s0 =	simm.s32 @!p1 $0x0  }
0x14: {  	s2 =	sld [smem:$0x3F8D];
	s0 =	simm.s32 @p1 $0x1  }
0x15: {  	[smem:$0x3FAA] =	sst s0;
	s0 =	simm.s32 @!p2 $0x0  }
0x16: {  	s3 =	sld [smem:$0x3FDB];
	s0 =	simm.s32 @p2 $0x1  }
0x17: {  	s4 =	simm.s32 $0x1BF5;
	[smem:$0x3FAC] =	sst s0  }
0x18: {  	s0 =	sld [smem:$0x3F8F];
	_ =	swait.ge [sflag:s4], $0x0  }
0x19: {  	s7 =	sld [smem:$0x3F90]  }
0x1a: {  	s8 =	sadd.s32 $0xFFFFE003, lr  }
0x1b: {  	s9 =	sadd.s32 $0xFFFFFEF7, lr;
	s5 =	simm.s32 $0xFFFFFFFF;
	p2 =	slt.u32 s8, $0xFFFFF086  }
0x1c: {  	p1 =	slt.u32 s9, $0xF7A;
	s5 =	simm.s32 @!p2 $0x0  }
0x1d: {  	s5 =	simm.s32 @p1 $0x1;
	p0 =	seq.s32 s7, s2  }
0x1e: {  	s7 =	smul.u32 @!p0 $0xF7A, s2;
	p2 =	seq.s32 @!p0 s5, $0x0  }
0x1f: {  	s9 =	smul.u32 $0xF7A, s1;
	s8 =	simm.s32 @!p0 $0x1BF5;
	p2 =	por !p2, p0  }
0x20: {  	[sflag:s8] =	ssyncset.s32 @!p0 $0xFFFFF086;
	s6 =	sadd.s32 @!p0 s3, s7;
	s7 =	simm.s32 @!p0 $0x108  }
0x21: {  	s3 =	sadd.s32 s3, s9;
	s6 =	sadd.s32 @!p0 $0x88, s6;
	s7 =	simm.s32 @p2 $0x1082  }
0x22: {  	[simem:s7], [sflag:s8] =	dma.local @!p0 [hbm:s6], $0xF7A  }
0x23: {  	s9 =	sor.u32 $0xD0000000, s2;
	s6 =	simm.s32 $0x108;
	_ =	swait.ge @!p0 [sflag:s8], $0x0  }
0x24: {  	s3 =	sadd.s32 $0x88, s3;
	s6 =	simm.s32 @!p1 $0x1082;
	[sflag:s4] =	ssyncset.s32 $0xFFFFF086  }
0x25: {  	[simem:s6], [sflag:s4] =	dma.local [hbm:s3], $0xF7A  }
0x26: {  	[smem:$0x3F90] =	sst s1;
	(tag) =	ssettag s2;
	_ =	strace s9  }
0x27: {  	s1 =	sld [smem:$0x3FA0]  }
0x28: {  	s2 =	sld [smem:$0x3FA1]  }
0x29: {  	s4 =	sld [smem:$0x3FA3]  }
0x2a: {  	p0 =	seq.s32 s5, $0x0;
	s5 =	sld [smem:$0x3FA4]  }
0x2b: {  	s6 =	sld [smem:$0x3FA5]  }
0x2c: {  	s7 =	sld [smem:$0x3FA6]  }
0x2d: {  	s3 =	simm.s32 $0x108;
	s8 =	sld [smem:$0x3FA7]  }
0x2e: {  	s3 =	simm.s32 @!p0 $0x1082;
	s9 =	sld [smem:$0x3FA8]  }
0x2f: {  	lr =	sadd.s32 s0, s3;
	s0 =	sld [smem:$0x3F9F]  }
0x30: {  	s3 =	sld [smem:$0x3FA2]  }
0x31: {  	[smem:$0x3FAB] =	sst s10  }
0x32: {  	s10 =	sld [smem:$0x3FA9];
	_ =	sdelay $0x3  }
0x33: {  	p0 =	seq.s32 s10, $0x1;
	s10 =	sld [smem:$0x3FAB];
	_ =	sdelay $0x3  }
0x34: {  	[smem:$0x3FAB] =	sst s10  }
0x35: {  	s10 =	sld [smem:$0x3FAA];
	_ =	sdelay $0x3  }
0x36: {  	p1 =	seq.s32 s10, $0x1;
	s10 =	sld [smem:$0x3FAB];
	_ =	sdelay $0x3  }
0x37: {  	[smem:$0x3FAB] =	sst s10  }
0x38: {  	s10 =	sld [smem:$0x3FAC]  }
0x39: {  	_ = 	snop;
	(pc) =	sbr.ind lr, $3  }
0x3a: {  	_ = 	snop  }
0x3b: {  	_ = 	snop  }
0x3c: {  	p2 =	seq.s32 s10, $0x1;
	s10 =	sld [smem:$0x3FAB]  }
0x3d: {  	_ =	shalt  }
0x3e: {  	_ =	shalt  }
0x3f: {  	_ =	shalt  }
0x40: {  	_ =	shalt  }
0x41: {  	_ =	shalt  }
0x42: {  	_ =	shalt  }
0x43: {  	_ =	shalt  }
0x44: {  	_ =	shalt  }
0x45: {  	_ =	shalt  }
0x46: {  	_ =	shalt  }
0x47: {  	_ =	shalt  }
0x48: {  	_ =	shalt  }
0x49: {  	_ =	shalt  }
0x4a: {  	_ =	shalt  }
0x4b: {  	_ =	shalt  }
0x4c: {  	_ =	shalt  }
0x4d: {  	_ =	shalt  }
0x4e: {  	_ =	shalt  }
0x4f: {  	_ =	shalt  }
0x50: {  	_ =	shalt  }
0x51: {  	_ =	shalt  }
0x52: {  	_ =	shalt  }
0x53: {  	_ =	shalt  }
0x54: {  	_ =	shalt  }
0x55: {  	_ =	shalt  }
0x56: {  	_ =	shalt  }
0x57: {  	_ =	shalt  }
0x58: {  	_ =	shalt  }
0x59: {  	_ =	shalt  }
0x5a: {  	_ =	shalt  }
0x5b: {  	_ =	shalt  }
0x5c: {  	_ =	shalt  }
0x5d: {  	_ =	shalt  }
0x5e: {  	_ =	shalt  }
0x5f: {  	_ =	shalt  }
0x60: {  	_ =	shalt  }
0x61: {  	_ =	shalt  }
0x62: {  	_ =	shalt  }
0x63: {  	_ =	shalt  }
0x64: {  	_ =	shalt  }
0x65: {  	_ =	shalt  }
0x66: {  	_ =	shalt  }
0x67: {  	_ =	shalt  }
0x68: {  	_ =	shalt  }
0x69: {  	_ =	shalt  }
0x6a: {  	_ =	shalt  }
0x6b: {  	_ =	shalt  }
0x6c: {  	_ =	shalt  }
0x6d: {  	_ =	shalt  }
0x6e: {  	_ =	shalt  }
0x6f: {  	_ =	shalt  }
0x70: {  	_ =	shalt  }
0x71: {  	_ =	shalt  }
0x72: {  	_ =	shalt  }
0x73: {  	_ =	shalt  }
0x74: {  	_ =	shalt  }
0x75: {  	_ =	shalt  }
0x76: {  	_ =	shalt  }
0x77: {  	_ =	shalt  }
0x78: {  	_ =	shalt  }
0x79: {  	_ =	shalt  }
0x7a: {  	_ =	shalt  }
0x7b: {  	_ =	shalt  }
0x7c: {  	_ =	shalt  }
0x7d: {  	_ =	shalt  }
0x7e: {  	_ =	shalt  }
0x7f: {  	_ =	shalt  }
0x80: {  	_ =	shalt  }
0x81: {  	_ =	shalt  }
0x82: {  	_ =	shalt  }
0x83: {  	_ =	shalt  }
0x84: {  	_ =	shalt  }
0x85: {  	_ =	shalt  }
0x86: {  	_ =	shalt  }
0x87: {  	_ =	shalt  }
.Lfunc_end0:
.L_simem_size_0:
called_computation_lowered:
.L_overlay_start_0:
0x88: {  	s2 =	sld [smem:$0x3FD9]  }
0x89: {  	s3 =	sld [smem:$0x3FFE];
	_ =	sdelay $0x1  }
0x8a: {  	s1 =	srdreg.scid  }
0x8b: {  	s0 =	sand.u32 $0x1, s1  }
0x8c: {  	s17 =	sshll.u32 s0, $0xA;
	s2 =	sadd.s32 s3, s2  }
0x8d: {  	s2 =	sadd.s32 s2, s17  }
0x8e: {  	[smem:$0x3FB7] =	sst s2  }
0x8f: {  	_ = 	snop  }
0x90: {  	(tm) =	ssettm $0x1  }
0x91: {  	s18 =	sld [smem:$0x3FFB];
	_ =	sdelay $0x3  }
0x92: {  	_ =	strace s18  }
0x93: {  	s2 =	sld [smem:$0x3FFC];
	_ =	sdelay $0x3  }
0x94: {  	_ =	strace s2  }
0x95: {  	s2 =	sld [smem:$0x3FFD];
	_ =	sdelay $0x3  }
0x96: {  	_ =	strace s2  }
0x97: {  	_ =	strace $0x8FFFFFFF  }
0x98: {  	s19 =	sld [smem:$0x3FDB];
	_ =	sdelay $0x1  }
0x99: {  	s20 =	simm.s32 $_scs_section_size  }
0x9a: {  	s4 =	simm.s32 $_size__tile_overlayer_lowered;
	s5 =	simm.s32 $_tile_overlayer_lowered  }
0x9b: {  	s6 =	simm.s32 $0x1BFF;
	s21 =	sshll.u32 s5, $0x1;
	s3 =	sadd.s32 s20, s19  }
0x9c: {  	s22 =	simm.s32 $0x0;
	s4 =	sshll.u32 s4, $0x1;
	s5 =	sadd.s32 s21, s3  }
0x9d: {  	[timem:s22], [sflag:s6] =	dma.local [hbm:s5], s4  }
0x9e: {  	_ =	swait.ge [sflag:s6], s4  }
0x9f: {  	s4 =	ssub.s32 $0x0, s4;
	[sflag:s6] =	ssyncset.done $0x0  }
0xa0: {  	[sflag:s6] =	ssyncadd.s32 s4;
	_ =	sdelay $0x1  }
0xa1: {  	s23 =	simm.s32 $0x1B8B  }
0xa2: {  	_ =	swait.ge [sflag:s23], $0x1  }
0xa3: {  	[sflag:s23] =	ssyncset.done $0x0  }
0xa4: {  	[sflag:s23] =	ssyncadd.s32 $0xFFFFFFFF  }
0xa5: {  	s4 =	sld [smem:$0x0]  }
0xa6: {  	s5 =	sand.u32 $0xFFFFFFFE, s1  }
0xa7: {  	p0 =	sne.s32 s1, s5  }
0xa8: {  	s5 =	sshll.u32 @p0 s5, $0xE  }
0xa9: {  	s5 =	sadd.s32 @p0 $0x11B8D, s5;
	s6 =	sshll.u32 @p0 s4, $0x11  }
0xaa: {  	s5 =	sor.u32 @p0 s6, s5  }
0xab: {  	[sflag:s5] =	ssyncadd.remote.s32 @p0 $0x1;
	_ =	sdelay $0x1  }
0xac: {  	s5 =	simm.s32 @p0 $0x1B8D  }
0xad: {  	_ =	swait.eq @p0 [sflag:s5], $0x1  }
0xae: {  	[sflag:s5] =	ssyncadd.s32 @p0 $0xFFFFFFFF  }
0xaf: {  	s6 =	sshll.u32 @!p0 s1, $0xE  }
0xb0: {  	s6 =	sor.u32 @!p0 $0x4000, s6;
	s5 =	simm.s32 @!p0 $0x1B8D  }
0xb1: {  	s4 =	sshll.u32 @!p0 s4, $0x11;
	s6 =	sadd.s32 @!p0 $0x11B8D, s6;
	_ =	swait.eq @!p0 [sflag:s5], $0x1  }
0xb2: {  	s4 =	sor.u32 @!p0 s4, s6;
	[sflag:s5] =	ssyncadd.s32 @!p0 $0xFFFFFFFF  }
0xb3: {  	s25 =	simm.s32 $0x1B8E;
	s24 =	sld [smem:$0x3FFE];
	[sflag:s4] =	ssyncadd.remote.s32 @!p0 $0x1  }
0xb4: {  	s26 =	simm.s32 $execute0_lowered;
	[smem:$0x3FD2] =	sst s25  }
0xb5: {  	s5 =	sshll.u32 s26, $0x1;
	_ =	strace $0x80000049;
	[dreg:$0x1] =	wrdreg $0xFFFFFFFF  }
0xb6: {  	s28 =	simm.s32 $_size_execute0_lowered;
	s3 =	sadd.s32 s3, s5;
	[dreg:$0x0] =	wrdreg $0x0  }
0xb7: {  	s5 =	sshll.u32 s28, $0x1;
	[dreg:$0x2] =	wrdreg s3  }
0xb8: {  	[dreg:$0x3] =	wrdreg s5  }
0xb9: {  	[dreg:$0x4] =	wrdreg $0xC0  }
0xba: {  	_ =	task [dreg:s22], $0x5FFFF  }
0xbb: {  	[dreg:$0x1] =	wrdreg $0xFFFFFFFF  }
0xbc: {  	[dreg:$0x0] =	wrdreg $0x60  }
0xbd: {  	[dreg:$0x2] =	wrdreg s24  }
0xbe: {  	[dreg:$0x3] =	wrdreg $0x0  }
0xbf: {  	[dreg:$0x4] =	wrdreg $0x9  }
0xc0: {  	_ =	task.clear_ibuf [dreg:s22], $0x5FFFF;
	_ =	strace $0x90000049  }
0xc1: {  	s29 =	simm.s32 $0x9;
	_ =	strace $0x8000004B  }
0xc2: {  	_ =	swait.ge [sflag:s29], $0x1  }
0xc3: {  	[sflag:s29] =	ssyncadd.s32 $0xFFFFFFFF  }
0xc4: {  	_ =	strace $0x9000004B  }
0xc5: {  	_ =	sfence  }
0xc6: {  	s30 =	sld [smem:$0x0];
	_ =	sdelay $0x2  }
0xc7: {  	s31 =	sshll.u32 s1, $0xD;
	s1 =	sshrl.u32 s1, $0x2  }
0xc8: {  	s4 =	sand.u32 $0x4000, s31;
	s1 =	sadd.s32 s1, s30  }
0xc9: {  	s0 =	sor.u32 s4, s0;
	s1 =	sshll.u32 s1, $0x11  }
0xca: {  	s0 =	sor.u32 s1, s0  }
0xcb: {  	s0 =	sadd.s32 $0x8F2B, s0  }
0xcc: {  	[sflag:s0] =	ssyncadd.remote.s32 $0x1  }
0xcd: {  	_ =	sfence.sel $0xFFFF  }
0xce: {  	[dreg:$0x0] =	wrdreg $0xFFFFFFFF;
	(pc) =	sbr.abs _section_cstart, $3  }
0xcf: {  	[dreg:$0x1] =	wrdreg $0xFFFFFFFF  }
0xd0: {  	_ =	task.clear_ibuf [dreg:s22], $0x2FFFF;
	_ =	strace $0x9FFFFFFF  }
0xd1: {  	(tm) =	ssettm $0x7FFFFFFF  }
tec
execute0_lowered:
.L_overlay_start_1:
0x0: {  	(tag) =	ssettag $0x1  }
0x1: {  	s0 =	srdreg.scid;
	s7 =	rddreg [dreg:$0x0]  }
0x2: {  	s2 =	rddreg [dreg:$0x1];
	s3 =	simm.s32 $0x0;
	s6 =	sand.u32 $0x1, s0  }
0x3: {  	s12 =	simm.s32 $0x13C00;
	s0 =	stileid.u32;
	s8 =	smul.u32 $0x27800, s6  }
0x4: {  	s13 =	simm.s32 $0x80;
	s1 =	sshll.u32 s6, $0x4;
	s9 =	smul.u32 $0x4F000, s0  }
0x5: {  	[smem:$0x7FF] =	sst s3;
	s15 =	smul.u32 $0x2780, s0;
	s4 =	ssub.s32 s0, s1  }
0x6: {  	s6 =	ssub.s32 $0x2, s6;
	s31 =	sshll.u32 s0, $0x6;
	s4 =	smul.u32 $0x2800, s4  }
0x7: {  	s1 =	rddreg [dreg:$0x2];
	_ =	strace $0x8000004A;
	s9 =	sshrl.u32 s9, $0x2  }
0x8: {  	s30 =	sshrl.u32 s6, $0x1;
	s11 =	sadd.s32 s9, s2;
	s5 =	sadd.s32 $0x28000, s4  }
0x9: {  	s9 =	simm.s32 $0x1;
	s4 =	sadd.s32 $0x91A00, s7;
	s5 =	sshrl.u32 s5, $0x3  }
0xa: {  	s11 =	sshrl.u32 s11, $0x3;
	s10 =	sadd.s32 s5, s7;
	s5 =	sadd.s32 $0x40200, s7  }
0xb: {  	s7 =	sadd.s32 s8, s7;
	s8 =	ssub.s32 s6, s30;
	s6 =	sadd.s32 $0x36200, s10  }
0xc: {  	s14 =	sadd.s32 $0x92200, s7;
	s7 =	smax.u32 s8, $0x1;
	s8 =	simm.s32 $0x16400  }
0xd: {  	s10 =	sor.u32 $0x1C01, s31;
	s14 =	sadd.s32 s15, s14;
	s15 =	simm.s32 $0x0  }
.LBB2_1:
0xe: {  	[tilespmem:s8], [sflag:$0x1] =	stream.linear.gather [hbm4b:s4+s3], $0x4000, $0x38;
	[tilespmem:$0x1A400] =	vst v63  }
0xf: {  	_ =	swait.ge [sflag:s9], $0x4000  }
0x10: {  	[sflag:s9] =	ssyncset.done $0x0  }
0x11: {  	[sflag:s9] =	ssyncadd.s32 $0xFFFFC000  }
0x12: {  	[spmem:s11], [sflag:s10] =	dma.local [hbm:s5], $0x2780  }
0x13: {  	_ =	swait.ge [sflag:s9], $0x2780  }
0x14: {  	[sflag:s9] =	ssyncset.done $0x0  }
0x15: {  	[sflag:s9] =	ssyncadd.s32 $0xFFFFD880  }
0x16: {  	[tilespmem:s12], [sflag:$0x1] =	stream.linear.gather [hbm4b:s6+s3], $0x2800, $0x38;
	[tilespmem:$0x1A400] =	vst v63  }
0x17: {  	_ =	swait.ge [sflag:s9], $0x2800  }
0x18: {  	[sflag:s9] =	ssyncset.done $0x0  }
0x19: {  	[sflag:s9] =	ssyncadd.s32 $0xFFFFD800  }
0x1a: {  	s16 =	simm.s32 $0x13C00;
	[bflag:$0x0] =	sbarrier.arrive $0xFFFF  }
0x1b: {  	[spmem:s2] =	stream.indirect.scatter.add.f32 [tilespmem:s8], [sflag:$0x1], $0x80, s16, s13, $0xb8;
	[tilespmem:$0x1A400] =	vst v63  }
0x1c: {  	s16 =	simm.s32 $0x200;
	_ =	swait.ge [sflag:s9], $0x4000  }
.LBB2_2:
0x1d: {  	s17 =	sshra.s32 s16, $0x2;
	[sflag:s9] =	ssyncset.done $0x0;
	p0 =	sne.s32 s16, $0x9E00  }
.Ltmp0:
0x1e: {  	s17 =	sadd.s32 $0x13C00, s17;
	[sflag:s9] =	ssyncadd.s32 $0xFFFFC000;
	(pc) =	sbr.rel @p0 .LBB2_2-.Ltmp0, $3  }
0x1f: {  	[spmem:s2] =	stream.indirect.scatter.add.f32 [tilespmem:s8], [sflag:$0x1], $0x80, s17, s13, $0xb8;
	[tilespmem:$0x1A400] =	vst v63  }
0x20: {  	s16 =	sadd.s32 $0x200, s16;
	_ =	sdelay $0x1  }
0x21: {  	_ =	swait.ge [sflag:s9], $0x4000  }
0x22: {  	[sflag:s9] =	ssyncset.done $0x0;
	s15 =	sadd.s32 $0x1, s15  }
0x23: {  	[sflag:s9] =	ssyncadd.s32 $0xFFFFC000;
	p0 =	sne.s32 s15, s7  }
.Ltmp1:
0x24: {  	[bflag:$0x0] =	sbarrier.arrive $0xFFFF;
	(pc) =	sbr.rel @p0 .LBB2_1-.Ltmp1, $4  }
0x25: {  	[hbm:s14], [sflag:s10] =	dma.local [spmem:s11], $0x2780  }
0x26: {  	_ =	swait.ge [sflag:s9], $0x2780  }
0x27: {  	[sflag:s9] =	ssyncset.done $0x0  }
0x28: {  	[sflag:s9] =	ssyncadd.s32 $0xFFFFD880  }
0x29: {  	_ =	sfence.sel $0x180000  }
0x2a: {  	[bflag:$0x0] =	sbarrier.arrive $0xFFFF  }
0x2b: {  	p0 =	sne.s32 s0, $0x0;
	_ =	strace $0x9000004A  }
0x2c: {  	s0 =	sadd.s32 @!p0 $0x100000, s1;
	[bflag:$0x2] =	sbarrier.arrive $0xFFFF  }
0x2d: {  	[sflag:s0] =	ssyncadd.tile.s32 @!p0 $0x1;
	_ =	shalt  }
.Lfunc_end2:
_tile_overlayer_lowered:
.L_overlay_start_2:
0x2e: {  	(tag) =	ssettag $0x2  }
0x2f: {  	s0 =	rddreg [dreg:$0x0];
	s2 =	stileid.u32  }
0x30: {  	s1 =	rddreg [dreg:$0x1];
	p0 =	sne.s32 s2, $0x0  }
0x31: {  	s3 =	rddreg [dreg:$0x2];
	[bflag:$0x3] =	sbarrier.arrive $0xFFFF;
	s2 =	simm.s32 @!p0 $0x1C01  }
0x32: {  	[timem:s3], [sflag:s2] =	dma.local @!p0 [hbm:s0], s1  }
0x33: {  	s0 =	simm.s32 @!p0 $0x1  }
0x34: {  	_ =	swait.ge @!p0 [sflag:s0], s1  }
0x35: {  	s1 =	ssub.s32 @!p0 $0x0, s1;
	[sflag:s0] =	ssyncset.done @!p0 $0x0  }
0x36: {  	[sflag:s0] =	ssyncadd.s32 @!p0 s1  }
0x37: {  	[bflag:$0x3] =	sbarrier.arrive $0xFFFF  }
0x38: {  	_ =	shalt  }

// kernel: kernel.15.cloned.1.call-start
scs
__scs_entry_jumppad:
0x0: {  	(pc) =	sbr.rel $0x88, $3  }
0x1: {  	(tag) =	ssettag $0x0;
	lr =	simm.s32 $0x1  }
0x2: {  	[smem:$0x3F90] =	sst lr;
	_ =	strace $0xD0000000  }
0x3: {  	_ = 	snop  }
0x4: {  	_ = 	snop  }
0x5: {  	_ = 	snop  }
0x6: {  	_ = 	snop  }
0x7: {  	_ = 	snop  }
__scs_overlays_trampoline_lowered:
0x8: {  	[smem:$0x3F9F] =	sst s0  }
0x9: {  	[smem:$0x3FA0] =	sst s1  }
0xa: {  	[smem:$0x3FA1] =	sst s2  }
0xb: {  	[smem:$0x3FA2] =	sst s3  }
0xc: {  	[smem:$0x3FA3] =	sst s4  }
0xd: {  	[smem:$0x3FA4] =	sst s5  }
0xe: {  	[smem:$0x3FA5] =	sst s6  }
0xf: {  	[smem:$0x3FA6] =	sst s7  }
0x10: {  	[smem:$0x3FA7] =	sst s8  }
0x11: {  	[smem:$0x3FA8] =	sst s9;
	s0 =	simm.s32 @!p0 $0x0  }
0x12: {  	s1 =	sld [smem:$0x3F8E];
	s0 =	simm.s32 @p0 $0x1  }
0x13: {  	[smem:$0x3FA9] =	sst s0;
	s0 =	simm.s32 @!p1 $0x0  }
0x14: {  	s2 =	sld [smem:$0x3F8D];
	s0 =	simm.s32 @p1 $0x1  }
0x15: {  	[smem:$0x3FAA] =	sst s0;
	s0 =	simm.s32 @!p2 $0x0  }
0x16: {  	s3 =	sld [smem:$0x3FDB];
	s0 =	simm.s32 @p2 $0x1  }
0x17: {  	s4 =	simm.s32 $0x1BF5;
	[smem:$0x3FAC] =	sst s0  }
0x18: {  	s0 =	sld [smem:$0x3F8F];
	_ =	swait.ge [sflag:s4], $0x0  }
0x19: {  	s7 =	sld [smem:$0x3F90]  }
0x1a: {  	s8 =	sadd.s32 $0xFFFFE003, lr  }
0x1b: {  	s9 =	sadd.s32 $0xFFFFFEF7, lr;
	s5 =	simm.s32 $0xFFFFFFFF;
	p2 =	slt.u32 s8, $0xFFFFF086  }
0x1c: {  	p1 =	slt.u32 s9, $0xF7A;
	s5 =	simm.s32 @!p2 $0x0  }
0x1d: {  	s5 =	simm.s32 @p1 $0x1;
	p0 =	seq.s32 s7, s2  }
0x1e: {  	s7 =	smul.u32 @!p0 $0xF7A, s2;
	p2 =	seq.s32 @!p0 s5, $0x0  }
0x1f: {  	s9 =	smul.u32 $0xF7A, s1;
	s8 =	simm.s32 @!p0 $0x1BF5;
	p2 =	por !p2, p0  }
0x20: {  	[sflag:s8] =	ssyncset.s32 @!p0 $0xFFFFF086;
	s6 =	sadd.s32 @!p0 s3, s7;
	s7 =	simm.s32 @!p0 $0x108  }
0x21: {  	s3 =	sadd.s32 s3, s9;
	s6 =	sadd.s32 @!p0 $0x88, s6;
	s7 =	simm.s32 @p2 $0x1082  }
0x22: {  	[simem:s7], [sflag:s8] =	dma.local @!p0 [hbm:s6], $0xF7A  }
0x23: {  	s9 =	sor.u32 $0xD0000000, s2;
	s6 =	simm.s32 $0x108;
	_ =	swait.ge @!p0 [sflag:s8], $0x0  }
0x24: {  	s3 =	sadd.s32 $0x88, s3;
	s6 =	simm.s32 @!p1 $0x1082;
	[sflag:s4] =	ssyncset.s32 $0xFFFFF086  }
0x25: {  	[simem:s6], [sflag:s4] =	dma.local [hbm:s3], $0xF7A  }
0x26: {  	[smem:$0x3F90] =	sst s1;
	(tag) =	ssettag s2;
	_ =	strace s9  }
0x27: {  	s1 =	sld [smem:$0x3FA0]  }
0x28: {  	s2 =	sld [smem:$0x3FA1]  }
0x29: {  	s4 =	sld [smem:$0x3FA3]  }
0x2a: {  	p0 =	seq.s32 s5, $0x0;
	s5 =	sld [smem:$0x3FA4]  }
0x2b: {  	s6 =	sld [smem:$0x3FA5]  }
0x2c: {  	s7 =	sld [smem:$0x3FA6]  }
0x2d: {  	s3 =	simm.s32 $0x108;
	s8 =	sld [smem:$0x3FA7]  }
0x2e: {  	s3 =	simm.s32 @!p0 $0x1082;
	s9 =	sld [smem:$0x3FA8]  }
0x2f: {  	lr =	sadd.s32 s0, s3;
	s0 =	sld [smem:$0x3F9F]  }
0x30: {  	s3 =	sld [smem:$0x3FA2]  }
0x31: {  	[smem:$0x3FAB] =	sst s10  }
0x32: {  	s10 =	sld [smem:$0x3FA9];
	_ =	sdelay $0x3  }
0x33: {  	p0 =	seq.s32 s10, $0x1;
	s10 =	sld [smem:$0x3FAB];
	_ =	sdelay $0x3  }
0x34: {  	[smem:$0x3FAB] =	sst s10  }
0x35: {  	s10 =	sld [smem:$0x3FAA];
	_ =	sdelay $0x3  }
0x36: {  	p1 =	seq.s32 s10, $0x1;
	s10 =	sld [smem:$0x3FAB];
	_ =	sdelay $0x3  }
0x37: {  	[smem:$0x3FAB] =	sst s10  }
0x38: {  	s10 =	sld [smem:$0x3FAC]  }
0x39: {  	_ = 	snop;
	(pc) =	sbr.ind lr, $3  }
0x3a: {  	_ = 	snop  }
0x3b: {  	_ = 	snop  }
0x3c: {  	p2 =	seq.s32 s10, $0x1;
	s10 =	sld [smem:$0x3FAB]  }
0x3d: {  	_ =	shalt  }
0x3e: {  	_ =	shalt  }
0x3f: {  	_ =	shalt  }
0x40: {  	_ =	shalt  }
0x41: {  	_ =	shalt  }
0x42: {  	_ =	shalt  }
0x43: {  	_ =	shalt  }
0x44: {  	_ =	shalt  }
0x45: {  	_ =	shalt  }
0x46: {  	_ =	shalt  }
0x47: {  	_ =	shalt  }
0x48: {  	_ =	shalt  }
0x49: {  	_ =	shalt  }
0x4a: {  	_ =	shalt  }
0x4b: {  	_ =	shalt  }
0x4c: {  	_ =	shalt  }
0x4d: {  	_ =	shalt  }
0x4e: {  	_ =	shalt  }
0x4f: {  	_ =	shalt  }
0x50: {  	_ =	shalt  }
0x51: {  	_ =	shalt  }
0x52: {  	_ =	shalt  }
0x53: {  	_ =	shalt  }
0x54: {  	_ =	shalt  }
0x55: {  	_ =	shalt  }
0x56: {  	_ =	shalt  }
0x57: {  	_ =	shalt  }
0x58: {  	_ =	shalt  }
0x59: {  	_ =	shalt  }
0x5a: {  	_ =	shalt  }
0x5b: {  	_ =	shalt  }
0x5c: {  	_ =	shalt  }
0x5d: {  	_ =	shalt  }
0x5e: {  	_ =	shalt  }
0x5f: {  	_ =	shalt  }
0x60: {  	_ =	shalt  }
0x61: {  	_ =	shalt  }
0x62: {  	_ =	shalt  }
0x63: {  	_ =	shalt  }
0x64: {  	_ =	shalt  }
0x65: {  	_ =	shalt  }
0x66: {  	_ =	shalt  }
0x67: {  	_ =	shalt  }
0x68: {  	_ =	shalt  }
0x69: {  	_ =	shalt  }
0x6a: {  	_ =	shalt  }
0x6b: {  	_ =	shalt  }
0x6c: {  	_ =	shalt  }
0x6d: {  	_ =	shalt  }
0x6e: {  	_ =	shalt  }
0x6f: {  	_ =	shalt  }
0x70: {  	_ =	shalt  }
0x71: {  	_ =	shalt  }
0x72: {  	_ =	shalt  }
0x73: {  	_ =	shalt  }
0x74: {  	_ =	shalt  }
0x75: {  	_ =	shalt  }
0x76: {  	_ =	shalt  }
0x77: {  	_ =	shalt  }
0x78: {  	_ =	shalt  }
0x79: {  	_ =	shalt  }
0x7a: {  	_ =	shalt  }
0x7b: {  	_ =	shalt  }
0x7c: {  	_ =	shalt  }
0x7d: {  	_ =	shalt  }
0x7e: {  	_ =	shalt  }
0x7f: {  	_ =	shalt  }
0x80: {  	_ =	shalt  }
0x81: {  	_ =	shalt  }
0x82: {  	_ =	shalt  }
0x83: {  	_ =	shalt  }
0x84: {  	_ =	shalt  }
0x85: {  	_ =	shalt  }
0x86: {  	_ =	shalt  }
0x87: {  	_ =	shalt  }
.Lfunc_end0:
.L_simem_size_0:
called_computation.1_lowered:
.L_overlay_start_0:
0x88: {  	s2 =	sld [smem:$0x3FD9]  }
0x89: {  	s3 =	sld [smem:$0x3FFE];
	_ =	sdelay $0x1  }
0x8a: {  	s1 =	srdreg.scid  }
0x8b: {  	s0 =	sand.u32 $0x1, s1  }
0x8c: {  	s16 =	sshll.u32 s0, $0xA;
	s2 =	sadd.s32 s3, s2  }
0x8d: {  	s2 =	sadd.s32 s2, s16  }
0x8e: {  	[smem:$0x3FB7] =	sst s2  }
0x8f: {  	_ = 	snop  }
0x90: {  	(tm) =	ssettm $0x1  }
0x91: {  	s17 =	sld [smem:$0x3FFB];
	_ =	sdelay $0x3  }
0x92: {  	_ =	strace s17  }
0x93: {  	s2 =	sld [smem:$0x3FFC];
	_ =	sdelay $0x3  }
0x94: {  	_ =	strace s2  }
0x95: {  	s2 =	sld [smem:$0x3FFD];
	_ =	sdelay $0x3  }
0x96: {  	_ =	strace s2  }
0x97: {  	_ =	strace $0x8FFFFFFF  }
0x98: {  	s18 =	sld [smem:$0x3FDB];
	_ =	sdelay $0x1  }
0x99: {  	s19 =	simm.s32 $_scs_section_size  }
0x9a: {  	s4 =	simm.s32 $_size__tile_overlayer_lowered;
	s5 =	simm.s32 $_tile_overlayer_lowered  }
0x9b: {  	s22 =	simm.s32 $0x1BFF;
	s21 =	sshll.u32 s5, $0x1;
	s2 =	sadd.s32 s19, s18  }
0x9c: {  	s6 =	simm.s32 $0x0;
	s20 =	sshll.u32 s4, $0x1;
	s4 =	sadd.s32 s21, s2  }
0x9d: {  	[timem:s6], [sflag:s22] =	dma.local [hbm:s4], s20  }
0x9e: {  	_ =	swait.ge [sflag:s22], s20  }
0x9f: {  	s3 =	ssub.s32 $0x0, s20;
	[sflag:s22] =	ssyncset.done $0x0  }
0xa0: {  	[sflag:s22] =	ssyncadd.s32 s3;
	_ =	sdelay $0x1  }
0xa1: {  	s23 =	simm.s32 $0x1B8B  }
0xa2: {  	_ =	swait.ge [sflag:s23], $0x1  }
0xa3: {  	[sflag:s23] =	ssyncset.done $0x0  }
0xa4: {  	s25 =	simm.s32 $0x1B8E;
	s24 =	sld [smem:$0x3FFE];
	[sflag:s23] =	ssyncadd.s32 $0xFFFFFFFF  }
0xa5: {  	s26 =	simm.s32 $execute0_lowered;
	[smem:$0x3FD2] =	sst s25  }
0xa6: {  	s4 =	sshll.u32 s26, $0x1;
	_ =	strace $0x80000046;
	[dreg:$0x1] =	wrdreg $0xFFFFFFFF  }
0xa7: {  	s28 =	simm.s32 $_size_execute0_lowered;
	s2 =	sadd.s32 s2, s4;
	[dreg:$0x0] =	wrdreg $0x0  }
0xa8: {  	s4 =	sshll.u32 s28, $0x1;
	[dreg:$0x2] =	wrdreg s2  }
0xa9: {  	[dreg:$0x3] =	wrdreg s4  }
0xaa: {  	[dreg:$0x4] =	wrdreg $0xC0  }
0xab: {  	_ =	task [dreg:s6], $0x5FFFF  }
0xac: {  	[dreg:$0x1] =	wrdreg $0xFFFFFFFF  }
0xad: {  	[dreg:$0x0] =	wrdreg $0x60  }
0xae: {  	[dreg:$0x2] =	wrdreg s24  }
0xaf: {  	[dreg:$0x3] =	wrdreg $0x0  }
0xb0: {  	[dreg:$0x4] =	wrdreg $0xA  }
0xb1: {  	_ =	task.clear_ibuf [dreg:s6], $0x5FFFF;
	_ =	strace $0x90000046  }
0xb2: {  	s29 =	simm.s32 $0xA;
	_ =	strace $0x80000048  }
0xb3: {  	_ =	swait.ge [sflag:s29], $0x1  }
0xb4: {  	[sflag:s29] =	ssyncadd.s32 $0xFFFFFFFF  }
0xb5: {  	_ =	strace $0x90000048  }
0xb6: {  	_ =	sfence  }
0xb7: {  	s30 =	sld [smem:$0x0];
	_ =	sdelay $0x2  }
0xb8: {  	s31 =	sshll.u32 s1, $0xD;
	s1 =	sshrl.u32 s1, $0x2  }
0xb9: {  	s3 =	sand.u32 $0x4000, s31;
	s1 =	sadd.s32 s1, s30  }
0xba: {  	s0 =	sor.u32 s3, s0;
	s1 =	sshll.u32 s1, $0x11  }
0xbb: {  	s0 =	sor.u32 s1, s0  }
0xbc: {  	s0 =	sadd.s32 $0x8F2B, s0  }
0xbd: {  	[sflag:s0] =	ssyncadd.remote.s32 $0x1  }
0xbe: {  	_ =	sfence.sel $0xFFFF  }
0xbf: {  	[dreg:$0x0] =	wrdreg $0xFFFFFFFF;
	(pc) =	sbr.abs _section_cstart, $3  }
0xc0: {  	[dreg:$0x1] =	wrdreg $0xFFFFFFFF  }
0xc1: {  	_ =	task.clear_ibuf [dreg:s6], $0x2FFFF;
	_ =	strace $0x9FFFFFFF  }
0xc2: {  	(tm) =	ssettm $0x7FFFFFFF  }
0xc3: {  	_ =	shalt  }
tec
execute0_lowered:
.L_overlay_start_1:
0x0: {  	(tag) =	ssettag $0x1  }
0x1: {  	s6 =	rddreg [dreg:$0x0]  }
0x2: {  	s1 =	rddreg [dreg:$0x1]  }
0x3: {  	s0 =	rddreg [dreg:$0x2]  }
0x4: {  	s2 =	simm.s32 $0x0;
	s4 =	srdreg.scid;
	s16 =	simm.s32 $0x80  }
0x5: {  	s17 =	simm.s32 $0x16400;
	s18 =	simm.s32 $0x13C80;
	s19 =	simm.s32 $0x1A400  }
0x6: {  	s20 =	simm.s32 $0x1;
	s21 =	simm.s32 $0x2;
	s22 =	simm.s32 $0x16300  }
0x7: {  	s23 =	simm.s32 $0x16380;
	[smem:$0x7FF] =	sst s2;
	s3 =	sadd.s32 $0x4800, s6  }
0x8: {  	s9 =	sadd.s32 $0x2C200, s6;
	s10 =	sadd.s32 $0x36200, s6;
	s7 =	sand.u32 $0x1, s4  }
0x9: {  	s5 =	sadd.s32 $0x40200, s6;
	s4 =	stileid.u32;
	s8 =	smul.u32 $0x27800, s7  }
0xa: {  	_ =	strace $0x80000047;
	s11 =	sshll.u32 s7, $0x4;
	s12 =	smul.u32 $0x4F000, s4  }
0xb: {  	s7 =	ssub.s32 $0x2, s7;
	s31 =	sshll.u32 s4, $0x6;
	s25 =	smul.u32 $0x2780, s4  }
0xc: {  	s11 =	ssub.s32 s4, s11;
	s26 =	sshrl.u32 s7, $0x1;
	s13 =	sadd.s32 s8, s6  }
0xd: {  	s28 =	smul.u32 $0x2800, s11;
	s14 =	ssub.s32 s7, s26;
	s29 =	sshrl.u32 s12, $0x2  }
0xe: {  	s30 =	smul.u32 $0x500, s11;
	s6 =	sor.u32 $0x1C03, s31;
	s12 =	sadd.s32 s29, s1  }
0xf: {  	s24 =	sadd.s32 $0x42A00, s13;
	s13 =	simm.s32 $0x3;
	s8 =	sadd.s32 $0x29400, s28  }
0x10: {  	s11 =	sadd.s32 $0x5000, s30;
	s12 =	sshrl.u32 s12, $0x3;
	s24 =	sadd.s32 s25, s24  }
0x11: {  	s25 =	simm.s32 $0x0;
	s15 =	sshrl.u32 s8, $0x3;
	s7 =	sadd.s32 s9, s11  }
0x12: {  	s8 =	sadd.s32 s10, s11;
	s11 =	smax.u32 s14, $0x1;
	s14 =	simm.s32 $0x13C00  }
0x13: {  	s9 =	sadd.s32 s9, s15;
	s10 =	sadd.s32 s10, s15;
	s15 =	simm.s32 $0x15000  }
.LBB2_1:
0x14: {  	[spmem:s12], [sflag:s6] =	dma.local [hbm:s5], $0x2780  }
0x15: {  	_ =	swait.ge [sflag:s13], $0x2780  }
0x16: {  	[sflag:s13] =	ssyncset.done $0x0  }
0x17: {  	[sflag:s13] =	ssyncadd.s32 $0xFFFFD880  }
0x18: {  	[bflag:$0x0] =	sbarrier.arrive $0xFFFF  }
0x19: {  	[tilespmem:s14], [sflag:$0x3] =	stream.linear.gather [hbm4b:s7+s2], $0x1400, $0x38;
	[tilespmem:$0x1E400] =	vst v63  }
0x1a: {  	_ =	swait.ge [sflag:s13], $0x1400  }
0x1b: {  	[sflag:s13] =	ssyncset.done $0x0  }
0x1c: {  	[sflag:s13] =	ssyncadd.s32 $0xFFFFEC00  }
0x1d: {  	[tilespmem:s15], [sflag:$0x3] =	stream.linear.gather [hbm4b:s8+s2], $0x1400, $0x38;
	[tilespmem:$0x1E400] =	vst v63  }
0x1e: {  	_ =	swait.ge [sflag:s13], $0x1400  }
0x1f: {  	[sflag:s13] =	ssyncset.done $0x0  }
0x20: {  	[sflag:s13] =	ssyncadd.s32 $0xFFFFEC00  }
0x21: {  	[tilespmem:s17], [sflag:$0x1] =	stream.indirect.gather [hbm4b:s3+s16], $0x80, s14, s16, $0xb8;
	[tilespmem:$0x1E400] =	vst v63  }
0x22: {  	_ = 	snop  }
0x23: {  	[tilespmem:s19], [sflag:$0x2] =	stream.indirect.gather [hbm4b:s3+s16], $0x80, s18, s16, $0xb8;
	[tilespmem:$0x1E400] =	vst v63  }
0x24: {  	_ =	swait.ge [sflag:s20], $0x4000  }
0x25: {  	[sflag:s20] =	ssyncset.done $0x0  }
0x26: {  	s26 =	simm.s32 $0x15000;
	[sflag:s20] =	ssyncadd.s32 $0xFFFFC000  }
0x27: {  	[spmem:s1] =	stream.indirect.scatter.add.f32 [tilespmem:s17], [sflag:$0x3], $0x80, s26, s16, $0xb8;
	[tilespmem:$0x1E400] =	vst v63  }
0x28: {  	_ =	swait.ge [sflag:s13], $0x4000  }
0x29: {  	[sflag:s13] =	ssyncset.done $0x0  }
0x2a: {  	s30 =	simm.s32 $0x13D00;
	[sflag:s13] =	ssyncadd.s32 $0xFFFFC000  }
0x2b: {  	[tilespmem:s17], [sflag:$0x1] =	stream.indirect.gather [hbm4b:s3+s16], $0x80, s30, s16, $0xb8;
	[tilespmem:$0x1E400] =	vst v63  }
0x2c: {  	_ =	swait.ge [sflag:s21], $0x4000  }
0x2d: {  	[sflag:s21] =	ssyncset.done $0x0  }
0x2e: {  	s31 =	simm.s32 $0x15080;
	[sflag:s21] =	ssyncadd.s32 $0xFFFFC000  }
0x2f: {  	[spmem:s1] =	stream.indirect.scatter.add.f32 [tilespmem:s19], [sflag:$0x3], $0x80, s31, s16, $0xb8;
	[tilespmem:$0x1E400] =	vst v63  }
0x30: {  	_ =	swait.ge [sflag:s13], $0x4000  }
0x31: {  	[sflag:s13] =	ssyncset.done $0x0  }
0x32: {  	s28 =	simm.s32 $0x13D80;
	s26 =	simm.s32 $0x400;
	[sflag:s13] =	ssyncadd.s32 $0xFFFFC000  }
.LBB2_2:
0x33: {  	[tilespmem:s19], [sflag:$0x2] =	stream.indirect.gather [hbm4b:s3+s16], $0x80, s28, s16, $0xb8;
	[tilespmem:$0x1E400] =	vst v63  }
0x34: {  	s28 =	smov.u32 s26  }
0x35: {  	p0 =	sne.s32 s26, $0x4800;
	s26 =	sadd.s32 $0x400, s26;
	_ =	swait.ge [sflag:s20], $0x4000  }
0x36: {  	s28 =	sshra.s32 s28, $0x2;
	[sflag:s20] =	ssyncset.done $0x0  }
0x37: {  	s29 =	sadd.s32 $0x15000, s28;
	[sflag:s20] =	ssyncadd.s32 $0xFFFFC000  }
0x38: {  	[spmem:s1] =	stream.indirect.scatter.add.f32 [tilespmem:s17], [sflag:$0x3], $0x80, s29, s16, $0xb8;
	[tilespmem:$0x1E400] =	vst v63  }
0x39: {  	_ =	swait.ge [sflag:s13], $0x4000  }
0x3a: {  	[sflag:s13] =	ssyncset.done $0x0  }
0x3b: {  	s29 =	sadd.s32 $0x13D00, s28;
	[sflag:s13] =	ssyncadd.s32 $0xFFFFC000  }
0x3c: {  	[tilespmem:s17], [sflag:$0x1] =	stream.indirect.gather [hbm4b:s3+s16], $0x80, s29, s16, $0xb8;
	[tilespmem:$0x1E400] =	vst v63  }
0x3d: {  	_ =	swait.ge [sflag:s21], $0x4000  }
0x3e: {  	[sflag:s21] =	ssyncset.done $0x0  }
.Ltmp0:
0x3f: {  	s29 =	sadd.s32 $0x15080, s28;
	[sflag:s21] =	ssyncadd.s32 $0xFFFFC000;
	(pc) =	sbr.rel @p0 .LBB2_2-.Ltmp0, $4  }
0x40: {  	[spmem:s1] =	stream.indirect.scatter.add.f32 [tilespmem:s19], [sflag:$0x3], $0x80, s29, s16, $0xb8;
	[tilespmem:$0x1E400] =	vst v63  }
0x41: {  	_ =	swait.ge [sflag:s13], $0x4000  }
0x42: {  	[sflag:s13] =	ssyncset.done $0x0  }
0x43: {  	s28 =	sadd.s32 $0x13D80, s28;
	[sflag:s13] =	ssyncadd.s32 $0xFFFFC000  }
0x44: {  	[tilespmem:s19], [sflag:$0x2] =	stream.indirect.gather [hbm4b:s3+s16], $0x80, s28, s16, $0xb8;
	[tilespmem:$0x1E400] =	vst v63  }
0x45: {  	_ =	swait.ge [sflag:s20], $0x4000  }
0x46: {  	[sflag:s20] =	ssyncset.done $0x0  }
0x47: {  	[sflag:s20] =	ssyncadd.s32 $0xFFFFC000  }
0x48: {  	[spmem:s1] =	stream.indirect.scatter.add.f32 [tilespmem:s17], [sflag:$0x3], $0x80, s22, s16, $0xb8;
	[tilespmem:$0x1E400] =	vst v63  }
0x49: {  	_ =	swait.ge [sflag:s13], $0x4000  }
0x4a: {  	[sflag:s13] =	ssyncset.done $0x0  }
0x4b: {  	[sflag:s13] =	ssyncadd.s32 $0xFFFFC000  }
0x4c: {  	_ =	swait.ge [sflag:s21], $0x4000  }
0x4d: {  	[sflag:s21] =	ssyncset.done $0x0  }
0x4e: {  	[sflag:s21] =	ssyncadd.s32 $0xFFFFC000  }
0x4f: {  	[spmem:s1] =	stream.indirect.scatter.add.f32 [tilespmem:s19], [sflag:$0x3], $0x80, s23, s16, $0xb8;
	[tilespmem:$0x1E400] =	vst v63  }
0x50: {  	_ =	swait.ge [sflag:s13], $0x4000  }
0x51: {  	[sflag:s13] =	ssyncset.done $0x0  }
0x52: {  	s26 =	simm.s32 $0x0;
	[sflag:s13] =	ssyncadd.s32 $0xFFFFC000  }
0x53: {  	[tilespmem:s14], [sflag:$0x3] =	stream.linear.gather [hbm4b:s9+s26], $0x1400, $0x38;
	[tilespmem:$0x1E400] =	vst v63  }
0x54: {  	_ =	swait.ge [sflag:s13], $0x1400  }
0x55: {  	[sflag:s13] =	ssyncset.done $0x0  }
0x56: {  	[sflag:s13] =	ssyncadd.s32 $0xFFFFEC00  }
0x57: {  	[tilespmem:s15], [sflag:$0x3] =	stream.linear.gather [hbm4b:s10+s26], $0x1400, $0x38;
	[tilespmem:$0x1E400] =	vst v63  }
0x58: {  	_ =	swait.ge [sflag:s13], $0x1400  }
0x59: {  	[sflag:s13] =	ssyncset.done $0x0  }
0x5a: {  	[sflag:s13] =	ssyncadd.s32 $0xFFFFEC00  }
0x5b: {  	[tilespmem:s17], [sflag:$0x1] =	stream.indirect.gather [hbm4b:s3+s16], $0x80, s14, s16, $0xb8;
	[tilespmem:$0x1E400] =	vst v63  }
0x5c: {  	_ = 	snop  }
0x5d: {  	[tilespmem:s19], [sflag:$0x2] =	stream.indirect.gather [hbm4b:s3+s16], $0x80, s18, s16, $0xb8;
	[tilespmem:$0x1E400] =	vst v63  }
0x5e: {  	_ =	swait.ge [sflag:s20], $0x4000  }
0x5f: {  	[sflag:s20] =	ssyncset.done $0x0  }
0x60: {  	s29 =	simm.s32 $0x15000;
	[sflag:s20] =	ssyncadd.s32 $0xFFFFC000  }
0x61: {  	[spmem:s1] =	stream.indirect.scatter.add.f32 [tilespmem:s17], [sflag:$0x3], $0x80, s29, s16, $0xb8;
	[tilespmem:$0x1E400] =	vst v63  }
0x62: {  	_ =	swait.ge [sflag:s13], $0x4000  }
0x63: {  	[sflag:s13] =	ssyncset.done $0x0  }
0x64: {  	s30 =	simm.s32 $0x13D00;
	[sflag:s13] =	ssyncadd.s32 $0xFFFFC000  }
0x65: {  	[tilespmem:s17], [sflag:$0x1] =	stream.indirect.gather [hbm4b:s3+s16], $0x80, s30, s16, $0xb8;
	[tilespmem:$0x1E400] =	vst v63  }
0x66: {  	_ =	swait.ge [sflag:s21], $0x4000  }
0x67: {  	[sflag:s21] =	ssyncset.done $0x0  }
0x68: {  	s31 =	simm.s32 $0x15080;
	[sflag:s21] =	ssyncadd.s32 $0xFFFFC000  }
0x69: {  	[spmem:s1] =	stream.indirect.scatter.add.f32 [tilespmem:s19], [sflag:$0x3], $0x80, s31, s16, $0xb8;
	[tilespmem:$0x1E400] =	vst v63  }
0x6a: {  	_ =	swait.ge [sflag:s13], $0x4000  }
0x6b: {  	[sflag:s13] =	ssyncset.done $0x0  }
0x6c: {  	s28 =	simm.s32 $0x13D80;
	s26 =	simm.s32 $0x400;
	[sflag:s13] =	ssyncadd.s32 $0xFFFFC000  }
.LBB2_4:
0x6d: {  	[tilespmem:s19], [sflag:$0x2] =	stream.indirect.gather [hbm4b:s3+s16], $0x80, s28, s16, $0xb8;
	[tilespmem:$0x1E400] =	vst v63  }
0x6e: {  	s28 =	smov.u32 s26  }
0x6f: {  	p0 =	sne.s32 s26, $0x4800;
	s26 =	sadd.s32 $0x400, s26;
	_ =	swait.ge [sflag:s20], $0x4000  }
0x70: {  	s28 =	sshra.s32 s28, $0x2;
	[sflag:s20] =	ssyncset.done $0x0  }
0x71: {  	s29 =	sadd.s32 $0x15000, s28;
	[sflag:s20] =	ssyncadd.s32 $0xFFFFC000  }
0x72: {  	[spmem:s1] =	stream.indirect.scatter.add.f32 [tilespmem:s17], [sflag:$0x3], $0x80, s29, s16, $0xb8;
	[tilespmem:$0x1E400] =	vst v63  }
0x73: {  	_ =	swait.ge [sflag:s13], $0x4000  }
0x74: {  	[sflag:s13] =	ssyncset.done $0x0  }
0x75: {  	s29 =	sadd.s32 $0x13D00, s28;
	[sflag:s13] =	ssyncadd.s32 $0xFFFFC000  }
0x76: {  	[tilespmem:s17], [sflag:$0x1] =	stream.indirect.gather [hbm4b:s3+s16], $0x80, s29, s16, $0xb8;
	[tilespmem:$0x1E400] =	vst v63  }
0x77: {  	_ =	swait.ge [sflag:s21], $0x4000  }
0x78: {  	[sflag:s21] =	ssyncset.done $0x0  }
.Ltmp1:
0x79: {  	s29 =	sadd.s32 $0x15080, s28;
	[sflag:s21] =	ssyncadd.s32 $0xFFFFC000;
	(pc) =	sbr.rel @p0 .LBB2_4-.Ltmp1, $4  }
0x7a: {  	[spmem:s1] =	stream.indirect.scatter.add.f32 [tilespmem:s19], [sflag:$0x3], $0x80, s29, s16, $0xb8;
	[tilespmem:$0x1E400] =	vst v63  }
0x7b: {  	_ =	swait.ge [sflag:s13], $0x4000  }
0x7c: {  	[sflag:s13] =	ssyncset.done $0x0  }
0x7d: {  	s28 =	sadd.s32 $0x13D80, s28;
	[sflag:s13] =	ssyncadd.s32 $0xFFFFC000  }
0x7e: {  	[tilespmem:s19], [sflag:$0x2] =	stream.indirect.gather [hbm4b:s3+s16], $0x80, s28, s16, $0xb8;
	[tilespmem:$0x1E400] =	vst v63  }
0x7f: {  	_ =	swait.ge [sflag:s20], $0x4000  }
0x80: {  	[sflag:s20] =	ssyncset.done $0x0  }
0x81: {  	[sflag:s20] =	ssyncadd.s32 $0xFFFFC000  }
0x82: {  	[spmem:s1] =	stream.indirect.scatter.add.f32 [tilespmem:s17], [sflag:$0x3], $0x80, s22, s16, $0xb8;
	[tilespmem:$0x1E400] =	vst v63  }
0x83: {  	_ =	swait.ge [sflag:s13], $0x4000  }
0x84: {  	[sflag:s13] =	ssyncset.done $0x0  }
0x85: {  	[sflag:s13] =	ssyncadd.s32 $0xFFFFC000  }
0x86: {  	_ =	swait.ge [sflag:s21], $0x4000  }
0x87: {  	[sflag:s21] =	ssyncset.done $0x0  }
0x88: {  	[sflag:s21] =	ssyncadd.s32 $0xFFFFC000  }
0x89: {  	[spmem:s1] =	stream.indirect.scatter.add.f32 [tilespmem:s19], [sflag:$0x3], $0x80, s23, s16, $0xb8;
	[tilespmem:$0x1E400] =	vst v63  }
0x8a: {  	_ =	swait.ge [sflag:s13], $0x4000  }
0x8b: {  	s25 =	sadd.s32 $0x1, s25;
	[sflag:s13] =	ssyncset.done $0x0  }
0x8c: {  	p0 =	sne.s32 s25, s11;
	[sflag:s13] =	ssyncadd.s32 $0xFFFFC000  }
.Ltmp2:
0x8d: {  	[bflag:$0x0] =	sbarrier.arrive $0xFFFF;
	(pc) =	sbr.rel @p0 .LBB2_1-.Ltmp2, $4  }
0x8e: {  	[hbm:s24], [sflag:s6] =	dma.local [spmem:s12], $0x2780  }
0x8f: {  	_ =	swait.ge [sflag:s13], $0x2780  }
0x90: {  	[sflag:s13] =	ssyncset.done $0x0  }
0x91: {  	[sflag:s13] =	ssyncadd.s32 $0xFFFFD880  }
0x92: {  	_ =	sfence.sel $0x180000  }
0x93: {  	[bflag:$0x0] =	sbarrier.arrive $0xFFFF  }
0x94: {  	p0 =	sne.s32 s4, $0x0;
	_ =	strace $0x90000047  }
0x95: {  	s0 =	sadd.s32 @!p0 $0x100000, s0;
	[bflag:$0x2] =	sbarrier.arrive $0xFFFF  }
0x96: {  	[sflag:s0] =	ssyncadd.tile.s32 @!p0 $0x1;
	_ =	shalt  }
.Lfunc_end2:
_tile_overlayer_lowered:
.L_overlay_start_2:
0x97: {  	(tag) =	ssettag $0x2  }
0x98: {  	s0 =	rddreg [dreg:$0x0];
	s2 =	stileid.u32  }
0x99: {  	s1 =	rddreg [dreg:$0x1];
	p0 =	sne.s32 s2, $0x0  }
0x9a: {  	s3 =	rddreg [dreg:$0x2];
	[bflag:$0x3] =	sbarrier.arrive $0xFFFF;
	s2 =	simm.s32 @!p0 $0x1C03  }
0x9b: {  	[timem:s3], [sflag:s2] =	dma.local @!p0 [hbm:s0], s1  }
0x9c: {  	s0 =	simm.s32 @!p0 $0x3  }
0x9d: {  	_ =	swait.ge @!p0 [sflag:s0], s1  }
0x9e: {  	s1 =	ssub.s32 @!p0 $0x0, s1;
	[sflag:s0] =	ssyncset.done @!p0 $0x0  }
0x9f: {  	[sflag:s0] =	ssyncadd.s32 @!p0 s1  }
0xa0: {  	[bflag:$0x3] =	sbarrier.arrive $0xFFFF  }
0xa1: {  	_ =	shalt  }

// kernel: kernel.18.cloned.1.call-start
scs
__scs_entry_jumppad:
0x0: {  	(pc) =	sbr.rel $0x88, $3  }
0x1: {  	(tag) =	ssettag $0x0;
	lr =	simm.s32 $0x1  }
0x2: {  	[smem:$0x3F90] =	sst lr;
	_ =	strace $0xD0000000  }
0x3: {  	_ = 	snop  }
0x4: {  	_ = 	snop  }
0x5: {  	_ = 	snop  }
0x6: {  	_ = 	snop  }
0x7: {  	_ = 	snop  }
__scs_overlays_trampoline_lowered:
0x8: {  	[smem:$0x3F9F] =	sst s0  }
0x9: {  	[smem:$0x3FA0] =	sst s1  }
0xa: {  	[smem:$0x3FA1] =	sst s2  }
0xb: {  	[smem:$0x3FA2] =	sst s3  }
0xc: {  	[smem:$0x3FA3] =	sst s4  }
0xd: {  	[smem:$0x3FA4] =	sst s5  }
0xe: {  	[smem:$0x3FA5] =	sst s6  }
0xf: {  	[smem:$0x3FA6] =	sst s7  }
0x10: {  	[smem:$0x3FA7] =	sst s8  }
0x11: {  	[smem:$0x3FA8] =	sst s9;
	s0 =	simm.s32 @!p0 $0x0  }
0x12: {  	s1 =	sld [smem:$0x3F8E];
	s0 =	simm.s32 @p0 $0x1  }
0x13: {  	[smem:$0x3FA9] =	sst s0;
	s0 =	simm.s32 @!p1 $0x0  }
0x14: {  	s2 =	sld [smem:$0x3F8D];
	s0 =	simm.s32 @p1 $0x1  }
0x15: {  	[smem:$0x3FAA] =	sst s0;
	s0 =	simm.s32 @!p2 $0x0  }
0x16: {  	s3 =	sld [smem:$0x3FDB];
	s0 =	simm.s32 @p2 $0x1  }
0x17: {  	s4 =	simm.s32 $0x1BF5;
	[smem:$0x3FAC] =	sst s0  }
0x18: {  	s0 =	sld [smem:$0x3F8F];
	_ =	swait.ge [sflag:s4], $0x0  }
0x19: {  	s7 =	sld [smem:$0x3F90]  }
0x1a: {  	s8 =	sadd.s32 $0xFFFFE003, lr  }
0x1b: {  	s9 =	sadd.s32 $0xFFFFFEF7, lr;
	s5 =	simm.s32 $0xFFFFFFFF;
	p2 =	slt.u32 s8, $0xFFFFF086  }
0x1c: {  	p1 =	slt.u32 s9, $0xF7A;
	s5 =	simm.s32 @!p2 $0x0  }
0x1d: {  	s5 =	simm.s32 @p1 $0x1;
	p0 =	seq.s32 s7, s2  }
0x1e: {  	s7 =	smul.u32 @!p0 $0xF7A, s2;
	p2 =	seq.s32 @!p0 s5, $0x0  }
0x1f: {  	s9 =	smul.u32 $0xF7A, s1;
	s8 =	simm.s32 @!p0 $0x1BF5;
	p2 =	por !p2, p0  }
0x20: {  	[sflag:s8] =	ssyncset.s32 @!p0 $0xFFFFF086;
	s6 =	sadd.s32 @!p0 s3, s7;
	s7 =	simm.s32 @!p0 $0x108  }
0x21: {  	s3 =	sadd.s32 s3, s9;
	s6 =	sadd.s32 @!p0 $0x88, s6;
	s7 =	simm.s32 @p2 $0x1082  }
0x22: {  	[simem:s7], [sflag:s8] =	dma.local @!p0 [hbm:s6], $0xF7A  }
0x23: {  	s9 =	sor.u32 $0xD0000000, s2;
	s6 =	simm.s32 $0x108;
	_ =	swait.ge @!p0 [sflag:s8], $0x0  }
0x24: {  	s3 =	sadd.s32 $0x88, s3;
	s6 =	simm.s32 @!p1 $0x1082;
	[sflag:s4] =	ssyncset.s32 $0xFFFFF086  }
0x25: {  	[simem:s6], [sflag:s4] =	dma.local [hbm:s3], $0xF7A  }
0x26: {  	[smem:$0x3F90] =	sst s1;
	(tag) =	ssettag s2;
	_ =	strace s9  }
0x27: {  	s1 =	sld [smem:$0x3FA0]  }
0x28: {  	s2 =	sld [smem:$0x3FA1]  }
0x29: {  	s4 =	sld [smem:$0x3FA3]  }
0x2a: {  	p0 =	seq.s32 s5, $0x0;
	s5 =	sld [smem:$0x3FA4]  }
0x2b: {  	s6 =	sld [smem:$0x3FA5]  }
0x2c: {  	s7 =	sld [smem:$0x3FA6]  }
0x2d: {  	s3 =	simm.s32 $0x108;
	s8 =	sld [smem:$0x3FA7]  }
0x2e: {  	s3 =	simm.s32 @!p0 $0x1082;
	s9 =	sld [smem:$0x3FA8]  }
0x2f: {  	lr =	sadd.s32 s0, s3;
	s0 =	sld [smem:$0x3F9F]  }
0x30: {  	s3 =	sld [smem:$0x3FA2]  }
0x31: {  	[smem:$0x3FAB] =	sst s10  }
0x32: {  	s10 =	sld [smem:$0x3FA9];
	_ =	sdelay $0x3  }
0x33: {  	p0 =	seq.s32 s10, $0x1;
	s10 =	sld [smem:$0x3FAB];
	_ =	sdelay $0x3  }
0x34: {  	[smem:$0x3FAB] =	sst s10  }
0x35: {  	s10 =	sld [smem:$0x3FAA];
	_ =	sdelay $0x3  }
0x36: {  	p1 =	seq.s32 s10, $0x1;
	s10 =	sld [smem:$0x3FAB];
	_ =	sdelay $0x3  }
0x37: {  	[smem:$0x3FAB] =	sst s10  }
0x38: {  	s10 =	sld [smem:$0x3FAC]  }
0x39: {  	_ = 	snop;
	(pc) =	sbr.ind lr, $3  }
0x3a: {  	_ = 	snop  }
0x3b: {  	_ = 	snop  }
0x3c: {  	p2 =	seq.s32 s10, $0x1;
	s10 =	sld [smem:$0x3FAB]  }
0x3d: {  	_ =	shalt  }
0x3e: {  	_ =	shalt  }
0x3f: {  	_ =	shalt  }
0x40: {  	_ =	shalt  }
0x41: {  	_ =	shalt  }
0x42: {  	_ =	shalt  }
0x43: {  	_ =	shalt  }
0x44: {  	_ =	shalt  }
0x45: {  	_ =	shalt  }
0x46: {  	_ =	shalt  }
0x47: {  	_ =	shalt  }
0x48: {  	_ =	shalt  }
0x49: {  	_ =	shalt  }
0x4a: {  	_ =	shalt  }
0x4b: {  	_ =	shalt  }
0x4c: {  	_ =	shalt  }
0x4d: {  	_ =	shalt  }
0x4e: {  	_ =	shalt  }
0x4f: {  	_ =	shalt  }
0x50: {  	_ =	shalt  }
0x51: {  	_ =	shalt  }
0x52: {  	_ =	shalt  }
0x53: {  	_ =	shalt  }
0x54: {  	_ =	shalt  }
0x55: {  	_ =	shalt  }
0x56: {  	_ =	shalt  }
0x57: {  	_ =	shalt  }
0x58: {  	_ =	shalt  }
0x59: {  	_ =	shalt  }
0x5a: {  	_ =	shalt  }
0x5b: {  	_ =	shalt  }
0x5c: {  	_ =	shalt  }
0x5d: {  	_ =	shalt  }
0x5e: {  	_ =	shalt  }
0x5f: {  	_ =	shalt  }
0x60: {  	_ =	shalt  }
0x61: {  	_ =	shalt  }
0x62: {  	_ =	shalt  }
0x63: {  	_ =	shalt  }
0x64: {  	_ =	shalt  }
0x65: {  	_ =	shalt  }
0x66: {  	_ =	shalt  }
0x67: {  	_ =	shalt  }
0x68: {  	_ =	shalt  }
0x69: {  	_ =	shalt  }
0x6a: {  	_ =	shalt  }
0x6b: {  	_ =	shalt  }
0x6c: {  	_ =	shalt  }
0x6d: {  	_ =	shalt  }
0x6e: {  	_ =	shalt  }
0x6f: {  	_ =	shalt  }
0x70: {  	_ =	shalt  }
0x71: {  	_ =	shalt  }
0x72: {  	_ =	shalt  }
0x73: {  	_ =	shalt  }
0x74: {  	_ =	shalt  }
0x75: {  	_ =	shalt  }
0x76: {  	_ =	shalt  }
0x77: {  	_ =	shalt  }
0x78: {  	_ =	shalt  }
0x79: {  	_ =	shalt  }
0x7a: {  	_ =	shalt  }
0x7b: {  	_ =	shalt  }
0x7c: {  	_ =	shalt  }
0x7d: {  	_ =	shalt  }
0x7e: {  	_ =	shalt  }
0x7f: {  	_ =	shalt  }
0x80: {  	_ =	shalt  }
0x81: {  	_ =	shalt  }
0x82: {  	_ =	shalt  }
0x83: {  	_ =	shalt  }
0x84: {  	_ =	shalt  }
0x85: {  	_ =	shalt  }
0x86: {  	_ =	shalt  }
0x87: {  	_ =	shalt  }
.Lfunc_end0:
.L_simem_size_0:
called_computation.2_lowered:
.L_overlay_start_0:
0x88: {  	s2 =	sld [smem:$0x3FD9]  }
0x89: {  	s3 =	sld [smem:$0x3FFE];
	_ =	sdelay $0x1  }
0x8a: {  	s1 =	srdreg.scid  }
0x8b: {  	s0 =	sand.u32 $0x1, s1  }
0x8c: {  	s16 =	sshll.u32 s0, $0xA;
	s2 =	sadd.s32 s3, s2  }
0x8d: {  	s2 =	sadd.s32 s2, s16  }
0x8e: {  	[smem:$0x3FB7] =	sst s2  }
0x8f: {  	_ = 	snop  }
0x90: {  	(tm) =	ssettm $0x1  }
0x91: {  	s17 =	sld [smem:$0x3FFB];
	_ =	sdelay $0x3  }
0x92: {  	_ =	strace s17  }
0x93: {  	s2 =	sld [smem:$0x3FFC];
	_ =	sdelay $0x3  }
0x94: {  	_ =	strace s2  }
0x95: {  	s2 =	sld [smem:$0x3FFD];
	_ =	sdelay $0x3  }
0x96: {  	_ =	strace s2  }
0x97: {  	_ =	strace $0x8FFFFFFF  }
0x98: {  	s18 =	sld [smem:$0x3FDB];
	_ =	sdelay $0x1  }
0x99: {  	s19 =	simm.s32 $_scs_section_size  }
0x9a: {  	s4 =	simm.s32 $_size__tile_overlayer_lowered;
	s5 =	simm.s32 $_tile_overlayer_lowered  }
0x9b: {  	s22 =	simm.s32 $0x1BFF;
	s21 =	sshll.u32 s5, $0x1;
	s2 =	sadd.s32 s19, s18  }
0x9c: {  	s6 =	simm.s32 $0x0;
	s20 =	sshll.u32 s4, $0x1;
	s4 =	sadd.s32 s21, s2  }
0x9d: {  	[timem:s6], [sflag:s22] =	dma.local [hbm:s4], s20  }
0x9e: {  	_ =	swait.ge [sflag:s22], s20  }
0x9f: {  	s3 =	ssub.s32 $0x0, s20;
	[sflag:s22] =	ssyncset.done $0x0  }
0xa0: {  	[sflag:s22] =	ssyncadd.s32 s3;
	_ =	sdelay $0x1  }
0xa1: {  	s23 =	simm.s32 $0x1B8B  }
0xa2: {  	_ =	swait.ge [sflag:s23], $0x1  }
0xa3: {  	[sflag:s23] =	ssyncset.done $0x0  }
0xa4: {  	s25 =	simm.s32 $0x1B8E;
	s24 =	sld [smem:$0x3FFE];
	[sflag:s23] =	ssyncadd.s32 $0xFFFFFFFF  }
0xa5: {  	s26 =	simm.s32 $execute0_lowered;
	[smem:$0x3FD2] =	sst s25  }
0xa6: {  	s4 =	sshll.u32 s26, $0x1;
	_ =	strace $0x8000004C;
	[dreg:$0x1] =	wrdreg $0xFFFFFFFF  }
0xa7: {  	s28 =	simm.s32 $_size_execute0_lowered;
	s2 =	sadd.s32 s2, s4;
	[dreg:$0x0] =	wrdreg $0x0  }
0xa8: {  	s4 =	sshll.u32 s28, $0x1;
	[dreg:$0x2] =	wrdreg s2  }
0xa9: {  	[dreg:$0x3] =	wrdreg s4  }
0xaa: {  	[dreg:$0x4] =	wrdreg $0xC0  }
0xab: {  	_ =	task [dreg:s6], $0x5FFFF  }
0xac: {  	[dreg:$0x1] =	wrdreg $0xFFFFFFFF  }
0xad: {  	[dreg:$0x0] =	wrdreg $0x60  }
0xae: {  	[dreg:$0x2] =	wrdreg s24  }
0xaf: {  	[dreg:$0x3] =	wrdreg $0x0  }
0xb0: {  	[dreg:$0x4] =	wrdreg $0x9  }
0xb1: {  	_ =	task.clear_ibuf [dreg:s6], $0x5FFFF;
	_ =	strace $0x9000004C  }
0xb2: {  	s29 =	simm.s32 $0x9;
	_ =	strace $0x8000004E  }
0xb3: {  	_ =	swait.ge [sflag:s29], $0x1  }
0xb4: {  	[sflag:s29] =	ssyncadd.s32 $0xFFFFFFFF  }
0xb5: {  	_ =	strace $0x9000004E  }
0xb6: {  	_ =	sfence  }
0xb7: {  	s30 =	sld [smem:$0x0];
	_ =	sdelay $0x2  }
0xb8: {  	s31 =	sshll.u32 s1, $0xD;
	s1 =	sshrl.u32 s1, $0x2  }
0xb9: {  	s3 =	sand.u32 $0x4000, s31;
	s1 =	sadd.s32 s1, s30  }
0xba: {  	s0 =	sor.u32 s3, s0;
	s1 =	sshll.u32 s1, $0x11  }
0xbb: {  	s0 =	sor.u32 s1, s0  }
0xbc: {  	s0 =	sadd.s32 $0x8F2B, s0  }
0xbd: {  	[sflag:s0] =	ssyncadd.remote.s32 $0x1  }
0xbe: {  	_ =	sfence.sel $0xFFFF  }
0xbf: {  	[dreg:$0x0] =	wrdreg $0xFFFFFFFF;
	(pc) =	sbr.abs _section_cstart, $3  }
0xc0: {  	[dreg:$0x1] =	wrdreg $0xFFFFFFFF  }
0xc1: {  	_ =	task.clear_ibuf [dreg:s6], $0x2FFFF;
	_ =	strace $0x9FFFFFFF  }
0xc2: {  	(tm) =	ssettm $0x7FFFFFFF  }
0xc3: {  	_ =	shalt  }
tec
execute0_lowered:
.L_overlay_start_1:
0x0: {  	(tag) =	ssettag $0x1  }
0x1: {  	s6 =	rddreg [dreg:$0x0]  }
0x2: {  	s1 =	rddreg [dreg:$0x1]  }
0x3: {  	s0 =	rddreg [dreg:$0x2]  }
0x4: {  	s2 =	simm.s32 $0x0;
	s4 =	srdreg.scid;
	s16 =	simm.s32 $0x80  }
0x5: {  	s17 =	simm.s32 $0x16400;
	s18 =	simm.s32 $0x13C80;
	s19 =	simm.s32 $0x1A400  }
0x6: {  	s20 =	simm.s32 $0x1;
	s21 =	simm.s32 $0x2;
	s22 =	simm.s32 $0x16300  }
0x7: {  	s23 =	simm.s32 $0x16380;
	[smem:$0x7FF] =	sst s2;
	s3 =	sadd.s32 $0x4800, s6  }
0x8: {  	s9 =	sadd.s32 $0x2C200, s6;
	s10 =	sadd.s32 $0x36200, s6;
	s7 =	sand.u32 $0x1, s4  }
0x9: {  	s5 =	sadd.s32 $0x40200, s6;
	s4 =	stileid.u32;
	s8 =	smul.u32 $0x27800, s7  }
0xa: {  	_ =	strace $0x8000004D;
	s11 =	sshll.u32 s7, $0x4;
	s12 =	smul.u32 $0x4F000, s4  }
0xb: {  	s7 =	ssub.s32 $0x2, s7;
	s31 =	sshll.u32 s4, $0x6;
	s25 =	smul.u32 $0x2780, s4  }
0xc: {  	s11 =	ssub.s32 s4, s11;
	s26 =	sshrl.u32 s7, $0x1;
	s13 =	sadd.s32 s8, s6  }
0xd: {  	s28 =	smul.u32 $0x2800, s11;
	s14 =	ssub.s32 s7, s26;
	s29 =	sshrl.u32 s12, $0x2  }
0xe: {  	s30 =	smul.u32 $0x500, s11;
	s6 =	sor.u32 $0x1C03, s31;
	s12 =	sadd.s32 s29, s1  }
0xf: {  	s24 =	sadd.s32 $0x42A00, s13;
	s13 =	simm.s32 $0x3;
	s8 =	sadd.s32 $0x29400, s28  }
0x10: {  	s11 =	sadd.s32 $0x5000, s30;
	s12 =	sshrl.u32 s12, $0x3;
	s24 =	sadd.s32 s25, s24  }
0x11: {  	s25 =	simm.s32 $0x0;
	s15 =	sshrl.u32 s8, $0x3;
	s7 =	sadd.s32 s9, s11  }
0x12: {  	s8 =	sadd.s32 s10, s11;
	s11 =	smax.u32 s14, $0x1;
	s14 =	simm.s32 $0x13C00  }
0x13: {  	s9 =	sadd.s32 s9, s15;
	s10 =	sadd.s32 s10, s15;
	s15 =	simm.s32 $0x15000  }
.LBB2_1:
0x14: {  	[spmem:s12], [sflag:s6] =	dma.local [hbm:s5], $0x2780  }
0x15: {  	_ =	swait.ge [sflag:s13], $0x2780  }
0x16: {  	[sflag:s13] =	ssyncset.done $0x0  }
0x17: {  	[sflag:s13] =	ssyncadd.s32 $0xFFFFD880  }
0x18: {  	[bflag:$0x0] =	sbarrier.arrive $0xFFFF  }
0x19: {  	[tilespmem:s14], [sflag:$0x3] =	stream.linear.gather [hbm4b:s7+s2], $0x1400, $0x38;
	[tilespmem:$0x1E400] =	vst v63  }
0x1a: {  	_ =	swait.ge [sflag:s13], $0x1400  }
0x1b: {  	[sflag:s13] =	ssyncset.done $0x0  }
0x1c: {  	[sflag:s13] =	ssyncadd.s32 $0xFFFFEC00  }
0x1d: {  	[tilespmem:s15], [sflag:$0x3] =	stream.linear.gather [hbm4b:s8+s2], $0x1400, $0x38;
	[tilespmem:$0x1E400] =	vst v63  }
0x1e: {  	_ =	swait.ge [sflag:s13], $0x1400  }
0x1f: {  	[sflag:s13] =	ssyncset.done $0x0  }
0x20: {  	[sflag:s13] =	ssyncadd.s32 $0xFFFFEC00  }
0x21: {  	[tilespmem:s17], [sflag:$0x1] =	stream.indirect.gather [hbm4b:s3+s16], $0x80, s14, s16, $0xb8;
	[tilespmem:$0x1E400] =	vst v63  }
0x22: {  	_ = 	snop  }
0x23: {  	[tilespmem:s19], [sflag:$0x2] =	stream.indirect.gather [hbm4b:s3+s16], $0x80, s18, s16, $0xb8;
	[tilespmem:$0x1E400] =	vst v63  }
0x24: {  	_ =	swait.ge [sflag:s20], $0x4000  }
0x25: {  	[sflag:s20] =	ssyncset.done $0x0  }
0x26: {  	s26 =	simm.s32 $0x15000;
	[sflag:s20] =	ssyncadd.s32 $0xFFFFC000  }
0x27: {  	[spmem:s1] =	stream.indirect.scatter.add.f32 [tilespmem:s17], [sflag:$0x3], $0x80, s26, s16, $0xb8;
	[tilespmem:$0x1E400] =	vst v63  }
0x28: {  	_ =	swait.ge [sflag:s13], $0x4000  }
0x29: {  	[sflag:s13] =	ssyncset.done $0x0  }
0x2a: {  	s30 =	simm.s32 $0x13D00;
	[sflag:s13] =	ssyncadd.s32 $0xFFFFC000  }
0x2b: {  	[tilespmem:s17], [sflag:$0x1] =	stream.indirect.gather [hbm4b:s3+s16], $0x80, s30, s16, $0xb8;
	[tilespmem:$0x1E400] =	vst v63  }
0x2c: {  	_ =	swait.ge [sflag:s21], $0x4000  }
0x2d: {  	[sflag:s21] =	ssyncset.done $0x0  }
0x2e: {  	s31 =	simm.s32 $0x15080;
	[sflag:s21] =	ssyncadd.s32 $0xFFFFC000  }
0x2f: {  	[spmem:s1] =	stream.indirect.scatter.add.f32 [tilespmem:s19], [sflag:$0x3], $0x80, s31, s16, $0xb8;
	[tilespmem:$0x1E400] =	vst v63  }
0x30: {  	_ =	swait.ge [sflag:s13], $0x4000  }
0x31: {  	[sflag:s13] =	ssyncset.done $0x0  }
0x32: {  	s28 =	simm.s32 $0x13D80;
	s26 =	simm.s32 $0x400;
	[sflag:s13] =	ssyncadd.s32 $0xFFFFC000  }
.LBB2_2:
0x33: {  	[tilespmem:s19], [sflag:$0x2] =	stream.indirect.gather [hbm4b:s3+s16], $0x80, s28, s16, $0xb8;
	[tilespmem:$0x1E400] =	vst v63  }
0x34: {  	s28 =	smov.u32 s26  }
0x35: {  	p0 =	sne.s32 s26, $0x4800;
	s26 =	sadd.s32 $0x400, s26;
	_ =	swait.ge [sflag:s20], $0x4000  }
0x36: {  	s28 =	sshra.s32 s28, $0x2;
	[sflag:s20] =	ssyncset.done $0x0  }
0x37: {  	s29 =	sadd.s32 $0x15000, s28;
	[sflag:s20] =	ssyncadd.s32 $0xFFFFC000  }
0x38: {  	[spmem:s1] =	stream.indirect.scatter.add.f32 [tilespmem:s17], [sflag:$0x3], $0x80, s29, s16, $0xb8;
	[tilespmem:$0x1E400] =	vst v63  }
0x39: {  	_ =	swait.ge [sflag:s13], $0x4000  }
0x3a: {  	[sflag:s13] =	ssyncset.done $0x0  }
0x3b: {  	s29 =	sadd.s32 $0x13D00, s28;
	[sflag:s13] =	ssyncadd.s32 $0xFFFFC000  }
0x3c: {  	[tilespmem:s17], [sflag:$0x1] =	stream.indirect.gather [hbm4b:s3+s16], $0x80, s29, s16, $0xb8;
	[tilespmem:$0x1E400] =	vst v63  }
0x3d: {  	_ =	swait.ge [sflag:s21], $0x4000  }
0x3e: {  	[sflag:s21] =	ssyncset.done $0x0  }
.Ltmp0:
0x3f: {  	s29 =	sadd.s32 $0x15080, s28;
	[sflag:s21] =	ssyncadd.s32 $0xFFFFC000;
	(pc) =	sbr.rel @p0 .LBB2_2-.Ltmp0, $4  }
0x40: {  	[spmem:s1] =	stream.indirect.scatter.add.f32 [tilespmem:s19], [sflag:$0x3], $0x80, s29, s16, $0xb8;
	[tilespmem:$0x1E400] =	vst v63  }
0x41: {  	_ =	swait.ge [sflag:s13], $0x4000  }
0x42: {  	[sflag:s13] =	ssyncset.done $0x0  }
0x43: {  	s28 =	sadd.s32 $0x13D80, s28;
	[sflag:s13] =	ssyncadd.s32 $0xFFFFC000  }
0x44: {  	[tilespmem:s19], [sflag:$0x2] =	stream.indirect.gather [hbm4b:s3+s16], $0x80, s28, s16, $0xb8;
	[tilespmem:$0x1E400] =	vst v63  }
0x45: {  	_ =	swait.ge [sflag:s20], $0x4000  }
0x46: {  	[sflag:s20] =	ssyncset.done $0x0  }
0x47: {  	[sflag:s20] =	ssyncadd.s32 $0xFFFFC000  }
0x48: {  	[spmem:s1] =	stream.indirect.scatter.add.f32 [tilespmem:s17], [sflag:$0x3], $0x80, s22, s16, $0xb8;
	[tilespmem:$0x1E400] =	vst v63  }
0x49: {  	_ =	swait.ge [sflag:s13], $0x4000  }
0x4a: {  	[sflag:s13] =	ssyncset.done $0x0  }
0x4b: {  	[sflag:s13] =	ssyncadd.s32 $0xFFFFC000  }
0x4c: {  	_ =	swait.ge [sflag:s21], $0x4000  }
0x4d: {  	[sflag:s21] =	ssyncset.done $0x0  }
0x4e: {  	[sflag:s21] =	ssyncadd.s32 $0xFFFFC000  }
0x4f: {  	[spmem:s1] =	stream.indirect.scatter.add.f32 [tilespmem:s19], [sflag:$0x3], $0x80, s23, s16, $0xb8;
	[tilespmem:$0x1E400] =	vst v63  }
0x50: {  	_ =	swait.ge [sflag:s13], $0x4000  }
0x51: {  	[sflag:s13] =	ssyncset.done $0x0  }
0x52: {  	s26 =	simm.s32 $0x0;
	[sflag:s13] =	ssyncadd.s32 $0xFFFFC000  }
0x53: {  	[tilespmem:s14], [sflag:$0x3] =	stream.linear.gather [hbm4b:s9+s26], $0x1400, $0x38;
	[tilespmem:$0x1E400] =	vst v63  }
0x54: {  	_ =	swait.ge [sflag:s13], $0x1400  }
0x55: {  	[sflag:s13] =	ssyncset.done $0x0  }
0x56: {  	[sflag:s13] =	ssyncadd.s32 $0xFFFFEC00  }
0x57: {  	[tilespmem:s15], [sflag:$0x3] =	stream.linear.gather [hbm4b:s10+s26], $0x1400, $0x38;
	[tilespmem:$0x1E400] =	vst v63  }
0x58: {  	_ =	swait.ge [sflag:s13], $0x1400  }
0x59: {  	[sflag:s13] =	ssyncset.done $0x0  }
0x5a: {  	[sflag:s13] =	ssyncadd.s32 $0xFFFFEC00  }
0x5b: {  	[tilespmem:s17], [sflag:$0x1] =	stream.indirect.gather [hbm4b:s3+s16], $0x80, s14, s16, $0xb8;
	[tilespmem:$0x1E400] =	vst v63  }
0x5c: {  	_ = 	snop  }
0x5d: {  	[tilespmem:s19], [sflag:$0x2] =	stream.indirect.gather [hbm4b:s3+s16], $0x80, s18, s16, $0xb8;
	[tilespmem:$0x1E400] =	vst v63  }
0x5e: {  	_ =	swait.ge [sflag:s20], $0x4000  }
0x5f: {  	[sflag:s20] =	ssyncset.done $0x0  }
0x60: {  	s29 =	simm.s32 $0x15000;
	[sflag:s20] =	ssyncadd.s32 $0xFFFFC000  }
0x61: {  	[spmem:s1] =	stream.indirect.scatter.add.f32 [tilespmem:s17], [sflag:$0x3], $0x80, s29, s16, $0xb8;
	[tilespmem:$0x1E400] =	vst v63  }
0x62: {  	_ =	swait.ge [sflag:s13], $0x4000  }
0x63: {  	[sflag:s13] =	ssyncset.done $0x0  }
0x64: {  	s30 =	simm.s32 $0x13D00;
	[sflag:s13] =	ssyncadd.s32 $0xFFFFC000  }
0x65: {  	[tilespmem:s17], [sflag:$0x1] =	stream.indirect.gather [hbm4b:s3+s16], $0x80, s30, s16, $0xb8;
	[tilespmem:$0x1E400] =	vst v63  }
0x66: {  	_ =	swait.ge [sflag:s21], $0x4000  }
0x67: {  	[sflag:s21] =	ssyncset.done $0x0  }
0x68: {  	s31 =	simm.s32 $0x15080;
	[sflag:s21] =	ssyncadd.s32 $0xFFFFC000  }
0x69: {  	[spmem:s1] =	stream.indirect.scatter.add.f32 [tilespmem:s19], [sflag:$0x3], $0x80, s31, s16, $0xb8;
	[tilespmem:$0x1E400] =	vst v63  }
0x6a: {  	_ =	swait.ge [sflag:s13], $0x4000  }
0x6b: {  	[sflag:s13] =	ssyncset.done $0x0  }
0x6c: {  	s28 =	simm.s32 $0x13D80;
	s26 =	simm.s32 $0x400;
	[sflag:s13] =	ssyncadd.s32 $0xFFFFC000  }
.LBB2_4:
0x6d: {  	[tilespmem:s19], [sflag:$0x2] =	stream.indirect.gather [hbm4b:s3+s16], $0x80, s28, s16, $0xb8;
	[tilespmem:$0x1E400] =	vst v63  }
0x6e: {  	s28 =	smov.u32 s26  }
0x6f: {  	p0 =	sne.s32 s26, $0x4800;
	s26 =	sadd.s32 $0x400, s26;
	_ =	swait.ge [sflag:s20], $0x4000  }
0x70: {  	s28 =	sshra.s32 s28, $0x2;
	[sflag:s20] =	ssyncset.done $0x0  }
0x71: {  	s29 =	sadd.s32 $0x15000, s28;
	[sflag:s20] =	ssyncadd.s32 $0xFFFFC000  }
0x72: {  	[spmem:s1] =	stream.indirect.scatter.add.f32 [tilespmem:s17], [sflag:$0x3], $0x80, s29, s16, $0xb8;
	[tilespmem:$0x1E400] =	vst v63  }
0x73: {  	_ =	swait.ge [sflag:s13], $0x4000  }
0x74: {  	[sflag:s13] =	ssyncset.done $0x0  }
0x75: {  	s29 =	sadd.s32 $0x13D00, s28;
	[sflag:s13] =	ssyncadd.s32 $0xFFFFC000  }
0x76: {  	[tilespmem:s17], [sflag:$0x1] =	stream.indirect.gather [hbm4b:s3+s16], $0x80, s29, s16, $0xb8;
	[tilespmem:$0x1E400] =	vst v63  }
0x77: {  	_ =	swait.ge [sflag:s21], $0x4000  }
0x78: {  	[sflag:s21] =	ssyncset.done $0x0  }
.Ltmp1:
0x79: {  	s29 =	sadd.s32 $0x15080, s28;
	[sflag:s21] =	ssyncadd.s32 $0xFFFFC000;
	(pc) =	sbr.rel @p0 .LBB2_4-.Ltmp1, $4  }
0x7a: {  	[spmem:s1] =	stream.indirect.scatter.add.f32 [tilespmem:s19], [sflag:$0x3], $0x80, s29, s16, $0xb8;
	[tilespmem:$0x1E400] =	vst v63  }
0x7b: {  	_ =	swait.ge [sflag:s13], $0x4000  }
0x7c: {  	[sflag:s13] =	ssyncset.done $0x0  }
0x7d: {  	s28 =	sadd.s32 $0x13D80, s28;
	[sflag:s13] =	ssyncadd.s32 $0xFFFFC000  }
0x7e: {  	[tilespmem:s19], [sflag:$0x2] =	stream.indirect.gather [hbm4b:s3+s16], $0x80, s28, s16, $0xb8;
	[tilespmem:$0x1E400] =	vst v63  }
0x7f: {  	_ =	swait.ge [sflag:s20], $0x4000  }
0x80: {  	[sflag:s20] =	ssyncset.done $0x0  }
0x81: {  	[sflag:s20] =	ssyncadd.s32 $0xFFFFC000  }
0x82: {  	[spmem:s1] =	stream.indirect.scatter.add.f32 [tilespmem:s17], [sflag:$0x3], $0x80, s22, s16, $0xb8;
	[tilespmem:$0x1E400] =	vst v63  }
0x83: {  	_ =	swait.ge [sflag:s13], $0x4000  }
0x84: {  	[sflag:s13] =	ssyncset.done $0x0  }
0x85: {  	[sflag:s13] =	ssyncadd.s32 $0xFFFFC000  }
0x86: {  	_ =	swait.ge [sflag:s21], $0x4000  }
0x87: {  	[sflag:s21] =	ssyncset.done $0x0  }
0x88: {  	[sflag:s21] =	ssyncadd.s32 $0xFFFFC000  }
0x89: {  	[spmem:s1] =	stream.indirect.scatter.add.f32 [tilespmem:s19], [sflag:$0x3], $0x80, s23, s16, $0xb8;
	[tilespmem:$0x1E400] =	vst v63  }
0x8a: {  	_ =	swait.ge [sflag:s13], $0x4000  }
0x8b: {  	s25 =	sadd.s32 $0x1, s25;
	[sflag:s13] =	ssyncset.done $0x0  }
0x8c: {  	p0 =	sne.s32 s25, s11;
	[sflag:s13] =	ssyncadd.s32 $0xFFFFC000  }
.Ltmp2:
0x8d: {  	[bflag:$0x0] =	sbarrier.arrive $0xFFFF;
	(pc) =	sbr.rel @p0 .LBB2_1-.Ltmp2, $4  }
0x8e: {  	[hbm:s24], [sflag:s6] =	dma.local [spmem:s12], $0x2780  }
0x8f: {  	_ =	swait.ge [sflag:s13], $0x2780  }
0x90: {  	[sflag:s13] =	ssyncset.done $0x0  }
0x91: {  	[sflag:s13] =	ssyncadd.s32 $0xFFFFD880  }
0x92: {  	_ =	sfence.sel $0x180000  }
0x93: {  	[bflag:$0x0] =	sbarrier.arrive $0xFFFF  }
0x94: {  	p0 =	sne.s32 s4, $0x0;
	_ =	strace $0x9000004D  }
0x95: {  	s0 =	sadd.s32 @!p0 $0x100000, s0;
	[bflag:$0x2] =	sbarrier.arrive $0xFFFF  }
0x96: {  	[sflag:s0] =	ssyncadd.tile.s32 @!p0 $0x1;
	_ =	shalt  }
.Lfunc_end2:
_tile_overlayer_lowered:
.L_overlay_start_2:
0x97: {  	(tag) =	ssettag $0x2  }
0x98: {  	s0 =	rddreg [dreg:$0x0];
	s2 =	stileid.u32  }
0x99: {  	s1 =	rddreg [dreg:$0x1];
	p0 =	sne.s32 s2, $0x0  }
0x9a: {  	s3 =	rddreg [dreg:$0x2];
	[bflag:$0x3] =	sbarrier.arrive $0xFFFF;
	s2 =	simm.s32 @!p0 $0x1C03  }
0x9b: {  	[timem:s3], [sflag:s2] =	dma.local @!p0 [hbm:s0], s1  }
0x9c: {  	s0 =	simm.s32 @!p0 $0x3  }
0x9d: {  	_ =	swait.ge @!p0 [sflag:s0], s1  }
0x9e: {  	s1 =	ssub.s32 @!p0 $0x0, s1;
	[sflag:s0] =	ssyncset.done @!p0 $0x0  }
0x9f: {  	[sflag:s0] =	ssyncadd.s32 @!p0 s1  }
0xa0: {  	[bflag:$0x3] =	sbarrier.arrive $0xFFFF  }
0xa1: {  	_ =	shalt  }

// kernel: kernel.21.cloned.1.call-start
scs
__scs_entry_jumppad:
0x0: {  	(pc) =	sbr.rel $0x88, $3  }
0x1: {  	(tag) =	ssettag $0x0;
	lr =	simm.s32 $0x1  }
0x2: {  	[smem:$0x3F90] =	sst lr;
	_ =	strace $0xD0000000  }
0x3: {  	_ = 	snop  }
0x4: {  	_ = 	snop  }
0x5: {  	_ = 	snop  }
0x6: {  	_ = 	snop  }
0x7: {  	_ = 	snop  }
__scs_overlays_trampoline_lowered:
0x8: {  	[smem:$0x3F9F] =	sst s0  }
0x9: {  	[smem:$0x3FA0] =	sst s1  }
0xa: {  	[smem:$0x3FA1] =	sst s2  }
0xb: {  	[smem:$0x3FA2] =	sst s3  }
0xc: {  	[smem:$0x3FA3] =	sst s4  }
0xd: {  	[smem:$0x3FA4] =	sst s5  }
0xe: {  	[smem:$0x3FA5] =	sst s6  }
0xf: {  	[smem:$0x3FA6] =	sst s7  }
0x10: {  	[smem:$0x3FA7] =	sst s8  }
0x11: {  	[smem:$0x3FA8] =	sst s9;
	s0 =	simm.s32 @!p0 $0x0  }
0x12: {  	s1 =	sld [smem:$0x3F8E];
	s0 =	simm.s32 @p0 $0x1  }
0x13: {  	[smem:$0x3FA9] =	sst s0;
	s0 =	simm.s32 @!p1 $0x0  }
0x14: {  	s2 =	sld [smem:$0x3F8D];
	s0 =	simm.s32 @p1 $0x1  }
0x15: {  	[smem:$0x3FAA] =	sst s0;
	s0 =	simm.s32 @!p2 $0x0  }
0x16: {  	s3 =	sld [smem:$0x3FDB];
	s0 =	simm.s32 @p2 $0x1  }
0x17: {  	s4 =	simm.s32 $0x1BF5;
	[smem:$0x3FAC] =	sst s0  }
0x18: {  	s0 =	sld [smem:$0x3F8F];
	_ =	swait.ge [sflag:s4], $0x0  }
0x19: {  	s7 =	sld [smem:$0x3F90]  }
0x1a: {  	s8 =	sadd.s32 $0xFFFFE003, lr  }
0x1b: {  	s9 =	sadd.s32 $0xFFFFFEF7, lr;
	s5 =	simm.s32 $0xFFFFFFFF;
	p2 =	slt.u32 s8, $0xFFFFF086  }
0x1c: {  	p1 =	slt.u32 s9, $0xF7A;
	s5 =	simm.s32 @!p2 $0x0  }
0x1d: {  	s5 =	simm.s32 @p1 $0x1;
	p0 =	seq.s32 s7, s2  }
0x1e: {  	s7 =	smul.u32 @!p0 $0xF7A, s2;
	p2 =	seq.s32 @!p0 s5, $0x0  }
0x1f: {  	s9 =	smul.u32 $0xF7A, s1;
	s8 =	simm.s32 @!p0 $0x1BF5;
	p2 =	por !p2, p0  }
0x20: {  	[sflag:s8] =	ssyncset.s32 @!p0 $0xFFFFF086;
	s6 =	sadd.s32 @!p0 s3, s7;
	s7 =	simm.s32 @!p0 $0x108  }
0x21: {  	s3 =	sadd.s32 s3, s9;
	s6 =	sadd.s32 @!p0 $0x88, s6;
	s7 =	simm.s32 @p2 $0x1082  }
0x22: {  	[simem:s7], [sflag:s8] =	dma.local @!p0 [hbm:s6], $0xF7A  }
0x23: {  	s9 =	sor.u32 $0xD0000000, s2;
	s6 =	simm.s32 $0x108;
	_ =	swait.ge @!p0 [sflag:s8], $0x0  }
0x24: {  	s3 =	sadd.s32 $0x88, s3;
	s6 =	simm.s32 @!p1 $0x1082;
	[sflag:s4] =	ssyncset.s32 $0xFFFFF086  }
0x25: {  	[simem:s6], [sflag:s4] =	dma.local [hbm:s3], $0xF7A  }
0x26: {  	[smem:$0x3F90] =	sst s1;
	(tag) =	ssettag s2;
	_ =	strace s9  }
0x27: {  	s1 =	sld [smem:$0x3FA0]  }
0x28: {  	s2 =	sld [smem:$0x3FA1]  }
0x29: {  	s4 =	sld [smem:$0x3FA3]  }
0x2a: {  	p0 =	seq.s32 s5, $0x0;
	s5 =	sld [smem:$0x3FA4]  }
0x2b: {  	s6 =	sld [smem:$0x3FA5]  }
0x2c: {  	s7 =	sld [smem:$0x3FA6]  }
0x2d: {  	s3 =	simm.s32 $0x108;
	s8 =	sld [smem:$0x3FA7]  }
0x2e: {  	s3 =	simm.s32 @!p0 $0x1082;
	s9 =	sld [smem:$0x3FA8]  }
0x2f: {  	lr =	sadd.s32 s0, s3;
	s0 =	sld [smem:$0x3F9F]  }
0x30: {  	s3 =	sld [smem:$0x3FA2]  }
0x31: {  	[smem:$0x3FAB] =	sst s10  }
0x32: {  	s10 =	sld [smem:$0x3FA9];
	_ =	sdelay $0x3  }
0x33: {  	p0 =	seq.s32 s10, $0x1;
	s10 =	sld [smem:$0x3FAB];
	_ =	sdelay $0x3  }
0x34: {  	[smem:$0x3FAB] =	sst s10  }
0x35: {  	s10 =	sld [smem:$0x3FAA];
	_ =	sdelay $0x3  }
0x36: {  	p1 =	seq.s32 s10, $0x1;
	s10 =	sld [smem:$0x3FAB];
	_ =	sdelay $0x3  }
0x37: {  	[smem:$0x3FAB] =	sst s10  }
0x38: {  	s10 =	sld [smem:$0x3FAC]  }
0x39: {  	_ = 	snop;
	(pc) =	sbr.ind lr, $3  }
0x3a: {  	_ = 	snop  }
0x3b: {  	_ = 	snop  }
0x3c: {  	p2 =	seq.s32 s10, $0x1;
	s10 =	sld [smem:$0x3FAB]  }
0x3d: {  	_ =	shalt  }
0x3e: {  	_ =	shalt  }
0x3f: {  	_ =	shalt  }
0x40: {  	_ =	shalt  }
0x41: {  	_ =	shalt  }
0x42: {  	_ =	shalt  }
0x43: {  	_ =	shalt  }
0x44: {  	_ =	shalt  }
0x45: {  	_ =	shalt  }
0x46: {  	_ =	shalt  }
0x47: {  	_ =	shalt  }
0x48: {  	_ =	shalt  }
0x49: {  	_ =	shalt  }
0x4a: {  	_ =	shalt  }
0x4b: {  	_ =	shalt  }
0x4c: {  	_ =	shalt  }
0x4d: {  	_ =	shalt  }
0x4e: {  	_ =	shalt  }
0x4f: {  	_ =	shalt  }
0x50: {  	_ =	shalt  }
0x51: {  	_ =	shalt  }
0x52: {  	_ =	shalt  }
0x53: {  	_ =	shalt  }
0x54: {  	_ =	shalt  }
0x55: {  	_ =	shalt  }
0x56: {  	_ =	shalt  }
0x57: {  	_ =	shalt  }
0x58: {  	_ =	shalt  }
0x59: {  	_ =	shalt  }
0x5a: {  	_ =	shalt  }
0x5b: {  	_ =	shalt  }
0x5c: {  	_ =	shalt  }
0x5d: {  	_ =	shalt  }
0x5e: {  	_ =	shalt  }
0x5f: {  	_ =	shalt  }
0x60: {  	_ =	shalt  }
0x61: {  	_ =	shalt  }
0x62: {  	_ =	shalt  }
0x63: {  	_ =	shalt  }
0x64: {  	_ =	shalt  }
0x65: {  	_ =	shalt  }
0x66: {  	_ =	shalt  }
0x67: {  	_ =	shalt  }
0x68: {  	_ =	shalt  }
0x69: {  	_ =	shalt  }
0x6a: {  	_ =	shalt  }
0x6b: {  	_ =	shalt  }
0x6c: {  	_ =	shalt  }
0x6d: {  	_ =	shalt  }
0x6e: {  	_ =	shalt  }
0x6f: {  	_ =	shalt  }
0x70: {  	_ =	shalt  }
0x71: {  	_ =	shalt  }
0x72: {  	_ =	shalt  }
0x73: {  	_ =	shalt  }
0x74: {  	_ =	shalt  }
0x75: {  	_ =	shalt  }
0x76: {  	_ =	shalt  }
0x77: {  	_ =	shalt  }
0x78: {  	_ =	shalt  }
0x79: {  	_ =	shalt  }
0x7a: {  	_ =	shalt  }
0x7b: {  	_ =	shalt  }
0x7c: {  	_ =	shalt  }
0x7d: {  	_ =	shalt  }
0x7e: {  	_ =	shalt  }
0x7f: {  	_ =	shalt  }
0x80: {  	_ =	shalt  }
0x81: {  	_ =	shalt  }
0x82: {  	_ =	shalt  }
0x83: {  	_ =	shalt  }
0x84: {  	_ =	shalt  }
0x85: {  	_ =	shalt  }
0x86: {  	_ =	shalt  }
0x87: {  	_ =	shalt  }
.Lfunc_end0:
.L_simem_size_0:
called_computation.3_lowered:
.L_overlay_start_0:
0x88: {  	s2 =	sld [smem:$0x3FD9]  }
0x89: {  	s3 =	sld [smem:$0x3FFE];
	_ =	sdelay $0x1  }
0x8a: {  	s1 =	srdreg.scid  }
0x8b: {  	s0 =	sand.u32 $0x1, s1  }
0x8c: {  	s16 =	sshll.u32 s0, $0xA;
	s2 =	sadd.s32 s3, s2  }
0x8d: {  	s2 =	sadd.s32 s2, s16  }
0x8e: {  	[smem:$0x3FB7] =	sst s2  }
0x8f: {  	_ = 	snop  }
0x90: {  	(tm) =	ssettm $0x1  }
0x91: {  	s17 =	sld [smem:$0x3FFB];
	_ =	sdelay $0x3  }
0x92: {  	_ =	strace s17  }
0x93: {  	s2 =	sld [smem:$0x3FFC];
	_ =	sdelay $0x3  }
0x94: {  	_ =	strace s2  }
0x95: {  	s2 =	sld [smem:$0x3FFD];
	_ =	sdelay $0x3  }
0x96: {  	_ =	strace s2  }
0x97: {  	_ =	strace $0x8FFFFFFF  }
0x98: {  	s18 =	sld [smem:$0x3FDB];
	_ =	sdelay $0x1  }
0x99: {  	s19 =	simm.s32 $_scs_section_size  }
0x9a: {  	s4 =	simm.s32 $_size__tile_overlayer_lowered;
	s5 =	simm.s32 $_tile_overlayer_lowered  }
0x9b: {  	s22 =	simm.s32 $0x1BFF;
	s21 =	sshll.u32 s5, $0x1;
	s2 =	sadd.s32 s19, s18  }
0x9c: {  	s6 =	simm.s32 $0x0;
	s20 =	sshll.u32 s4, $0x1;
	s4 =	sadd.s32 s21, s2  }
0x9d: {  	[timem:s6], [sflag:s22] =	dma.local [hbm:s4], s20  }
0x9e: {  	_ =	swait.ge [sflag:s22], s20  }
0x9f: {  	s3 =	ssub.s32 $0x0, s20;
	[sflag:s22] =	ssyncset.done $0x0  }
0xa0: {  	[sflag:s22] =	ssyncadd.s32 s3;
	_ =	sdelay $0x1  }
0xa1: {  	s23 =	simm.s32 $0x1B8B  }
0xa2: {  	_ =	swait.ge [sflag:s23], $0x1  }
0xa3: {  	[sflag:s23] =	ssyncset.done $0x0  }
0xa4: {  	s25 =	simm.s32 $0x1B8E;
	s24 =	sld [smem:$0x3FFE];
	[sflag:s23] =	ssyncadd.s32 $0xFFFFFFFF  }
0xa5: {  	s26 =	simm.s32 $execute0_lowered;
	[smem:$0x3FD2] =	sst s25  }
0xa6: {  	s4 =	sshll.u32 s26, $0x1;
	_ =	strace $0x8000004F;
	[dreg:$0x1] =	wrdreg $0xFFFFFFFF  }
0xa7: {  	s28 =	simm.s32 $_size_execute0_lowered;
	s2 =	sadd.s32 s2, s4;
	[dreg:$0x0] =	wrdreg $0x0  }
0xa8: {  	s4 =	sshll.u32 s28, $0x1;
	[dreg:$0x2] =	wrdreg s2  }
0xa9: {  	[dreg:$0x3] =	wrdreg s4  }
0xaa: {  	[dreg:$0x4] =	wrdreg $0xC0  }
0xab: {  	_ =	task [dreg:s6], $0x5FFFF  }
0xac: {  	[dreg:$0x1] =	wrdreg $0xFFFFFFFF  }
0xad: {  	[dreg:$0x0] =	wrdreg $0x60  }
0xae: {  	[dreg:$0x2] =	wrdreg s24  }
0xaf: {  	[dreg:$0x3] =	wrdreg $0x0  }
0xb0: {  	[dreg:$0x4] =	wrdreg $0x9  }
0xb1: {  	_ =	task.clear_ibuf [dreg:s6], $0x5FFFF;
	_ =	strace $0x9000004F  }
0xb2: {  	s29 =	simm.s32 $0x9;
	_ =	strace $0x80000051  }
0xb3: {  	_ =	swait.ge [sflag:s29], $0x1  }
0xb4: {  	[sflag:s29] =	ssyncadd.s32 $0xFFFFFFFF  }
0xb5: {  	_ =	strace $0x90000051  }
0xb6: {  	_ =	sfence  }
0xb7: {  	s30 =	sld [smem:$0x0];
	_ =	sdelay $0x2  }
0xb8: {  	s31 =	sshll.u32 s1, $0xD;
	s1 =	sshrl.u32 s1, $0x2  }
0xb9: {  	s3 =	sand.u32 $0x4000, s31;
	s1 =	sadd.s32 s1, s30  }
0xba: {  	s0 =	sor.u32 s3, s0;
	s1 =	sshll.u32 s1, $0x11  }
0xbb: {  	s0 =	sor.u32 s1, s0  }
0xbc: {  	s0 =	sadd.s32 $0x8F2B, s0  }
0xbd: {  	[sflag:s0] =	ssyncadd.remote.s32 $0x1  }
0xbe: {  	_ =	sfence.sel $0xFFFF  }
0xbf: {  	[dreg:$0x0] =	wrdreg $0xFFFFFFFF;
	(pc) =	sbr.abs _section_cstart, $3  }
0xc0: {  	[dreg:$0x1] =	wrdreg $0xFFFFFFFF  }
0xc1: {  	_ =	task.clear_ibuf [dreg:s6], $0x2FFFF;
	_ =	strace $0x9FFFFFFF  }
0xc2: {  	(tm) =	ssettm $0x7FFFFFFF  }
0xc3: {  	_ =	shalt  }
tec
execute0_lowered:
.L_overlay_start_1:
0x0: {  	(tag) =	ssettag $0x1  }
0x1: {  	s6 =	rddreg [dreg:$0x0]  }
0x2: {  	s1 =	rddreg [dreg:$0x1]  }
0x3: {  	s0 =	rddreg [dreg:$0x2]  }
0x4: {  	s2 =	simm.s32 $0x0;
	s4 =	srdreg.scid;
	s16 =	simm.s32 $0x80  }
0x5: {  	s17 =	simm.s32 $0x16400;
	s18 =	simm.s32 $0x13C80;
	s19 =	simm.s32 $0x1A400  }
0x6: {  	s20 =	simm.s32 $0x1;
	s21 =	simm.s32 $0x2;
	s22 =	simm.s32 $0x16300  }
0x7: {  	s23 =	simm.s32 $0x16380;
	[smem:$0x7FF] =	sst s2;
	s3 =	sadd.s32 $0x4800, s6  }
0x8: {  	s9 =	sadd.s32 $0x2C200, s6;
	s10 =	sadd.s32 $0x36200, s6;
	s7 =	sand.u32 $0x1, s4  }
0x9: {  	s5 =	sadd.s32 $0x40200, s6;
	s4 =	stileid.u32;
	s8 =	smul.u32 $0x27800, s7  }
0xa: {  	_ =	strace $0x80000050;
	s11 =	sshll.u32 s7, $0x4;
	s12 =	smul.u32 $0x4F000, s4  }
0xb: {  	s7 =	ssub.s32 $0x2, s7;
	s31 =	sshll.u32 s4, $0x6;
	s25 =	smul.u32 $0x2780, s4  }
0xc: {  	s11 =	ssub.s32 s4, s11;
	s26 =	sshrl.u32 s7, $0x1;
	s13 =	sadd.s32 s8, s6  }
0xd: {  	s28 =	smul.u32 $0x2800, s11;
	s14 =	ssub.s32 s7, s26;
	s29 =	sshrl.u32 s12, $0x2  }
0xe: {  	s30 =	smul.u32 $0x500, s11;
	s6 =	sor.u32 $0x1C03, s31;
	s12 =	sadd.s32 s29, s1  }
0xf: {  	s24 =	sadd.s32 $0x42A00, s13;
	s13 =	simm.s32 $0x3;
	s8 =	sadd.s32 $0x29400, s28  }
0x10: {  	s11 =	sadd.s32 $0x5000, s30;
	s12 =	sshrl.u32 s12, $0x3;
	s24 =	sadd.s32 s25, s24  }
0x11: {  	s25 =	simm.s32 $0x0;
	s15 =	sshrl.u32 s8, $0x3;
	s7 =	sadd.s32 s9, s11  }
0x12: {  	s8 =	sadd.s32 s10, s11;
	s11 =	smax.u32 s14, $0x1;
	s14 =	simm.s32 $0x13C00  }
0x13: {  	s9 =	sadd.s32 s9, s15;
	s10 =	sadd.s32 s10, s15;
	s15 =	simm.s32 $0x15000  }
.LBB2_1:
0x14: {  	[spmem:s12], [sflag:s6] =	dma.local [hbm:s5], $0x2780  }
0x15: {  	_ =	swait.ge [sflag:s13], $0x2780  }
0x16: {  	[sflag:s13] =	ssyncset.done $0x0  }
0x17: {  	[sflag:s13] =	ssyncadd.s32 $0xFFFFD880  }
0x18: {  	[bflag:$0x0] =	sbarrier.arrive $0xFFFF  }
0x19: {  	[tilespmem:s14], [sflag:$0x3] =	stream.linear.gather [hbm4b:s7+s2], $0x1400, $0x38;
	[tilespmem:$0x1E400] =	vst v63  }
0x1a: {  	_ =	swait.ge [sflag:s13], $0x1400  }
0x1b: {  	[sflag:s13] =	ssyncset.done $0x0  }
0x1c: {  	[sflag:s13] =	ssyncadd.s32 $0xFFFFEC00  }
0x1d: {  	[tilespmem:s15], [sflag:$0x3] =	stream.linear.gather [hbm4b:s8+s2], $0x1400, $0x38;
	[tilespmem:$0x1E400] =	vst v63  }
0x1e: {  	_ =	swait.ge [sflag:s13], $0x1400  }
0x1f: {  	[sflag:s13] =	ssyncset.done $0x0  }
0x20: {  	[sflag:s13] =	ssyncadd.s32 $0xFFFFEC00  }
0x21: {  	[tilespmem:s17], [sflag:$0x1] =	stream.indirect.gather [hbm4b:s3+s16], $0x80, s14, s16, $0xb8;
	[tilespmem:$0x1E400] =	vst v63  }
0x22: {  	_ = 	snop  }
0x23: {  	[tilespmem:s19], [sflag:$0x2] =	stream.indirect.gather [hbm4b:s3+s16], $0x80, s18, s16, $0xb8;
	[tilespmem:$0x1E400] =	vst v63  }
0x24: {  	_ =	swait.ge [sflag:s20], $0x4000  }
0x25: {  	[sflag:s20] =	ssyncset.done $0x0  }
0x26: {  	s26 =	simm.s32 $0x15000;
	[sflag:s20] =	ssyncadd.s32 $0xFFFFC000  }
0x27: {  	[spmem:s1] =	stream.indirect.scatter.add.f32 [tilespmem:s17], [sflag:$0x3], $0x80, s26, s16, $0xb8;
	[tilespmem:$0x1E400] =	vst v63  }
0x28: {  	_ =	swait.ge [sflag:s13], $0x4000  }
0x29: {  	[sflag:s13] =	ssyncset.done $0x0  }
0x2a: {  	s30 =	simm.s32 $0x13D00;
	[sflag:s13] =	ssyncadd.s32 $0xFFFFC000  }
0x2b: {  	[tilespmem:s17], [sflag:$0x1] =	stream.indirect.gather [hbm4b:s3+s16], $0x80, s30, s16, $0xb8;
	[tilespmem:$0x1E400] =	vst v63  }
0x2c: {  	_ =	swait.ge [sflag:s21], $0x4000  }
0x2d: {  	[sflag:s21] =	ssyncset.done $0x0  }
0x2e: {  	s31 =	simm.s32 $0x15080;
	[sflag:s21] =	ssyncadd.s32 $0xFFFFC000  }
0x2f: {  	[spmem:s1] =	stream.indirect.scatter.add.f32 [tilespmem:s19], [sflag:$0x3], $0x80, s31, s16, $0xb8;
	[tilespmem:$0x1E400] =	vst v63  }
0x30: {  	_ =	swait.ge [sflag:s13], $0x4000  }
0x31: {  	[sflag:s13] =	ssyncset.done $0x0  }
0x32: {  	s28 =	simm.s32 $0x13D80;
	s26 =	simm.s32 $0x400;
	[sflag:s13] =	ssyncadd.s32 $0xFFFFC000  }
.LBB2_2:
0x33: {  	[tilespmem:s19], [sflag:$0x2] =	stream.indirect.gather [hbm4b:s3+s16], $0x80, s28, s16, $0xb8;
	[tilespmem:$0x1E400] =	vst v63  }
0x34: {  	s28 =	smov.u32 s26  }
0x35: {  	p0 =	sne.s32 s26, $0x4800;
	s26 =	sadd.s32 $0x400, s26;
	_ =	swait.ge [sflag:s20], $0x4000  }
0x36: {  	s28 =	sshra.s32 s28, $0x2;
	[sflag:s20] =	ssyncset.done $0x0  }
0x37: {  	s29 =	sadd.s32 $0x15000, s28;
	[sflag:s20] =	ssyncadd.s32 $0xFFFFC000  }
0x38: {  	[spmem:s1] =	stream.indirect.scatter.add.f32 [tilespmem:s17], [sflag:$0x3], $0x80, s29, s16, $0xb8;
	[tilespmem:$0x1E400] =	vst v63  }
0x39: {  	_ =	swait.ge [sflag:s13], $0x4000  }
0x3a: {  	[sflag:s13] =	ssyncset.done $0x0  }
0x3b: {  	s29 =	sadd.s32 $0x13D00, s28;
	[sflag:s13] =	ssyncadd.s32 $0xFFFFC000  }
0x3c: {  	[tilespmem:s17], [sflag:$0x1] =	stream.indirect.gather [hbm4b:s3+s16], $0x80, s29, s16, $0xb8;
	[tilespmem:$0x1E400] =	vst v63  }
0x3d: {  	_ =	swait.ge [sflag:s21], $0x4000  }
0x3e: {  	[sflag:s21] =	ssyncset.done $0x0  }
.Ltmp0:
0x3f: {  	s29 =	sadd.s32 $0x15080, s28;
	[sflag:s21] =	ssyncadd.s32 $0xFFFFC000;
	(pc) =	sbr.rel @p0 .LBB2_2-.Ltmp0, $4  }
0x40: {  	[spmem:s1] =	stream.indirect.scatter.add.f32 [tilespmem:s19], [sflag:$0x3], $0x80, s29, s16, $0xb8;
	[tilespmem:$0x1E400] =	vst v63  }
0x41: {  	_ =	swait.ge [sflag:s13], $0x4000  }
0x42: {  	[sflag:s13] =	ssyncset.done $0x0  }
0x43: {  	s28 =	sadd.s32 $0x13D80, s28;
	[sflag:s13] =	ssyncadd.s32 $0xFFFFC000  }
0x44: {  	[tilespmem:s19], [sflag:$0x2] =	stream.indirect.gather [hbm4b:s3+s16], $0x80, s28, s16, $0xb8;
	[tilespmem:$0x1E400] =	vst v63  }
0x45: {  	_ =	swait.ge [sflag:s20], $0x4000  }
0x46: {  	[sflag:s20] =	ssyncset.done $0x0  }
0x47: {  	[sflag:s20] =	ssyncadd.s32 $0xFFFFC000  }
0x48: {  	[spmem:s1] =	stream.indirect.scatter.add.f32 [tilespmem:s17], [sflag:$0x3], $0x80, s22, s16, $0xb8;
	[tilespmem:$0x1E400] =	vst v63  }
0x49: {  	_ =	swait.ge [sflag:s13], $0x4000  }
0x4a: {  	[sflag:s13] =	ssyncset.done $0x0  }
0x4b: {  	[sflag:s13] =	ssyncadd.s32 $0xFFFFC000  }
0x4c: {  	_ =	swait.ge [sflag:s21], $0x4000  }
0x4d: {  	[sflag:s21] =	ssyncset.done $0x0  }
0x4e: {  	[sflag:s21] =	ssyncadd.s32 $0xFFFFC000  }
0x4f: {  	[spmem:s1] =	stream.indirect.scatter.add.f32 [tilespmem:s19], [sflag:$0x3], $0x80, s23, s16, $0xb8;
	[tilespmem:$0x1E400] =	vst v63  }
0x50: {  	_ =	swait.ge [sflag:s13], $0x4000  }
0x51: {  	[sflag:s13] =	ssyncset.done $0x0  }
0x52: {  	s26 =	simm.s32 $0x0;
	[sflag:s13] =	ssyncadd.s32 $0xFFFFC000  }
0x53: {  	[tilespmem:s14], [sflag:$0x3] =	stream.linear.gather [hbm4b:s9+s26], $0x1400, $0x38;
	[tilespmem:$0x1E400] =	vst v63  }
0x54: {  	_ =	swait.ge [sflag:s13], $0x1400  }
0x55: {  	[sflag:s13] =	ssyncset.done $0x0  }
0x56: {  	[sflag:s13] =	ssyncadd.s32 $0xFFFFEC00  }
0x57: {  	[tilespmem:s15], [sflag:$0x3] =	stream.linear.gather [hbm4b:s10+s26], $0x1400, $0x38;
	[tilespmem:$0x1E400] =	vst v63  }
0x58: {  	_ =	swait.ge [sflag:s13], $0x1400  }
0x59: {  	[sflag:s13] =	ssyncset.done $0x0  }
0x5a: {  	[sflag:s13] =	ssyncadd.s32 $0xFFFFEC00  }
0x5b: {  	[tilespmem:s17], [sflag:$0x1] =	stream.indirect.gather [hbm4b:s3+s16], $0x80, s14, s16, $0xb8;
	[tilespmem:$0x1E400] =	vst v63  }
0x5c: {  	_ = 	snop  }
0x5d: {  	[tilespmem:s19], [sflag:$0x2] =	stream.indirect.gather [hbm4b:s3+s16], $0x80, s18, s16, $0xb8;
	[tilespmem:$0x1E400] =	vst v63  }
0x5e: {  	_ =	swait.ge [sflag:s20], $0x4000  }
0x5f: {  	[sflag:s20] =	ssyncset.done $0x0  }
0x60: {  	s29 =	simm.s32 $0x15000;
	[sflag:s20] =	ssyncadd.s32 $0xFFFFC000  }
0x61: {  	[spmem:s1] =	stream.indirect.scatter.add.f32 [tilespmem:s17], [sflag:$0x3], $0x80, s29, s16, $0xb8;
	[tilespmem:$0x1E400] =	vst v63  }
0x62: {  	_ =	swait.ge [sflag:s13], $0x4000  }
0x63: {  	[sflag:s13] =	ssyncset.done $0x0  }
0x64: {  	s30 =	simm.s32 $0x13D00;
	[sflag:s13] =	ssyncadd.s32 $0xFFFFC000  }
0x65: {  	[tilespmem:s17], [sflag:$0x1] =	stream.indirect.gather [hbm4b:s3+s16], $0x80, s30, s16, $0xb8;
	[tilespmem:$0x1E400] =	vst v63  }
0x66: {  	_ =	swait.ge [sflag:s21], $0x4000  }
0x67: {  	[sflag:s21] =	ssyncset.done $0x0  }
0x68: {  	s31 =	simm.s32 $0x15080;
	[sflag:s21] =	ssyncadd.s32 $0xFFFFC000  }
0x69: {  	[spmem:s1] =	stream.indirect.scatter.add.f32 [tilespmem:s19], [sflag:$0x3], $0x80, s31, s16, $0xb8;
	[tilespmem:$0x1E400] =	vst v63  }
0x6a: {  	_ =	swait.ge [sflag:s13], $0x4000  }
0x6b: {  	[sflag:s13] =	ssyncset.done $0x0  }
0x6c: {  	s28 =	simm.s32 $0x13D80;
	s26 =	simm.s32 $0x400;
	[sflag:s13] =	ssyncadd.s32 $0xFFFFC000  }
.LBB2_4:
0x6d: {  	[tilespmem:s19], [sflag:$0x2] =	stream.indirect.gather [hbm4b:s3+s16], $0x80, s28, s16, $0xb8;
	[tilespmem:$0x1E400] =	vst v63  }
0x6e: {  	s28 =	smov.u32 s26  }
0x6f: {  	p0 =	sne.s32 s26, $0x4800;
	s26 =	sadd.s32 $0x400, s26;
	_ =	swait.ge [sflag:s20], $0x4000  }
0x70: {  	s28 =	sshra.s32 s28, $0x2;
	[sflag:s20] =	ssyncset.done $0x0  }
0x71: {  	s29 =	sadd.s32 $0x15000, s28;
	[sflag:s20] =	ssyncadd.s32 $0xFFFFC000  }
0x72: {  	[spmem:s1] =	stream.indirect.scatter.add.f32 [tilespmem:s17], [sflag:$0x3], $0x80, s29, s16, $0xb8;
	[tilespmem:$0x1E400] =	vst v63  }
0x73: {  	_ =	swait.ge [sflag:s13], $0x4000  }
0x74: {  	[sflag:s13] =	ssyncset.done $0x0  }
0x75: {  	s29 =	sadd.s32 $0x13D00, s28;
	[sflag:s13] =	ssyncadd.s32 $0xFFFFC000  }
0x76: {  	[tilespmem:s17], [sflag:$0x1] =	stream.indirect.gather [hbm4b:s3+s16], $0x80, s29, s16, $0xb8;
	[tilespmem:$0x1E400] =	vst v63  }
0x77: {  	_ =	swait.ge [sflag:s21], $0x4000  }
0x78: {  	[sflag:s21] =	ssyncset.done $0x0  }
.Ltmp1:
0x79: {  	s29 =	sadd.s32 $0x15080, s28;
	[sflag:s21] =	ssyncadd.s32 $0xFFFFC000;
	(pc) =	sbr.rel @p0 .LBB2_4-.Ltmp1, $4  }
0x7a: {  	[spmem:s1] =	stream.indirect.scatter.add.f32 [tilespmem:s19], [sflag:$0x3], $0x80, s29, s16, $0xb8;
	[tilespmem:$0x1E400] =	vst v63  }
0x7b: {  	_ =	swait.ge [sflag:s13], $0x4000  }
0x7c: {  	[sflag:s13] =	ssyncset.done $0x0  }
0x7d: {  	s28 =	sadd.s32 $0x13D80, s28;
	[sflag:s13] =	ssyncadd.s32 $0xFFFFC000  }
0x7e: {  	[tilespmem:s19], [sflag:$0x2] =	stream.indirect.gather [hbm4b:s3+s16], $0x80, s28, s16, $0xb8;
	[tilespmem:$0x1E400] =	vst v63  }
0x7f: {  	_ =	swait.ge [sflag:s20], $0x4000  }
0x80: {  	[sflag:s20] =	ssyncset.done $0x0  }
0x81: {  	[sflag:s20] =	ssyncadd.s32 $0xFFFFC000  }
0x82: {  	[spmem:s1] =	stream.indirect.scatter.add.f32 [tilespmem:s17], [sflag:$0x3], $0x80, s22, s16, $0xb8;
	[tilespmem:$0x1E400] =	vst v63  }
0x83: {  	_ =	swait.ge [sflag:s13], $0x4000  }
0x84: {  	[sflag:s13] =	ssyncset.done $0x0  }
0x85: {  	[sflag:s13] =	ssyncadd.s32 $0xFFFFC000  }
0x86: {  	_ =	swait.ge [sflag:s21], $0x4000  }
0x87: {  	[sflag:s21] =	ssyncset.done $0x0  }
0x88: {  	[sflag:s21] =	ssyncadd.s32 $0xFFFFC000  }
0x89: {  	[spmem:s1] =	stream.indirect.scatter.add.f32 [tilespmem:s19], [sflag:$0x3], $0x80, s23, s16, $0xb8;
	[tilespmem:$0x1E400] =	vst v63  }
0x8a: {  	_ =	swait.ge [sflag:s13], $0x4000  }
0x8b: {  	s25 =	sadd.s32 $0x1, s25;
	[sflag:s13] =	ssyncset.done $0x0  }
0x8c: {  	p0 =	sne.s32 s25, s11;
	[sflag:s13] =	ssyncadd.s32 $0xFFFFC000  }
.Ltmp2:
0x8d: {  	[bflag:$0x0] =	sbarrier.arrive $0xFFFF;
	(pc) =	sbr.rel @p0 .LBB2_1-.Ltmp2, $4  }
0x8e: {  	[hbm:s24], [sflag:s6] =	dma.local [spmem:s12], $0x2780  }
0x8f: {  	_ =	swait.ge [sflag:s13], $0x2780  }
0x90: {  	[sflag:s13] =	ssyncset.done $0x0  }
0x91: {  	[sflag:s13] =	ssyncadd.s32 $0xFFFFD880  }
0x92: {  	_ =	sfence.sel $0x180000  }
0x93: {  	[bflag:$0x0] =	sbarrier.arrive $0xFFFF  }
0x94: {  	p0 =	sne.s32 s4, $0x0;
	_ =	strace $0x90000050  }
0x95: {  	s0 =	sadd.s32 @!p0 $0x100000, s0;
	[bflag:$0x2] =	sbarrier.arrive $0xFFFF  }
0x96: {  	[sflag:s0] =	ssyncadd.tile.s32 @!p0 $0x1;
	_ =	shalt  }
.Lfunc_end2:
_tile_overlayer_lowered:
.L_overlay_start_2:
0x97: {  	(tag) =	ssettag $0x2  }
0x98: {  	s0 =	rddreg [dreg:$0x0];
	s2 =	stileid.u32  }
0x99: {  	s1 =	rddreg [dreg:$0x1];
	p0 =	sne.s32 s2, $0x0  }
0x9a: {  	s3 =	rddreg [dreg:$0x2];
	[bflag:$0x3] =	sbarrier.arrive $0xFFFF;
	s2 =	simm.s32 @!p0 $0x1C03  }
0x9b: {  	[timem:s3], [sflag:s2] =	dma.local @!p0 [hbm:s0], s1  }
0x9c: {  	s0 =	simm.s32 @!p0 $0x3  }
0x9d: {  	_ =	swait.ge @!p0 [sflag:s0], s1  }
0x9e: {  	s1 =	ssub.s32 @!p0 $0x0, s1;
	[sflag:s0] =	ssyncset.done @!p0 $0x0  }
0x9f: {  	[sflag:s0] =	ssyncadd.s32 @!p0 s1  }
0xa0: {  	[bflag:$0x3] =	sbarrier.arrive $0xFFFF  }
0xa1: {  	_ =	shalt  }

// kernel: kernel.24.cloned.1.call-start
scs
__scs_entry_jumppad:
0x0: {  	(pc) =	sbr.rel $0x88, $3  }
0x1: {  	(tag) =	ssettag $0x0;
	lr =	simm.s32 $0x1  }
0x2: {  	[smem:$0x3F90] =	sst lr;
	_ =	strace $0xD0000000  }
0x3: {  	_ = 	snop  }
0x4: {  	_ = 	snop  }
0x5: {  	_ = 	snop  }
0x6: {  	_ = 	snop  }
0x7: {  	_ = 	snop  }
__scs_overlays_trampoline_lowered:
0x8: {  	[smem:$0x3F9F] =	sst s0  }
0x9: {  	[smem:$0x3FA0] =	sst s1  }
0xa: {  	[smem:$0x3FA1] =	sst s2  }
0xb: {  	[smem:$0x3FA2] =	sst s3  }
0xc: {  	[smem:$0x3FA3] =	sst s4  }
0xd: {  	[smem:$0x3FA4] =	sst s5  }
0xe: {  	[smem:$0x3FA5] =	sst s6  }
0xf: {  	[smem:$0x3FA6] =	sst s7  }
0x10: {  	[smem:$0x3FA7] =	sst s8  }
0x11: {  	[smem:$0x3FA8] =	sst s9;
	s0 =	simm.s32 @!p0 $0x0  }
0x12: {  	s1 =	sld [smem:$0x3F8E];
	s0 =	simm.s32 @p0 $0x1  }
0x13: {  	[smem:$0x3FA9] =	sst s0;
	s0 =	simm.s32 @!p1 $0x0  }
0x14: {  	s2 =	sld [smem:$0x3F8D];
	s0 =	simm.s32 @p1 $0x1  }
0x15: {  	[smem:$0x3FAA] =	sst s0;
	s0 =	simm.s32 @!p2 $0x0  }
0x16: {  	s3 =	sld [smem:$0x3FDB];
	s0 =	simm.s32 @p2 $0x1  }
0x17: {  	s4 =	simm.s32 $0x1BF5;
	[smem:$0x3FAC] =	sst s0  }
0x18: {  	s0 =	sld [smem:$0x3F8F];
	_ =	swait.ge [sflag:s4], $0x0  }
0x19: {  	s7 =	sld [smem:$0x3F90]  }
0x1a: {  	s8 =	sadd.s32 $0xFFFFE003, lr  }
0x1b: {  	s9 =	sadd.s32 $0xFFFFFEF7, lr;
	s5 =	simm.s32 $0xFFFFFFFF;
	p2 =	slt.u32 s8, $0xFFFFF086  }
0x1c: {  	p1 =	slt.u32 s9, $0xF7A;
	s5 =	simm.s32 @!p2 $0x0  }
0x1d: {  	s5 =	simm.s32 @p1 $0x1;
	p0 =	seq.s32 s7, s2  }
0x1e: {  	s7 =	smul.u32 @!p0 $0xF7A, s2;
	p2 =	seq.s32 @!p0 s5, $0x0  }
0x1f: {  	s9 =	smul.u32 $0xF7A, s1;
	s8 =	simm.s32 @!p0 $0x1BF5;
	p2 =	por !p2, p0  }
0x20: {  	[sflag:s8] =	ssyncset.s32 @!p0 $0xFFFFF086;
	s6 =	sadd.s32 @!p0 s3, s7;
	s7 =	simm.s32 @!p0 $0x108  }
0x21: {  	s3 =	sadd.s32 s3, s9;
	s6 =	sadd.s32 @!p0 $0x88, s6;
	s7 =	simm.s32 @p2 $0x1082  }
0x22: {  	[simem:s7], [sflag:s8] =	dma.local @!p0 [hbm:s6], $0xF7A  }
0x23: {  	s9 =	sor.u32 $0xD0000000, s2;
	s6 =	simm.s32 $0x108;
	_ =	swait.ge @!p0 [sflag:s8], $0x0  }
0x24: {  	s3 =	sadd.s32 $0x88, s3;
	s6 =	simm.s32 @!p1 $0x1082;
	[sflag:s4] =	ssyncset.s32 $0xFFFFF086  }
0x25: {  	[simem:s6], [sflag:s4] =	dma.local [hbm:s3], $0xF7A  }
0x26: {  	[smem:$0x3F90] =	sst s1;
	(tag) =	ssettag s2;
	_ =	strace s9  }
0x27: {  	s1 =	sld [smem:$0x3FA0]  }
0x28: {  	s2 =	sld [smem:$0x3FA1]  }
0x29: {  	s4 =	sld [smem:$0x3FA3]  }
0x2a: {  	p0 =	seq.s32 s5, $0x0;
	s5 =	sld [smem:$0x3FA4]  }
0x2b: {  	s6 =	sld [smem:$0x3FA5]  }
0x2c: {  	s7 =	sld [smem:$0x3FA6]  }
0x2d: {  	s3 =	simm.s32 $0x108;
	s8 =	sld [smem:$0x3FA7]  }
0x2e: {  	s3 =	simm.s32 @!p0 $0x1082;
	s9 =	sld [smem:$0x3FA8]  }
0x2f: {  	lr =	sadd.s32 s0, s3;
	s0 =	sld [smem:$0x3F9F]  }
0x30: {  	s3 =	sld [smem:$0x3FA2]  }
0x31: {  	[smem:$0x3FAB] =	sst s10  }
0x32: {  	s10 =	sld [smem:$0x3FA9];
	_ =	sdelay $0x3  }
0x33: {  	p0 =	seq.s32 s10, $0x1;
	s10 =	sld [smem:$0x3FAB];
	_ =	sdelay $0x3  }
0x34: {  	[smem:$0x3FAB] =	sst s10  }
0x35: {  	s10 =	sld [smem:$0x3FAA];
	_ =	sdelay $0x3  }
0x36: {  	p1 =	seq.s32 s10, $0x1;
	s10 =	sld [smem:$0x3FAB];
	_ =	sdelay $0x3  }
0x37: {  	[smem:$0x3FAB] =	sst s10  }
0x38: {  	s10 =	sld [smem:$0x3FAC]  }
0x39: {  	_ = 	snop;
	(pc) =	sbr.ind lr, $3  }
0x3a: {  	_ = 	snop  }
0x3b: {  	_ = 	snop  }
0x3c: {  	p2 =	seq.s32 s10, $0x1;
	s10 =	sld [smem:$0x3FAB]  }
0x3d: {  	_ =	shalt  }
0x3e: {  	_ =	shalt  }
0x3f: {  	_ =	shalt  }
0x40: {  	_ =	shalt  }
0x41: {  	_ =	shalt  }
0x42: {  	_ =	shalt  }
0x43: {  	_ =	shalt  }
0x44: {  	_ =	shalt  }
0x45: {  	_ =	shalt  }
0x46: {  	_ =	shalt  }
0x47: {  	_ =	shalt  }
0x48: {  	_ =	shalt  }
0x49: {  	_ =	shalt  }
0x4a: {  	_ =	shalt  }
0x4b: {  	_ =	shalt  }
0x4c: {  	_ =	shalt  }
0x4d: {  	_ =	shalt  }
0x4e: {  	_ =	shalt  }
0x4f: {  	_ =	shalt  }
0x50: {  	_ =	shalt  }
0x51: {  	_ =	shalt  }
0x52: {  	_ =	shalt  }
0x53: {  	_ =	shalt  }
0x54: {  	_ =	shalt  }
0x55: {  	_ =	shalt  }
0x56: {  	_ =	shalt  }
0x57: {  	_ =	shalt  }
0x58: {  	_ =	shalt  }
0x59: {  	_ =	shalt  }
0x5a: {  	_ =	shalt  }
0x5b: {  	_ =	shalt  }
0x5c: {  	_ =	shalt  }
0x5d: {  	_ =	shalt  }
0x5e: {  	_ =	shalt  }
0x5f: {  	_ =	shalt  }
0x60: {  	_ =	shalt  }
0x61: {  	_ =	shalt  }
0x62: {  	_ =	shalt  }
0x63: {  	_ =	shalt  }
0x64: {  	_ =	shalt  }
0x65: {  	_ =	shalt  }
0x66: {  	_ =	shalt  }
0x67: {  	_ =	shalt  }
0x68: {  	_ =	shalt  }
0x69: {  	_ =	shalt  }
0x6a: {  	_ =	shalt  }
0x6b: {  	_ =	shalt  }
0x6c: {  	_ =	shalt  }
0x6d: {  	_ =	shalt  }
0x6e: {  	_ =	shalt  }
0x6f: {  	_ =	shalt  }
0x70: {  	_ =	shalt  }
0x71: {  	_ =	shalt  }
0x72: {  	_ =	shalt  }
0x73: {  	_ =	shalt  }
0x74: {  	_ =	shalt  }
0x75: {  	_ =	shalt  }
0x76: {  	_ =	shalt  }
0x77: {  	_ =	shalt  }
0x78: {  	_ =	shalt  }
0x79: {  	_ =	shalt  }
0x7a: {  	_ =	shalt  }
0x7b: {  	_ =	shalt  }
0x7c: {  	_ =	shalt  }
0x7d: {  	_ =	shalt  }
0x7e: {  	_ =	shalt  }
0x7f: {  	_ =	shalt  }
0x80: {  	_ =	shalt  }
0x81: {  	_ =	shalt  }
0x82: {  	_ =	shalt  }
0x83: {  	_ =	shalt  }
0x84: {  	_ =	shalt  }
0x85: {  	_ =	shalt  }
0x86: {  	_ =	shalt  }
0x87: {  	_ =	shalt  }
.Lfunc_end0:
.L_simem_size_0:
called_computation.4_lowered:
.L_overlay_start_0:
0x88: {  	s2 =	sld [smem:$0x3FD9]  }
0x89: {  	s3 =	sld [smem:$0x3FFE];
	_ =	sdelay $0x1  }
0x8a: {  	s1 =	srdreg.scid  }
0x8b: {  	s0 =	sand.u32 $0x1, s1  }
0x8c: {  	s16 =	sshll.u32 s0, $0xA;
	s2 =	sadd.s32 s3, s2  }
0x8d: {  	s2 =	sadd.s32 s2, s16  }
0x8e: {  	[smem:$0x3FB7] =	sst s2  }
0x8f: {  	_ = 	snop  }
0x90: {  	(tm) =	ssettm $0x1  }
0x91: {  	s17 =	sld [smem:$0x3FFB];
	_ =	sdelay $0x3  }
0x92: {  	_ =	strace s17  }
0x93: {  	s2 =	sld [smem:$0x3FFC];
	_ =	sdelay $0x3  }
0x94: {  	_ =	strace s2  }
0x95: {  	s2 =	sld [smem:$0x3FFD];
	_ =	sdelay $0x3  }
0x96: {  	_ =	strace s2  }
0x97: {  	_ =	strace $0x8FFFFFFF  }
0x98: {  	s18 =	sld [smem:$0x3FDB];
	_ =	sdelay $0x1  }
0x99: {  	s19 =	simm.s32 $_scs_section_size  }
0x9a: {  	s4 =	simm.s32 $_size__tile_overlayer_lowered;
	s5 =	simm.s32 $_tile_overlayer_lowered  }
0x9b: {  	s22 =	simm.s32 $0x1BFF;
	s21 =	sshll.u32 s5, $0x1;
	s2 =	sadd.s32 s19, s18  }
0x9c: {  	s6 =	simm.s32 $0x0;
	s20 =	sshll.u32 s4, $0x1;
	s4 =	sadd.s32 s21, s2  }
0x9d: {  	[timem:s6], [sflag:s22] =	dma.local [hbm:s4], s20  }
0x9e: {  	_ =	swait.ge [sflag:s22], s20  }
0x9f: {  	s3 =	ssub.s32 $0x0, s20;
	[sflag:s22] =	ssyncset.done $0x0  }
0xa0: {  	[sflag:s22] =	ssyncadd.s32 s3;
	_ =	sdelay $0x1  }
0xa1: {  	s23 =	simm.s32 $0x1B8B  }
0xa2: {  	_ =	swait.ge [sflag:s23], $0x1  }
0xa3: {  	[sflag:s23] =	ssyncset.done $0x0  }
0xa4: {  	s25 =	simm.s32 $0x1B8E;
	s24 =	sld [smem:$0x3FFE];
	[sflag:s23] =	ssyncadd.s32 $0xFFFFFFFF  }
0xa5: {  	s26 =	simm.s32 $execute0_lowered;
	[smem:$0x3FD2] =	sst s25  }
0xa6: {  	s4 =	sshll.u32 s26, $0x1;
	_ =	strace $0x80000052;
	[dreg:$0x1] =	wrdreg $0xFFFFFFFF  }
0xa7: {  	s28 =	simm.s32 $_size_execute0_lowered;
	s2 =	sadd.s32 s2, s4;
	[dreg:$0x0] =	wrdreg $0x0  }
0xa8: {  	s4 =	sshll.u32 s28, $0x1;
	[dreg:$0x2] =	wrdreg s2  }
0xa9: {  	[dreg:$0x3] =	wrdreg s4  }
0xaa: {  	[dreg:$0x4] =	wrdreg $0xC0  }
0xab: {  	_ =	task [dreg:s6], $0x5FFFF  }
0xac: {  	[dreg:$0x1] =	wrdreg $0xFFFFFFFF  }
0xad: {  	[dreg:$0x0] =	wrdreg $0x60  }
0xae: {  	[dreg:$0x2] =	wrdreg s24  }
0xaf: {  	[dreg:$0x3] =	wrdreg $0x0  }
0xb0: {  	[dreg:$0x4] =	wrdreg $0x9  }
0xb1: {  	_ =	task.clear_ibuf [dreg:s6], $0x5FFFF;
	_ =	strace $0x90000052  }
0xb2: {  	s29 =	simm.s32 $0x9;
	_ =	strace $0x80000054  }
0xb3: {  	_ =	swait.ge [sflag:s29], $0x1  }
0xb4: {  	[sflag:s29] =	ssyncadd.s32 $0xFFFFFFFF  }
0xb5: {  	_ =	strace $0x90000054  }
0xb6: {  	_ =	sfence  }
0xb7: {  	s30 =	sld [smem:$0x0];
	_ =	sdelay $0x2  }
0xb8: {  	s31 =	sshll.u32 s1, $0xD;
	s1 =	sshrl.u32 s1, $0x2  }
0xb9: {  	s3 =	sand.u32 $0x4000, s31;
	s1 =	sadd.s32 s1, s30  }
0xba: {  	s0 =	sor.u32 s3, s0;
	s1 =	sshll.u32 s1, $0x11  }
0xbb: {  	s0 =	sor.u32 s1, s0  }
0xbc: {  	s0 =	sadd.s32 $0x8F2B, s0  }
0xbd: {  	[sflag:s0] =	ssyncadd.remote.s32 $0x1  }
0xbe: {  	_ =	sfence.sel $0xFFFF  }
0xbf: {  	[dreg:$0x0] =	wrdreg $0xFFFFFFFF;
	(pc) =	sbr.abs _section_cstart, $3  }
0xc0: {  	[dreg:$0x1] =	wrdreg $0xFFFFFFFF  }
0xc1: {  	_ =	task.clear_ibuf [dreg:s6], $0x2FFFF;
	_ =	strace $0x9FFFFFFF  }
0xc2: {  	(tm) =	ssettm $0x7FFFFFFF  }
0xc3: {  	_ =	shalt  }
tec
execute0_lowered:
.L_overlay_start_1:
0x0: {  	(tag) =	ssettag $0x1  }
0x1: {  	s6 =	rddreg [dreg:$0x0]  }
0x2: {  	s1 =	rddreg [dreg:$0x1]  }
0x3: {  	s0 =	rddreg [dreg:$0x2]  }
0x4: {  	s2 =	simm.s32 $0x0;
	s4 =	srdreg.scid;
	s16 =	simm.s32 $0x80  }
0x5: {  	s17 =	simm.s32 $0x16400;
	s18 =	simm.s32 $0x13C80;
	s19 =	simm.s32 $0x1A400  }
0x6: {  	s20 =	simm.s32 $0x1;
	s21 =	simm.s32 $0x2;
	s22 =	simm.s32 $0x16300  }
0x7: {  	s23 =	simm.s32 $0x16380;
	[smem:$0x7FF] =	sst s2;
	s3 =	sadd.s32 $0x4800, s6  }
0x8: {  	s9 =	sadd.s32 $0x2C200, s6;
	s10 =	sadd.s32 $0x36200, s6;
	s7 =	sand.u32 $0x1, s4  }
0x9: {  	s5 =	sadd.s32 $0x40200, s6;
	s4 =	stileid.u32;
	s8 =	smul.u32 $0x27800, s7  }
0xa: {  	_ =	strace $0x80000053;
	s11 =	sshll.u32 s7, $0x4;
	s12 =	smul.u32 $0x4F000, s4  }
0xb: {  	s7 =	ssub.s32 $0x2, s7;
	s31 =	sshll.u32 s4, $0x6;
	s25 =	smul.u32 $0x2780, s4  }
0xc: {  	s11 =	ssub.s32 s4, s11;
	s26 =	sshrl.u32 s7, $0x1;
	s13 =	sadd.s32 s8, s6  }
0xd: {  	s28 =	smul.u32 $0x2800, s11;
	s14 =	ssub.s32 s7, s26;
	s29 =	sshrl.u32 s12, $0x2  }
0xe: {  	s30 =	smul.u32 $0x500, s11;
	s6 =	sor.u32 $0x1C03, s31;
	s12 =	sadd.s32 s29, s1  }
0xf: {  	s24 =	sadd.s32 $0x42A00, s13;
	s13 =	simm.s32 $0x3;
	s8 =	sadd.s32 $0x29400, s28  }
0x10: {  	s11 =	sadd.s32 $0x5000, s30;
	s12 =	sshrl.u32 s12, $0x3;
	s24 =	sadd.s32 s25, s24  }
0x11: {  	s25 =	simm.s32 $0x0;
	s15 =	sshrl.u32 s8, $0x3;
	s7 =	sadd.s32 s9, s11  }
0x12: {  	s8 =	sadd.s32 s10, s11;
	s11 =	smax.u32 s14, $0x1;
	s14 =	simm.s32 $0x13C00  }
0x13: {  	s9 =	sadd.s32 s9, s15;
	s10 =	sadd.s32 s10, s15;
	s15 =	simm.s32 $0x15000  }
.LBB2_1:
0x14: {  	[spmem:s12], [sflag:s6] =	dma.local [hbm:s5], $0x2780  }
0x15: {  	_ =	swait.ge [sflag:s13], $0x2780  }
0x16: {  	[sflag:s13] =	ssyncset.done $0x0  }
0x17: {  	[sflag:s13] =	ssyncadd.s32 $0xFFFFD880  }
0x18: {  	[bflag:$0x0] =	sbarrier.arrive $0xFFFF  }
0x19: {  	[tilespmem:s14], [sflag:$0x3] =	stream.linear.gather [hbm4b:s7+s2], $0x1400, $0x38;
	[tilespmem:$0x1E400] =	vst v63  }
0x1a: {  	_ =	swait.ge [sflag:s13], $0x1400  }
0x1b: {  	[sflag:s13] =	ssyncset.done $0x0  }
0x1c: {  	[sflag:s13] =	ssyncadd.s32 $0xFFFFEC00  }
0x1d: {  	[tilespmem:s15], [sflag:$0x3] =	stream.linear.gather [hbm4b:s8+s2], $0x1400, $0x38;
	[tilespmem:$0x1E400] =	vst v63  }
0x1e: {  	_ =	swait.ge [sflag:s13], $0x1400  }
0x1f: {  	[sflag:s13] =	ssyncset.done $0x0  }
0x20: {  	[sflag:s13] =	ssyncadd.s32 $0xFFFFEC00  }
0x21: {  	[tilespmem:s17], [sflag:$0x1] =	stream.indirect.gather [hbm4b:s3+s16], $0x80, s14, s16, $0xb8;
	[tilespmem:$0x1E400] =	vst v63  }
0x22: {  	_ = 	snop  }
0x23: {  	[tilespmem:s19], [sflag:$0x2] =	stream.indirect.gather [hbm4b:s3+s16], $0x80, s18, s16, $0xb8;
	[tilespmem:$0x1E400] =	vst v63  }
0x24: {  	_ =	swait.ge [sflag:s20], $0x4000  }
0x25: {  	[sflag:s20] =	ssyncset.done $0x0  }
0x26: {  	s26 =	simm.s32 $0x15000;
	[sflag:s20] =	ssyncadd.s32 $0xFFFFC000  }
0x27: {  	[spmem:s1] =	stream.indirect.scatter.add.f32 [tilespmem:s17], [sflag:$0x3], $0x80, s26, s16, $0xb8;
	[tilespmem:$0x1E400] =	vst v63  }
0x28: {  	_ =	swait.ge [sflag:s13], $0x4000  }
0x29: {  	[sflag:s13] =	ssyncset.done $0x0  }
0x2a: {  	s30 =	simm.s32 $0x13D00;
	[sflag:s13] =	ssyncadd.s32 $0xFFFFC000  }
0x2b: {  	[tilespmem:s17], [sflag:$0x1] =	stream.indirect.gather [hbm4b:s3+s16], $0x80, s30, s16, $0xb8;
	[tilespmem:$0x1E400] =	vst v63  }
0x2c: {  	_ =	swait.ge [sflag:s21], $0x4000  }
0x2d: {  	[sflag:s21] =	ssyncset.done $0x0  }
0x2e: {  	s31 =	simm.s32 $0x15080;
	[sflag:s21] =	ssyncadd.s32 $0xFFFFC000  }
0x2f: {  	[spmem:s1] =	stream.indirect.scatter.add.f32 [tilespmem:s19], [sflag:$0x3], $0x80, s31, s16, $0xb8;
	[tilespmem:$0x1E400] =	vst v63  }
0x30: {  	_ =	swait.ge [sflag:s13], $0x4000  }
0x31: {  	[sflag:s13] =	ssyncset.done $0x0  }
0x32: {  	s28 =	simm.s32 $0x13D80;
	s26 =	simm.s32 $0x400;
	[sflag:s13] =	ssyncadd.s32 $0xFFFFC000  }
.LBB2_2:
0x33: {  	[tilespmem:s19], [sflag:$0x2] =	stream.indirect.gather [hbm4b:s3+s16], $0x80, s28, s16, $0xb8;
	[tilespmem:$0x1E400] =	vst v63  }
0x34: {  	s28 =	smov.u32 s26  }
0x35: {  	p0 =	sne.s32 s26, $0x4800;
	s26 =	sadd.s32 $0x400, s26;
	_ =	swait.ge [sflag:s20], $0x4000  }
0x36: {  	s28 =	sshra.s32 s28, $0x2;
	[sflag:s20] =	ssyncset.done $0x0  }
0x37: {  	s29 =	sadd.s32 $0x15000, s28;
	[sflag:s20] =	ssyncadd.s32 $0xFFFFC000  }
0x38: {  	[spmem:s1] =	stream.indirect.scatter.add.f32 [tilespmem:s17], [sflag:$0x3], $0x80, s29, s16, $0xb8;
	[tilespmem:$0x1E400] =	vst v63  }
0x39: {  	_ =	swait.ge [sflag:s13], $0x4000  }
0x3a: {  	[sflag:s13] =	ssyncset.done $0x0  }
0x3b: {  	s29 =	sadd.s32 $0x13D00, s28;
	[sflag:s13] =	ssyncadd.s32 $0xFFFFC000  }
0x3c: {  	[tilespmem:s17], [sflag:$0x1] =	stream.indirect.gather [hbm4b:s3+s16], $0x80, s29, s16, $0xb8;
	[tilespmem:$0x1E400] =	vst v63  }
0x3d: {  	_ =	swait.ge [sflag:s21], $0x4000  }
0x3e: {  	[sflag:s21] =	ssyncset.done $0x0  }
.Ltmp0:
0x3f: {  	s29 =	sadd.s32 $0x15080, s28;
	[sflag:s21] =	ssyncadd.s32 $0xFFFFC000;
	(pc) =	sbr.rel @p0 .LBB2_2-.Ltmp0, $4  }
0x40: {  	[spmem:s1] =	stream.indirect.scatter.add.f32 [tilespmem:s19], [sflag:$0x3], $0x80, s29, s16, $0xb8;
	[tilespmem:$0x1E400] =	vst v63  }
0x41: {  	_ =	swait.ge [sflag:s13], $0x4000  }
0x42: {  	[sflag:s13] =	ssyncset.done $0x0  }
0x43: {  	s28 =	sadd.s32 $0x13D80, s28;
	[sflag:s13] =	ssyncadd.s32 $0xFFFFC000  }
0x44: {  	[tilespmem:s19], [sflag:$0x2] =	stream.indirect.gather [hbm4b:s3+s16], $0x80, s28, s16, $0xb8;
	[tilespmem:$0x1E400] =	vst v63  }
0x45: {  	_ =	swait.ge [sflag:s20], $0x4000  }
0x46: {  	[sflag:s20] =	ssyncset.done $0x0  }
0x47: {  	[sflag:s20] =	ssyncadd.s32 $0xFFFFC000  }
0x48: {  	[spmem:s1] =	stream.indirect.scatter.add.f32 [tilespmem:s17], [sflag:$0x3], $0x80, s22, s16, $0xb8;
	[tilespmem:$0x1E400] =	vst v63  }
0x49: {  	_ =	swait.ge [sflag:s13], $0x4000  }
0x4a: {  	[sflag:s13] =	ssyncset.done $0x0  }
0x4b: {  	[sflag:s13] =	ssyncadd.s32 $0xFFFFC000  }
0x4c: {  	_ =	swait.ge [sflag:s21], $0x4000  }
0x4d: {  	[sflag:s21] =	ssyncset.done $0x0  }
0x4e: {  	[sflag:s21] =	ssyncadd.s32 $0xFFFFC000  }
0x4f: {  	[spmem:s1] =	stream.indirect.scatter.add.f32 [tilespmem:s19], [sflag:$0x3], $0x80, s23, s16, $0xb8;
	[tilespmem:$0x1E400] =	vst v63  }
0x50: {  	_ =	swait.ge [sflag:s13], $0x4000  }
0x51: {  	[sflag:s13] =	ssyncset.done $0x0  }
0x52: {  	s26 =	simm.s32 $0x0;
	[sflag:s13] =	ssyncadd.s32 $0xFFFFC000  }
0x53: {  	[tilespmem:s14], [sflag:$0x3] =	stream.linear.gather [hbm4b:s9+s26], $0x1400, $0x38;
	[tilespmem:$0x1E400] =	vst v63  }
0x54: {  	_ =	swait.ge [sflag:s13], $0x1400  }
0x55: {  	[sflag:s13] =	ssyncset.done $0x0  }
0x56: {  	[sflag:s13] =	ssyncadd.s32 $0xFFFFEC00  }
0x57: {  	[tilespmem:s15], [sflag:$0x3] =	stream.linear.gather [hbm4b:s10+s26], $0x1400, $0x38;
	[tilespmem:$0x1E400] =	vst v63  }
0x58: {  	_ =	swait.ge [sflag:s13], $0x1400  }
0x59: {  	[sflag:s13] =	ssyncset.done $0x0  }
0x5a: {  	[sflag:s13] =	ssyncadd.s32 $0xFFFFEC00  }
0x5b: {  	[tilespmem:s17], [sflag:$0x1] =	stream.indirect.gather [hbm4b:s3+s16], $0x80, s14, s16, $0xb8;
	[tilespmem:$0x1E400] =	vst v63  }
0x5c: {  	_ = 	snop  }
0x5d: {  	[tilespmem:s19], [sflag:$0x2] =	stream.indirect.gather [hbm4b:s3+s16], $0x80, s18, s16, $0xb8;
	[tilespmem:$0x1E400] =	vst v63  }
0x5e: {  	_ =	swait.ge [sflag:s20], $0x4000  }
0x5f: {  	[sflag:s20] =	ssyncset.done $0x0  }
0x60: {  	s29 =	simm.s32 $0x15000;
	[sflag:s20] =	ssyncadd.s32 $0xFFFFC000  }
0x61: {  	[spmem:s1] =	stream.indirect.scatter.add.f32 [tilespmem:s17], [sflag:$0x3], $0x80, s29, s16, $0xb8;
	[tilespmem:$0x1E400] =	vst v63  }
0x62: {  	_ =	swait.ge [sflag:s13], $0x4000  }
0x63: {  	[sflag:s13] =	ssyncset.done $0x0  }
0x64: {  	s30 =	simm.s32 $0x13D00;
	[sflag:s13] =	ssyncadd.s32 $0xFFFFC000  }
0x65: {  	[tilespmem:s17], [sflag:$0x1] =	stream.indirect.gather [hbm4b:s3+s16], $0x80, s30, s16, $0xb8;
	[tilespmem:$0x1E400] =	vst v63  }
0x66: {  	_ =	swait.ge [sflag:s21], $0x4000  }
0x67: {  	[sflag:s21] =	ssyncset.done $0x0  }
0x68: {  	s31 =	simm.s32 $0x15080;
	[sflag:s21] =	ssyncadd.s32 $0xFFFFC000  }
0x69: {  	[spmem:s1] =	stream.indirect.scatter.add.f32 [tilespmem:s19], [sflag:$0x3], $0x80, s31, s16, $0xb8;
	[tilespmem:$0x1E400] =	vst v63  }
0x6a: {  	_ =	swait.ge [sflag:s13], $0x4000  }
0x6b: {  	[sflag:s13] =	ssyncset.done $0x0  }
0x6c: {  	s28 =	simm.s32 $0x13D80;
	s26 =	simm.s32 $0x400;
	[sflag:s13] =	ssyncadd.s32 $0xFFFFC000  }
.LBB2_4:
0x6d: {  	[tilespmem:s19], [sflag:$0x2] =	stream.indirect.gather [hbm4b:s3+s16], $0x80, s28, s16, $0xb8;
	[tilespmem:$0x1E400] =	vst v63  }
0x6e: {  	s28 =	smov.u32 s26  }
0x6f: {  	p0 =	sne.s32 s26, $0x4800;
	s26 =	sadd.s32 $0x400, s26;
	_ =	swait.ge [sflag:s20], $0x4000  }
0x70: {  	s28 =	sshra.s32 s28, $0x2;
	[sflag:s20] =	ssyncset.done $0x0  }
0x71: {  	s29 =	sadd.s32 $0x15000, s28;
	[sflag:s20] =	ssyncadd.s32 $0xFFFFC000  }
0x72: {  	[spmem:s1] =	stream.indirect.scatter.add.f32 [tilespmem:s17], [sflag:$0x3], $0x80, s29, s16, $0xb8;
	[tilespmem:$0x1E400] =	vst v63  }
0x73: {  	_ =	swait.ge [sflag:s13], $0x4000  }
0x74: {  	[sflag:s13] =	ssyncset.done $0x0  }
0x75: {  	s29 =	sadd.s32 $0x13D00, s28;
	[sflag:s13] =	ssyncadd.s32 $0xFFFFC000  }
0x76: {  	[tilespmem:s17], [sflag:$0x1] =	stream.indirect.gather [hbm4b:s3+s16], $0x80, s29, s16, $0xb8;
	[tilespmem:$0x1E400] =	vst v63  }
0x77: {  	_ =	swait.ge [sflag:s21], $0x4000  }
0x78: {  	[sflag:s21] =	ssyncset.done $0x0  }
.Ltmp1:
0x79: {  	s29 =	sadd.s32 $0x15080, s28;
	[sflag:s21] =	ssyncadd.s32 $0xFFFFC000;
	(pc) =	sbr.rel @p0 .LBB2_4-.Ltmp1, $4  }
0x7a: {  	[spmem:s1] =	stream.indirect.scatter.add.f32 [tilespmem:s19], [sflag:$0x3], $0x80, s29, s16, $0xb8;
	[tilespmem:$0x1E400] =	vst v63  }
0x7b: {  	_ =	swait.ge [sflag:s13], $0x4000  }
0x7c: {  	[sflag:s13] =	ssyncset.done $0x0  }
0x7d: {  	s28 =	sadd.s32 $0x13D80, s28;
	[sflag:s13] =	ssyncadd.s32 $0xFFFFC000  }
0x7e: {  	[tilespmem:s19], [sflag:$0x2] =	stream.indirect.gather [hbm4b:s3+s16], $0x80, s28, s16, $0xb8;
	[tilespmem:$0x1E400] =	vst v63  }
0x7f: {  	_ =	swait.ge [sflag:s20], $0x4000  }
0x80: {  	[sflag:s20] =	ssyncset.done $0x0  }
0x81: {  	[sflag:s20] =	ssyncadd.s32 $0xFFFFC000  }
0x82: {  	[spmem:s1] =	stream.indirect.scatter.add.f32 [tilespmem:s17], [sflag:$0x3], $0x80, s22, s16, $0xb8;
	[tilespmem:$0x1E400] =	vst v63  }
0x83: {  	_ =	swait.ge [sflag:s13], $0x4000  }
0x84: {  	[sflag:s13] =	ssyncset.done $0x0  }
0x85: {  	[sflag:s13] =	ssyncadd.s32 $0xFFFFC000  }
0x86: {  	_ =	swait.ge [sflag:s21], $0x4000  }
0x87: {  	[sflag:s21] =	ssyncset.done $0x0  }
0x88: {  	[sflag:s21] =	ssyncadd.s32 $0xFFFFC000  }
0x89: {  	[spmem:s1] =	stream.indirect.scatter.add.f32 [tilespmem:s19], [sflag:$0x3], $0x80, s23, s16, $0xb8;
	[tilespmem:$0x1E400] =	vst v63  }
0x8a: {  	_ =	swait.ge [sflag:s13], $0x4000  }
0x8b: {  	s25 =	sadd.s32 $0x1, s25;
	[sflag:s13] =	ssyncset.done $0x0  }
0x8c: {  	p0 =	sne.s32 s25, s11;
	[sflag:s13] =	ssyncadd.s32 $0xFFFFC000  }
.Ltmp2:
0x8d: {  	[bflag:$0x0] =	sbarrier.arrive $0xFFFF;
	(pc) =	sbr.rel @p0 .LBB2_1-.Ltmp2, $4  }
0x8e: {  	[hbm:s24], [sflag:s6] =	dma.local [spmem:s12], $0x2780  }
0x8f: {  	_ =	swait.ge [sflag:s13], $0x2780  }
0x90: {  	[sflag:s13] =	ssyncset.done $0x0  }
0x91: {  	[sflag:s13] =	ssyncadd.s32 $0xFFFFD880  }
0x92: {  	_ =	sfence.sel $0x180000  }
0x93: {  	[bflag:$0x0] =	sbarrier.arrive $0xFFFF  }
0x94: {  	p0 =	sne.s32 s4, $0x0;
	_ =	strace $0x90000053  }
0x95: {  	s0 =	sadd.s32 @!p0 $0x100000, s0;
	[bflag:$0x2] =	sbarrier.arrive $0xFFFF  }
0x96: {  	[sflag:s0] =	ssyncadd.tile.s32 @!p0 $0x1;
	_ =	shalt  }
.Lfunc_end2:
_tile_overlayer_lowered:
.L_overlay_start_2:
0x97: {  	(tag) =	ssettag $0x2  }
0x98: {  	s0 =	rddreg [dreg:$0x0];
	s2 =	stileid.u32  }
0x99: {  	s1 =	rddreg [dreg:$0x1];
	p0 =	sne.s32 s2, $0x0  }
0x9a: {  	s3 =	rddreg [dreg:$0x2];
	[bflag:$0x3] =	sbarrier.arrive $0xFFFF;
	s2 =	simm.s32 @!p0 $0x1C03  }
0x9b: {  	[timem:s3], [sflag:s2] =	dma.local @!p0 [hbm:s0], s1  }
0x9c: {  	s0 =	simm.s32 @!p0 $0x3  }
0x9d: {  	_ =	swait.ge @!p0 [sflag:s0], s1  }
0x9e: {  	s1 =	ssub.s32 @!p0 $0x0, s1;
	[sflag:s0] =	ssyncset.done @!p0 $0x0  }
0x9f: {  	[sflag:s0] =	ssyncadd.s32 @!p0 s1  }
0xa0: {  	[bflag:$0x3] =	sbarrier.arrive $0xFFFF  }
0xa1: {  	_ =	shalt  }

</sc_bundles>
